<compile_context>
chip_gen: v7x
topology: tpu7x:2x2x1
jax: 0.10.2.dev20260603
libtpu: 0.0.44.dev20260713+nightly
codegen_flags: <defaults>
</compile_context>

<pallas_src>
import functools

import jax
import jax.numpy as jnp
from jax import lax
from jax.experimental import pallas as pl
from jax.experimental.pallas import tpu as pltpu
from jax.experimental.pallas import tpu_sc as plsc

_B = 8
_N_PER = 1250
_N = _B * _N_PER
_K = 16
_F = 128
_HID = 64
_EPS = 1e-8

_NP_PAD = 1280
_RT = 128
_NT = _NP_PAD // _RT

_NW = 32



def _knn_body(rows_ref, cols_ref, out_ref):
    t = pl.program_id(1)
    acc = jnp.zeros((_RT, _NP_PAD), jnp.float32)
    for d in range(3):
        r = rows_ref[0, :, d:d + 1]
        c = cols_ref[0, d:d + 1, :]
        diff = r - c
        diff = diff - jnp.round(diff)
        acc = acc + diff * diff
    col_ids = lax.broadcasted_iota(jnp.int32, (_RT, _NP_PAD), 1)
    row_ids = lax.broadcasted_iota(jnp.int32, (_RT, _NP_PAD), 0) + t * _RT
    neg = jnp.float32(-3e38)
    score = -jnp.sqrt(acc + jnp.float32(_EPS))
    score = jnp.where((col_ids >= _N_PER) | (col_ids == row_ids), neg, score)
    bigi = jnp.int32(2 ** 30)
    cols = []
    for _ in range(_K):
        m = jnp.max(score, axis=1, keepdims=True)
        idx = jnp.min(jnp.where(score == m, col_ids, bigi), axis=1,
                      keepdims=True)
        cols.append(idx)
        score = jnp.where(col_ids == idx, neg, score)
    pad = jnp.zeros((_RT, 128 - _K), jnp.int32)
    out_ref[0] = jnp.concatenate(cols + [pad], axis=1)


def _knn_call(frR, frC):
    return pl.pallas_call(
        _knn_body,
        grid=(_B, _NT),
        in_specs=[
            pl.BlockSpec((1, _RT, 128), lambda b, t: (b, t, 0)),
            pl.BlockSpec((1, 8, _NP_PAD), lambda b, t: (b, 0, 0)),
        ],
        out_specs=pl.BlockSpec((1, _RT, 128), lambda b, t: (b, t, 0)),
        out_shape=jax.ShapeDtypeStruct((_B, _NP_PAD, 128), jnp.int32),
    )(frR, frC)



def _sc_gather(table, idx_pad):
    be = idx_pad.shape[0]
    dcols = table.shape[1]
    per_w = be // _NW
    ch = 128 if per_w % 128 == 0 else 64
    nfire = next(k for k in (4, 5, 2, 1) if per_w % (ch * k) == 0)
    sup = ch * nfire
    n_sup = per_w // sup
    mesh = plsc.VectorSubcoreMesh(core_axis_name="c", subcore_axis_name="s")

    @functools.partial(
        pl.kernel,
        mesh=mesh,
        out_type=jax.ShapeDtypeStruct((be, dcols), jnp.float32),
        scratch_types=[
            pltpu.VMEM((sup,), jnp.int32),
            pltpu.VMEM((sup, dcols), jnp.float32),
            pltpu.SemaphoreType.DMA,
        ],
    )
    def gk(table_hbm, idx_hbm, out_hbm, idx_v, rows_v, sem):
        wid = lax.axis_index("s") * 2 + lax.axis_index("c")
        base = wid * per_w

        def body(i, carry):
            off = base + i * sup
            pltpu.sync_copy(idx_hbm.at[pl.ds(off, sup)], idx_v)
            handles = [
                pltpu.async_copy(
                    table_hbm.at[idx_v.at[pl.ds(b * ch, ch)]],
                    rows_v.at[pl.ds(b * ch, ch)], sem)
                for b in range(nfire)
            ]
            for hh in handles:
                hh.wait()
            pltpu.sync_copy(rows_v, out_hbm.at[pl.ds(off, sup)])
            return carry

        lax.fori_loop(0, n_sup, body, 0)

    return gk(table, idx_pad)


def _sc_frac_gather(fr3, idx_pad):
    be = idx_pad.shape[0]
    n_tab = fr3.shape[1]
    per_w = be // _NW
    mesh = plsc.VectorSubcoreMesh(core_axis_name="c", subcore_axis_name="s")

    @functools.partial(
        pl.kernel,
        mesh=mesh,
        out_type=jax.ShapeDtypeStruct((4, be), jnp.float32),
        scratch_types=[
            pltpu.VMEM((per_w,), jnp.int32),
            pltpu.VMEM((n_tab,), jnp.float32),
            pltpu.VMEM((n_tab,), jnp.float32),
            pltpu.VMEM((n_tab,), jnp.float32),
            pltpu.VMEM((per_w,), jnp.float32),
            pltpu.VMEM((per_w,), jnp.float32),
            pltpu.VMEM((per_w,), jnp.float32),
        ],
        compiler_params=pltpu.CompilerParams(needs_layout_passes=False),
    )
    def gk(fr_hbm, idx_hbm, out_hbm, idx_v, fx, fy, fz, ox, oy, oz):
        wid = lax.axis_index("s") * 2 + lax.axis_index("c")
        base = wid * per_w
        pltpu.sync_copy(idx_hbm.at[pl.ds(base, per_w)], idx_v)
        pltpu.sync_copy(fr_hbm.at[0], fx)
        pltpu.sync_copy(fr_hbm.at[1], fy)
        pltpu.sync_copy(fr_hbm.at[2], fz)

        def body(j, carry):
            off = j * 16
            idxv = idx_v[pl.ds(off, 16)]
            ox[pl.ds(off, 16)] = plsc.load_gather(fx, [idxv])
            oy[pl.ds(off, 16)] = plsc.load_gather(fy, [idxv])
            oz[pl.ds(off, 16)] = plsc.load_gather(fz, [idxv])
            return carry

        lax.fori_loop(0, per_w // 16, body, 0)
        pltpu.sync_copy(ox, out_hbm.at[0, pl.ds(base, per_w)])
        pltpu.sync_copy(oy, out_hbm.at[1, pl.ds(base, per_w)])
        pltpu.sync_copy(oz, out_hbm.at[2, pl.ds(base, per_w)])

    return gk(fr3, idx_pad)


def _pad_rows(a, mult):
    n = a.shape[0]
    m = ((n + mult - 1) // mult) * mult
    if m == n:
        return a
    pad_shape = (m - n,) + a.shape[1:]
    return jnp.concatenate([a, jnp.zeros(pad_shape, a.dtype)], axis=0)


def _pad_cols(a, width):
    return jnp.concatenate(
        [a, jnp.zeros((a.shape[0], width - a.shape[1]), a.dtype)], axis=1)



def _triplet(v):
    cr = jnp.cross(v[:, :, None, :], v[:, None, :, :])
    nrm = jnp.sqrt(jnp.sum(v * v, axis=-1))
    cn = jnp.sqrt(jnp.sum(cr * cr, axis=-1))
    sin = cn / (nrm[:, :, None] * nrm[:, None, :] + _EPS)
    return cr, cn, sin


def kernel(cell, x, z, struct_size, emb, mpnn_W1, mpnn_W2, upd_W1, upd_W2,
           act_Wh, act_wout, act_wt, pos_Wh, pos_wout):
    f32 = jnp.float32
    frac = jnp.mod(x, 1.0)
    fr = frac.reshape(_B, _N_PER, 3)

    frR = jnp.zeros((_B, _NP_PAD, 128), f32).at[:, :_N_PER, :3].set(fr)
    frC = jnp.zeros((_B, 8, _NP_PAD), f32).at[:, :3, :_N_PER].set(
        fr.transpose(0, 2, 1))
    nbr = _knn_call(frR, frC)[:, :_N_PER, :_K]
    src = (nbr + (jnp.arange(_B, dtype=jnp.int32) * _N_PER)[:, None, None]
           ).reshape(-1)
    e_tot = _N * _K
    src_pad = _pad_rows(src, _NW * 128)

    def gather_e(tab):
        g = _sc_gather(tab, src_pad)
        return g[:e_tot].reshape(_N, _K, tab.shape[1])

    h = _sc_gather(emb, _pad_rows(z.astype(jnp.int32), _NW * 64))[:_N]

    def gather_frac(fc):
        fr3 = jnp.zeros((4, _N), f32).at[:3].set(fc.T)
        g = _sc_frac_gather(fr3, src_pad)
        return g[:3, :e_tot].T.reshape(_N, _K, 3)

    g1 = gather_e(jax.nn.relu(h @ mpnn_W1[0]))
    dfe = gather_frac(frac) - frac[:, None, :]
    v = dfe - jnp.round(dfe)
    d = jnp.sqrt(jnp.sum(v * v, axis=-1))
    w = jnp.exp(-d)
    agg = jnp.einsum('nkf,nk->nf', g1, w)
    h = jax.nn.relu(h + agg @ mpnn_W2[0])

    g2 = gather_e(jax.nn.relu(h @ mpnn_W1[1]))
    agg = jnp.einsum('nkf,nk->nf', g2, w)
    h = jax.nn.relu(h + agg @ mpnn_W2[1])

    cr, cn, sin = _triplet(v)
    offdiag = 1.0 - jnp.eye(_K, dtype=f32)[None]
    tmask = (jnp.abs(sin) > 0.001).astype(f32) * offdiag

    e_cnt = f32(_N_PER * _K)
    n_cnt = f32(_N_PER)
    eye3 = jnp.eye(3, dtype=f32)[None]
    action_rho = jnp.tile(eye3, (_B, 1, 1))
    traj_sum = jnp.zeros((_N, 3), f32)
    cur_frac = frac
    cur_cell = jnp.tile(eye3, (_B, 1, 1))

    for l in range(2):
        if l == 0:
            msg = gather_e(jax.nn.relu(h @ upd_W1[0]))
        else:
            msg = gather_e(jax.nn.relu(h @ upd_W1[1]))
            dfe = gather_frac(cur_frac) - cur_frac[:, None, :]
            mi = dfe - jnp.round(dfe)
            v = jnp.einsum('bej,bjk->bek', mi.reshape(_B, -1, 3),
                           cur_cell).reshape(_N, _K, 3)
            d = jnp.sqrt(jnp.sum(v * v, axis=-1))
            w = jnp.exp(-d)
            cr, cn, sin = _triplet(v)
        agg = jnp.einsum('nkf,nk->nf', msg, w)
        h = jax.nn.relu(h + agg @ upd_W2[l])

        ha_d = h @ act_Wh[l][:_F]
        hp_d = h @ pos_Wh[l][:_F]
        g4 = gather_e(jnp.concatenate(
            [h @ act_Wh[l][_F:2 * _F], h @ pos_Wh[l][_F:]], axis=1))
        pre_a = ha_d[:, None, :] + g4[..., :_HID] \
            + d[..., None] * act_Wh[l][2 * _F]
        ew = jnp.tanh(jax.nn.relu(pre_a) @ act_wout[l])
        a_gate = jnp.tanh(h @ act_wt[l])
        tw = a_gate[:, None, None] * sin * tmask

        u = v / (jnp.sqrt(jnp.sum(v * v, axis=-1, keepdims=True)) + _EPS)
        eo = ew[..., None, None] * (u[..., :, None] * u[..., None, :])
        e_term = eo.reshape(_B, _N_PER * _K, 3, 3).sum(axis=1) / e_cnt
        cu = cr / (cn[..., None] + _EPS)
        to = tw[..., None, None] * (cu[..., :, None] * cu[..., None, :])
        t_node = to.sum(axis=(1, 2))
        t_term = t_node.reshape(_B, _N_PER, 3, 3).sum(axis=1) / n_cnt
        action = eye3 + 0.01 * (e_term + t_term)
        action_rho = jnp.einsum('bij,bjk->bik', action, action_rho)
        rho_prime = action_rho

        pre_p = hp_d[:, None, :] + g4[..., _HID:]
        pw = jnp.tanh(jax.nn.relu(pre_p) @ pos_wout[l])
        x_cart = 0.01 * jnp.einsum('nk,nkj->nj', pw, v)
        traj_sum = traj_sum + x_cart
        if l == 0:
            cur_frac = cur_frac + x_cart
            cur_cell = rho_prime

    return traj_sum, rho_prime

# --- scband reference (transcript-rebuilt; emitter-appended) ---
"""Pipeline reference for scband-auto-encoder-14834817040831 (READ-ONLY COPY).

The authoritative reference and input builder live on the scoring server;
editing this copy changes nothing except your own understanding.
"""

import jax, jax.numpy as jnp
import numpy as np

B = 8
N_PER = 1250
N = B * N_PER
KNN = 16
FEAT = 128
LAYERS = 2
HID = 64
EPS = 1e-8


def setup_inputs(seed: int = 0):
    key = jax.random.key(seed)
    ks = jax.random.split(key, 20)
    inp = {}
    inp['cell'] = (jnp.tile(jnp.eye(3, dtype=jnp.float32)[None], (B, 1, 1)) + 0.01 * jax.random.normal(ks[0], (B, 3, 3), dtype=jnp.float32))
    inp['x'] = jax.random.uniform(ks[1], (N, 3), dtype=jnp.float32)
    inp['z'] = jax.random.randint(ks[2], (N,), 0, 100, dtype=jnp.int32)
    inp['struct_size'] = jnp.full((B,), N_PER, dtype=jnp.int32)
    def w(k, shape, s):
        return s * jax.random.normal(k, shape, dtype=jnp.float32)
    inp['emb'] = w(ks[3], (100, FEAT), 0.1)
    inp['mpnn_W1'] = w(ks[4], (LAYERS, FEAT, FEAT), 0.05)
    inp['mpnn_W2'] = w(ks[5], (LAYERS, FEAT, FEAT), 0.05)
    inp['upd_W1'] = w(ks[6], (LAYERS, FEAT, FEAT), 0.05)
    inp['upd_W2'] = w(ks[7], (LAYERS, FEAT, FEAT), 0.05)
    inp['act_Wh'] = w(ks[8], (LAYERS, 2 * FEAT + 1, HID), 0.05)
    inp['act_wout'] = w(ks[9], (LAYERS, HID), 0.05)
    inp['act_wt'] = w(ks[10], (LAYERS, FEAT), 0.05)
    inp['pos_Wh'] = w(ks[11], (LAYERS, 2 * FEAT, HID), 0.05)
    inp['pos_wout'] = w(ks[12], (LAYERS, HID), 0.05)
    return inp


def _forward(cell, x, emb, mpnn_W1, mpnn_W2, upd_W1, upd_W2, act_Wh, act_wout, act_wt, pos_Wh, pos_wout, z, struct_size):
    node_struct = jnp.repeat(jnp.arange(N) // N_PER, 1)
    frac = jnp.mod(x, 1.0)
    # actions_init: cell <- batched identity (input cell only provides batch size)
    cellI = jnp.tile(jnp.eye(3, dtype=x.dtype)[None], (B, 1, 1))
    # periodic knn graph (minimum-image in fractional coords, initial identity cell)
    fr = frac.reshape(B, N_PER, 3)
    df = fr[:, :, None, :] - fr[:, None, :, :]
    df = df - jnp.round(df)
    dist = jnp.sqrt(jnp.sum(df * df, axis=-1) + EPS)
    dist = dist + jnp.eye(N_PER, dtype=x.dtype)[None] * 1e9
    _, nbr = jax.lax.top_k(jax.lax.stop_gradient(-dist), KNN)  # [B, n, KNN]
    nbr_g = (nbr + (jnp.arange(B) * N_PER)[:, None, None]).reshape(N, KNN)
    dst = jnp.repeat(jnp.arange(N), KNN)
    src = nbr_g.reshape(-1)
    e_struct = dst // N_PER

    def edge_vec(frac_c, cell_c):
        d = frac_c[src] - frac_c[dst]
        d = d - jnp.round(d)
        c = cell_c[e_struct]
        return jnp.einsum('ej,ejk->ek', d, c)

    def triplet_geom(v):
        vr = v.reshape(N, KNN, 3)
        cr = jnp.cross(vr[:, :, None, :], vr[:, None, :, :])
        nrm = jnp.linalg.norm(vr, axis=-1)
        cn = jnp.linalg.norm(cr, axis=-1)
        sin = cn / (nrm[:, :, None] * nrm[:, None, :] + EPS)
        return cr, cn, sin

    v = edge_vec(frac, cellI)
    _, _, sin0 = triplet_geom(v)
    offdiag = 1.0 - jnp.eye(KNN, dtype=x.dtype)[None]
    tmask = (jnp.abs(sin0) > 0.001).astype(x.dtype) * offdiag  # filter_triplets

    h = emb[z]

    def mpnn(h, v, W1, W2):
        d = jnp.linalg.norm(v, axis=-1)
        m = jax.nn.relu(h[src] @ W1) * jnp.exp(-d)[:, None]
        agg = jnp.zeros((N, FEAT), h.dtype).at[dst].add(m)
        return jax.nn.relu(h + agg @ W2)

    for l in range(LAYERS):
        h = mpnn(h, v, mpnn_W1[l], mpnn_W2[l])

    e_counts = jnp.full((B,), float(N_PER * KNN), dtype=x.dtype)
    n_counts = jnp.full((B,), float(N_PER), dtype=x.dtype)

    action_rho = cellI
    traj_sum = jnp.zeros((N, 3), x.dtype)
    cur_cell = cellI
    cur_frac = frac
    rho_prime = cellI
    for l in range(LAYERS):
        h = mpnn(h, v, upd_W1[l], upd_W2[l])
        d = jnp.linalg.norm(v, axis=-1)
        # Actions: per-edge scalar weights
        feat = jnp.concatenate([h[dst], h[src], d[:, None]], axis=1)
        ew = jnp.tanh(jax.nn.relu(feat @ act_Wh[l]) @ act_wout[l])
        # triplet weights (center-node gate * sin_ijk, masked)
        cr, cn, sin = triplet_geom(v)
        a = jnp.tanh(h @ act_wt[l])
        tw = a[:, None, None] * sin * tmask
        # apply -> per-structure 3x3 action (reduce_rho = mean)
        u = v / (jnp.linalg.norm(v, axis=-1, keepdims=True) + EPS)
        eouter = ew[:, None, None] * (u[:, :, None] * u[:, None, :])
        e_term = jnp.zeros((B, 3, 3), x.dtype).at[e_struct].add(eouter) / e_counts[:, None, None]
        cu = cr / (cn[..., None] + EPS)
        touter = tw[..., None, None] * (cu[..., :, None] * cu[..., None, :])
        t_node = jnp.sum(touter, axis=(1, 2))
        t_term = jnp.zeros((B, 3, 3), x.dtype).at[node_struct].add(t_node) / n_counts[:, None, None]
        action = jnp.eye(3, dtype=x.dtype)[None] + 0.01 * (e_term + t_term)
        action_rho = jnp.einsum('bij,bjk->bik', action, action_rho)
        rho_prime = jnp.einsum('bij,bjk->bik', action_rho, cellI)
        # ActionsPos: per-edge displacement weights -> scatter-add to nodes
        pf = jnp.concatenate([h[dst], h[src]], axis=1)
        pw = jnp.tanh(jax.nn.relu(pf @ pos_Wh[l]) @ pos_wout[l])
        x_cart_traj = 0.01 * jnp.zeros((N, 3), x.dtype).at[dst].add(pw[:, None] * v)
        cinv = jnp.linalg.inv(cur_cell)
        x_traj = jnp.einsum('nk,nkj->nj', x_cart_traj, cinv[node_struct])
        traj_sum = traj_sum + x_cart_traj
        cur_frac = cur_frac + x_traj
        cur_cell = rho_prime
        v = edge_vec(cur_frac, cur_cell)  # geometry.update_vectors()
    return traj_sum, rho_prime


def reference(cell, x, z, struct_size, emb, mpnn_W1, mpnn_W2, upd_W1, upd_W2, act_Wh, act_wout, act_wt, pos_Wh, pos_wout):
    return _forward(cell, x, emb, mpnn_W1, mpnn_W2, upd_W1, upd_W2, act_Wh, act_wout, act_wt, pos_Wh, pos_wout, z, struct_size)

if __name__ == "__main__":
    import jax
    _d = setup_inputs()
    print(jax.jit(kernel)(*tuple(_d.values())))

</pallas_src>

<mosaic_0001>
#map = affine_map<(d0, d1) -> (0, 0)>
#map1 = affine_map<(d0, d1) -> (0)>
module attributes {stable_mosaic.version = 14 : i64} {
  func.func @gk(%arg0: i32, %arg1: i32, %arg2: memref<10000x128xf32, #tpu.memory_space<hbm>>, %arg3: memref<163840xi32, #tpu.memory_space<hbm>>, %arg4: memref<163840x128xf32, #tpu.memory_space<hbm>>, %arg5: memref<512xi32, #tpu.memory_space<vmem>>, %arg6: memref<512x128xf32, #tpu.memory_space<vmem>>, %arg7: memref<!tpu.dma_semaphore, #tpu.memory_space<semaphore_mem>>) attributes {dimension_semantics = [#tpu.dimension_semantics<core_parallel>, #tpu.dimension_semantics<subcore_parallel>], iteration_bounds = array<i64: 2, 16>, scalar_prefetch = 0 : i64, scratch_operands = 3 : i64, tpu.core_type = #tpu.core_type<sc_vector_subcore>, window_params = [{transform_indices = #map}, {transform_indices = #map1}, {transform_indices = #map}]} {
    %mul3A = arith.constant 2 : i32
    %mul3A_0 = arith.muli %arg1, %mul3A : i32
    %add3A = arith.addi %mul3A_0, %arg0 : i32
    %mul3A_1 = arith.constant 5120 : i32
    %mul3A_2 = arith.muli %add3A, %mul3A_1 : i32
    %scan3A = arith.constant 0 : i32
    %scan3A_3 = arith.constant 0 : i32
    %scan3A_4 = arith.constant 10 : i32
    %scan3A_5 = arith.addi %scan3A_3, %scan3A_4 : i32
    %scan3A_6 = arith.constant 1 : i32
    scf.for %scan3A_8 = %scan3A_3 to %scan3A_5 step %scan3A_6  : i32 {
      %mul3A_9 = arith.constant 512 : i32
      %mul3A_10 = arith.muli %scan3A_8, %mul3A_9 : i32
      %add3A_11 = arith.addi %mul3A_2, %mul3A_10 : i32
      "tpu.region"() ({
        %run_scoped3A = tpu.sem_alloc : memref<!tpu.dma_semaphore, #tpu.memory_space<semaphore_mem>>
        %dma_start3A_74 = tpu.memref_slice %arg3[%add3A_11] : memref<163840xi32, #tpu.memory_space<hbm>> -> memref<512xi32, #tpu.memory_space<hbm>>
        %dma_start3A_75 = tpu.memref_slice %arg3[%add3A_11] : memref<163840xi32, #tpu.memory_space<hbm>> -> memref<512xi32, #tpu.memory_space<hbm>>
        tpu.enqueue_dma source(%dma_start3A_75 : memref<512xi32, #tpu.memory_space<hbm>>) target(%arg5 : memref<512xi32, #tpu.memory_space<vmem>>) target_semaphore(%run_scoped3A : memref<!tpu.dma_semaphore, #tpu.memory_space<semaphore_mem>>)
        %dma_wait3A_76 = tpu.memref_slice %arg3[%add3A_11] : memref<163840xi32, #tpu.memory_space<hbm>> -> memref<512xi32, #tpu.memory_space<hbm>>
        %dma_wait3A_77 = tpu.memref_slice %arg3[%add3A_11] : memref<163840xi32, #tpu.memory_space<hbm>> -> memref<512xi32, #tpu.memory_space<hbm>>
        tpu.wait_dma2 semaphore(%run_scoped3A : memref<!tpu.dma_semaphore, #tpu.memory_space<semaphore_mem>>) src(%dma_wait3A_77 : memref<512xi32, #tpu.memory_space<hbm>>) dst(%arg5 : memref<512xi32, #tpu.memory_space<vmem>>)
        tpu.yield
      }) : () -> ()
      %dma_start3A = arith.constant 0 : i32
      %dma_start3A_12 = arith.constant 0 : i32
      %dma_start3A_13 = tpu.memref_slice %arg6[%dma_start3A, %dma_start3A_12] : memref<512x128xf32, #tpu.memory_space<vmem>> -> memref<128x128xf32, #tpu.memory_space<vmem>>
      %dma_start3A_14 = arith.constant 0 : i32
      %dma_start3A_15 = tpu.memref_slice %arg5[%dma_start3A_14] : memref<512xi32, #tpu.memory_space<vmem>> -> memref<128xi32, #tpu.memory_space<vmem>>
      %dma_start3A_16 = arith.constant 0 : i32
      %dma_start3A_17 = arith.constant 0 : i32
      %dma_start3A_18 = tpu.memref_slice %arg2[%dma_start3A_16, %dma_start3A_17] : memref<10000x128xf32, #tpu.memory_space<hbm>> -> memref<10000x128xf32, #tpu.memory_space<hbm>>
      tpu.enqueue_indirect_dma source(%dma_start3A_18 : memref<10000x128xf32, #tpu.memory_space<hbm>>) target(%dma_start3A_13 : memref<128x128xf32, #tpu.memory_space<vmem>>) offsets(%dma_start3A_15 : memref<128xi32, #tpu.memory_space<vmem>>) semaphore(%arg7 : memref<!tpu.dma_semaphore, #tpu.memory_space<semaphore_mem>>)
      %dma_start3A_19 = arith.constant 128 : i32
      %dma_start3A_20 = arith.constant 0 : i32
      %dma_start3A_21 = tpu.memref_slice %arg6[%dma_start3A_19, %dma_start3A_20] : memref<512x128xf32, #tpu.memory_space<vmem>> -> memref<128x128xf32, #tpu.memory_space<vmem>>
      %dma_start3A_22 = arith.constant 128 : i32
      %dma_start3A_23 = tpu.memref_slice %arg5[%dma_start3A_22] : memref<512xi32, #tpu.memory_space<vmem>> -> memref<128xi32, #tpu.memory_space<vmem>>
      %dma_start3A_24 = arith.constant 0 : i32
      %dma_start3A_25 = arith.constant 0 : i32
      %dma_start3A_26 = tpu.memref_slice %arg2[%dma_start3A_24, %dma_start3A_25] : memref<10000x128xf32, #tpu.memory_space<hbm>> -> memref<10000x128xf32, #tpu.memory_space<hbm>>
      tpu.enqueue_indirect_dma source(%dma_start3A_26 : memref<10000x128xf32, #tpu.memory_space<hbm>>) target(%dma_start3A_21 : memref<128x128xf32, #tpu.memory_space<vmem>>) offsets(%dma_start3A_23 : memref<128xi32, #tpu.memory_space<vmem>>) semaphore(%arg7 : memref<!tpu.dma_semaphore, #tpu.memory_space<semaphore_mem>>)
      %dma_start3A_27 = arith.constant 256 : i32
      %dma_start3A_28 = arith.constant 0 : i32
      %dma_start3A_29 = tpu.memref_slice %arg6[%dma_start3A_27, %dma_start3A_28] : memref<512x128xf32, #tpu.memory_space<vmem>> -> memref<128x128xf32, #tpu.memory_space<vmem>>
      %dma_start3A_30 = arith.constant 256 : i32
      %dma_start3A_31 = tpu.memref_slice %arg5[%dma_start3A_30] : memref<512xi32, #tpu.memory_space<vmem>> -> memref<128xi32, #tpu.memory_space<vmem>>
      %dma_start3A_32 = arith.constant 0 : i32
      %dma_start3A_33 = arith.constant 0 : i32
      %dma_start3A_34 = tpu.memref_slice %arg2[%dma_start3A_32, %dma_start3A_33] : memref<10000x128xf32, #tpu.memory_space<hbm>> -> memref<10000x128xf32, #tpu.memory_space<hbm>>
      tpu.enqueue_indirect_dma source(%dma_start3A_34 : memref<10000x128xf32, #tpu.memory_space<hbm>>) target(%dma_start3A_29 : memref<128x128xf32, #tpu.memory_space<vmem>>) offsets(%dma_start3A_31 : memref<128xi32, #tpu.memory_space<vmem>>) semaphore(%arg7 : memref<!tpu.dma_semaphore, #tpu.memory_space<semaphore_mem>>)
      %dma_start3A_35 = arith.constant 384 : i32
      %dma_start3A_36 = arith.constant 0 : i32
      %dma_start3A_37 = tpu.memref_slice %arg6[%dma_start3A_35, %dma_start3A_36] : memref<512x128xf32, #tpu.memory_space<vmem>> -> memref<128x128xf32, #tpu.memory_space<vmem>>
      %dma_start3A_38 = arith.constant 384 : i32
      %dma_start3A_39 = tpu.memref_slice %arg5[%dma_start3A_38] : memref<512xi32, #tpu.memory_space<vmem>> -> memref<128xi32, #tpu.memory_space<vmem>>
      %dma_start3A_40 = arith.constant 0 : i32
      %dma_start3A_41 = arith.constant 0 : i32
      %dma_start3A_42 = tpu.memref_slice %arg2[%dma_start3A_40, %dma_start3A_41] : memref<10000x128xf32, #tpu.memory_space<hbm>> -> memref<10000x128xf32, #tpu.memory_space<hbm>>
      tpu.enqueue_indirect_dma source(%dma_start3A_42 : memref<10000x128xf32, #tpu.memory_space<hbm>>) target(%dma_start3A_37 : memref<128x128xf32, #tpu.memory_space<vmem>>) offsets(%dma_start3A_39 : memref<128xi32, #tpu.memory_space<vmem>>) semaphore(%arg7 : memref<!tpu.dma_semaphore, #tpu.memory_space<semaphore_mem>>)
      %dma_wait3A = arith.constant 0 : i32
      %dma_wait3A_43 = arith.constant 0 : i32
      %dma_wait3A_44 = tpu.memref_slice %arg6[%dma_wait3A, %dma_wait3A_43] : memref<512x128xf32, #tpu.memory_space<vmem>> -> memref<128x128xf32, #tpu.memory_space<vmem>>
      %dma_wait3A_45 = arith.constant 0 : i32
      %dma_wait3A_46 = tpu.memref_slice %arg5[%dma_wait3A_45] : memref<512xi32, #tpu.memory_space<vmem>> -> memref<128xi32, #tpu.memory_space<vmem>>
      %dma_wait3A_47 = arith.constant 0 : i32
      %dma_wait3A_48 = arith.constant 0 : i32
      %dma_wait3A_49 = tpu.memref_slice %arg2[%dma_wait3A_47, %dma_wait3A_48] : memref<10000x128xf32, #tpu.memory_space<hbm>> -> memref<10000x128xf32, #tpu.memory_space<hbm>>
      tpu.wait_indirect_dma semaphore(%arg7 : memref<!tpu.dma_semaphore, #tpu.memory_space<semaphore_mem>>) src(%dma_wait3A_49 : memref<10000x128xf32, #tpu.memory_space<hbm>>) dst(%dma_wait3A_44 : memref<128x128xf32, #tpu.memory_space<vmem>>)
      %dma_wait3A_50 = arith.constant 128 : i32
      %dma_wait3A_51 = arith.constant 0 : i32
      %dma_wait3A_52 = tpu.memref_slice %arg6[%dma_wait3A_50, %dma_wait3A_51] : memref<512x128xf32, #tpu.memory_space<vmem>> -> memref<128x128xf32, #tpu.memory_space<vmem>>
      %dma_wait3A_53 = arith.constant 128 : i32
      %dma_wait3A_54 = tpu.memref_slice %arg5[%dma_wait3A_53] : memref<512xi32, #tpu.memory_space<vmem>> -> memref<128xi32, #tpu.memory_space<vmem>>
      %dma_wait3A_55 = arith.constant 0 : i32
      %dma_wait3A_56 = arith.constant 0 : i32
      %dma_wait3A_57 = tpu.memref_slice %arg2[%dma_wait3A_55, %dma_wait3A_56] : memref<10000x128xf32, #tpu.memory_space<hbm>> -> memref<10000x128xf32, #tpu.memory_space<hbm>>
      tpu.wait_indirect_dma semaphore(%arg7 : memref<!tpu.dma_semaphore, #tpu.memory_space<semaphore_mem>>) src(%dma_wait3A_57 : memref<10000x128xf32, #tpu.memory_space<hbm>>) dst(%dma_wait3A_52 : memref<128x128xf32, #tpu.memory_space<vmem>>)
      %dma_wait3A_58 = arith.constant 256 : i32
      %dma_wait3A_59 = arith.constant 0 : i32
      %dma_wait3A_60 = tpu.memref_slice %arg6[%dma_wait3A_58, %dma_wait3A_59] : memref<512x128xf32, #tpu.memory_space<vmem>> -> memref<128x128xf32, #tpu.memory_space<vmem>>
      %dma_wait3A_61 = arith.constant 256 : i32
      %dma_wait3A_62 = tpu.memref_slice %arg5[%dma_wait3A_61] : memref<512xi32, #tpu.memory_space<vmem>> -> memref<128xi32, #tpu.memory_space<vmem>>
      %dma_wait3A_63 = arith.constant 0 : i32
      %dma_wait3A_64 = arith.constant 0 : i32
      %dma_wait3A_65 = tpu.memref_slice %arg2[%dma_wait3A_63, %dma_wait3A_64] : memref<10000x128xf32, #tpu.memory_space<hbm>> -> memref<10000x128xf32, #tpu.memory_space<hbm>>
      tpu.wait_indirect_dma semaphore(%arg7 : memref<!tpu.dma_semaphore, #tpu.memory_space<semaphore_mem>>) src(%dma_wait3A_65 : memref<10000x128xf32, #tpu.memory_space<hbm>>) dst(%dma_wait3A_60 : memref<128x128xf32, #tpu.memory_space<vmem>>)
      %dma_wait3A_66 = arith.constant 384 : i32
      %dma_wait3A_67 = arith.constant 0 : i32
      %dma_wait3A_68 = tpu.memref_slice %arg6[%dma_wait3A_66, %dma_wait3A_67] : memref<512x128xf32, #tpu.memory_space<vmem>> -> memref<128x128xf32, #tpu.memory_space<vmem>>
      %dma_wait3A_69 = arith.constant 384 : i32
      %dma_wait3A_70 = tpu.memref_slice %arg5[%dma_wait3A_69] : memref<512xi32, #tpu.memory_space<vmem>> -> memref<128xi32, #tpu.memory_space<vmem>>
      %dma_wait3A_71 = arith.constant 0 : i32
      %dma_wait3A_72 = arith.constant 0 : i32
      %dma_wait3A_73 = tpu.memref_slice %arg2[%dma_wait3A_71, %dma_wait3A_72] : memref<10000x128xf32, #tpu.memory_space<hbm>> -> memref<10000x128xf32, #tpu.memory_space<hbm>>
      tpu.wait_indirect_dma semaphore(%arg7 : memref<!tpu.dma_semaphore, #tpu.memory_space<semaphore_mem>>) src(%dma_wait3A_73 : memref<10000x128xf32, #tpu.memory_space<hbm>>) dst(%dma_wait3A_68 : memref<128x128xf32, #tpu.memory_space<vmem>>)
      "tpu.region"() ({
        %run_scoped3A = tpu.sem_alloc : memref<!tpu.dma_semaphore, #tpu.memory_space<semaphore_mem>>
        %dma_start3A_74 = arith.constant 0 : i32
        %dma_start3A_75 = tpu.memref_slice %arg4[%add3A_11, %dma_start3A_74] : memref<163840x128xf32, #tpu.memory_space<hbm>> -> memref<512x128xf32, #tpu.memory_space<hbm>>
        %dma_start3A_76 = arith.constant 0 : i32
        %dma_start3A_77 = tpu.memref_slice %arg4[%add3A_11, %dma_start3A_76] : memref<163840x128xf32, #tpu.memory_space<hbm>> -> memref<512x128xf32, #tpu.memory_space<hbm>>
        tpu.enqueue_dma source(%arg6 : memref<512x128xf32, #tpu.memory_space<vmem>>) target(%dma_start3A_77 : memref<512x128xf32, #tpu.memory_space<hbm>>) target_semaphore(%run_scoped3A : memref<!tpu.dma_semaphore, #tpu.memory_space<semaphore_mem>>)
        %dma_wait3A_78 = arith.constant 0 : i32
        %dma_wait3A_79 = tpu.memref_slice %arg4[%add3A_11, %dma_wait3A_78] : memref<163840x128xf32, #tpu.memory_space<hbm>> -> memref<512x128xf32, #tpu.memory_space<hbm>>
        %dma_wait3A_80 = arith.constant 0 : i32
        %dma_wait3A_81 = tpu.memref_slice %arg4[%add3A_11, %dma_wait3A_80] : memref<163840x128xf32, #tpu.memory_space<hbm>> -> memref<512x128xf32, #tpu.memory_space<hbm>>
        tpu.wait_dma2 semaphore(%run_scoped3A : memref<!tpu.dma_semaphore, #tpu.memory_space<semaphore_mem>>) src(%arg6 : memref<512x128xf32, #tpu.memory_space<vmem>>) dst(%dma_wait3A_81 : memref<512x128xf32, #tpu.memory_space<hbm>>)
        tpu.yield
      }) : () -> ()
    }
    %scan3A_7 = arith.constant 10 : i32
    return
  }
}

#map = affine_map<(d0, d1) -> (0, 0)>
#map1 = affine_map<(d0, d1) -> (0)>
module attributes {stable_mosaic.version = 14 : i64} {
  func.func @gk(%arg0: i32, %arg1: i32, %arg2: memref<4x10000xf32, #tpu.memory_space<hbm>>, %arg3: memref<163840xi32, #tpu.memory_space<hbm>>, %arg4: memref<4x163840xf32, #tpu.memory_space<hbm>>, %arg5: memref<5120xi32, #tpu.memory_space<vmem>>, %arg6: memref<10000xf32, #tpu.memory_space<vmem>>, %arg7: memref<10000xf32, #tpu.memory_space<vmem>>, %arg8: memref<10000xf32, #tpu.memory_space<vmem>>, %arg9: memref<5120xf32, #tpu.memory_space<vmem>>, %arg10: memref<5120xf32, #tpu.memory_space<vmem>>, %arg11: memref<5120xf32, #tpu.memory_space<vmem>>) attributes {dimension_semantics = [#tpu.dimension_semantics<core_parallel>, #tpu.dimension_semantics<subcore_parallel>], iteration_bounds = array<i64: 2, 16>, scalar_prefetch = 0 : i64, scratch_operands = 7 : i64, tpu.core_type = #tpu.core_type<sc_vector_subcore>, window_params = [{transform_indices = #map}, {transform_indices = #map1}, {transform_indices = #map}]} {
    %mul3A = arith.constant 2 : i32
    %mul3A_0 = arith.muli %arg1, %mul3A : i32
    %add3A = arith.addi %mul3A_0, %arg0 : i32
    %mul3A_1 = arith.constant 5120 : i32
    %mul3A_2 = arith.muli %add3A, %mul3A_1 : i32
    "tpu.region"() ({
      %run_scoped3A_13 = tpu.sem_alloc : memref<!tpu.dma_semaphore, #tpu.memory_space<semaphore_mem>>
      %dma_start3A = tpu.memref_slice %arg3[%mul3A_2] : memref<163840xi32, #tpu.memory_space<hbm>> -> memref<5120xi32, #tpu.memory_space<hbm>>
      %dma_start3A_14 = tpu.memref_slice %arg3[%mul3A_2] : memref<163840xi32, #tpu.memory_space<hbm>> -> memref<5120xi32, #tpu.memory_space<hbm>>
      tpu.enqueue_dma source(%dma_start3A_14 : memref<5120xi32, #tpu.memory_space<hbm>>) target(%arg5 : memref<5120xi32, #tpu.memory_space<vmem>>) target_semaphore(%run_scoped3A_13 : memref<!tpu.dma_semaphore, #tpu.memory_space<semaphore_mem>>)
      %dma_wait3A = tpu.memref_slice %arg3[%mul3A_2] : memref<163840xi32, #tpu.memory_space<hbm>> -> memref<5120xi32, #tpu.memory_space<hbm>>
      %dma_wait3A_15 = tpu.memref_slice %arg3[%mul3A_2] : memref<163840xi32, #tpu.memory_space<hbm>> -> memref<5120xi32, #tpu.memory_space<hbm>>
      tpu.wait_dma2 semaphore(%run_scoped3A_13 : memref<!tpu.dma_semaphore, #tpu.memory_space<semaphore_mem>>) src(%dma_wait3A_15 : memref<5120xi32, #tpu.memory_space<hbm>>) dst(%arg5 : memref<5120xi32, #tpu.memory_space<vmem>>)
      tpu.yield
    }) : () -> ()
    %run_scoped3A = arith.constant 0 : i32
    "tpu.region"() ({
      %run_scoped3A_13 = tpu.sem_alloc : memref<!tpu.dma_semaphore, #tpu.memory_space<semaphore_mem>>
      %dma_start3A = arith.constant 0 : i32
      %dma_start3A_14 = tpu.memref_slice %arg2[%run_scoped3A, %dma_start3A] : memref<4x10000xf32, #tpu.memory_space<hbm>> -> memref<1x10000xf32, #tpu.memory_space<hbm>>
      %dma_start3A_15 = tpu.memref_squeeze %dma_start3A_14 : memref<1x10000xf32, #tpu.memory_space<hbm>> -> memref<10000xf32, #tpu.memory_space<hbm>>
      %dma_start3A_16 = arith.constant 0 : i32
      %dma_start3A_17 = tpu.memref_slice %arg2[%run_scoped3A, %dma_start3A_16] : memref<4x10000xf32, #tpu.memory_space<hbm>> -> memref<1x10000xf32, #tpu.memory_space<hbm>>
      %dma_start3A_18 = tpu.memref_squeeze %dma_start3A_17 : memref<1x10000xf32, #tpu.memory_space<hbm>> -> memref<10000xf32, #tpu.memory_space<hbm>>
      tpu.enqueue_dma source(%dma_start3A_18 : memref<10000xf32, #tpu.memory_space<hbm>>) target(%arg6 : memref<10000xf32, #tpu.memory_space<vmem>>) target_semaphore(%run_scoped3A_13 : memref<!tpu.dma_semaphore, #tpu.memory_space<semaphore_mem>>)
      %dma_wait3A = arith.constant 0 : i32
      %dma_wait3A_19 = tpu.memref_slice %arg2[%run_scoped3A, %dma_wait3A] : memref<4x10000xf32, #tpu.memory_space<hbm>> -> memref<1x10000xf32, #tpu.memory_space<hbm>>
      %dma_wait3A_20 = tpu.memref_squeeze %dma_wait3A_19 : memref<1x10000xf32, #tpu.memory_space<hbm>> -> memref<10000xf32, #tpu.memory_space<hbm>>
      %dma_wait3A_21 = arith.constant 0 : i32
      %dma_wait3A_22 = tpu.memref_slice %arg2[%run_scoped3A, %dma_wait3A_21] : memref<4x10000xf32, #tpu.memory_space<hbm>> -> memref<1x10000xf32, #tpu.memory_space<hbm>>
      %dma_wait3A_23 = tpu.memref_squeeze %dma_wait3A_22 : memref<1x10000xf32, #tpu.memory_space<hbm>> -> memref<10000xf32, #tpu.memory_space<hbm>>
      tpu.wait_dma2 semaphore(%run_scoped3A_13 : memref<!tpu.dma_semaphore, #tpu.memory_space<semaphore_mem>>) src(%dma_wait3A_23 : memref<10000xf32, #tpu.memory_space<hbm>>) dst(%arg6 : memref<10000xf32, #tpu.memory_space<vmem>>)
      tpu.yield
    }) : () -> ()
    %run_scoped3A_3 = arith.constant 1 : i32
    "tpu.region"() ({
      %run_scoped3A_13 = tpu.sem_alloc : memref<!tpu.dma_semaphore, #tpu.memory_space<semaphore_mem>>
      %dma_start3A = arith.constant 0 : i32
      %dma_start3A_14 = tpu.memref_slice %arg2[%run_scoped3A_3, %dma_start3A] : memref<4x10000xf32, #tpu.memory_space<hbm>> -> memref<1x10000xf32, #tpu.memory_space<hbm>>
      %dma_start3A_15 = tpu.memref_squeeze %dma_start3A_14 : memref<1x10000xf32, #tpu.memory_space<hbm>> -> memref<10000xf32, #tpu.memory_space<hbm>>
      %dma_start3A_16 = arith.constant 0 : i32
      %dma_start3A_17 = tpu.memref_slice %arg2[%run_scoped3A_3, %dma_start3A_16] : memref<4x10000xf32, #tpu.memory_space<hbm>> -> memref<1x10000xf32, #tpu.memory_space<hbm>>
      %dma_start3A_18 = tpu.memref_squeeze %dma_start3A_17 : memref<1x10000xf32, #tpu.memory_space<hbm>> -> memref<10000xf32, #tpu.memory_space<hbm>>
      tpu.enqueue_dma source(%dma_start3A_18 : memref<10000xf32, #tpu.memory_space<hbm>>) target(%arg7 : memref<10000xf32, #tpu.memory_space<vmem>>) target_semaphore(%run_scoped3A_13 : memref<!tpu.dma_semaphore, #tpu.memory_space<semaphore_mem>>)
      %dma_wait3A = arith.constant 0 : i32
      %dma_wait3A_19 = tpu.memref_slice %arg2[%run_scoped3A_3, %dma_wait3A] : memref<4x10000xf32, #tpu.memory_space<hbm>> -> memref<1x10000xf32, #tpu.memory_space<hbm>>
      %dma_wait3A_20 = tpu.memref_squeeze %dma_wait3A_19 : memref<1x10000xf32, #tpu.memory_space<hbm>> -> memref<10000xf32, #tpu.memory_space<hbm>>
      %dma_wait3A_21 = arith.constant 0 : i32
      %dma_wait3A_22 = tpu.memref_slice %arg2[%run_scoped3A_3, %dma_wait3A_21] : memref<4x10000xf32, #tpu.memory_space<hbm>> -> memref<1x10000xf32, #tpu.memory_space<hbm>>
      %dma_wait3A_23 = tpu.memref_squeeze %dma_wait3A_22 : memref<1x10000xf32, #tpu.memory_space<hbm>> -> memref<10000xf32, #tpu.memory_space<hbm>>
      tpu.wait_dma2 semaphore(%run_scoped3A_13 : memref<!tpu.dma_semaphore, #tpu.memory_space<semaphore_mem>>) src(%dma_wait3A_23 : memref<10000xf32, #tpu.memory_space<hbm>>) dst(%arg7 : memref<10000xf32, #tpu.memory_space<vmem>>)
      tpu.yield
    }) : () -> ()
    %run_scoped3A_4 = arith.constant 2 : i32
    "tpu.region"() ({
      %run_scoped3A_13 = tpu.sem_alloc : memref<!tpu.dma_semaphore, #tpu.memory_space<semaphore_mem>>
      %dma_start3A = arith.constant 0 : i32
      %dma_start3A_14 = tpu.memref_slice %arg2[%run_scoped3A_4, %dma_start3A] : memref<4x10000xf32, #tpu.memory_space<hbm>> -> memref<1x10000xf32, #tpu.memory_space<hbm>>
      %dma_start3A_15 = tpu.memref_squeeze %dma_start3A_14 : memref<1x10000xf32, #tpu.memory_space<hbm>> -> memref<10000xf32, #tpu.memory_space<hbm>>
      %dma_start3A_16 = arith.constant 0 : i32
      %dma_start3A_17 = tpu.memref_slice %arg2[%run_scoped3A_4, %dma_start3A_16] : memref<4x10000xf32, #tpu.memory_space<hbm>> -> memref<1x10000xf32, #tpu.memory_space<hbm>>
      %dma_start3A_18 = tpu.memref_squeeze %dma_start3A_17 : memref<1x10000xf32, #tpu.memory_space<hbm>> -> memref<10000xf32, #tpu.memory_space<hbm>>
      tpu.enqueue_dma source(%dma_start3A_18 : memref<10000xf32, #tpu.memory_space<hbm>>) target(%arg8 : memref<10000xf32, #tpu.memory_space<vmem>>) target_semaphore(%run_scoped3A_13 : memref<!tpu.dma_semaphore, #tpu.memory_space<semaphore_mem>>)
      %dma_wait3A = arith.constant 0 : i32
      %dma_wait3A_19 = tpu.memref_slice %arg2[%run_scoped3A_4, %dma_wait3A] : memref<4x10000xf32, #tpu.memory_space<hbm>> -> memref<1x10000xf32, #tpu.memory_space<hbm>>
      %dma_wait3A_20 = tpu.memref_squeeze %dma_wait3A_19 : memref<1x10000xf32, #tpu.memory_space<hbm>> -> memref<10000xf32, #tpu.memory_space<hbm>>
      %dma_wait3A_21 = arith.constant 0 : i32
      %dma_wait3A_22 = tpu.memref_slice %arg2[%run_scoped3A_4, %dma_wait3A_21] : memref<4x10000xf32, #tpu.memory_space<hbm>> -> memref<1x10000xf32, #tpu.memory_space<hbm>>
      %dma_wait3A_23 = tpu.memref_squeeze %dma_wait3A_22 : memref<1x10000xf32, #tpu.memory_space<hbm>> -> memref<10000xf32, #tpu.memory_space<hbm>>
      tpu.wait_dma2 semaphore(%run_scoped3A_13 : memref<!tpu.dma_semaphore, #tpu.memory_space<semaphore_mem>>) src(%dma_wait3A_23 : memref<10000xf32, #tpu.memory_space<hbm>>) dst(%arg8 : memref<10000xf32, #tpu.memory_space<vmem>>)
      tpu.yield
    }) : () -> ()
    %scan3A = arith.constant 0 : i32
    %scan3A_5 = arith.constant 0 : i32
    %scan3A_6 = arith.constant 320 : i32
    %scan3A_7 = arith.addi %scan3A_5, %scan3A_6 : i32
    %scan3A_8 = arith.constant 1 : i32
    scf.for %scan3A_13 = %scan3A_5 to %scan3A_7 step %scan3A_8  : i32 {
      %mul3A_14 = arith.constant 16 : i32
      %mul3A_15 = arith.muli %scan3A_13, %mul3A_14 : i32
      %get3A = arith.index_cast %mul3A_15 : i32 to index
      %get3A_16 = tpu.vector_load %arg5[%get3A] {strides = array<i32>} : memref<5120xi32, #tpu.memory_space<vmem>>, vector<16xi32>,
      %gather3A = tpu.vector_load_idx %arg6[%get3A_16] : memref<10000xf32, #tpu.memory_space<vmem>>[vector<16xi32>], vector<16xf32>,
      %swap3A = arith.index_cast %mul3A_15 : i32 to index
      %swap3A_17 = tpu.vector_load %arg9[%swap3A] {strides = array<i32>} : memref<5120xf32, #tpu.memory_space<vmem>>, vector<16xf32>,
      tpu.vector_store %arg9[%swap3A], %gather3A {strides = array<i32>} : memref<5120xf32, #tpu.memory_space<vmem>>, vector<16xf32>,
      %gather3A_18 = tpu.vector_load_idx %arg7[%get3A_16] : memref<10000xf32, #tpu.memory_space<vmem>>[vector<16xi32>], vector<16xf32>,
      %swap3A_19 = arith.index_cast %mul3A_15 : i32 to index
      %swap3A_20 = tpu.vector_load %arg10[%swap3A_19] {strides = array<i32>} : memref<5120xf32, #tpu.memory_space<vmem>>, vector<16xf32>,
      tpu.vector_store %arg10[%swap3A_19], %gather3A_18 {strides = array<i32>} : memref<5120xf32, #tpu.memory_space<vmem>>, vector<16xf32>,
      %gather3A_21 = tpu.vector_load_idx %arg8[%get3A_16] : memref<10000xf32, #tpu.memory_space<vmem>>[vector<16xi32>], vector<16xf32>,
      %swap3A_22 = arith.index_cast %mul3A_15 : i32 to index
      %swap3A_23 = tpu.vector_load %arg11[%swap3A_22] {strides = array<i32>} : memref<5120xf32, #tpu.memory_space<vmem>>, vector<16xf32>,
      tpu.vector_store %arg11[%swap3A_22], %gather3A_21 {strides = array<i32>} : memref<5120xf32, #tpu.memory_space<vmem>>, vector<16xf32>,
    }
    %scan3A_9 = arith.constant 320 : i32
    %run_scoped3A_10 = arith.constant 0 : i32
    "tpu.region"() ({
      %run_scoped3A_13 = tpu.sem_alloc : memref<!tpu.dma_semaphore, #tpu.memory_space<semaphore_mem>>
      %dma_start3A = tpu.memref_slice %arg4[%run_scoped3A_10, %mul3A_2] : memref<4x163840xf32, #tpu.memory_space<hbm>> -> memref<1x5120xf32, #tpu.memory_space<hbm>>
      %dma_start3A_14 = tpu.memref_squeeze %dma_start3A : memref<1x5120xf32, #tpu.memory_space<hbm>> -> memref<5120xf32, #tpu.memory_space<hbm>>
      %dma_start3A_15 = tpu.memref_slice %arg4[%run_scoped3A_10, %mul3A_2] : memref<4x163840xf32, #tpu.memory_space<hbm>> -> memref<1x5120xf32, #tpu.memory_space<hbm>>
      %dma_start3A_16 = tpu.memref_squeeze %dma_start3A_15 : memref<1x5120xf32, #tpu.memory_space<hbm>> -> memref<5120xf32, #tpu.memory_space<hbm>>
      tpu.enqueue_dma source(%arg9 : memref<5120xf32, #tpu.memory_space<vmem>>) target(%dma_start3A_16 : memref<5120xf32, #tpu.memory_space<hbm>>) target_semaphore(%run_scoped3A_13 : memref<!tpu.dma_semaphore, #tpu.memory_space<semaphore_mem>>)
      %dma_wait3A = tpu.memref_slice %arg4[%run_scoped3A_10, %mul3A_2] : memref<4x163840xf32, #tpu.memory_space<hbm>> -> memref<1x5120xf32, #tpu.memory_space<hbm>>
      %dma_wait3A_17 = tpu.memref_squeeze %dma_wait3A : memref<1x5120xf32, #tpu.memory_space<hbm>> -> memref<5120xf32, #tpu.memory_space<hbm>>
      %dma_wait3A_18 = tpu.memref_slice %arg4[%run_scoped3A_10, %mul3A_2] : memref<4x163840xf32, #tpu.memory_space<hbm>> -> memref<1x5120xf32, #tpu.memory_space<hbm>>
      %dma_wait3A_19 = tpu.memref_squeeze %dma_wait3A_18 : memref<1x5120xf32, #tpu.memory_space<hbm>> -> memref<5120xf32, #tpu.memory_space<hbm>>
      tpu.wait_dma2 semaphore(%run_scoped3A_13 : memref<!tpu.dma_semaphore, #tpu.memory_space<semaphore_mem>>) src(%arg9 : memref<5120xf32, #tpu.memory_space<vmem>>) dst(%dma_wait3A_19 : memref<5120xf32, #tpu.memory_space<hbm>>)
      tpu.yield
    }) : () -> ()
    %run_scoped3A_11 = arith.constant 1 : i32
    "tpu.region"() ({
      %run_scoped3A_13 = tpu.sem_alloc : memref<!tpu.dma_semaphore, #tpu.memory_space<semaphore_mem>>
      %dma_start3A = tpu.memref_slice %arg4[%run_scoped3A_11, %mul3A_2] : memref<4x163840xf32, #tpu.memory_space<hbm>> -> memref<1x5120xf32, #tpu.memory_space<hbm>>
      %dma_start3A_14 = tpu.memref_squeeze %dma_start3A : memref<1x5120xf32, #tpu.memory_space<hbm>> -> memref<5120xf32, #tpu.memory_space<hbm>>
      %dma_start3A_15 = tpu.memref_slice %arg4[%run_scoped3A_11, %mul3A_2] : memref<4x163840xf32, #tpu.memory_space<hbm>> -> memref<1x5120xf32, #tpu.memory_space<hbm>>
      %dma_start3A_16 = tpu.memref_squeeze %dma_start3A_15 : memref<1x5120xf32, #tpu.memory_space<hbm>> -> memref<5120xf32, #tpu.memory_space<hbm>>
      tpu.enqueue_dma source(%arg10 : memref<5120xf32, #tpu.memory_space<vmem>>) target(%dma_start3A_16 : memref<5120xf32, #tpu.memory_space<hbm>>) target_semaphore(%run_scoped3A_13 : memref<!tpu.dma_semaphore, #tpu.memory_space<semaphore_mem>>)
      %dma_wait3A = tpu.memref_slice %arg4[%run_scoped3A_11, %mul3A_2] : memref<4x163840xf32, #tpu.memory_space<hbm>> -> memref<1x5120xf32, #tpu.memory_space<hbm>>
      %dma_wait3A_17 = tpu.memref_squeeze %dma_wait3A : memref<1x5120xf32, #tpu.memory_space<hbm>> -> memref<5120xf32, #tpu.memory_space<hbm>>
      %dma_wait3A_18 = tpu.memref_slice %arg4[%run_scoped3A_11, %mul3A_2] : memref<4x163840xf32, #tpu.memory_space<hbm>> -> memref<1x5120xf32, #tpu.memory_space<hbm>>
      %dma_wait3A_19 = tpu.memref_squeeze %dma_wait3A_18 : memref<1x5120xf32, #tpu.memory_space<hbm>> -> memref<5120xf32, #tpu.memory_space<hbm>>
      tpu.wait_dma2 semaphore(%run_scoped3A_13 : memref<!tpu.dma_semaphore, #tpu.memory_space<semaphore_mem>>) src(%arg10 : memref<5120xf32, #tpu.memory_space<vmem>>) dst(%dma_wait3A_19 : memref<5120xf32, #tpu.memory_space<hbm>>)
      tpu.yield
    }) : () -> ()
    %run_scoped3A_12 = arith.constant 2 : i32
    "tpu.region"() ({
      %run_scoped3A_13 = tpu.sem_alloc : memref<!tpu.dma_semaphore, #tpu.memory_space<semaphore_mem>>
      %dma_start3A = tpu.memref_slice %arg4[%run_scoped3A_12, %mul3A_2] : memref<4x163840xf32, #tpu.memory_space<hbm>> -> memref<1x5120xf32, #tpu.memory_space<hbm>>
      %dma_start3A_14 = tpu.memref_squeeze %dma_start3A : memref<1x5120xf32, #tpu.memory_space<hbm>> -> memref<5120xf32, #tpu.memory_space<hbm>>
      %dma_start3A_15 = tpu.memref_slice %arg4[%run_scoped3A_12, %mul3A_2] : memref<4x163840xf32, #tpu.memory_space<hbm>> -> memref<1x5120xf32, #tpu.memory_space<hbm>>
      %dma_start3A_16 = tpu.memref_squeeze %dma_start3A_15 : memref<1x5120xf32, #tpu.memory_space<hbm>> -> memref<5120xf32, #tpu.memory_space<hbm>>
      tpu.enqueue_dma source(%arg11 : memref<5120xf32, #tpu.memory_space<vmem>>) target(%dma_start3A_16 : memref<5120xf32, #tpu.memory_space<hbm>>) target_semaphore(%run_scoped3A_13 : memref<!tpu.dma_semaphore, #tpu.memory_space<semaphore_mem>>)
      %dma_wait3A = tpu.memref_slice %arg4[%run_scoped3A_12, %mul3A_2] : memref<4x163840xf32, #tpu.memory_space<hbm>> -> memref<1x5120xf32, #tpu.memory_space<hbm>>
      %dma_wait3A_17 = tpu.memref_squeeze %dma_wait3A : memref<1x5120xf32, #tpu.memory_space<hbm>> -> memref<5120xf32, #tpu.memory_space<hbm>>
      %dma_wait3A_18 = tpu.memref_slice %arg4[%run_scoped3A_12, %mul3A_2] : memref<4x163840xf32, #tpu.memory_space<hbm>> -> memref<1x5120xf32, #tpu.memory_space<hbm>>
      %dma_wait3A_19 = tpu.memref_squeeze %dma_wait3A_18 : memref<1x5120xf32, #tpu.memory_space<hbm>> -> memref<5120xf32, #tpu.memory_space<hbm>>
      tpu.wait_dma2 semaphore(%run_scoped3A_13 : memref<!tpu.dma_semaphore, #tpu.memory_space<semaphore_mem>>) src(%arg11 : memref<5120xf32, #tpu.memory_space<vmem>>) dst(%dma_wait3A_19 : memref<5120xf32, #tpu.memory_space<hbm>>)
      tpu.yield
    }) : () -> ()
    return
  }
}

#map = affine_map<(d0, d1) -> (0, 0)>
#map1 = affine_map<(d0, d1) -> (0)>
module attributes {stable_mosaic.version = 14 : i64} {
  func.func @gk(%arg0: i32, %arg1: i32, %arg2: memref<100x128xf32, #tpu.memory_space<hbm>>, %arg3: memref<10240xi32, #tpu.memory_space<hbm>>, %arg4: memref<10240x128xf32, #tpu.memory_space<hbm>>, %arg5: memref<320xi32, #tpu.memory_space<vmem>>, %arg6: memref<320x128xf32, #tpu.memory_space<vmem>>, %arg7: memref<!tpu.dma_semaphore, #tpu.memory_space<semaphore_mem>>) attributes {dimension_semantics = [#tpu.dimension_semantics<core_parallel>, #tpu.dimension_semantics<subcore_parallel>], iteration_bounds = array<i64: 2, 16>, scalar_prefetch = 0 : i64, scratch_operands = 3 : i64, tpu.core_type = #tpu.core_type<sc_vector_subcore>, window_params = [{transform_indices = #map}, {transform_indices = #map1}, {transform_indices = #map}]} {
    %mul3A = arith.constant 2 : i32
    %mul3A_0 = arith.muli %arg1, %mul3A : i32
    %add3A = arith.addi %mul3A_0, %arg0 : i32
    %mul3A_1 = arith.constant 320 : i32
    %mul3A_2 = arith.muli %add3A, %mul3A_1 : i32
    %scan3A = arith.constant 0 : i32
    %scan3A_3 = arith.constant 0 : i32
    %mul3A_4 = arith.constant 320 : i32
    %mul3A_5 = arith.muli %scan3A_3, %mul3A_4 : i32
    %add3A_6 = arith.addi %mul3A_2, %mul3A_5 : i32
    "tpu.region"() ({
      %run_scoped3A = tpu.sem_alloc : memref<!tpu.dma_semaphore, #tpu.memory_space<semaphore_mem>>
      %dma_start3A_86 = tpu.memref_slice %arg3[%add3A_6] : memref<10240xi32, #tpu.memory_space<hbm>> -> memref<320xi32, #tpu.memory_space<hbm>>
      %dma_start3A_87 = tpu.memref_slice %arg3[%add3A_6] : memref<10240xi32, #tpu.memory_space<hbm>> -> memref<320xi32, #tpu.memory_space<hbm>>
      tpu.enqueue_dma source(%dma_start3A_87 : memref<320xi32, #tpu.memory_space<hbm>>) target(%arg5 : memref<320xi32, #tpu.memory_space<vmem>>) target_semaphore(%run_scoped3A : memref<!tpu.dma_semaphore, #tpu.memory_space<semaphore_mem>>)
      %dma_wait3A_88 = tpu.memref_slice %arg3[%add3A_6] : memref<10240xi32, #tpu.memory_space<hbm>> -> memref<320xi32, #tpu.memory_space<hbm>>
      %dma_wait3A_89 = tpu.memref_slice %arg3[%add3A_6] : memref<10240xi32, #tpu.memory_space<hbm>> -> memref<320xi32, #tpu.memory_space<hbm>>
      tpu.wait_dma2 semaphore(%run_scoped3A : memref<!tpu.dma_semaphore, #tpu.memory_space<semaphore_mem>>) src(%dma_wait3A_89 : memref<320xi32, #tpu.memory_space<hbm>>) dst(%arg5 : memref<320xi32, #tpu.memory_space<vmem>>)
      tpu.yield
    }) : () -> ()
    %dma_start3A = arith.constant 0 : i32
    %dma_start3A_7 = arith.constant 0 : i32
    %dma_start3A_8 = tpu.memref_slice %arg6[%dma_start3A, %dma_start3A_7] : memref<320x128xf32, #tpu.memory_space<vmem>> -> memref<64x128xf32, #tpu.memory_space<vmem>>
    %dma_start3A_9 = arith.constant 0 : i32
    %dma_start3A_10 = tpu.memref_slice %arg5[%dma_start3A_9] : memref<320xi32, #tpu.memory_space<vmem>> -> memref<64xi32, #tpu.memory_space<vmem>>
    %dma_start3A_11 = arith.constant 0 : i32
    %dma_start3A_12 = arith.constant 0 : i32
    %dma_start3A_13 = tpu.memref_slice %arg2[%dma_start3A_11, %dma_start3A_12] : memref<100x128xf32, #tpu.memory_space<hbm>> -> memref<100x128xf32, #tpu.memory_space<hbm>>
    tpu.enqueue_indirect_dma source(%dma_start3A_13 : memref<100x128xf32, #tpu.memory_space<hbm>>) target(%dma_start3A_8 : memref<64x128xf32, #tpu.memory_space<vmem>>) offsets(%dma_start3A_10 : memref<64xi32, #tpu.memory_space<vmem>>) semaphore(%arg7 : memref<!tpu.dma_semaphore, #tpu.memory_space<semaphore_mem>>)
    %dma_start3A_14 = arith.constant 64 : i32
    %dma_start3A_15 = arith.constant 0 : i32
    %dma_start3A_16 = tpu.memref_slice %arg6[%dma_start3A_14, %dma_start3A_15] : memref<320x128xf32, #tpu.memory_space<vmem>> -> memref<64x128xf32, #tpu.memory_space<vmem>>
    %dma_start3A_17 = arith.constant 64 : i32
    %dma_start3A_18 = tpu.memref_slice %arg5[%dma_start3A_17] : memref<320xi32, #tpu.memory_space<vmem>> -> memref<64xi32, #tpu.memory_space<vmem>>
    %dma_start3A_19 = arith.constant 0 : i32
    %dma_start3A_20 = arith.constant 0 : i32
    %dma_start3A_21 = tpu.memref_slice %arg2[%dma_start3A_19, %dma_start3A_20] : memref<100x128xf32, #tpu.memory_space<hbm>> -> memref<100x128xf32, #tpu.memory_space<hbm>>
    tpu.enqueue_indirect_dma source(%dma_start3A_21 : memref<100x128xf32, #tpu.memory_space<hbm>>) target(%dma_start3A_16 : memref<64x128xf32, #tpu.memory_space<vmem>>) offsets(%dma_start3A_18 : memref<64xi32, #tpu.memory_space<vmem>>) semaphore(%arg7 : memref<!tpu.dma_semaphore, #tpu.memory_space<semaphore_mem>>)
    %dma_start3A_22 = arith.constant 128 : i32
    %dma_start3A_23 = arith.constant 0 : i32
    %dma_start3A_24 = tpu.memref_slice %arg6[%dma_start3A_22, %dma_start3A_23] : memref<320x128xf32, #tpu.memory_space<vmem>> -> memref<64x128xf32, #tpu.memory_space<vmem>>
    %dma_start3A_25 = arith.constant 128 : i32
    %dma_start3A_26 = tpu.memref_slice %arg5[%dma_start3A_25] : memref<320xi32, #tpu.memory_space<vmem>> -> memref<64xi32, #tpu.memory_space<vmem>>
    %dma_start3A_27 = arith.constant 0 : i32
    %dma_start3A_28 = arith.constant 0 : i32
    %dma_start3A_29 = tpu.memref_slice %arg2[%dma_start3A_27, %dma_start3A_28] : memref<100x128xf32, #tpu.memory_space<hbm>> -> memref<100x128xf32, #tpu.memory_space<hbm>>
    tpu.enqueue_indirect_dma source(%dma_start3A_29 : memref<100x128xf32, #tpu.memory_space<hbm>>) target(%dma_start3A_24 : memref<64x128xf32, #tpu.memory_space<vmem>>) offsets(%dma_start3A_26 : memref<64xi32, #tpu.memory_space<vmem>>) semaphore(%arg7 : memref<!tpu.dma_semaphore, #tpu.memory_space<semaphore_mem>>)
    %dma_start3A_30 = arith.constant 192 : i32
    %dma_start3A_31 = arith.constant 0 : i32
    %dma_start3A_32 = tpu.memref_slice %arg6[%dma_start3A_30, %dma_start3A_31] : memref<320x128xf32, #tpu.memory_space<vmem>> -> memref<64x128xf32, #tpu.memory_space<vmem>>
    %dma_start3A_33 = arith.constant 192 : i32
    %dma_start3A_34 = tpu.memref_slice %arg5[%dma_start3A_33] : memref<320xi32, #tpu.memory_space<vmem>> -> memref<64xi32, #tpu.memory_space<vmem>>
    %dma_start3A_35 = arith.constant 0 : i32
    %dma_start3A_36 = arith.constant 0 : i32
    %dma_start3A_37 = tpu.memref_slice %arg2[%dma_start3A_35, %dma_start3A_36] : memref<100x128xf32, #tpu.memory_space<hbm>> -> memref<100x128xf32, #tpu.memory_space<hbm>>
    tpu.enqueue_indirect_dma source(%dma_start3A_37 : memref<100x128xf32, #tpu.memory_space<hbm>>) target(%dma_start3A_32 : memref<64x128xf32, #tpu.memory_space<vmem>>) offsets(%dma_start3A_34 : memref<64xi32, #tpu.memory_space<vmem>>) semaphore(%arg7 : memref<!tpu.dma_semaphore, #tpu.memory_space<semaphore_mem>>)
    %dma_start3A_38 = arith.constant 256 : i32
    %dma_start3A_39 = arith.constant 0 : i32
    %dma_start3A_40 = tpu.memref_slice %arg6[%dma_start3A_38, %dma_start3A_39] : memref<320x128xf32, #tpu.memory_space<vmem>> -> memref<64x128xf32, #tpu.memory_space<vmem>>
    %dma_start3A_41 = arith.constant 256 : i32
    %dma_start3A_42 = tpu.memref_slice %arg5[%dma_start3A_41] : memref<320xi32, #tpu.memory_space<vmem>> -> memref<64xi32, #tpu.memory_space<vmem>>
    %dma_start3A_43 = arith.constant 0 : i32
    %dma_start3A_44 = arith.constant 0 : i32
    %dma_start3A_45 = tpu.memref_slice %arg2[%dma_start3A_43, %dma_start3A_44] : memref<100x128xf32, #tpu.memory_space<hbm>> -> memref<100x128xf32, #tpu.memory_space<hbm>>
    tpu.enqueue_indirect_dma source(%dma_start3A_45 : memref<100x128xf32, #tpu.memory_space<hbm>>) target(%dma_start3A_40 : memref<64x128xf32, #tpu.memory_space<vmem>>) offsets(%dma_start3A_42 : memref<64xi32, #tpu.memory_space<vmem>>) semaphore(%arg7 : memref<!tpu.dma_semaphore, #tpu.memory_space<semaphore_mem>>)
    %dma_wait3A = arith.constant 0 : i32
    %dma_wait3A_46 = arith.constant 0 : i32
    %dma_wait3A_47 = tpu.memref_slice %arg6[%dma_wait3A, %dma_wait3A_46] : memref<320x128xf32, #tpu.memory_space<vmem>> -> memref<64x128xf32, #tpu.memory_space<vmem>>
    %dma_wait3A_48 = arith.constant 0 : i32
    %dma_wait3A_49 = tpu.memref_slice %arg5[%dma_wait3A_48] : memref<320xi32, #tpu.memory_space<vmem>> -> memref<64xi32, #tpu.memory_space<vmem>>
    %dma_wait3A_50 = arith.constant 0 : i32
    %dma_wait3A_51 = arith.constant 0 : i32
    %dma_wait3A_52 = tpu.memref_slice %arg2[%dma_wait3A_50, %dma_wait3A_51] : memref<100x128xf32, #tpu.memory_space<hbm>> -> memref<100x128xf32, #tpu.memory_space<hbm>>
    tpu.wait_indirect_dma semaphore(%arg7 : memref<!tpu.dma_semaphore, #tpu.memory_space<semaphore_mem>>) src(%dma_wait3A_52 : memref<100x128xf32, #tpu.memory_space<hbm>>) dst(%dma_wait3A_47 : memref<64x128xf32, #tpu.memory_space<vmem>>)
    %dma_wait3A_53 = arith.constant 64 : i32
    %dma_wait3A_54 = arith.constant 0 : i32
    %dma_wait3A_55 = tpu.memref_slice %arg6[%dma_wait3A_53, %dma_wait3A_54] : memref<320x128xf32, #tpu.memory_space<vmem>> -> memref<64x128xf32, #tpu.memory_space<vmem>>
    %dma_wait3A_56 = arith.constant 64 : i32
    %dma_wait3A_57 = tpu.memref_slice %arg5[%dma_wait3A_56] : memref<320xi32, #tpu.memory_space<vmem>> -> memref<64xi32, #tpu.memory_space<vmem>>
    %dma_wait3A_58 = arith.constant 0 : i32
    %dma_wait3A_59 = arith.constant 0 : i32
    %dma_wait3A_60 = tpu.memref_slice %arg2[%dma_wait3A_58, %dma_wait3A_59] : memref<100x128xf32, #tpu.memory_space<hbm>> -> memref<100x128xf32, #tpu.memory_space<hbm>>
    tpu.wait_indirect_dma semaphore(%arg7 : memref<!tpu.dma_semaphore, #tpu.memory_space<semaphore_mem>>) src(%dma_wait3A_60 : memref<100x128xf32, #tpu.memory_space<hbm>>) dst(%dma_wait3A_55 : memref<64x128xf32, #tpu.memory_space<vmem>>)
    %dma_wait3A_61 = arith.constant 128 : i32
    %dma_wait3A_62 = arith.constant 0 : i32
    %dma_wait3A_63 = tpu.memref_slice %arg6[%dma_wait3A_61, %dma_wait3A_62] : memref<320x128xf32, #tpu.memory_space<vmem>> -> memref<64x128xf32, #tpu.memory_space<vmem>>
    %dma_wait3A_64 = arith.constant 128 : i32
    %dma_wait3A_65 = tpu.memref_slice %arg5[%dma_wait3A_64] : memref<320xi32, #tpu.memory_space<vmem>> -> memref<64xi32, #tpu.memory_space<vmem>>
    %dma_wait3A_66 = arith.constant 0 : i32
    %dma_wait3A_67 = arith.constant 0 : i32
    %dma_wait3A_68 = tpu.memref_slice %arg2[%dma_wait3A_66, %dma_wait3A_67] : memref<100x128xf32, #tpu.memory_space<hbm>> -> memref<100x128xf32, #tpu.memory_space<hbm>>
    tpu.wait_indirect_dma semaphore(%arg7 : memref<!tpu.dma_semaphore, #tpu.memory_space<semaphore_mem>>) src(%dma_wait3A_68 : memref<100x128xf32, #tpu.memory_space<hbm>>) dst(%dma_wait3A_63 : memref<64x128xf32, #tpu.memory_space<vmem>>)
    %dma_wait3A_69 = arith.constant 192 : i32
    %dma_wait3A_70 = arith.constant 0 : i32
    %dma_wait3A_71 = tpu.memref_slice %arg6[%dma_wait3A_69, %dma_wait3A_70] : memref<320x128xf32, #tpu.memory_space<vmem>> -> memref<64x128xf32, #tpu.memory_space<vmem>>
    %dma_wait3A_72 = arith.constant 192 : i32
    %dma_wait3A_73 = tpu.memref_slice %arg5[%dma_wait3A_72] : memref<320xi32, #tpu.memory_space<vmem>> -> memref<64xi32, #tpu.memory_space<vmem>>
    %dma_wait3A_74 = arith.constant 0 : i32
    %dma_wait3A_75 = arith.constant 0 : i32
    %dma_wait3A_76 = tpu.memref_slice %arg2[%dma_wait3A_74, %dma_wait3A_75] : memref<100x128xf32, #tpu.memory_space<hbm>> -> memref<100x128xf32, #tpu.memory_space<hbm>>
    tpu.wait_indirect_dma semaphore(%arg7 : memref<!tpu.dma_semaphore, #tpu.memory_space<semaphore_mem>>) src(%dma_wait3A_76 : memref<100x128xf32, #tpu.memory_space<hbm>>) dst(%dma_wait3A_71 : memref<64x128xf32, #tpu.memory_space<vmem>>)
    %dma_wait3A_77 = arith.constant 256 : i32
    %dma_wait3A_78 = arith.constant 0 : i32
    %dma_wait3A_79 = tpu.memref_slice %arg6[%dma_wait3A_77, %dma_wait3A_78] : memref<320x128xf32, #tpu.memory_space<vmem>> -> memref<64x128xf32, #tpu.memory_space<vmem>>
    %dma_wait3A_80 = arith.constant 256 : i32
    %dma_wait3A_81 = tpu.memref_slice %arg5[%dma_wait3A_80] : memref<320xi32, #tpu.memory_space<vmem>> -> memref<64xi32, #tpu.memory_space<vmem>>
    %dma_wait3A_82 = arith.constant 0 : i32
    %dma_wait3A_83 = arith.constant 0 : i32
    %dma_wait3A_84 = tpu.memref_slice %arg2[%dma_wait3A_82, %dma_wait3A_83] : memref<100x128xf32, #tpu.memory_space<hbm>> -> memref<100x128xf32, #tpu.memory_space<hbm>>
    tpu.wait_indirect_dma semaphore(%arg7 : memref<!tpu.dma_semaphore, #tpu.memory_space<semaphore_mem>>) src(%dma_wait3A_84 : memref<100x128xf32, #tpu.memory_space<hbm>>) dst(%dma_wait3A_79 : memref<64x128xf32, #tpu.memory_space<vmem>>)
    "tpu.region"() ({
      %run_scoped3A = tpu.sem_alloc : memref<!tpu.dma_semaphore, #tpu.memory_space<semaphore_mem>>
      %dma_start3A_86 = arith.constant 0 : i32
      %dma_start3A_87 = tpu.memref_slice %arg4[%add3A_6, %dma_start3A_86] : memref<10240x128xf32, #tpu.memory_space<hbm>> -> memref<320x128xf32, #tpu.memory_space<hbm>>
      %dma_start3A_88 = arith.constant 0 : i32
      %dma_start3A_89 = tpu.memref_slice %arg4[%add3A_6, %dma_start3A_88] : memref<10240x128xf32, #tpu.memory_space<hbm>> -> memref<320x128xf32, #tpu.memory_space<hbm>>
      tpu.enqueue_dma source(%arg6 : memref<320x128xf32, #tpu.memory_space<vmem>>) target(%dma_start3A_89 : memref<320x128xf32, #tpu.memory_space<hbm>>) target_semaphore(%run_scoped3A : memref<!tpu.dma_semaphore, #tpu.memory_space<semaphore_mem>>)
      %dma_wait3A_90 = arith.constant 0 : i32
      %dma_wait3A_91 = tpu.memref_slice %arg4[%add3A_6, %dma_wait3A_90] : memref<10240x128xf32, #tpu.memory_space<hbm>> -> memref<320x128xf32, #tpu.memory_space<hbm>>
      %dma_wait3A_92 = arith.constant 0 : i32
      %dma_wait3A_93 = tpu.memref_slice %arg4[%add3A_6, %dma_wait3A_92] : memref<10240x128xf32, #tpu.memory_space<hbm>> -> memref<320x128xf32, #tpu.memory_space<hbm>>
      tpu.wait_dma2 semaphore(%run_scoped3A : memref<!tpu.dma_semaphore, #tpu.memory_space<semaphore_mem>>) src(%arg6 : memref<320x128xf32, #tpu.memory_space<vmem>>) dst(%dma_wait3A_93 : memref<320x128xf32, #tpu.memory_space<hbm>>)
      tpu.yield
    }) : () -> ()
    %scan3A_85 = arith.constant 1 : i32
    return
  }
}

#map = affine_map<(d0, d1) -> (0, 0)>
#map1 = affine_map<(d0, d1) -> (0)>
module attributes {stable_mosaic.version = 14 : i64} {
  func.func @gk(%arg0: i32, %arg1: i32, %arg2: memref<10000x128xf32, #tpu.memory_space<hbm>>, %arg3: memref<163840xi32, #tpu.memory_space<hbm>>, %arg4: memref<163840x128xf32, #tpu.memory_space<hbm>>, %arg5: memref<512xi32, #tpu.memory_space<vmem>>, %arg6: memref<512x128xf32, #tpu.memory_space<vmem>>, %arg7: memref<!tpu.dma_semaphore, #tpu.memory_space<semaphore_mem>>) attributes {dimension_semantics = [#tpu.dimension_semantics<core_parallel>, #tpu.dimension_semantics<subcore_parallel>], iteration_bounds = array<i64: 2, 16>, scalar_prefetch = 0 : i64, scratch_operands = 3 : i64, tpu.core_type = #tpu.core_type<sc_vector_subcore>, window_params = [{transform_indices = #map}, {transform_indices = #map1}, {transform_indices = #map}]} {
    %mul3A = arith.constant 2 : i32
    %mul3A_0 = arith.muli %arg1, %mul3A : i32
    %add3A = arith.addi %mul3A_0, %arg0 : i32
    %mul3A_1 = arith.constant 5120 : i32
    %mul3A_2 = arith.muli %add3A, %mul3A_1 : i32
    %scan3A = arith.constant 0 : i32
    %scan3A_3 = arith.constant 0 : i32
    %scan3A_4 = arith.constant 10 : i32
    %scan3A_5 = arith.addi %scan3A_3, %scan3A_4 : i32
    %scan3A_6 = arith.constant 1 : i32
    scf.for %scan3A_8 = %scan3A_3 to %scan3A_5 step %scan3A_6  : i32 {
      %mul3A_9 = arith.constant 512 : i32
      %mul3A_10 = arith.muli %scan3A_8, %mul3A_9 : i32
      %add3A_11 = arith.addi %mul3A_2, %mul3A_10 : i32
      "tpu.region"() ({
        %run_scoped3A = tpu.sem_alloc : memref<!tpu.dma_semaphore, #tpu.memory_space<semaphore_mem>>
        %dma_start3A_74 = tpu.memref_slice %arg3[%add3A_11] : memref<163840xi32, #tpu.memory_space<hbm>> -> memref<512xi32, #tpu.memory_space<hbm>>
        %dma_start3A_75 = tpu.memref_slice %arg3[%add3A_11] : memref<163840xi32, #tpu.memory_space<hbm>> -> memref<512xi32, #tpu.memory_space<hbm>>
        tpu.enqueue_dma source(%dma_start3A_75 : memref<512xi32, #tpu.memory_space<hbm>>) target(%arg5 : memref<512xi32, #tpu.memory_space<vmem>>) target_semaphore(%run_scoped3A : memref<!tpu.dma_semaphore, #tpu.memory_space<semaphore_mem>>)
        %dma_wait3A_76 = tpu.memref_slice %arg3[%add3A_11] : memref<163840xi32, #tpu.memory_space<hbm>> -> memref<512xi32, #tpu.memory_space<hbm>>
        %dma_wait3A_77 = tpu.memref_slice %arg3[%add3A_11] : memref<163840xi32, #tpu.memory_space<hbm>> -> memref<512xi32, #tpu.memory_space<hbm>>
        tpu.wait_dma2 semaphore(%run_scoped3A : memref<!tpu.dma_semaphore, #tpu.memory_space<semaphore_mem>>) src(%dma_wait3A_77 : memref<512xi32, #tpu.memory_space<hbm>>) dst(%arg5 : memref<512xi32, #tpu.memory_space<vmem>>)
        tpu.yield
      }) : () -> ()
      %dma_start3A = arith.constant 0 : i32
      %dma_start3A_12 = arith.constant 0 : i32
      %dma_start3A_13 = tpu.memref_slice %arg6[%dma_start3A, %dma_start3A_12] : memref<512x128xf32, #tpu.memory_space<vmem>> -> memref<128x128xf32, #tpu.memory_space<vmem>>
      %dma_start3A_14 = arith.constant 0 : i32
      %dma_start3A_15 = tpu.memref_slice %arg5[%dma_start3A_14] : memref<512xi32, #tpu.memory_space<vmem>> -> memref<128xi32, #tpu.memory_space<vmem>>
      %dma_start3A_16 = arith.constant 0 : i32
      %dma_start3A_17 = arith.constant 0 : i32
      %dma_start3A_18 = tpu.memref_slice %arg2[%dma_start3A_16, %dma_start3A_17] : memref<10000x128xf32, #tpu.memory_space<hbm>> -> memref<10000x128xf32, #tpu.memory_space<hbm>>
      tpu.enqueue_indirect_dma source(%dma_start3A_18 : memref<10000x128xf32, #tpu.memory_space<hbm>>) target(%dma_start3A_13 : memref<128x128xf32, #tpu.memory_space<vmem>>) offsets(%dma_start3A_15 : memref<128xi32, #tpu.memory_space<vmem>>) semaphore(%arg7 : memref<!tpu.dma_semaphore, #tpu.memory_space<semaphore_mem>>)
      %dma_start3A_19 = arith.constant 128 : i32
      %dma_start3A_20 = arith.constant 0 : i32
      %dma_start3A_21 = tpu.memref_slice %arg6[%dma_start3A_19, %dma_start3A_20] : memref<512x128xf32, #tpu.memory_space<vmem>> -> memref<128x128xf32, #tpu.memory_space<vmem>>
      %dma_start3A_22 = arith.constant 128 : i32
      %dma_start3A_23 = tpu.memref_slice %arg5[%dma_start3A_22] : memref<512xi32, #tpu.memory_space<vmem>> -> memref<128xi32, #tpu.memory_space<vmem>>
      %dma_start3A_24 = arith.constant 0 : i32
      %dma_start3A_25 = arith.constant 0 : i32
      %dma_start3A_26 = tpu.memref_slice %arg2[%dma_start3A_24, %dma_start3A_25] : memref<10000x128xf32, #tpu.memory_space<hbm>> -> memref<10000x128xf32, #tpu.memory_space<hbm>>
      tpu.enqueue_indirect_dma source(%dma_start3A_26 : memref<10000x128xf32, #tpu.memory_space<hbm>>) target(%dma_start3A_21 : memref<128x128xf32, #tpu.memory_space<vmem>>) offsets(%dma_start3A_23 : memref<128xi32, #tpu.memory_space<vmem>>) semaphore(%arg7 : memref<!tpu.dma_semaphore, #tpu.memory_space<semaphore_mem>>)
      %dma_start3A_27 = arith.constant 256 : i32
      %dma_start3A_28 = arith.constant 0 : i32
      %dma_start3A_29 = tpu.memref_slice %arg6[%dma_start3A_27, %dma_start3A_28] : memref<512x128xf32, #tpu.memory_space<vmem>> -> memref<128x128xf32, #tpu.memory_space<vmem>>
      %dma_start3A_30 = arith.constant 256 : i32
      %dma_start3A_31 = tpu.memref_slice %arg5[%dma_start3A_30] : memref<512xi32, #tpu.memory_space<vmem>> -> memref<128xi32, #tpu.memory_space<vmem>>
      %dma_start3A_32 = arith.constant 0 : i32
      %dma_start3A_33 = arith.constant 0 : i32
      %dma_start3A_34 = tpu.memref_slice %arg2[%dma_start3A_32, %dma_start3A_33] : memref<10000x128xf32, #tpu.memory_space<hbm>> -> memref<10000x128xf32, #tpu.memory_space<hbm>>
      tpu.enqueue_indirect_dma source(%dma_start3A_34 : memref<10000x128xf32, #tpu.memory_space<hbm>>) target(%dma_start3A_29 : memref<128x128xf32, #tpu.memory_space<vmem>>) offsets(%dma_start3A_31 : memref<128xi32, #tpu.memory_space<vmem>>) semaphore(%arg7 : memref<!tpu.dma_semaphore, #tpu.memory_space<semaphore_mem>>)
      %dma_start3A_35 = arith.constant 384 : i32
      %dma_start3A_36 = arith.constant 0 : i32
      %dma_start3A_37 = tpu.memref_slice %arg6[%dma_start3A_35, %dma_start3A_36] : memref<512x128xf32, #tpu.memory_space<vmem>> -> memref<128x128xf32, #tpu.memory_space<vmem>>
      %dma_start3A_38 = arith.constant 384 : i32
      %dma_start3A_39 = tpu.memref_slice %arg5[%dma_start3A_38] : memref<512xi32, #tpu.memory_space<vmem>> -> memref<128xi32, #tpu.memory_space<vmem>>
      %dma_start3A_40 = arith.constant 0 : i32
      %dma_start3A_41 = arith.constant 0 : i32
      %dma_start3A_42 = tpu.memref_slice %arg2[%dma_start3A_40, %dma_start3A_41] : memref<10000x128xf32, #tpu.memory_space<hbm>> -> memref<10000x128xf32, #tpu.memory_space<hbm>>
      tpu.enqueue_indirect_dma source(%dma_start3A_42 : memref<10000x128xf32, #tpu.memory_space<hbm>>) target(%dma_start3A_37 : memref<128x128xf32, #tpu.memory_space<vmem>>) offsets(%dma_start3A_39 : memref<128xi32, #tpu.memory_space<vmem>>) semaphore(%arg7 : memref<!tpu.dma_semaphore, #tpu.memory_space<semaphore_mem>>)
      %dma_wait3A = arith.constant 0 : i32
      %dma_wait3A_43 = arith.constant 0 : i32
      %dma_wait3A_44 = tpu.memref_slice %arg6[%dma_wait3A, %dma_wait3A_43] : memref<512x128xf32, #tpu.memory_space<vmem>> -> memref<128x128xf32, #tpu.memory_space<vmem>>
      %dma_wait3A_45 = arith.constant 0 : i32
      %dma_wait3A_46 = tpu.memref_slice %arg5[%dma_wait3A_45] : memref<512xi32, #tpu.memory_space<vmem>> -> memref<128xi32, #tpu.memory_space<vmem>>
      %dma_wait3A_47 = arith.constant 0 : i32
      %dma_wait3A_48 = arith.constant 0 : i32
      %dma_wait3A_49 = tpu.memref_slice %arg2[%dma_wait3A_47, %dma_wait3A_48] : memref<10000x128xf32, #tpu.memory_space<hbm>> -> memref<10000x128xf32, #tpu.memory_space<hbm>>
      tpu.wait_indirect_dma semaphore(%arg7 : memref<!tpu.dma_semaphore, #tpu.memory_space<semaphore_mem>>) src(%dma_wait3A_49 : memref<10000x128xf32, #tpu.memory_space<hbm>>) dst(%dma_wait3A_44 : memref<128x128xf32, #tpu.memory_space<vmem>>)
      %dma_wait3A_50 = arith.constant 128 : i32
      %dma_wait3A_51 = arith.constant 0 : i32
      %dma_wait3A_52 = tpu.memref_slice %arg6[%dma_wait3A_50, %dma_wait3A_51] : memref<512x128xf32, #tpu.memory_space<vmem>> -> memref<128x128xf32, #tpu.memory_space<vmem>>
      %dma_wait3A_53 = arith.constant 128 : i32
      %dma_wait3A_54 = tpu.memref_slice %arg5[%dma_wait3A_53] : memref<512xi32, #tpu.memory_space<vmem>> -> memref<128xi32, #tpu.memory_space<vmem>>
      %dma_wait3A_55 = arith.constant 0 : i32
      %dma_wait3A_56 = arith.constant 0 : i32
      %dma_wait3A_57 = tpu.memref_slice %arg2[%dma_wait3A_55, %dma_wait3A_56] : memref<10000x128xf32, #tpu.memory_space<hbm>> -> memref<10000x128xf32, #tpu.memory_space<hbm>>
      tpu.wait_indirect_dma semaphore(%arg7 : memref<!tpu.dma_semaphore, #tpu.memory_space<semaphore_mem>>) src(%dma_wait3A_57 : memref<10000x128xf32, #tpu.memory_space<hbm>>) dst(%dma_wait3A_52 : memref<128x128xf32, #tpu.memory_space<vmem>>)
      %dma_wait3A_58 = arith.constant 256 : i32
      %dma_wait3A_59 = arith.constant 0 : i32
      %dma_wait3A_60 = tpu.memref_slice %arg6[%dma_wait3A_58, %dma_wait3A_59] : memref<512x128xf32, #tpu.memory_space<vmem>> -> memref<128x128xf32, #tpu.memory_space<vmem>>
      %dma_wait3A_61 = arith.constant 256 : i32
      %dma_wait3A_62 = tpu.memref_slice %arg5[%dma_wait3A_61] : memref<512xi32, #tpu.memory_space<vmem>> -> memref<128xi32, #tpu.memory_space<vmem>>
      %dma_wait3A_63 = arith.constant 0 : i32
      %dma_wait3A_64 = arith.constant 0 : i32
      %dma_wait3A_65 = tpu.memref_slice %arg2[%dma_wait3A_63, %dma_wait3A_64] : memref<10000x128xf32, #tpu.memory_space<hbm>> -> memref<10000x128xf32, #tpu.memory_space<hbm>>
      tpu.wait_indirect_dma semaphore(%arg7 : memref<!tpu.dma_semaphore, #tpu.memory_space<semaphore_mem>>) src(%dma_wait3A_65 : memref<10000x128xf32, #tpu.memory_space<hbm>>) dst(%dma_wait3A_60 : memref<128x128xf32, #tpu.memory_space<vmem>>)
      %dma_wait3A_66 = arith.constant 384 : i32
      %dma_wait3A_67 = arith.constant 0 : i32
      %dma_wait3A_68 = tpu.memref_slice %arg6[%dma_wait3A_66, %dma_wait3A_67] : memref<512x128xf32, #tpu.memory_space<vmem>> -> memref<128x128xf32, #tpu.memory_space<vmem>>
      %dma_wait3A_69 = arith.constant 384 : i32
      %dma_wait3A_70 = tpu.memref_slice %arg5[%dma_wait3A_69] : memref<512xi32, #tpu.memory_space<vmem>> -> memref<128xi32, #tpu.memory_space<vmem>>
      %dma_wait3A_71 = arith.constant 0 : i32
      %dma_wait3A_72 = arith.constant 0 : i32
      %dma_wait3A_73 = tpu.memref_slice %arg2[%dma_wait3A_71, %dma_wait3A_72] : memref<10000x128xf32, #tpu.memory_space<hbm>> -> memref<10000x128xf32, #tpu.memory_space<hbm>>
      tpu.wait_indirect_dma semaphore(%arg7 : memref<!tpu.dma_semaphore, #tpu.memory_space<semaphore_mem>>) src(%dma_wait3A_73 : memref<10000x128xf32, #tpu.memory_space<hbm>>) dst(%dma_wait3A_68 : memref<128x128xf32, #tpu.memory_space<vmem>>)
      "tpu.region"() ({
        %run_scoped3A = tpu.sem_alloc : memref<!tpu.dma_semaphore, #tpu.memory_space<semaphore_mem>>
        %dma_start3A_74 = arith.constant 0 : i32
        %dma_start3A_75 = tpu.memref_slice %arg4[%add3A_11, %dma_start3A_74] : memref<163840x128xf32, #tpu.memory_space<hbm>> -> memref<512x128xf32, #tpu.memory_space<hbm>>
        %dma_start3A_76 = arith.constant 0 : i32
        %dma_start3A_77 = tpu.memref_slice %arg4[%add3A_11, %dma_start3A_76] : memref<163840x128xf32, #tpu.memory_space<hbm>> -> memref<512x128xf32, #tpu.memory_space<hbm>>
        tpu.enqueue_dma source(%arg6 : memref<512x128xf32, #tpu.memory_space<vmem>>) target(%dma_start3A_77 : memref<512x128xf32, #tpu.memory_space<hbm>>) target_semaphore(%run_scoped3A : memref<!tpu.dma_semaphore, #tpu.memory_space<semaphore_mem>>)
        %dma_wait3A_78 = arith.constant 0 : i32
        %dma_wait3A_79 = tpu.memref_slice %arg4[%add3A_11, %dma_wait3A_78] : memref<163840x128xf32, #tpu.memory_space<hbm>> -> memref<512x128xf32, #tpu.memory_space<hbm>>
        %dma_wait3A_80 = arith.constant 0 : i32
        %dma_wait3A_81 = tpu.memref_slice %arg4[%add3A_11, %dma_wait3A_80] : memref<163840x128xf32, #tpu.memory_space<hbm>> -> memref<512x128xf32, #tpu.memory_space<hbm>>
        tpu.wait_dma2 semaphore(%run_scoped3A : memref<!tpu.dma_semaphore, #tpu.memory_space<semaphore_mem>>) src(%arg6 : memref<512x128xf32, #tpu.memory_space<vmem>>) dst(%dma_wait3A_81 : memref<512x128xf32, #tpu.memory_space<hbm>>)
        tpu.yield
      }) : () -> ()
    }
    %scan3A_7 = arith.constant 10 : i32
    return
  }
}

#map = affine_map<(d0, d1) -> (0, 0)>
#map1 = affine_map<(d0, d1) -> (0)>
module attributes {stable_mosaic.version = 14 : i64} {
  func.func @gk(%arg0: i32, %arg1: i32, %arg2: memref<10000x128xf32, #tpu.memory_space<hbm>>, %arg3: memref<163840xi32, #tpu.memory_space<hbm>>, %arg4: memref<163840x128xf32, #tpu.memory_space<hbm>>, %arg5: memref<512xi32, #tpu.memory_space<vmem>>, %arg6: memref<512x128xf32, #tpu.memory_space<vmem>>, %arg7: memref<!tpu.dma_semaphore, #tpu.memory_space<semaphore_mem>>) attributes {dimension_semantics = [#tpu.dimension_semantics<core_parallel>, #tpu.dimension_semantics<subcore_parallel>], iteration_bounds = array<i64: 2, 16>, scalar_prefetch = 0 : i64, scratch_operands = 3 : i64, tpu.core_type = #tpu.core_type<sc_vector_subcore>, window_params = [{transform_indices = #map}, {transform_indices = #map1}, {transform_indices = #map}]} {
    %mul3A = arith.constant 2 : i32
    %mul3A_0 = arith.muli %arg1, %mul3A : i32
    %add3A = arith.addi %mul3A_0, %arg0 : i32
    %mul3A_1 = arith.constant 5120 : i32
    %mul3A_2 = arith.muli %add3A, %mul3A_1 : i32
    %scan3A = arith.constant 0 : i32
    %scan3A_3 = arith.constant 0 : i32
    %scan3A_4 = arith.constant 10 : i32
    %scan3A_5 = arith.addi %scan3A_3, %scan3A_4 : i32
    %scan3A_6 = arith.constant 1 : i32
    scf.for %scan3A_8 = %scan3A_3 to %scan3A_5 step %scan3A_6  : i32 {
      %mul3A_9 = arith.constant 512 : i32
      %mul3A_10 = arith.muli %scan3A_8, %mul3A_9 : i32
      %add3A_11 = arith.addi %mul3A_2, %mul3A_10 : i32
      "tpu.region"() ({
        %run_scoped3A = tpu.sem_alloc : memref<!tpu.dma_semaphore, #tpu.memory_space<semaphore_mem>>
        %dma_start3A_74 = tpu.memref_slice %arg3[%add3A_11] : memref<163840xi32, #tpu.memory_space<hbm>> -> memref<512xi32, #tpu.memory_space<hbm>>
        %dma_start3A_75 = tpu.memref_slice %arg3[%add3A_11] : memref<163840xi32, #tpu.memory_space<hbm>> -> memref<512xi32, #tpu.memory_space<hbm>>
        tpu.enqueue_dma source(%dma_start3A_75 : memref<512xi32, #tpu.memory_space<hbm>>) target(%arg5 : memref<512xi32, #tpu.memory_space<vmem>>) target_semaphore(%run_scoped3A : memref<!tpu.dma_semaphore, #tpu.memory_space<semaphore_mem>>)
        %dma_wait3A_76 = tpu.memref_slice %arg3[%add3A_11] : memref<163840xi32, #tpu.memory_space<hbm>> -> memref<512xi32, #tpu.memory_space<hbm>>
        %dma_wait3A_77 = tpu.memref_slice %arg3[%add3A_11] : memref<163840xi32, #tpu.memory_space<hbm>> -> memref<512xi32, #tpu.memory_space<hbm>>
        tpu.wait_dma2 semaphore(%run_scoped3A : memref<!tpu.dma_semaphore, #tpu.memory_space<semaphore_mem>>) src(%dma_wait3A_77 : memref<512xi32, #tpu.memory_space<hbm>>) dst(%arg5 : memref<512xi32, #tpu.memory_space<vmem>>)
        tpu.yield
      }) : () -> ()
      %dma_start3A = arith.constant 0 : i32
      %dma_start3A_12 = arith.constant 0 : i32
      %dma_start3A_13 = tpu.memref_slice %arg6[%dma_start3A, %dma_start3A_12] : memref<512x128xf32, #tpu.memory_space<vmem>> -> memref<128x128xf32, #tpu.memory_space<vmem>>
      %dma_start3A_14 = arith.constant 0 : i32
      %dma_start3A_15 = tpu.memref_slice %arg5[%dma_start3A_14] : memref<512xi32, #tpu.memory_space<vmem>> -> memref<128xi32, #tpu.memory_space<vmem>>
      %dma_start3A_16 = arith.constant 0 : i32
      %dma_start3A_17 = arith.constant 0 : i32
      %dma_start3A_18 = tpu.memref_slice %arg2[%dma_start3A_16, %dma_start3A_17] : memref<10000x128xf32, #tpu.memory_space<hbm>> -> memref<10000x128xf32, #tpu.memory_space<hbm>>
      tpu.enqueue_indirect_dma source(%dma_start3A_18 : memref<10000x128xf32, #tpu.memory_space<hbm>>) target(%dma_start3A_13 : memref<128x128xf32, #tpu.memory_space<vmem>>) offsets(%dma_start3A_15 : memref<128xi32, #tpu.memory_space<vmem>>) semaphore(%arg7 : memref<!tpu.dma_semaphore, #tpu.memory_space<semaphore_mem>>)
      %dma_start3A_19 = arith.constant 128 : i32
      %dma_start3A_20 = arith.constant 0 : i32
      %dma_start3A_21 = tpu.memref_slice %arg6[%dma_start3A_19, %dma_start3A_20] : memref<512x128xf32, #tpu.memory_space<vmem>> -> memref<128x128xf32, #tpu.memory_space<vmem>>
      %dma_start3A_22 = arith.constant 128 : i32
      %dma_start3A_23 = tpu.memref_slice %arg5[%dma_start3A_22] : memref<512xi32, #tpu.memory_space<vmem>> -> memref<128xi32, #tpu.memory_space<vmem>>
      %dma_start3A_24 = arith.constant 0 : i32
      %dma_start3A_25 = arith.constant 0 : i32
      %dma_start3A_26 = tpu.memref_slice %arg2[%dma_start3A_24, %dma_start3A_25] : memref<10000x128xf32, #tpu.memory_space<hbm>> -> memref<10000x128xf32, #tpu.memory_space<hbm>>
      tpu.enqueue_indirect_dma source(%dma_start3A_26 : memref<10000x128xf32, #tpu.memory_space<hbm>>) target(%dma_start3A_21 : memref<128x128xf32, #tpu.memory_space<vmem>>) offsets(%dma_start3A_23 : memref<128xi32, #tpu.memory_space<vmem>>) semaphore(%arg7 : memref<!tpu.dma_semaphore, #tpu.memory_space<semaphore_mem>>)
      %dma_start3A_27 = arith.constant 256 : i32
      %dma_start3A_28 = arith.constant 0 : i32
      %dma_start3A_29 = tpu.memref_slice %arg6[%dma_start3A_27, %dma_start3A_28] : memref<512x128xf32, #tpu.memory_space<vmem>> -> memref<128x128xf32, #tpu.memory_space<vmem>>
      %dma_start3A_30 = arith.constant 256 : i32
      %dma_start3A_31 = tpu.memref_slice %arg5[%dma_start3A_30] : memref<512xi32, #tpu.memory_space<vmem>> -> memref<128xi32, #tpu.memory_space<vmem>>
      %dma_start3A_32 = arith.constant 0 : i32
      %dma_start3A_33 = arith.constant 0 : i32
      %dma_start3A_34 = tpu.memref_slice %arg2[%dma_start3A_32, %dma_start3A_33] : memref<10000x128xf32, #tpu.memory_space<hbm>> -> memref<10000x128xf32, #tpu.memory_space<hbm>>
      tpu.enqueue_indirect_dma source(%dma_start3A_34 : memref<10000x128xf32, #tpu.memory_space<hbm>>) target(%dma_start3A_29 : memref<128x128xf32, #tpu.memory_space<vmem>>) offsets(%dma_start3A_31 : memref<128xi32, #tpu.memory_space<vmem>>) semaphore(%arg7 : memref<!tpu.dma_semaphore, #tpu.memory_space<semaphore_mem>>)
      %dma_start3A_35 = arith.constant 384 : i32
      %dma_start3A_36 = arith.constant 0 : i32
      %dma_start3A_37 = tpu.memref_slice %arg6[%dma_start3A_35, %dma_start3A_36] : memref<512x128xf32, #tpu.memory_space<vmem>> -> memref<128x128xf32, #tpu.memory_space<vmem>>
      %dma_start3A_38 = arith.constant 384 : i32
      %dma_start3A_39 = tpu.memref_slice %arg5[%dma_start3A_38] : memref<512xi32, #tpu.memory_space<vmem>> -> memref<128xi32, #tpu.memory_space<vmem>>
      %dma_start3A_40 = arith.constant 0 : i32
      %dma_start3A_41 = arith.constant 0 : i32
      %dma_start3A_42 = tpu.memref_slice %arg2[%dma_start3A_40, %dma_start3A_41] : memref<10000x128xf32, #tpu.memory_space<hbm>> -> memref<10000x128xf32, #tpu.memory_space<hbm>>
      tpu.enqueue_indirect_dma source(%dma_start3A_42 : memref<10000x128xf32, #tpu.memory_space<hbm>>) target(%dma_start3A_37 : memref<128x128xf32, #tpu.memory_space<vmem>>) offsets(%dma_start3A_39 : memref<128xi32, #tpu.memory_space<vmem>>) semaphore(%arg7 : memref<!tpu.dma_semaphore, #tpu.memory_space<semaphore_mem>>)
      %dma_wait3A = arith.constant 0 : i32
      %dma_wait3A_43 = arith.constant 0 : i32
      %dma_wait3A_44 = tpu.memref_slice %arg6[%dma_wait3A, %dma_wait3A_43] : memref<512x128xf32, #tpu.memory_space<vmem>> -> memref<128x128xf32, #tpu.memory_space<vmem>>
      %dma_wait3A_45 = arith.constant 0 : i32
      %dma_wait3A_46 = tpu.memref_slice %arg5[%dma_wait3A_45] : memref<512xi32, #tpu.memory_space<vmem>> -> memref<128xi32, #tpu.memory_space<vmem>>
      %dma_wait3A_47 = arith.constant 0 : i32
      %dma_wait3A_48 = arith.constant 0 : i32
      %dma_wait3A_49 = tpu.memref_slice %arg2[%dma_wait3A_47, %dma_wait3A_48] : memref<10000x128xf32, #tpu.memory_space<hbm>> -> memref<10000x128xf32, #tpu.memory_space<hbm>>
      tpu.wait_indirect_dma semaphore(%arg7 : memref<!tpu.dma_semaphore, #tpu.memory_space<semaphore_mem>>) src(%dma_wait3A_49 : memref<10000x128xf32, #tpu.memory_space<hbm>>) dst(%dma_wait3A_44 : memref<128x128xf32, #tpu.memory_space<vmem>>)
      %dma_wait3A_50 = arith.constant 128 : i32
      %dma_wait3A_51 = arith.constant 0 : i32
      %dma_wait3A_52 = tpu.memref_slice %arg6[%dma_wait3A_50, %dma_wait3A_51] : memref<512x128xf32, #tpu.memory_space<vmem>> -> memref<128x128xf32, #tpu.memory_space<vmem>>
      %dma_wait3A_53 = arith.constant 128 : i32
      %dma_wait3A_54 = tpu.memref_slice %arg5[%dma_wait3A_53] : memref<512xi32, #tpu.memory_space<vmem>> -> memref<128xi32, #tpu.memory_space<vmem>>
      %dma_wait3A_55 = arith.constant 0 : i32
      %dma_wait3A_56 = arith.constant 0 : i32
      %dma_wait3A_57 = tpu.memref_slice %arg2[%dma_wait3A_55, %dma_wait3A_56] : memref<10000x128xf32, #tpu.memory_space<hbm>> -> memref<10000x128xf32, #tpu.memory_space<hbm>>
      tpu.wait_indirect_dma semaphore(%arg7 : memref<!tpu.dma_semaphore, #tpu.memory_space<semaphore_mem>>) src(%dma_wait3A_57 : memref<10000x128xf32, #tpu.memory_space<hbm>>) dst(%dma_wait3A_52 : memref<128x128xf32, #tpu.memory_space<vmem>>)
      %dma_wait3A_58 = arith.constant 256 : i32
      %dma_wait3A_59 = arith.constant 0 : i32
      %dma_wait3A_60 = tpu.memref_slice %arg6[%dma_wait3A_58, %dma_wait3A_59] : memref<512x128xf32, #tpu.memory_space<vmem>> -> memref<128x128xf32, #tpu.memory_space<vmem>>
      %dma_wait3A_61 = arith.constant 256 : i32
      %dma_wait3A_62 = tpu.memref_slice %arg5[%dma_wait3A_61] : memref<512xi32, #tpu.memory_space<vmem>> -> memref<128xi32, #tpu.memory_space<vmem>>
      %dma_wait3A_63 = arith.constant 0 : i32
      %dma_wait3A_64 = arith.constant 0 : i32
      %dma_wait3A_65 = tpu.memref_slice %arg2[%dma_wait3A_63, %dma_wait3A_64] : memref<10000x128xf32, #tpu.memory_space<hbm>> -> memref<10000x128xf32, #tpu.memory_space<hbm>>
      tpu.wait_indirect_dma semaphore(%arg7 : memref<!tpu.dma_semaphore, #tpu.memory_space<semaphore_mem>>) src(%dma_wait3A_65 : memref<10000x128xf32, #tpu.memory_space<hbm>>) dst(%dma_wait3A_60 : memref<128x128xf32, #tpu.memory_space<vmem>>)
      %dma_wait3A_66 = arith.constant 384 : i32
      %dma_wait3A_67 = arith.constant 0 : i32
      %dma_wait3A_68 = tpu.memref_slice %arg6[%dma_wait3A_66, %dma_wait3A_67] : memref<512x128xf32, #tpu.memory_space<vmem>> -> memref<128x128xf32, #tpu.memory_space<vmem>>
      %dma_wait3A_69 = arith.constant 384 : i32
      %dma_wait3A_70 = tpu.memref_slice %arg5[%dma_wait3A_69] : memref<512xi32, #tpu.memory_space<vmem>> -> memref<128xi32, #tpu.memory_space<vmem>>
      %dma_wait3A_71 = arith.constant 0 : i32
      %dma_wait3A_72 = arith.constant 0 : i32
      %dma_wait3A_73 = tpu.memref_slice %arg2[%dma_wait3A_71, %dma_wait3A_72] : memref<10000x128xf32, #tpu.memory_space<hbm>> -> memref<10000x128xf32, #tpu.memory_space<hbm>>
      tpu.wait_indirect_dma semaphore(%arg7 : memref<!tpu.dma_semaphore, #tpu.memory_space<semaphore_mem>>) src(%dma_wait3A_73 : memref<10000x128xf32, #tpu.memory_space<hbm>>) dst(%dma_wait3A_68 : memref<128x128xf32, #tpu.memory_space<vmem>>)
      "tpu.region"() ({
        %run_scoped3A = tpu.sem_alloc : memref<!tpu.dma_semaphore, #tpu.memory_space<semaphore_mem>>
        %dma_start3A_74 = arith.constant 0 : i32
        %dma_start3A_75 = tpu.memref_slice %arg4[%add3A_11, %dma_start3A_74] : memref<163840x128xf32, #tpu.memory_space<hbm>> -> memref<512x128xf32, #tpu.memory_space<hbm>>
        %dma_start3A_76 = arith.constant 0 : i32
        %dma_start3A_77 = tpu.memref_slice %arg4[%add3A_11, %dma_start3A_76] : memref<163840x128xf32, #tpu.memory_space<hbm>> -> memref<512x128xf32, #tpu.memory_space<hbm>>
        tpu.enqueue_dma source(%arg6 : memref<512x128xf32, #tpu.memory_space<vmem>>) target(%dma_start3A_77 : memref<512x128xf32, #tpu.memory_space<hbm>>) target_semaphore(%run_scoped3A : memref<!tpu.dma_semaphore, #tpu.memory_space<semaphore_mem>>)
        %dma_wait3A_78 = arith.constant 0 : i32
        %dma_wait3A_79 = tpu.memref_slice %arg4[%add3A_11, %dma_wait3A_78] : memref<163840x128xf32, #tpu.memory_space<hbm>> -> memref<512x128xf32, #tpu.memory_space<hbm>>
        %dma_wait3A_80 = arith.constant 0 : i32
        %dma_wait3A_81 = tpu.memref_slice %arg4[%add3A_11, %dma_wait3A_80] : memref<163840x128xf32, #tpu.memory_space<hbm>> -> memref<512x128xf32, #tpu.memory_space<hbm>>
        tpu.wait_dma2 semaphore(%run_scoped3A : memref<!tpu.dma_semaphore, #tpu.memory_space<semaphore_mem>>) src(%arg6 : memref<512x128xf32, #tpu.memory_space<vmem>>) dst(%dma_wait3A_81 : memref<512x128xf32, #tpu.memory_space<hbm>>)
        tpu.yield
      }) : () -> ()
    }
    %scan3A_7 = arith.constant 10 : i32
    return
  }
}

#map = affine_map<(d0, d1) -> (0, 0)>
#map1 = affine_map<(d0, d1) -> (0)>
module attributes {stable_mosaic.version = 14 : i64} {
  func.func @gk(%arg0: i32, %arg1: i32, %arg2: memref<10000x128xf32, #tpu.memory_space<hbm>>, %arg3: memref<163840xi32, #tpu.memory_space<hbm>>, %arg4: memref<163840x128xf32, #tpu.memory_space<hbm>>, %arg5: memref<512xi32, #tpu.memory_space<vmem>>, %arg6: memref<512x128xf32, #tpu.memory_space<vmem>>, %arg7: memref<!tpu.dma_semaphore, #tpu.memory_space<semaphore_mem>>) attributes {dimension_semantics = [#tpu.dimension_semantics<core_parallel>, #tpu.dimension_semantics<subcore_parallel>], iteration_bounds = array<i64: 2, 16>, scalar_prefetch = 0 : i64, scratch_operands = 3 : i64, tpu.core_type = #tpu.core_type<sc_vector_subcore>, window_params = [{transform_indices = #map}, {transform_indices = #map1}, {transform_indices = #map}]} {
    %mul3A = arith.constant 2 : i32
    %mul3A_0 = arith.muli %arg1, %mul3A : i32
    %add3A = arith.addi %mul3A_0, %arg0 : i32
    %mul3A_1 = arith.constant 5120 : i32
    %mul3A_2 = arith.muli %add3A, %mul3A_1 : i32
    %scan3A = arith.constant 0 : i32
    %scan3A_3 = arith.constant 0 : i32
    %scan3A_4 = arith.constant 10 : i32
    %scan3A_5 = arith.addi %scan3A_3, %scan3A_4 : i32
    %scan3A_6 = arith.constant 1 : i32
    scf.for %scan3A_8 = %scan3A_3 to %scan3A_5 step %scan3A_6  : i32 {
      %mul3A_9 = arith.constant 512 : i32
      %mul3A_10 = arith.muli %scan3A_8, %mul3A_9 : i32
      %add3A_11 = arith.addi %mul3A_2, %mul3A_10 : i32
      "tpu.region"() ({
        %run_scoped3A = tpu.sem_alloc : memref<!tpu.dma_semaphore, #tpu.memory_space<semaphore_mem>>
        %dma_start3A_74 = tpu.memref_slice %arg3[%add3A_11] : memref<163840xi32, #tpu.memory_space<hbm>> -> memref<512xi32, #tpu.memory_space<hbm>>
        %dma_start3A_75 = tpu.memref_slice %arg3[%add3A_11] : memref<163840xi32, #tpu.memory_space<hbm>> -> memref<512xi32, #tpu.memory_space<hbm>>
        tpu.enqueue_dma source(%dma_start3A_75 : memref<512xi32, #tpu.memory_space<hbm>>) target(%arg5 : memref<512xi32, #tpu.memory_space<vmem>>) target_semaphore(%run_scoped3A : memref<!tpu.dma_semaphore, #tpu.memory_space<semaphore_mem>>)
        %dma_wait3A_76 = tpu.memref_slice %arg3[%add3A_11] : memref<163840xi32, #tpu.memory_space<hbm>> -> memref<512xi32, #tpu.memory_space<hbm>>
        %dma_wait3A_77 = tpu.memref_slice %arg3[%add3A_11] : memref<163840xi32, #tpu.memory_space<hbm>> -> memref<512xi32, #tpu.memory_space<hbm>>
        tpu.wait_dma2 semaphore(%run_scoped3A : memref<!tpu.dma_semaphore, #tpu.memory_space<semaphore_mem>>) src(%dma_wait3A_77 : memref<512xi32, #tpu.memory_space<hbm>>) dst(%arg5 : memref<512xi32, #tpu.memory_space<vmem>>)
        tpu.yield
      }) : () -> ()
      %dma_start3A = arith.constant 0 : i32
      %dma_start3A_12 = arith.constant 0 : i32
      %dma_start3A_13 = tpu.memref_slice %arg6[%dma_start3A, %dma_start3A_12] : memref<512x128xf32, #tpu.memory_space<vmem>> -> memref<128x128xf32, #tpu.memory_space<vmem>>
      %dma_start3A_14 = arith.constant 0 : i32
      %dma_start3A_15 = tpu.memref_slice %arg5[%dma_start3A_14] : memref<512xi32, #tpu.memory_space<vmem>> -> memref<128xi32, #tpu.memory_space<vmem>>
      %dma_start3A_16 = arith.constant 0 : i32
      %dma_start3A_17 = arith.constant 0 : i32
      %dma_start3A_18 = tpu.memref_slice %arg2[%dma_start3A_16, %dma_start3A_17] : memref<10000x128xf32, #tpu.memory_space<hbm>> -> memref<10000x128xf32, #tpu.memory_space<hbm>>
      tpu.enqueue_indirect_dma source(%dma_start3A_18 : memref<10000x128xf32, #tpu.memory_space<hbm>>) target(%dma_start3A_13 : memref<128x128xf32, #tpu.memory_space<vmem>>) offsets(%dma_start3A_15 : memref<128xi32, #tpu.memory_space<vmem>>) semaphore(%arg7 : memref<!tpu.dma_semaphore, #tpu.memory_space<semaphore_mem>>)
      %dma_start3A_19 = arith.constant 128 : i32
      %dma_start3A_20 = arith.constant 0 : i32
      %dma_start3A_21 = tpu.memref_slice %arg6[%dma_start3A_19, %dma_start3A_20] : memref<512x128xf32, #tpu.memory_space<vmem>> -> memref<128x128xf32, #tpu.memory_space<vmem>>
      %dma_start3A_22 = arith.constant 128 : i32
      %dma_start3A_23 = tpu.memref_slice %arg5[%dma_start3A_22] : memref<512xi32, #tpu.memory_space<vmem>> -> memref<128xi32, #tpu.memory_space<vmem>>
      %dma_start3A_24 = arith.constant 0 : i32
      %dma_start3A_25 = arith.constant 0 : i32
      %dma_start3A_26 = tpu.memref_slice %arg2[%dma_start3A_24, %dma_start3A_25] : memref<10000x128xf32, #tpu.memory_space<hbm>> -> memref<10000x128xf32, #tpu.memory_space<hbm>>
      tpu.enqueue_indirect_dma source(%dma_start3A_26 : memref<10000x128xf32, #tpu.memory_space<hbm>>) target(%dma_start3A_21 : memref<128x128xf32, #tpu.memory_space<vmem>>) offsets(%dma_start3A_23 : memref<128xi32, #tpu.memory_space<vmem>>) semaphore(%arg7 : memref<!tpu.dma_semaphore, #tpu.memory_space<semaphore_mem>>)
      %dma_start3A_27 = arith.constant 256 : i32
      %dma_start3A_28 = arith.constant 0 : i32
      %dma_start3A_29 = tpu.memref_slice %arg6[%dma_start3A_27, %dma_start3A_28] : memref<512x128xf32, #tpu.memory_space<vmem>> -> memref<128x128xf32, #tpu.memory_space<vmem>>
      %dma_start3A_30 = arith.constant 256 : i32
      %dma_start3A_31 = tpu.memref_slice %arg5[%dma_start3A_30] : memref<512xi32, #tpu.memory_space<vmem>> -> memref<128xi32, #tpu.memory_space<vmem>>
      %dma_start3A_32 = arith.constant 0 : i32
      %dma_start3A_33 = arith.constant 0 : i32
      %dma_start3A_34 = tpu.memref_slice %arg2[%dma_start3A_32, %dma_start3A_33] : memref<10000x128xf32, #tpu.memory_space<hbm>> -> memref<10000x128xf32, #tpu.memory_space<hbm>>
      tpu.enqueue_indirect_dma source(%dma_start3A_34 : memref<10000x128xf32, #tpu.memory_space<hbm>>) target(%dma_start3A_29 : memref<128x128xf32, #tpu.memory_space<vmem>>) offsets(%dma_start3A_31 : memref<128xi32, #tpu.memory_space<vmem>>) semaphore(%arg7 : memref<!tpu.dma_semaphore, #tpu.memory_space<semaphore_mem>>)
      %dma_start3A_35 = arith.constant 384 : i32
      %dma_start3A_36 = arith.constant 0 : i32
      %dma_start3A_37 = tpu.memref_slice %arg6[%dma_start3A_35, %dma_start3A_36] : memref<512x128xf32, #tpu.memory_space<vmem>> -> memref<128x128xf32, #tpu.memory_space<vmem>>
      %dma_start3A_38 = arith.constant 384 : i32
      %dma_start3A_39 = tpu.memref_slice %arg5[%dma_start3A_38] : memref<512xi32, #tpu.memory_space<vmem>> -> memref<128xi32, #tpu.memory_space<vmem>>
      %dma_start3A_40 = arith.constant 0 : i32
      %dma_start3A_41 = arith.constant 0 : i32
      %dma_start3A_42 = tpu.memref_slice %arg2[%dma_start3A_40, %dma_start3A_41] : memref<10000x128xf32, #tpu.memory_space<hbm>> -> memref<10000x128xf32, #tpu.memory_space<hbm>>
      tpu.enqueue_indirect_dma source(%dma_start3A_42 : memref<10000x128xf32, #tpu.memory_space<hbm>>) target(%dma_start3A_37 : memref<128x128xf32, #tpu.memory_space<vmem>>) offsets(%dma_start3A_39 : memref<128xi32, #tpu.memory_space<vmem>>) semaphore(%arg7 : memref<!tpu.dma_semaphore, #tpu.memory_space<semaphore_mem>>)
      %dma_wait3A = arith.constant 0 : i32
      %dma_wait3A_43 = arith.constant 0 : i32
      %dma_wait3A_44 = tpu.memref_slice %arg6[%dma_wait3A, %dma_wait3A_43] : memref<512x128xf32, #tpu.memory_space<vmem>> -> memref<128x128xf32, #tpu.memory_space<vmem>>
      %dma_wait3A_45 = arith.constant 0 : i32
      %dma_wait3A_46 = tpu.memref_slice %arg5[%dma_wait3A_45] : memref<512xi32, #tpu.memory_space<vmem>> -> memref<128xi32, #tpu.memory_space<vmem>>
      %dma_wait3A_47 = arith.constant 0 : i32
      %dma_wait3A_48 = arith.constant 0 : i32
      %dma_wait3A_49 = tpu.memref_slice %arg2[%dma_wait3A_47, %dma_wait3A_48] : memref<10000x128xf32, #tpu.memory_space<hbm>> -> memref<10000x128xf32, #tpu.memory_space<hbm>>
      tpu.wait_indirect_dma semaphore(%arg7 : memref<!tpu.dma_semaphore, #tpu.memory_space<semaphore_mem>>) src(%dma_wait3A_49 : memref<10000x128xf32, #tpu.memory_space<hbm>>) dst(%dma_wait3A_44 : memref<128x128xf32, #tpu.memory_space<vmem>>)
      %dma_wait3A_50 = arith.constant 128 : i32
      %dma_wait3A_51 = arith.constant 0 : i32
      %dma_wait3A_52 = tpu.memref_slice %arg6[%dma_wait3A_50, %dma_wait3A_51] : memref<512x128xf32, #tpu.memory_space<vmem>> -> memref<128x128xf32, #tpu.memory_space<vmem>>
      %dma_wait3A_53 = arith.constant 128 : i32
      %dma_wait3A_54 = tpu.memref_slice %arg5[%dma_wait3A_53] : memref<512xi32, #tpu.memory_space<vmem>> -> memref<128xi32, #tpu.memory_space<vmem>>
      %dma_wait3A_55 = arith.constant 0 : i32
      %dma_wait3A_56 = arith.constant 0 : i32
      %dma_wait3A_57 = tpu.memref_slice %arg2[%dma_wait3A_55, %dma_wait3A_56] : memref<10000x128xf32, #tpu.memory_space<hbm>> -> memref<10000x128xf32, #tpu.memory_space<hbm>>
      tpu.wait_indirect_dma semaphore(%arg7 : memref<!tpu.dma_semaphore, #tpu.memory_space<semaphore_mem>>) src(%dma_wait3A_57 : memref<10000x128xf32, #tpu.memory_space<hbm>>) dst(%dma_wait3A_52 : memref<128x128xf32, #tpu.memory_space<vmem>>)
      %dma_wait3A_58 = arith.constant 256 : i32
      %dma_wait3A_59 = arith.constant 0 : i32
      %dma_wait3A_60 = tpu.memref_slice %arg6[%dma_wait3A_58, %dma_wait3A_59] : memref<512x128xf32, #tpu.memory_space<vmem>> -> memref<128x128xf32, #tpu.memory_space<vmem>>
      %dma_wait3A_61 = arith.constant 256 : i32
      %dma_wait3A_62 = tpu.memref_slice %arg5[%dma_wait3A_61] : memref<512xi32, #tpu.memory_space<vmem>> -> memref<128xi32, #tpu.memory_space<vmem>>
      %dma_wait3A_63 = arith.constant 0 : i32
      %dma_wait3A_64 = arith.constant 0 : i32
      %dma_wait3A_65 = tpu.memref_slice %arg2[%dma_wait3A_63, %dma_wait3A_64] : memref<10000x128xf32, #tpu.memory_space<hbm>> -> memref<10000x128xf32, #tpu.memory_space<hbm>>
      tpu.wait_indirect_dma semaphore(%arg7 : memref<!tpu.dma_semaphore, #tpu.memory_space<semaphore_mem>>) src(%dma_wait3A_65 : memref<10000x128xf32, #tpu.memory_space<hbm>>) dst(%dma_wait3A_60 : memref<128x128xf32, #tpu.memory_space<vmem>>)
      %dma_wait3A_66 = arith.constant 384 : i32
      %dma_wait3A_67 = arith.constant 0 : i32
      %dma_wait3A_68 = tpu.memref_slice %arg6[%dma_wait3A_66, %dma_wait3A_67] : memref<512x128xf32, #tpu.memory_space<vmem>> -> memref<128x128xf32, #tpu.memory_space<vmem>>
      %dma_wait3A_69 = arith.constant 384 : i32
      %dma_wait3A_70 = tpu.memref_slice %arg5[%dma_wait3A_69] : memref<512xi32, #tpu.memory_space<vmem>> -> memref<128xi32, #tpu.memory_space<vmem>>
      %dma_wait3A_71 = arith.constant 0 : i32
      %dma_wait3A_72 = arith.constant 0 : i32
      %dma_wait3A_73 = tpu.memref_slice %arg2[%dma_wait3A_71, %dma_wait3A_72] : memref<10000x128xf32, #tpu.memory_space<hbm>> -> memref<10000x128xf32, #tpu.memory_space<hbm>>
      tpu.wait_indirect_dma semaphore(%arg7 : memref<!tpu.dma_semaphore, #tpu.memory_space<semaphore_mem>>) src(%dma_wait3A_73 : memref<10000x128xf32, #tpu.memory_space<hbm>>) dst(%dma_wait3A_68 : memref<128x128xf32, #tpu.memory_space<vmem>>)
      "tpu.region"() ({
        %run_scoped3A = tpu.sem_alloc : memref<!tpu.dma_semaphore, #tpu.memory_space<semaphore_mem>>
        %dma_start3A_74 = arith.constant 0 : i32
        %dma_start3A_75 = tpu.memref_slice %arg4[%add3A_11, %dma_start3A_74] : memref<163840x128xf32, #tpu.memory_space<hbm>> -> memref<512x128xf32, #tpu.memory_space<hbm>>
        %dma_start3A_76 = arith.constant 0 : i32
        %dma_start3A_77 = tpu.memref_slice %arg4[%add3A_11, %dma_start3A_76] : memref<163840x128xf32, #tpu.memory_space<hbm>> -> memref<512x128xf32, #tpu.memory_space<hbm>>
        tpu.enqueue_dma source(%arg6 : memref<512x128xf32, #tpu.memory_space<vmem>>) target(%dma_start3A_77 : memref<512x128xf32, #tpu.memory_space<hbm>>) target_semaphore(%run_scoped3A : memref<!tpu.dma_semaphore, #tpu.memory_space<semaphore_mem>>)
        %dma_wait3A_78 = arith.constant 0 : i32
        %dma_wait3A_79 = tpu.memref_slice %arg4[%add3A_11, %dma_wait3A_78] : memref<163840x128xf32, #tpu.memory_space<hbm>> -> memref<512x128xf32, #tpu.memory_space<hbm>>
        %dma_wait3A_80 = arith.constant 0 : i32
        %dma_wait3A_81 = tpu.memref_slice %arg4[%add3A_11, %dma_wait3A_80] : memref<163840x128xf32, #tpu.memory_space<hbm>> -> memref<512x128xf32, #tpu.memory_space<hbm>>
        tpu.wait_dma2 semaphore(%run_scoped3A : memref<!tpu.dma_semaphore, #tpu.memory_space<semaphore_mem>>) src(%arg6 : memref<512x128xf32, #tpu.memory_space<vmem>>) dst(%dma_wait3A_81 : memref<512x128xf32, #tpu.memory_space<hbm>>)
        tpu.yield
      }) : () -> ()
    }
    %scan3A_7 = arith.constant 10 : i32
    return
  }
}

#map = affine_map<(d0, d1) -> (0, 0)>
#map1 = affine_map<(d0, d1) -> (0)>
module attributes {stable_mosaic.version = 14 : i64} {
  func.func @gk(%arg0: i32, %arg1: i32, %arg2: memref<10000x128xf32, #tpu.memory_space<hbm>>, %arg3: memref<163840xi32, #tpu.memory_space<hbm>>, %arg4: memref<163840x128xf32, #tpu.memory_space<hbm>>, %arg5: memref<512xi32, #tpu.memory_space<vmem>>, %arg6: memref<512x128xf32, #tpu.memory_space<vmem>>, %arg7: memref<!tpu.dma_semaphore, #tpu.memory_space<semaphore_mem>>) attributes {dimension_semantics = [#tpu.dimension_semantics<core_parallel>, #tpu.dimension_semantics<subcore_parallel>], iteration_bounds = array<i64: 2, 16>, scalar_prefetch = 0 : i64, scratch_operands = 3 : i64, tpu.core_type = #tpu.core_type<sc_vector_subcore>, window_params = [{transform_indices = #map}, {transform_indices = #map1}, {transform_indices = #map}]} {
    %mul3A = arith.constant 2 : i32
    %mul3A_0 = arith.muli %arg1, %mul3A : i32
    %add3A = arith.addi %mul3A_0, %arg0 : i32
    %mul3A_1 = arith.constant 5120 : i32
    %mul3A_2 = arith.muli %add3A, %mul3A_1 : i32
    %scan3A = arith.constant 0 : i32
    %scan3A_3 = arith.constant 0 : i32
    %scan3A_4 = arith.constant 10 : i32
    %scan3A_5 = arith.addi %scan3A_3, %scan3A_4 : i32
    %scan3A_6 = arith.constant 1 : i32
    scf.for %scan3A_8 = %scan3A_3 to %scan3A_5 step %scan3A_6  : i32 {
      %mul3A_9 = arith.constant 512 : i32
      %mul3A_10 = arith.muli %scan3A_8, %mul3A_9 : i32
      %add3A_11 = arith.addi %mul3A_2, %mul3A_10 : i32
      "tpu.region"() ({
        %run_scoped3A = tpu.sem_alloc : memref<!tpu.dma_semaphore, #tpu.memory_space<semaphore_mem>>
        %dma_start3A_74 = tpu.memref_slice %arg3[%add3A_11] : memref<163840xi32, #tpu.memory_space<hbm>> -> memref<512xi32, #tpu.memory_space<hbm>>
        %dma_start3A_75 = tpu.memref_slice %arg3[%add3A_11] : memref<163840xi32, #tpu.memory_space<hbm>> -> memref<512xi32, #tpu.memory_space<hbm>>
        tpu.enqueue_dma source(%dma_start3A_75 : memref<512xi32, #tpu.memory_space<hbm>>) target(%arg5 : memref<512xi32, #tpu.memory_space<vmem>>) target_semaphore(%run_scoped3A : memref<!tpu.dma_semaphore, #tpu.memory_space<semaphore_mem>>)
        %dma_wait3A_76 = tpu.memref_slice %arg3[%add3A_11] : memref<163840xi32, #tpu.memory_space<hbm>> -> memref<512xi32, #tpu.memory_space<hbm>>
        %dma_wait3A_77 = tpu.memref_slice %arg3[%add3A_11] : memref<163840xi32, #tpu.memory_space<hbm>> -> memref<512xi32, #tpu.memory_space<hbm>>
        tpu.wait_dma2 semaphore(%run_scoped3A : memref<!tpu.dma_semaphore, #tpu.memory_space<semaphore_mem>>) src(%dma_wait3A_77 : memref<512xi32, #tpu.memory_space<hbm>>) dst(%arg5 : memref<512xi32, #tpu.memory_space<vmem>>)
        tpu.yield
      }) : () -> ()
      %dma_start3A = arith.constant 0 : i32
      %dma_start3A_12 = arith.constant 0 : i32
      %dma_start3A_13 = tpu.memref_slice %arg6[%dma_start3A, %dma_start3A_12] : memref<512x128xf32, #tpu.memory_space<vmem>> -> memref<128x128xf32, #tpu.memory_space<vmem>>
      %dma_start3A_14 = arith.constant 0 : i32
      %dma_start3A_15 = tpu.memref_slice %arg5[%dma_start3A_14] : memref<512xi32, #tpu.memory_space<vmem>> -> memref<128xi32, #tpu.memory_space<vmem>>
      %dma_start3A_16 = arith.constant 0 : i32
      %dma_start3A_17 = arith.constant 0 : i32
      %dma_start3A_18 = tpu.memref_slice %arg2[%dma_start3A_16, %dma_start3A_17] : memref<10000x128xf32, #tpu.memory_space<hbm>> -> memref<10000x128xf32, #tpu.memory_space<hbm>>
      tpu.enqueue_indirect_dma source(%dma_start3A_18 : memref<10000x128xf32, #tpu.memory_space<hbm>>) target(%dma_start3A_13 : memref<128x128xf32, #tpu.memory_space<vmem>>) offsets(%dma_start3A_15 : memref<128xi32, #tpu.memory_space<vmem>>) semaphore(%arg7 : memref<!tpu.dma_semaphore, #tpu.memory_space<semaphore_mem>>)
      %dma_start3A_19 = arith.constant 128 : i32
      %dma_start3A_20 = arith.constant 0 : i32
      %dma_start3A_21 = tpu.memref_slice %arg6[%dma_start3A_19, %dma_start3A_20] : memref<512x128xf32, #tpu.memory_space<vmem>> -> memref<128x128xf32, #tpu.memory_space<vmem>>
      %dma_start3A_22 = arith.constant 128 : i32
      %dma_start3A_23 = tpu.memref_slice %arg5[%dma_start3A_22] : memref<512xi32, #tpu.memory_space<vmem>> -> memref<128xi32, #tpu.memory_space<vmem>>
      %dma_start3A_24 = arith.constant 0 : i32
      %dma_start3A_25 = arith.constant 0 : i32
      %dma_start3A_26 = tpu.memref_slice %arg2[%dma_start3A_24, %dma_start3A_25] : memref<10000x128xf32, #tpu.memory_space<hbm>> -> memref<10000x128xf32, #tpu.memory_space<hbm>>
      tpu.enqueue_indirect_dma source(%dma_start3A_26 : memref<10000x128xf32, #tpu.memory_space<hbm>>) target(%dma_start3A_21 : memref<128x128xf32, #tpu.memory_space<vmem>>) offsets(%dma_start3A_23 : memref<128xi32, #tpu.memory_space<vmem>>) semaphore(%arg7 : memref<!tpu.dma_semaphore, #tpu.memory_space<semaphore_mem>>)
      %dma_start3A_27 = arith.constant 256 : i32
      %dma_start3A_28 = arith.constant 0 : i32
      %dma_start3A_29 = tpu.memref_slice %arg6[%dma_start3A_27, %dma_start3A_28] : memref<512x128xf32, #tpu.memory_space<vmem>> -> memref<128x128xf32, #tpu.memory_space<vmem>>
      %dma_start3A_30 = arith.constant 256 : i32
      %dma_start3A_31 = tpu.memref_slice %arg5[%dma_start3A_30] : memref<512xi32, #tpu.memory_space<vmem>> -> memref<128xi32, #tpu.memory_space<vmem>>
      %dma_start3A_32 = arith.constant 0 : i32
      %dma_start3A_33 = arith.constant 0 : i32
      %dma_start3A_34 = tpu.memref_slice %arg2[%dma_start3A_32, %dma_start3A_33] : memref<10000x128xf32, #tpu.memory_space<hbm>> -> memref<10000x128xf32, #tpu.memory_space<hbm>>
      tpu.enqueue_indirect_dma source(%dma_start3A_34 : memref<10000x128xf32, #tpu.memory_space<hbm>>) target(%dma_start3A_29 : memref<128x128xf32, #tpu.memory_space<vmem>>) offsets(%dma_start3A_31 : memref<128xi32, #tpu.memory_space<vmem>>) semaphore(%arg7 : memref<!tpu.dma_semaphore, #tpu.memory_space<semaphore_mem>>)
      %dma_start3A_35 = arith.constant 384 : i32
      %dma_start3A_36 = arith.constant 0 : i32
      %dma_start3A_37 = tpu.memref_slice %arg6[%dma_start3A_35, %dma_start3A_36] : memref<512x128xf32, #tpu.memory_space<vmem>> -> memref<128x128xf32, #tpu.memory_space<vmem>>
      %dma_start3A_38 = arith.constant 384 : i32
      %dma_start3A_39 = tpu.memref_slice %arg5[%dma_start3A_38] : memref<512xi32, #tpu.memory_space<vmem>> -> memref<128xi32, #tpu.memory_space<vmem>>
      %dma_start3A_40 = arith.constant 0 : i32
      %dma_start3A_41 = arith.constant 0 : i32
      %dma_start3A_42 = tpu.memref_slice %arg2[%dma_start3A_40, %dma_start3A_41] : memref<10000x128xf32, #tpu.memory_space<hbm>> -> memref<10000x128xf32, #tpu.memory_space<hbm>>
      tpu.enqueue_indirect_dma source(%dma_start3A_42 : memref<10000x128xf32, #tpu.memory_space<hbm>>) target(%dma_start3A_37 : memref<128x128xf32, #tpu.memory_space<vmem>>) offsets(%dma_start3A_39 : memref<128xi32, #tpu.memory_space<vmem>>) semaphore(%arg7 : memref<!tpu.dma_semaphore, #tpu.memory_space<semaphore_mem>>)
      %dma_wait3A = arith.constant 0 : i32
      %dma_wait3A_43 = arith.constant 0 : i32
      %dma_wait3A_44 = tpu.memref_slice %arg6[%dma_wait3A, %dma_wait3A_43] : memref<512x128xf32, #tpu.memory_space<vmem>> -> memref<128x128xf32, #tpu.memory_space<vmem>>
      %dma_wait3A_45 = arith.constant 0 : i32
      %dma_wait3A_46 = tpu.memref_slice %arg5[%dma_wait3A_45] : memref<512xi32, #tpu.memory_space<vmem>> -> memref<128xi32, #tpu.memory_space<vmem>>
      %dma_wait3A_47 = arith.constant 0 : i32
      %dma_wait3A_48 = arith.constant 0 : i32
      %dma_wait3A_49 = tpu.memref_slice %arg2[%dma_wait3A_47, %dma_wait3A_48] : memref<10000x128xf32, #tpu.memory_space<hbm>> -> memref<10000x128xf32, #tpu.memory_space<hbm>>
      tpu.wait_indirect_dma semaphore(%arg7 : memref<!tpu.dma_semaphore, #tpu.memory_space<semaphore_mem>>) src(%dma_wait3A_49 : memref<10000x128xf32, #tpu.memory_space<hbm>>) dst(%dma_wait3A_44 : memref<128x128xf32, #tpu.memory_space<vmem>>)
      %dma_wait3A_50 = arith.constant 128 : i32
      %dma_wait3A_51 = arith.constant 0 : i32
      %dma_wait3A_52 = tpu.memref_slice %arg6[%dma_wait3A_50, %dma_wait3A_51] : memref<512x128xf32, #tpu.memory_space<vmem>> -> memref<128x128xf32, #tpu.memory_space<vmem>>
      %dma_wait3A_53 = arith.constant 128 : i32
      %dma_wait3A_54 = tpu.memref_slice %arg5[%dma_wait3A_53] : memref<512xi32, #tpu.memory_space<vmem>> -> memref<128xi32, #tpu.memory_space<vmem>>
      %dma_wait3A_55 = arith.constant 0 : i32
      %dma_wait3A_56 = arith.constant 0 : i32
      %dma_wait3A_57 = tpu.memref_slice %arg2[%dma_wait3A_55, %dma_wait3A_56] : memref<10000x128xf32, #tpu.memory_space<hbm>> -> memref<10000x128xf32, #tpu.memory_space<hbm>>
      tpu.wait_indirect_dma semaphore(%arg7 : memref<!tpu.dma_semaphore, #tpu.memory_space<semaphore_mem>>) src(%dma_wait3A_57 : memref<10000x128xf32, #tpu.memory_space<hbm>>) dst(%dma_wait3A_52 : memref<128x128xf32, #tpu.memory_space<vmem>>)
      %dma_wait3A_58 = arith.constant 256 : i32
      %dma_wait3A_59 = arith.constant 0 : i32
      %dma_wait3A_60 = tpu.memref_slice %arg6[%dma_wait3A_58, %dma_wait3A_59] : memref<512x128xf32, #tpu.memory_space<vmem>> -> memref<128x128xf32, #tpu.memory_space<vmem>>
      %dma_wait3A_61 = arith.constant 256 : i32
      %dma_wait3A_62 = tpu.memref_slice %arg5[%dma_wait3A_61] : memref<512xi32, #tpu.memory_space<vmem>> -> memref<128xi32, #tpu.memory_space<vmem>>
      %dma_wait3A_63 = arith.constant 0 : i32
      %dma_wait3A_64 = arith.constant 0 : i32
      %dma_wait3A_65 = tpu.memref_slice %arg2[%dma_wait3A_63, %dma_wait3A_64] : memref<10000x128xf32, #tpu.memory_space<hbm>> -> memref<10000x128xf32, #tpu.memory_space<hbm>>
      tpu.wait_indirect_dma semaphore(%arg7 : memref<!tpu.dma_semaphore, #tpu.memory_space<semaphore_mem>>) src(%dma_wait3A_65 : memref<10000x128xf32, #tpu.memory_space<hbm>>) dst(%dma_wait3A_60 : memref<128x128xf32, #tpu.memory_space<vmem>>)
      %dma_wait3A_66 = arith.constant 384 : i32
      %dma_wait3A_67 = arith.constant 0 : i32
      %dma_wait3A_68 = tpu.memref_slice %arg6[%dma_wait3A_66, %dma_wait3A_67] : memref<512x128xf32, #tpu.memory_space<vmem>> -> memref<128x128xf32, #tpu.memory_space<vmem>>
      %dma_wait3A_69 = arith.constant 384 : i32
      %dma_wait3A_70 = tpu.memref_slice %arg5[%dma_wait3A_69] : memref<512xi32, #tpu.memory_space<vmem>> -> memref<128xi32, #tpu.memory_space<vmem>>
      %dma_wait3A_71 = arith.constant 0 : i32
      %dma_wait3A_72 = arith.constant 0 : i32
      %dma_wait3A_73 = tpu.memref_slice %arg2[%dma_wait3A_71, %dma_wait3A_72] : memref<10000x128xf32, #tpu.memory_space<hbm>> -> memref<10000x128xf32, #tpu.memory_space<hbm>>
      tpu.wait_indirect_dma semaphore(%arg7 : memref<!tpu.dma_semaphore, #tpu.memory_space<semaphore_mem>>) src(%dma_wait3A_73 : memref<10000x128xf32, #tpu.memory_space<hbm>>) dst(%dma_wait3A_68 : memref<128x128xf32, #tpu.memory_space<vmem>>)
      "tpu.region"() ({
        %run_scoped3A = tpu.sem_alloc : memref<!tpu.dma_semaphore, #tpu.memory_space<semaphore_mem>>
        %dma_start3A_74 = arith.constant 0 : i32
        %dma_start3A_75 = tpu.memref_slice %arg4[%add3A_11, %dma_start3A_74] : memref<163840x128xf32, #tpu.memory_space<hbm>> -> memref<512x128xf32, #tpu.memory_space<hbm>>
        %dma_start3A_76 = arith.constant 0 : i32
        %dma_start3A_77 = tpu.memref_slice %arg4[%add3A_11, %dma_start3A_76] : memref<163840x128xf32, #tpu.memory_space<hbm>> -> memref<512x128xf32, #tpu.memory_space<hbm>>
        tpu.enqueue_dma source(%arg6 : memref<512x128xf32, #tpu.memory_space<vmem>>) target(%dma_start3A_77 : memref<512x128xf32, #tpu.memory_space<hbm>>) target_semaphore(%run_scoped3A : memref<!tpu.dma_semaphore, #tpu.memory_space<semaphore_mem>>)
        %dma_wait3A_78 = arith.constant 0 : i32
        %dma_wait3A_79 = tpu.memref_slice %arg4[%add3A_11, %dma_wait3A_78] : memref<163840x128xf32, #tpu.memory_space<hbm>> -> memref<512x128xf32, #tpu.memory_space<hbm>>
        %dma_wait3A_80 = arith.constant 0 : i32
        %dma_wait3A_81 = tpu.memref_slice %arg4[%add3A_11, %dma_wait3A_80] : memref<163840x128xf32, #tpu.memory_space<hbm>> -> memref<512x128xf32, #tpu.memory_space<hbm>>
        tpu.wait_dma2 semaphore(%run_scoped3A : memref<!tpu.dma_semaphore, #tpu.memory_space<semaphore_mem>>) src(%arg6 : memref<512x128xf32, #tpu.memory_space<vmem>>) dst(%dma_wait3A_81 : memref<512x128xf32, #tpu.memory_space<hbm>>)
        tpu.yield
      }) : () -> ()
    }
    %scan3A_7 = arith.constant 10 : i32
    return
  }
}

#map = affine_map<(d0, d1) -> (0, 0)>
#map1 = affine_map<(d0, d1) -> (0)>
module attributes {stable_mosaic.version = 14 : i64} {
  func.func @gk(%arg0: i32, %arg1: i32, %arg2: memref<4x10000xf32, #tpu.memory_space<hbm>>, %arg3: memref<163840xi32, #tpu.memory_space<hbm>>, %arg4: memref<4x163840xf32, #tpu.memory_space<hbm>>, %arg5: memref<5120xi32, #tpu.memory_space<vmem>>, %arg6: memref<10000xf32, #tpu.memory_space<vmem>>, %arg7: memref<10000xf32, #tpu.memory_space<vmem>>, %arg8: memref<10000xf32, #tpu.memory_space<vmem>>, %arg9: memref<5120xf32, #tpu.memory_space<vmem>>, %arg10: memref<5120xf32, #tpu.memory_space<vmem>>, %arg11: memref<5120xf32, #tpu.memory_space<vmem>>) attributes {dimension_semantics = [#tpu.dimension_semantics<core_parallel>, #tpu.dimension_semantics<subcore_parallel>], iteration_bounds = array<i64: 2, 16>, scalar_prefetch = 0 : i64, scratch_operands = 7 : i64, tpu.core_type = #tpu.core_type<sc_vector_subcore>, window_params = [{transform_indices = #map}, {transform_indices = #map1}, {transform_indices = #map}]} {
    %mul3A = arith.constant 2 : i32
    %mul3A_0 = arith.muli %arg1, %mul3A : i32
    %add3A = arith.addi %mul3A_0, %arg0 : i32
    %mul3A_1 = arith.constant 5120 : i32
    %mul3A_2 = arith.muli %add3A, %mul3A_1 : i32
    "tpu.region"() ({
      %run_scoped3A_13 = tpu.sem_alloc : memref<!tpu.dma_semaphore, #tpu.memory_space<semaphore_mem>>
      %dma_start3A = tpu.memref_slice %arg3[%mul3A_2] : memref<163840xi32, #tpu.memory_space<hbm>> -> memref<5120xi32, #tpu.memory_space<hbm>>
      %dma_start3A_14 = tpu.memref_slice %arg3[%mul3A_2] : memref<163840xi32, #tpu.memory_space<hbm>> -> memref<5120xi32, #tpu.memory_space<hbm>>
      tpu.enqueue_dma source(%dma_start3A_14 : memref<5120xi32, #tpu.memory_space<hbm>>) target(%arg5 : memref<5120xi32, #tpu.memory_space<vmem>>) target_semaphore(%run_scoped3A_13 : memref<!tpu.dma_semaphore, #tpu.memory_space<semaphore_mem>>)
      %dma_wait3A = tpu.memref_slice %arg3[%mul3A_2] : memref<163840xi32, #tpu.memory_space<hbm>> -> memref<5120xi32, #tpu.memory_space<hbm>>
      %dma_wait3A_15 = tpu.memref_slice %arg3[%mul3A_2] : memref<163840xi32, #tpu.memory_space<hbm>> -> memref<5120xi32, #tpu.memory_space<hbm>>
      tpu.wait_dma2 semaphore(%run_scoped3A_13 : memref<!tpu.dma_semaphore, #tpu.memory_space<semaphore_mem>>) src(%dma_wait3A_15 : memref<5120xi32, #tpu.memory_space<hbm>>) dst(%arg5 : memref<5120xi32, #tpu.memory_space<vmem>>)
      tpu.yield
    }) : () -> ()
    %run_scoped3A = arith.constant 0 : i32
    "tpu.region"() ({
      %run_scoped3A_13 = tpu.sem_alloc : memref<!tpu.dma_semaphore, #tpu.memory_space<semaphore_mem>>
      %dma_start3A = arith.constant 0 : i32
      %dma_start3A_14 = tpu.memref_slice %arg2[%run_scoped3A, %dma_start3A] : memref<4x10000xf32, #tpu.memory_space<hbm>> -> memref<1x10000xf32, #tpu.memory_space<hbm>>
      %dma_start3A_15 = tpu.memref_squeeze %dma_start3A_14 : memref<1x10000xf32, #tpu.memory_space<hbm>> -> memref<10000xf32, #tpu.memory_space<hbm>>
      %dma_start3A_16 = arith.constant 0 : i32
      %dma_start3A_17 = tpu.memref_slice %arg2[%run_scoped3A, %dma_start3A_16] : memref<4x10000xf32, #tpu.memory_space<hbm>> -> memref<1x10000xf32, #tpu.memory_space<hbm>>
      %dma_start3A_18 = tpu.memref_squeeze %dma_start3A_17 : memref<1x10000xf32, #tpu.memory_space<hbm>> -> memref<10000xf32, #tpu.memory_space<hbm>>
      tpu.enqueue_dma source(%dma_start3A_18 : memref<10000xf32, #tpu.memory_space<hbm>>) target(%arg6 : memref<10000xf32, #tpu.memory_space<vmem>>) target_semaphore(%run_scoped3A_13 : memref<!tpu.dma_semaphore, #tpu.memory_space<semaphore_mem>>)
      %dma_wait3A = arith.constant 0 : i32
      %dma_wait3A_19 = tpu.memref_slice %arg2[%run_scoped3A, %dma_wait3A] : memref<4x10000xf32, #tpu.memory_space<hbm>> -> memref<1x10000xf32, #tpu.memory_space<hbm>>
      %dma_wait3A_20 = tpu.memref_squeeze %dma_wait3A_19 : memref<1x10000xf32, #tpu.memory_space<hbm>> -> memref<10000xf32, #tpu.memory_space<hbm>>
      %dma_wait3A_21 = arith.constant 0 : i32
      %dma_wait3A_22 = tpu.memref_slice %arg2[%run_scoped3A, %dma_wait3A_21] : memref<4x10000xf32, #tpu.memory_space<hbm>> -> memref<1x10000xf32, #tpu.memory_space<hbm>>
      %dma_wait3A_23 = tpu.memref_squeeze %dma_wait3A_22 : memref<1x10000xf32, #tpu.memory_space<hbm>> -> memref<10000xf32, #tpu.memory_space<hbm>>
      tpu.wait_dma2 semaphore(%run_scoped3A_13 : memref<!tpu.dma_semaphore, #tpu.memory_space<semaphore_mem>>) src(%dma_wait3A_23 : memref<10000xf32, #tpu.memory_space<hbm>>) dst(%arg6 : memref<10000xf32, #tpu.memory_space<vmem>>)
      tpu.yield
    }) : () -> ()
    %run_scoped3A_3 = arith.constant 1 : i32
    "tpu.region"() ({
      %run_scoped3A_13 = tpu.sem_alloc : memref<!tpu.dma_semaphore, #tpu.memory_space<semaphore_mem>>
      %dma_start3A = arith.constant 0 : i32
      %dma_start3A_14 = tpu.memref_slice %arg2[%run_scoped3A_3, %dma_start3A] : memref<4x10000xf32, #tpu.memory_space<hbm>> -> memref<1x10000xf32, #tpu.memory_space<hbm>>
      %dma_start3A_15 = tpu.memref_squeeze %dma_start3A_14 : memref<1x10000xf32, #tpu.memory_space<hbm>> -> memref<10000xf32, #tpu.memory_space<hbm>>
      %dma_start3A_16 = arith.constant 0 : i32
      %dma_start3A_17 = tpu.memref_slice %arg2[%run_scoped3A_3, %dma_start3A_16] : memref<4x10000xf32, #tpu.memory_space<hbm>> -> memref<1x10000xf32, #tpu.memory_space<hbm>>
      %dma_start3A_18 = tpu.memref_squeeze %dma_start3A_17 : memref<1x10000xf32, #tpu.memory_space<hbm>> -> memref<10000xf32, #tpu.memory_space<hbm>>
      tpu.enqueue_dma source(%dma_start3A_18 : memref<10000xf32, #tpu.memory_space<hbm>>) target(%arg7 : memref<10000xf32, #tpu.memory_space<vmem>>) target_semaphore(%run_scoped3A_13 : memref<!tpu.dma_semaphore, #tpu.memory_space<semaphore_mem>>)
      %dma_wait3A = arith.constant 0 : i32
      %dma_wait3A_19 = tpu.memref_slice %arg2[%run_scoped3A_3, %dma_wait3A] : memref<4x10000xf32, #tpu.memory_space<hbm>> -> memref<1x10000xf32, #tpu.memory_space<hbm>>
      %dma_wait3A_20 = tpu.memref_squeeze %dma_wait3A_19 : memref<1x10000xf32, #tpu.memory_space<hbm>> -> memref<10000xf32, #tpu.memory_space<hbm>>
      %dma_wait3A_21 = arith.constant 0 : i32
      %dma_wait3A_22 = tpu.memref_slice %arg2[%run_scoped3A_3, %dma_wait3A_21] : memref<4x10000xf32, #tpu.memory_space<hbm>> -> memref<1x10000xf32, #tpu.memory_space<hbm>>
      %dma_wait3A_23 = tpu.memref_squeeze %dma_wait3A_22 : memref<1x10000xf32, #tpu.memory_space<hbm>> -> memref<10000xf32, #tpu.memory_space<hbm>>
      tpu.wait_dma2 semaphore(%run_scoped3A_13 : memref<!tpu.dma_semaphore, #tpu.memory_space<semaphore_mem>>) src(%dma_wait3A_23 : memref<10000xf32, #tpu.memory_space<hbm>>) dst(%arg7 : memref<10000xf32, #tpu.memory_space<vmem>>)
      tpu.yield
    }) : () -> ()
    %run_scoped3A_4 = arith.constant 2 : i32
    "tpu.region"() ({
      %run_scoped3A_13 = tpu.sem_alloc : memref<!tpu.dma_semaphore, #tpu.memory_space<semaphore_mem>>
      %dma_start3A = arith.constant 0 : i32
      %dma_start3A_14 = tpu.memref_slice %arg2[%run_scoped3A_4, %dma_start3A] : memref<4x10000xf32, #tpu.memory_space<hbm>> -> memref<1x10000xf32, #tpu.memory_space<hbm>>
      %dma_start3A_15 = tpu.memref_squeeze %dma_start3A_14 : memref<1x10000xf32, #tpu.memory_space<hbm>> -> memref<10000xf32, #tpu.memory_space<hbm>>
      %dma_start3A_16 = arith.constant 0 : i32
      %dma_start3A_17 = tpu.memref_slice %arg2[%run_scoped3A_4, %dma_start3A_16] : memref<4x10000xf32, #tpu.memory_space<hbm>> -> memref<1x10000xf32, #tpu.memory_space<hbm>>
      %dma_start3A_18 = tpu.memref_squeeze %dma_start3A_17 : memref<1x10000xf32, #tpu.memory_space<hbm>> -> memref<10000xf32, #tpu.memory_space<hbm>>
      tpu.enqueue_dma source(%dma_start3A_18 : memref<10000xf32, #tpu.memory_space<hbm>>) target(%arg8 : memref<10000xf32, #tpu.memory_space<vmem>>) target_semaphore(%run_scoped3A_13 : memref<!tpu.dma_semaphore, #tpu.memory_space<semaphore_mem>>)
      %dma_wait3A = arith.constant 0 : i32
      %dma_wait3A_19 = tpu.memref_slice %arg2[%run_scoped3A_4, %dma_wait3A] : memref<4x10000xf32, #tpu.memory_space<hbm>> -> memref<1x10000xf32, #tpu.memory_space<hbm>>
      %dma_wait3A_20 = tpu.memref_squeeze %dma_wait3A_19 : memref<1x10000xf32, #tpu.memory_space<hbm>> -> memref<10000xf32, #tpu.memory_space<hbm>>
      %dma_wait3A_21 = arith.constant 0 : i32
      %dma_wait3A_22 = tpu.memref_slice %arg2[%run_scoped3A_4, %dma_wait3A_21] : memref<4x10000xf32, #tpu.memory_space<hbm>> -> memref<1x10000xf32, #tpu.memory_space<hbm>>
      %dma_wait3A_23 = tpu.memref_squeeze %dma_wait3A_22 : memref<1x10000xf32, #tpu.memory_space<hbm>> -> memref<10000xf32, #tpu.memory_space<hbm>>
      tpu.wait_dma2 semaphore(%run_scoped3A_13 : memref<!tpu.dma_semaphore, #tpu.memory_space<semaphore_mem>>) src(%dma_wait3A_23 : memref<10000xf32, #tpu.memory_space<hbm>>) dst(%arg8 : memref<10000xf32, #tpu.memory_space<vmem>>)
      tpu.yield
    }) : () -> ()
    %scan3A = arith.constant 0 : i32
    %scan3A_5 = arith.constant 0 : i32
    %scan3A_6 = arith.constant 320 : i32
    %scan3A_7 = arith.addi %scan3A_5, %scan3A_6 : i32
    %scan3A_8 = arith.constant 1 : i32
    scf.for %scan3A_13 = %scan3A_5 to %scan3A_7 step %scan3A_8  : i32 {
      %mul3A_14 = arith.constant 16 : i32
      %mul3A_15 = arith.muli %scan3A_13, %mul3A_14 : i32
      %get3A = arith.index_cast %mul3A_15 : i32 to index
      %get3A_16 = tpu.vector_load %arg5[%get3A] {strides = array<i32>} : memref<5120xi32, #tpu.memory_space<vmem>>, vector<16xi32>,
      %gather3A = tpu.vector_load_idx %arg6[%get3A_16] : memref<10000xf32, #tpu.memory_space<vmem>>[vector<16xi32>], vector<16xf32>,
      %swap3A = arith.index_cast %mul3A_15 : i32 to index
      %swap3A_17 = tpu.vector_load %arg9[%swap3A] {strides = array<i32>} : memref<5120xf32, #tpu.memory_space<vmem>>, vector<16xf32>,
      tpu.vector_store %arg9[%swap3A], %gather3A {strides = array<i32>} : memref<5120xf32, #tpu.memory_space<vmem>>, vector<16xf32>,
      %gather3A_18 = tpu.vector_load_idx %arg7[%get3A_16] : memref<10000xf32, #tpu.memory_space<vmem>>[vector<16xi32>], vector<16xf32>,
      %swap3A_19 = arith.index_cast %mul3A_15 : i32 to index
      %swap3A_20 = tpu.vector_load %arg10[%swap3A_19] {strides = array<i32>} : memref<5120xf32, #tpu.memory_space<vmem>>, vector<16xf32>,
      tpu.vector_store %arg10[%swap3A_19], %gather3A_18 {strides = array<i32>} : memref<5120xf32, #tpu.memory_space<vmem>>, vector<16xf32>,
      %gather3A_21 = tpu.vector_load_idx %arg8[%get3A_16] : memref<10000xf32, #tpu.memory_space<vmem>>[vector<16xi32>], vector<16xf32>,
      %swap3A_22 = arith.index_cast %mul3A_15 : i32 to index
      %swap3A_23 = tpu.vector_load %arg11[%swap3A_22] {strides = array<i32>} : memref<5120xf32, #tpu.memory_space<vmem>>, vector<16xf32>,
      tpu.vector_store %arg11[%swap3A_22], %gather3A_21 {strides = array<i32>} : memref<5120xf32, #tpu.memory_space<vmem>>, vector<16xf32>,
    }
    %scan3A_9 = arith.constant 320 : i32
    %run_scoped3A_10 = arith.constant 0 : i32
    "tpu.region"() ({
      %run_scoped3A_13 = tpu.sem_alloc : memref<!tpu.dma_semaphore, #tpu.memory_space<semaphore_mem>>
      %dma_start3A = tpu.memref_slice %arg4[%run_scoped3A_10, %mul3A_2] : memref<4x163840xf32, #tpu.memory_space<hbm>> -> memref<1x5120xf32, #tpu.memory_space<hbm>>
      %dma_start3A_14 = tpu.memref_squeeze %dma_start3A : memref<1x5120xf32, #tpu.memory_space<hbm>> -> memref<5120xf32, #tpu.memory_space<hbm>>
      %dma_start3A_15 = tpu.memref_slice %arg4[%run_scoped3A_10, %mul3A_2] : memref<4x163840xf32, #tpu.memory_space<hbm>> -> memref<1x5120xf32, #tpu.memory_space<hbm>>
      %dma_start3A_16 = tpu.memref_squeeze %dma_start3A_15 : memref<1x5120xf32, #tpu.memory_space<hbm>> -> memref<5120xf32, #tpu.memory_space<hbm>>
      tpu.enqueue_dma source(%arg9 : memref<5120xf32, #tpu.memory_space<vmem>>) target(%dma_start3A_16 : memref<5120xf32, #tpu.memory_space<hbm>>) target_semaphore(%run_scoped3A_13 : memref<!tpu.dma_semaphore, #tpu.memory_space<semaphore_mem>>)
      %dma_wait3A = tpu.memref_slice %arg4[%run_scoped3A_10, %mul3A_2] : memref<4x163840xf32, #tpu.memory_space<hbm>> -> memref<1x5120xf32, #tpu.memory_space<hbm>>
      %dma_wait3A_17 = tpu.memref_squeeze %dma_wait3A : memref<1x5120xf32, #tpu.memory_space<hbm>> -> memref<5120xf32, #tpu.memory_space<hbm>>
      %dma_wait3A_18 = tpu.memref_slice %arg4[%run_scoped3A_10, %mul3A_2] : memref<4x163840xf32, #tpu.memory_space<hbm>> -> memref<1x5120xf32, #tpu.memory_space<hbm>>
      %dma_wait3A_19 = tpu.memref_squeeze %dma_wait3A_18 : memref<1x5120xf32, #tpu.memory_space<hbm>> -> memref<5120xf32, #tpu.memory_space<hbm>>
      tpu.wait_dma2 semaphore(%run_scoped3A_13 : memref<!tpu.dma_semaphore, #tpu.memory_space<semaphore_mem>>) src(%arg9 : memref<5120xf32, #tpu.memory_space<vmem>>) dst(%dma_wait3A_19 : memref<5120xf32, #tpu.memory_space<hbm>>)
      tpu.yield
    }) : () -> ()
    %run_scoped3A_11 = arith.constant 1 : i32
    "tpu.region"() ({
      %run_scoped3A_13 = tpu.sem_alloc : memref<!tpu.dma_semaphore, #tpu.memory_space<semaphore_mem>>
      %dma_start3A = tpu.memref_slice %arg4[%run_scoped3A_11, %mul3A_2] : memref<4x163840xf32, #tpu.memory_space<hbm>> -> memref<1x5120xf32, #tpu.memory_space<hbm>>
      %dma_start3A_14 = tpu.memref_squeeze %dma_start3A : memref<1x5120xf32, #tpu.memory_space<hbm>> -> memref<5120xf32, #tpu.memory_space<hbm>>
      %dma_start3A_15 = tpu.memref_slice %arg4[%run_scoped3A_11, %mul3A_2] : memref<4x163840xf32, #tpu.memory_space<hbm>> -> memref<1x5120xf32, #tpu.memory_space<hbm>>
      %dma_start3A_16 = tpu.memref_squeeze %dma_start3A_15 : memref<1x5120xf32, #tpu.memory_space<hbm>> -> memref<5120xf32, #tpu.memory_space<hbm>>
      tpu.enqueue_dma source(%arg10 : memref<5120xf32, #tpu.memory_space<vmem>>) target(%dma_start3A_16 : memref<5120xf32, #tpu.memory_space<hbm>>) target_semaphore(%run_scoped3A_13 : memref<!tpu.dma_semaphore, #tpu.memory_space<semaphore_mem>>)
      %dma_wait3A = tpu.memref_slice %arg4[%run_scoped3A_11, %mul3A_2] : memref<4x163840xf32, #tpu.memory_space<hbm>> -> memref<1x5120xf32, #tpu.memory_space<hbm>>
      %dma_wait3A_17 = tpu.memref_squeeze %dma_wait3A : memref<1x5120xf32, #tpu.memory_space<hbm>> -> memref<5120xf32, #tpu.memory_space<hbm>>
      %dma_wait3A_18 = tpu.memref_slice %arg4[%run_scoped3A_11, %mul3A_2] : memref<4x163840xf32, #tpu.memory_space<hbm>> -> memref<1x5120xf32, #tpu.memory_space<hbm>>
      %dma_wait3A_19 = tpu.memref_squeeze %dma_wait3A_18 : memref<1x5120xf32, #tpu.memory_space<hbm>> -> memref<5120xf32, #tpu.memory_space<hbm>>
      tpu.wait_dma2 semaphore(%run_scoped3A_13 : memref<!tpu.dma_semaphore, #tpu.memory_space<semaphore_mem>>) src(%arg10 : memref<5120xf32, #tpu.memory_space<vmem>>) dst(%dma_wait3A_19 : memref<5120xf32, #tpu.memory_space<hbm>>)
      tpu.yield
    }) : () -> ()
    %run_scoped3A_12 = arith.constant 2 : i32
    "tpu.region"() ({
      %run_scoped3A_13 = tpu.sem_alloc : memref<!tpu.dma_semaphore, #tpu.memory_space<semaphore_mem>>
      %dma_start3A = tpu.memref_slice %arg4[%run_scoped3A_12, %mul3A_2] : memref<4x163840xf32, #tpu.memory_space<hbm>> -> memref<1x5120xf32, #tpu.memory_space<hbm>>
      %dma_start3A_14 = tpu.memref_squeeze %dma_start3A : memref<1x5120xf32, #tpu.memory_space<hbm>> -> memref<5120xf32, #tpu.memory_space<hbm>>
      %dma_start3A_15 = tpu.memref_slice %arg4[%run_scoped3A_12, %mul3A_2] : memref<4x163840xf32, #tpu.memory_space<hbm>> -> memref<1x5120xf32, #tpu.memory_space<hbm>>
      %dma_start3A_16 = tpu.memref_squeeze %dma_start3A_15 : memref<1x5120xf32, #tpu.memory_space<hbm>> -> memref<5120xf32, #tpu.memory_space<hbm>>
      tpu.enqueue_dma source(%arg11 : memref<5120xf32, #tpu.memory_space<vmem>>) target(%dma_start3A_16 : memref<5120xf32, #tpu.memory_space<hbm>>) target_semaphore(%run_scoped3A_13 : memref<!tpu.dma_semaphore, #tpu.memory_space<semaphore_mem>>)
      %dma_wait3A = tpu.memref_slice %arg4[%run_scoped3A_12, %mul3A_2] : memref<4x163840xf32, #tpu.memory_space<hbm>> -> memref<1x5120xf32, #tpu.memory_space<hbm>>
      %dma_wait3A_17 = tpu.memref_squeeze %dma_wait3A : memref<1x5120xf32, #tpu.memory_space<hbm>> -> memref<5120xf32, #tpu.memory_space<hbm>>
      %dma_wait3A_18 = tpu.memref_slice %arg4[%run_scoped3A_12, %mul3A_2] : memref<4x163840xf32, #tpu.memory_space<hbm>> -> memref<1x5120xf32, #tpu.memory_space<hbm>>
      %dma_wait3A_19 = tpu.memref_squeeze %dma_wait3A_18 : memref<1x5120xf32, #tpu.memory_space<hbm>> -> memref<5120xf32, #tpu.memory_space<hbm>>
      tpu.wait_dma2 semaphore(%run_scoped3A_13 : memref<!tpu.dma_semaphore, #tpu.memory_space<semaphore_mem>>) src(%arg11 : memref<5120xf32, #tpu.memory_space<vmem>>) dst(%dma_wait3A_19 : memref<5120xf32, #tpu.memory_space<hbm>>)
      tpu.yield
    }) : () -> ()
    return
  }
}

#map = affine_map<(d0, d1) -> (0, 0)>
#map1 = affine_map<(d0, d1) -> (0)>
module attributes {stable_mosaic.version = 14 : i64} {
  func.func @gk(%arg0: i32, %arg1: i32, %arg2: memref<10000x128xf32, #tpu.memory_space<hbm>>, %arg3: memref<163840xi32, #tpu.memory_space<hbm>>, %arg4: memref<163840x128xf32, #tpu.memory_space<hbm>>, %arg5: memref<512xi32, #tpu.memory_space<vmem>>, %arg6: memref<512x128xf32, #tpu.memory_space<vmem>>, %arg7: memref<!tpu.dma_semaphore, #tpu.memory_space<semaphore_mem>>) attributes {dimension_semantics = [#tpu.dimension_semantics<core_parallel>, #tpu.dimension_semantics<subcore_parallel>], iteration_bounds = array<i64: 2, 16>, scalar_prefetch = 0 : i64, scratch_operands = 3 : i64, tpu.core_type = #tpu.core_type<sc_vector_subcore>, window_params = [{transform_indices = #map}, {transform_indices = #map1}, {transform_indices = #map}]} {
    %mul3A = arith.constant 2 : i32
    %mul3A_0 = arith.muli %arg1, %mul3A : i32
    %add3A = arith.addi %mul3A_0, %arg0 : i32
    %mul3A_1 = arith.constant 5120 : i32
    %mul3A_2 = arith.muli %add3A, %mul3A_1 : i32
    %scan3A = arith.constant 0 : i32
    %scan3A_3 = arith.constant 0 : i32
    %scan3A_4 = arith.constant 10 : i32
    %scan3A_5 = arith.addi %scan3A_3, %scan3A_4 : i32
    %scan3A_6 = arith.constant 1 : i32
    scf.for %scan3A_8 = %scan3A_3 to %scan3A_5 step %scan3A_6  : i32 {
      %mul3A_9 = arith.constant 512 : i32
      %mul3A_10 = arith.muli %scan3A_8, %mul3A_9 : i32
      %add3A_11 = arith.addi %mul3A_2, %mul3A_10 : i32
      "tpu.region"() ({
        %run_scoped3A = tpu.sem_alloc : memref<!tpu.dma_semaphore, #tpu.memory_space<semaphore_mem>>
        %dma_start3A_74 = tpu.memref_slice %arg3[%add3A_11] : memref<163840xi32, #tpu.memory_space<hbm>> -> memref<512xi32, #tpu.memory_space<hbm>>
        %dma_start3A_75 = tpu.memref_slice %arg3[%add3A_11] : memref<163840xi32, #tpu.memory_space<hbm>> -> memref<512xi32, #tpu.memory_space<hbm>>
        tpu.enqueue_dma source(%dma_start3A_75 : memref<512xi32, #tpu.memory_space<hbm>>) target(%arg5 : memref<512xi32, #tpu.memory_space<vmem>>) target_semaphore(%run_scoped3A : memref<!tpu.dma_semaphore, #tpu.memory_space<semaphore_mem>>)
        %dma_wait3A_76 = tpu.memref_slice %arg3[%add3A_11] : memref<163840xi32, #tpu.memory_space<hbm>> -> memref<512xi32, #tpu.memory_space<hbm>>
        %dma_wait3A_77 = tpu.memref_slice %arg3[%add3A_11] : memref<163840xi32, #tpu.memory_space<hbm>> -> memref<512xi32, #tpu.memory_space<hbm>>
        tpu.wait_dma2 semaphore(%run_scoped3A : memref<!tpu.dma_semaphore, #tpu.memory_space<semaphore_mem>>) src(%dma_wait3A_77 : memref<512xi32, #tpu.memory_space<hbm>>) dst(%arg5 : memref<512xi32, #tpu.memory_space<vmem>>)
        tpu.yield
      }) : () -> ()
      %dma_start3A = arith.constant 0 : i32
      %dma_start3A_12 = arith.constant 0 : i32
      %dma_start3A_13 = tpu.memref_slice %arg6[%dma_start3A, %dma_start3A_12] : memref<512x128xf32, #tpu.memory_space<vmem>> -> memref<128x128xf32, #tpu.memory_space<vmem>>
      %dma_start3A_14 = arith.constant 0 : i32
      %dma_start3A_15 = tpu.memref_slice %arg5[%dma_start3A_14] : memref<512xi32, #tpu.memory_space<vmem>> -> memref<128xi32, #tpu.memory_space<vmem>>
      %dma_start3A_16 = arith.constant 0 : i32
      %dma_start3A_17 = arith.constant 0 : i32
      %dma_start3A_18 = tpu.memref_slice %arg2[%dma_start3A_16, %dma_start3A_17] : memref<10000x128xf32, #tpu.memory_space<hbm>> -> memref<10000x128xf32, #tpu.memory_space<hbm>>
      tpu.enqueue_indirect_dma source(%dma_start3A_18 : memref<10000x128xf32, #tpu.memory_space<hbm>>) target(%dma_start3A_13 : memref<128x128xf32, #tpu.memory_space<vmem>>) offsets(%dma_start3A_15 : memref<128xi32, #tpu.memory_space<vmem>>) semaphore(%arg7 : memref<!tpu.dma_semaphore, #tpu.memory_space<semaphore_mem>>)
      %dma_start3A_19 = arith.constant 128 : i32
      %dma_start3A_20 = arith.constant 0 : i32
      %dma_start3A_21 = tpu.memref_slice %arg6[%dma_start3A_19, %dma_start3A_20] : memref<512x128xf32, #tpu.memory_space<vmem>> -> memref<128x128xf32, #tpu.memory_space<vmem>>
      %dma_start3A_22 = arith.constant 128 : i32
      %dma_start3A_23 = tpu.memref_slice %arg5[%dma_start3A_22] : memref<512xi32, #tpu.memory_space<vmem>> -> memref<128xi32, #tpu.memory_space<vmem>>
      %dma_start3A_24 = arith.constant 0 : i32
      %dma_start3A_25 = arith.constant 0 : i32
      %dma_start3A_26 = tpu.memref_slice %arg2[%dma_start3A_24, %dma_start3A_25] : memref<10000x128xf32, #tpu.memory_space<hbm>> -> memref<10000x128xf32, #tpu.memory_space<hbm>>
      tpu.enqueue_indirect_dma source(%dma_start3A_26 : memref<10000x128xf32, #tpu.memory_space<hbm>>) target(%dma_start3A_21 : memref<128x128xf32, #tpu.memory_space<vmem>>) offsets(%dma_start3A_23 : memref<128xi32, #tpu.memory_space<vmem>>) semaphore(%arg7 : memref<!tpu.dma_semaphore, #tpu.memory_space<semaphore_mem>>)
      %dma_start3A_27 = arith.constant 256 : i32
      %dma_start3A_28 = arith.constant 0 : i32
      %dma_start3A_29 = tpu.memref_slice %arg6[%dma_start3A_27, %dma_start3A_28] : memref<512x128xf32, #tpu.memory_space<vmem>> -> memref<128x128xf32, #tpu.memory_space<vmem>>
      %dma_start3A_30 = arith.constant 256 : i32
      %dma_start3A_31 = tpu.memref_slice %arg5[%dma_start3A_30] : memref<512xi32, #tpu.memory_space<vmem>> -> memref<128xi32, #tpu.memory_space<vmem>>
      %dma_start3A_32 = arith.constant 0 : i32
      %dma_start3A_33 = arith.constant 0 : i32
      %dma_start3A_34 = tpu.memref_slice %arg2[%dma_start3A_32, %dma_start3A_33] : memref<10000x128xf32, #tpu.memory_space<hbm>> -> memref<10000x128xf32, #tpu.memory_space<hbm>>
      tpu.enqueue_indirect_dma source(%dma_start3A_34 : memref<10000x128xf32, #tpu.memory_space<hbm>>) target(%dma_start3A_29 : memref<128x128xf32, #tpu.memory_space<vmem>>) offsets(%dma_start3A_31 : memref<128xi32, #tpu.memory_space<vmem>>) semaphore(%arg7 : memref<!tpu.dma_semaphore, #tpu.memory_space<semaphore_mem>>)
      %dma_start3A_35 = arith.constant 384 : i32
      %dma_start3A_36 = arith.constant 0 : i32
      %dma_start3A_37 = tpu.memref_slice %arg6[%dma_start3A_35, %dma_start3A_36] : memref<512x128xf32, #tpu.memory_space<vmem>> -> memref<128x128xf32, #tpu.memory_space<vmem>>
      %dma_start3A_38 = arith.constant 384 : i32
      %dma_start3A_39 = tpu.memref_slice %arg5[%dma_start3A_38] : memref<512xi32, #tpu.memory_space<vmem>> -> memref<128xi32, #tpu.memory_space<vmem>>
      %dma_start3A_40 = arith.constant 0 : i32
      %dma_start3A_41 = arith.constant 0 : i32
      %dma_start3A_42 = tpu.memref_slice %arg2[%dma_start3A_40, %dma_start3A_41] : memref<10000x128xf32, #tpu.memory_space<hbm>> -> memref<10000x128xf32, #tpu.memory_space<hbm>>
      tpu.enqueue_indirect_dma source(%dma_start3A_42 : memref<10000x128xf32, #tpu.memory_space<hbm>>) target(%dma_start3A_37 : memref<128x128xf32, #tpu.memory_space<vmem>>) offsets(%dma_start3A_39 : memref<128xi32, #tpu.memory_space<vmem>>) semaphore(%arg7 : memref<!tpu.dma_semaphore, #tpu.memory_space<semaphore_mem>>)
      %dma_wait3A = arith.constant 0 : i32
      %dma_wait3A_43 = arith.constant 0 : i32
      %dma_wait3A_44 = tpu.memref_slice %arg6[%dma_wait3A, %dma_wait3A_43] : memref<512x128xf32, #tpu.memory_space<vmem>> -> memref<128x128xf32, #tpu.memory_space<vmem>>
      %dma_wait3A_45 = arith.constant 0 : i32
      %dma_wait3A_46 = tpu.memref_slice %arg5[%dma_wait3A_45] : memref<512xi32, #tpu.memory_space<vmem>> -> memref<128xi32, #tpu.memory_space<vmem>>
      %dma_wait3A_47 = arith.constant 0 : i32
      %dma_wait3A_48 = arith.constant 0 : i32
      %dma_wait3A_49 = tpu.memref_slice %arg2[%dma_wait3A_47, %dma_wait3A_48] : memref<10000x128xf32, #tpu.memory_space<hbm>> -> memref<10000x128xf32, #tpu.memory_space<hbm>>
      tpu.wait_indirect_dma semaphore(%arg7 : memref<!tpu.dma_semaphore, #tpu.memory_space<semaphore_mem>>) src(%dma_wait3A_49 : memref<10000x128xf32, #tpu.memory_space<hbm>>) dst(%dma_wait3A_44 : memref<128x128xf32, #tpu.memory_space<vmem>>)
      %dma_wait3A_50 = arith.constant 128 : i32
      %dma_wait3A_51 = arith.constant 0 : i32
      %dma_wait3A_52 = tpu.memref_slice %arg6[%dma_wait3A_50, %dma_wait3A_51] : memref<512x128xf32, #tpu.memory_space<vmem>> -> memref<128x128xf32, #tpu.memory_space<vmem>>
      %dma_wait3A_53 = arith.constant 128 : i32
      %dma_wait3A_54 = tpu.memref_slice %arg5[%dma_wait3A_53] : memref<512xi32, #tpu.memory_space<vmem>> -> memref<128xi32, #tpu.memory_space<vmem>>
      %dma_wait3A_55 = arith.constant 0 : i32
      %dma_wait3A_56 = arith.constant 0 : i32
      %dma_wait3A_57 = tpu.memref_slice %arg2[%dma_wait3A_55, %dma_wait3A_56] : memref<10000x128xf32, #tpu.memory_space<hbm>> -> memref<10000x128xf32, #tpu.memory_space<hbm>>
      tpu.wait_indirect_dma semaphore(%arg7 : memref<!tpu.dma_semaphore, #tpu.memory_space<semaphore_mem>>) src(%dma_wait3A_57 : memref<10000x128xf32, #tpu.memory_space<hbm>>) dst(%dma_wait3A_52 : memref<128x128xf32, #tpu.memory_space<vmem>>)
      %dma_wait3A_58 = arith.constant 256 : i32
      %dma_wait3A_59 = arith.constant 0 : i32
      %dma_wait3A_60 = tpu.memref_slice %arg6[%dma_wait3A_58, %dma_wait3A_59] : memref<512x128xf32, #tpu.memory_space<vmem>> -> memref<128x128xf32, #tpu.memory_space<vmem>>
      %dma_wait3A_61 = arith.constant 256 : i32
      %dma_wait3A_62 = tpu.memref_slice %arg5[%dma_wait3A_61] : memref<512xi32, #tpu.memory_space<vmem>> -> memref<128xi32, #tpu.memory_space<vmem>>
      %dma_wait3A_63 = arith.constant 0 : i32
      %dma_wait3A_64 = arith.constant 0 : i32
      %dma_wait3A_65 = tpu.memref_slice %arg2[%dma_wait3A_63, %dma_wait3A_64] : memref<10000x128xf32, #tpu.memory_space<hbm>> -> memref<10000x128xf32, #tpu.memory_space<hbm>>
      tpu.wait_indirect_dma semaphore(%arg7 : memref<!tpu.dma_semaphore, #tpu.memory_space<semaphore_mem>>) src(%dma_wait3A_65 : memref<10000x128xf32, #tpu.memory_space<hbm>>) dst(%dma_wait3A_60 : memref<128x128xf32, #tpu.memory_space<vmem>>)
      %dma_wait3A_66 = arith.constant 384 : i32
      %dma_wait3A_67 = arith.constant 0 : i32
      %dma_wait3A_68 = tpu.memref_slice %arg6[%dma_wait3A_66, %dma_wait3A_67] : memref<512x128xf32, #tpu.memory_space<vmem>> -> memref<128x128xf32, #tpu.memory_space<vmem>>
      %dma_wait3A_69 = arith.constant 384 : i32
      %dma_wait3A_70 = tpu.memref_slice %arg5[%dma_wait3A_69] : memref<512xi32, #tpu.memory_space<vmem>> -> memref<128xi32, #tpu.memory_space<vmem>>
      %dma_wait3A_71 = arith.constant 0 : i32
      %dma_wait3A_72 = arith.constant 0 : i32
      %dma_wait3A_73 = tpu.memref_slice %arg2[%dma_wait3A_71, %dma_wait3A_72] : memref<10000x128xf32, #tpu.memory_space<hbm>> -> memref<10000x128xf32, #tpu.memory_space<hbm>>
      tpu.wait_indirect_dma semaphore(%arg7 : memref<!tpu.dma_semaphore, #tpu.memory_space<semaphore_mem>>) src(%dma_wait3A_73 : memref<10000x128xf32, #tpu.memory_space<hbm>>) dst(%dma_wait3A_68 : memref<128x128xf32, #tpu.memory_space<vmem>>)
      "tpu.region"() ({
        %run_scoped3A = tpu.sem_alloc : memref<!tpu.dma_semaphore, #tpu.memory_space<semaphore_mem>>
        %dma_start3A_74 = arith.constant 0 : i32
        %dma_start3A_75 = tpu.memref_slice %arg4[%add3A_11, %dma_start3A_74] : memref<163840x128xf32, #tpu.memory_space<hbm>> -> memref<512x128xf32, #tpu.memory_space<hbm>>
        %dma_start3A_76 = arith.constant 0 : i32
        %dma_start3A_77 = tpu.memref_slice %arg4[%add3A_11, %dma_start3A_76] : memref<163840x128xf32, #tpu.memory_space<hbm>> -> memref<512x128xf32, #tpu.memory_space<hbm>>
        tpu.enqueue_dma source(%arg6 : memref<512x128xf32, #tpu.memory_space<vmem>>) target(%dma_start3A_77 : memref<512x128xf32, #tpu.memory_space<hbm>>) target_semaphore(%run_scoped3A : memref<!tpu.dma_semaphore, #tpu.memory_space<semaphore_mem>>)
        %dma_wait3A_78 = arith.constant 0 : i32
        %dma_wait3A_79 = tpu.memref_slice %arg4[%add3A_11, %dma_wait3A_78] : memref<163840x128xf32, #tpu.memory_space<hbm>> -> memref<512x128xf32, #tpu.memory_space<hbm>>
        %dma_wait3A_80 = arith.constant 0 : i32
        %dma_wait3A_81 = tpu.memref_slice %arg4[%add3A_11, %dma_wait3A_80] : memref<163840x128xf32, #tpu.memory_space<hbm>> -> memref<512x128xf32, #tpu.memory_space<hbm>>
        tpu.wait_dma2 semaphore(%run_scoped3A : memref<!tpu.dma_semaphore, #tpu.memory_space<semaphore_mem>>) src(%arg6 : memref<512x128xf32, #tpu.memory_space<vmem>>) dst(%dma_wait3A_81 : memref<512x128xf32, #tpu.memory_space<hbm>>)
        tpu.yield
      }) : () -> ()
    }
    %scan3A_7 = arith.constant 10 : i32
    return
  }
}

module attributes {stable_mosaic.version = 14 : i64} {
  func.func @_knn_body(%arg0: i32, %arg1: i32, %arg2: memref<1x128x128xf32, #tpu.memory_space<vmem>>, %arg3: memref<1x8x1280xf32, #tpu.memory_space<vmem>>, %arg4: memref<1x128x128xi32, #tpu.memory_space<vmem>>) attributes {dimension_semantics = [#tpu.dimension_semantics<arbitrary>, #tpu.dimension_semantics<arbitrary>], iteration_bounds = array<i64: 8, 10>, scalar_prefetch = 0 : i64, scratch_operands = 0 : i64, tpu.core_type = #tpu.core_type<tc>, window_params = [{transform_indices = @transform_0, window_bounds = array<i64: 1, 128, 128>}, {transform_indices = @transform_1, window_bounds = array<i64: 1, 8, 1280>}, {transform_indices = @transform_2, window_bounds = array<i64: 1, 128, 128>}]} {
    %broadcast_in_dim3A = arith.constant 0.000000e+00 : f32
    %broadcast_in_dim3A_0 = vector.broadcast %broadcast_in_dim3A : f32 to vector<128x1280xf32>
    %get3A = arith.constant 0 : index
    %get3A_1 = arith.constant 0 : index
    %get3A_2 = arith.constant 0 : index
    %get3A_3 = vector.load %arg2[%get3A, %get3A_1, %get3A_2] : memref<1x128x128xf32, #tpu.memory_space<vmem>>, vector<1x128x1xf32>
    %get3A_4 = vector.shape_cast %get3A_3 : vector<1x128x1xf32> to vector<128x1xf32>
    %get3A_5 = arith.constant 0 : index
    %get3A_6 = arith.constant 0 : index
    %get3A_7 = arith.constant 0 : index
    %get3A_8 = vector.load %arg3[%get3A_5, %get3A_6, %get3A_7] : memref<1x8x1280xf32, #tpu.memory_space<vmem>>, vector<1x1x1280xf32>
    %get3A_9 = vector.shape_cast %get3A_8 : vector<1x1x1280xf32> to vector<1x1280xf32>
    %sub3A = vector.broadcast %get3A_4 : vector<128x1xf32> to vector<128x1280xf32>
    %sub3A_10 = vector.broadcast %get3A_9 : vector<1x1280xf32> to vector<128x1280xf32>
    %sub3A_11 = arith.subf %sub3A, %sub3A_10 : vector<128x1280xf32>
    %round3A = math.roundeven %sub3A_11 : vector<128x1280xf32>
    %sub3A_12 = arith.subf %sub3A_11, %round3A : vector<128x1280xf32>
    %mul3A = arith.mulf %sub3A_12, %sub3A_12 : vector<128x1280xf32>
    %add3A = arith.addf %broadcast_in_dim3A_0, %mul3A : vector<128x1280xf32>
    %get3A_13 = arith.constant 0 : index
    %get3A_14 = arith.constant 0 : index
    %get3A_15 = arith.constant 1 : index
    %get3A_16 = vector.load %arg2[%get3A_13, %get3A_14, %get3A_15] : memref<1x128x128xf32, #tpu.memory_space<vmem>>, vector<1x128x1xf32>
    %get3A_17 = vector.shape_cast %get3A_16 : vector<1x128x1xf32> to vector<128x1xf32>
    %get3A_18 = arith.constant 0 : index
    %get3A_19 = arith.constant 1 : index
    %get3A_20 = arith.constant 0 : index
    %get3A_21 = vector.load %arg3[%get3A_18, %get3A_19, %get3A_20] : memref<1x8x1280xf32, #tpu.memory_space<vmem>>, vector<1x1x1280xf32>
    %get3A_22 = vector.shape_cast %get3A_21 : vector<1x1x1280xf32> to vector<1x1280xf32>
    %sub3A_23 = vector.broadcast %get3A_17 : vector<128x1xf32> to vector<128x1280xf32>
    %sub3A_24 = vector.broadcast %get3A_22 : vector<1x1280xf32> to vector<128x1280xf32>
    %sub3A_25 = arith.subf %sub3A_23, %sub3A_24 : vector<128x1280xf32>
    %round3A_26 = math.roundeven %sub3A_25 : vector<128x1280xf32>
    %sub3A_27 = arith.subf %sub3A_25, %round3A_26 : vector<128x1280xf32>
    %mul3A_28 = arith.mulf %sub3A_27, %sub3A_27 : vector<128x1280xf32>
    %add3A_29 = arith.addf %add3A, %mul3A_28 : vector<128x1280xf32>
    %get3A_30 = arith.constant 0 : index
    %get3A_31 = arith.constant 0 : index
    %get3A_32 = arith.constant 2 : index
    %get3A_33 = vector.load %arg2[%get3A_30, %get3A_31, %get3A_32] : memref<1x128x128xf32, #tpu.memory_space<vmem>>, vector<1x128x1xf32>
    %get3A_34 = vector.shape_cast %get3A_33 : vector<1x128x1xf32> to vector<128x1xf32>
    %get3A_35 = arith.constant 0 : index
    %get3A_36 = arith.constant 2 : index
    %get3A_37 = arith.constant 0 : index
    %get3A_38 = vector.load %arg3[%get3A_35, %get3A_36, %get3A_37] : memref<1x8x1280xf32, #tpu.memory_space<vmem>>, vector<1x1x1280xf32>
    %get3A_39 = vector.shape_cast %get3A_38 : vector<1x1x1280xf32> to vector<1x1280xf32>
    %sub3A_40 = vector.broadcast %get3A_34 : vector<128x1xf32> to vector<128x1280xf32>
    %sub3A_41 = vector.broadcast %get3A_39 : vector<1x1280xf32> to vector<128x1280xf32>
    %sub3A_42 = arith.subf %sub3A_40, %sub3A_41 : vector<128x1280xf32>
    %round3A_43 = math.roundeven %sub3A_42 : vector<128x1280xf32>
    %sub3A_44 = arith.subf %sub3A_42, %round3A_43 : vector<128x1280xf32>
    %mul3A_45 = arith.mulf %sub3A_44, %sub3A_44 : vector<128x1280xf32>
    %add3A_46 = arith.addf %add3A_29, %mul3A_45 : vector<128x1280xf32>
    %iota3A = tpu.iota {dimensions = array<i32: 1>} : vector<128x1280xi32>
    %iota3A_47 = tpu.iota {dimensions = array<i32: 0>} : vector<128x1280xi32>
    %mul3A_48 = arith.constant 128 : i32
    %mul3A_49 = arith.muli %arg1, %mul3A_48 : i32
    %add3A_50 = vector.broadcast %mul3A_49 : i32 to vector<128x1280xi32>
    %add3A_51 = arith.addi %iota3A_47, %add3A_50 : vector<128x1280xi32>
    %add3A_52 = arith.constant 9.99999993E-9 : f32
    %add3A_53 = vector.broadcast %add3A_52 : f32 to vector<128x1280xf32>
    %add3A_54 = arith.addf %add3A_46, %add3A_53 : vector<128x1280xf32>
    %sqrt3A = math.sqrt %add3A_54 : vector<128x1280xf32>
    %neg3A = arith.constant 0.000000e+00 : f32
    %neg3A_55 = vector.broadcast %neg3A : f32 to vector<128x1280xf32>
    %neg3A_56 = arith.subf %neg3A_55, %sqrt3A : vector<128x1280xf32>
    %ge3A = arith.constant 1250 : i32
    %ge3A_57 = vector.broadcast %ge3A : i32 to vector<128x1280xi32>
    %ge3A_58 = arith.cmpi sge, %iota3A, %ge3A_57 : vector<128x1280xi32>
    %eq3A = arith.cmpi eq, %iota3A, %add3A_51 : vector<128x1280xi32>
    %or3A = arith.ori %ge3A_58, %eq3A : vector<128x1280xi1>
    %jit3A = arith.constant -3.000000e+38 : f32
    %broadcast_in_dim3A_59 = vector.broadcast %jit3A : f32 to vector<128x1280xf32>
    %select_n3A = arith.select %or3A, %broadcast_in_dim3A_59, %neg3A_56 : vector<128x1280xi1>, vector<128x1280xf32>
    %reduce_max3A = arith.constant dense<0xFF800000> : vector<128xf32>
    %reduce_max3A_60 = vector.multi_reduction <maximumf>, %select_n3A, %reduce_max3A [1] : vector<128x1280xf32> to vector<128xf32>
    %broadcast_in_dim3A_61 = vector.shape_cast %reduce_max3A_60 : vector<128xf32> to vector<128x1xf32>
    %eq3A_62 = vector.broadcast %broadcast_in_dim3A_61 : vector<128x1xf32> to vector<128x1280xf32>
    %eq3A_63 = arith.cmpf oeq, %select_n3A, %eq3A_62 : vector<128x1280xf32>
    %jit3A_64 = arith.constant 1073741824 : i32
    %broadcast_in_dim3A_65 = vector.broadcast %jit3A_64 : i32 to vector<128x1280xi32>
    %select_n3A_66 = arith.select %eq3A_63, %iota3A, %broadcast_in_dim3A_65 : vector<128x1280xi1>, vector<128x1280xi32>
    %reduce_min3A = arith.constant dense<2147483647> : vector<128xi32>
    %reduce_min3A_67 = vector.multi_reduction <minsi>, %select_n3A_66, %reduce_min3A [1] : vector<128x1280xi32> to vector<128xi32>
    %broadcast_in_dim3A_68 = vector.shape_cast %reduce_min3A_67 : vector<128xi32> to vector<128x1xi32>
    %eq3A_69 = vector.broadcast %broadcast_in_dim3A_68 : vector<128x1xi32> to vector<128x1280xi32>
    %eq3A_70 = arith.cmpi eq, %iota3A, %eq3A_69 : vector<128x1280xi32>
    %jit3A_71 = arith.constant -3.000000e+38 : f32
    %broadcast_in_dim3A_72 = vector.broadcast %jit3A_71 : f32 to vector<128x1280xf32>
    %select_n3A_73 = arith.select %eq3A_70, %broadcast_in_dim3A_72, %select_n3A : vector<128x1280xi1>, vector<128x1280xf32>
    %reduce_max3A_74 = arith.constant dense<0xFF800000> : vector<128xf32>
    %reduce_max3A_75 = vector.multi_reduction <maximumf>, %select_n3A_73, %reduce_max3A_74 [1] : vector<128x1280xf32> to vector<128xf32>
    %broadcast_in_dim3A_76 = vector.shape_cast %reduce_max3A_75 : vector<128xf32> to vector<128x1xf32>
    %eq3A_77 = vector.broadcast %broadcast_in_dim3A_76 : vector<128x1xf32> to vector<128x1280xf32>
    %eq3A_78 = arith.cmpf oeq, %select_n3A_73, %eq3A_77 : vector<128x1280xf32>
    %jit3A_79 = arith.constant 1073741824 : i32
    %broadcast_in_dim3A_80 = vector.broadcast %jit3A_79 : i32 to vector<128x1280xi32>
    %select_n3A_81 = arith.select %eq3A_78, %iota3A, %broadcast_in_dim3A_80 : vector<128x1280xi1>, vector<128x1280xi32>
    %reduce_min3A_82 = arith.constant dense<2147483647> : vector<128xi32>
    %reduce_min3A_83 = vector.multi_reduction <minsi>, %select_n3A_81, %reduce_min3A_82 [1] : vector<128x1280xi32> to vector<128xi32>
    %broadcast_in_dim3A_84 = vector.shape_cast %reduce_min3A_83 : vector<128xi32> to vector<128x1xi32>
    %eq3A_85 = vector.broadcast %broadcast_in_dim3A_84 : vector<128x1xi32> to vector<128x1280xi32>
    %eq3A_86 = arith.cmpi eq, %iota3A, %eq3A_85 : vector<128x1280xi32>
    %jit3A_87 = arith.constant -3.000000e+38 : f32
    %broadcast_in_dim3A_88 = vector.broadcast %jit3A_87 : f32 to vector<128x1280xf32>
    %select_n3A_89 = arith.select %eq3A_86, %broadcast_in_dim3A_88, %select_n3A_73 : vector<128x1280xi1>, vector<128x1280xf32>
    %reduce_max3A_90 = arith.constant dense<0xFF800000> : vector<128xf32>
    %reduce_max3A_91 = vector.multi_reduction <maximumf>, %select_n3A_89, %reduce_max3A_90 [1] : vector<128x1280xf32> to vector<128xf32>
    %broadcast_in_dim3A_92 = vector.shape_cast %reduce_max3A_91 : vector<128xf32> to vector<128x1xf32>
    %eq3A_93 = vector.broadcast %broadcast_in_dim3A_92 : vector<128x1xf32> to vector<128x1280xf32>
    %eq3A_94 = arith.cmpf oeq, %select_n3A_89, %eq3A_93 : vector<128x1280xf32>
    %jit3A_95 = arith.constant 1073741824 : i32
    %broadcast_in_dim3A_96 = vector.broadcast %jit3A_95 : i32 to vector<128x1280xi32>
    %select_n3A_97 = arith.select %eq3A_94, %iota3A, %broadcast_in_dim3A_96 : vector<128x1280xi1>, vector<128x1280xi32>
    %reduce_min3A_98 = arith.constant dense<2147483647> : vector<128xi32>
    %reduce_min3A_99 = vector.multi_reduction <minsi>, %select_n3A_97, %reduce_min3A_98 [1] : vector<128x1280xi32> to vector<128xi32>
    %broadcast_in_dim3A_100 = vector.shape_cast %reduce_min3A_99 : vector<128xi32> to vector<128x1xi32>
    %eq3A_101 = vector.broadcast %broadcast_in_dim3A_100 : vector<128x1xi32> to vector<128x1280xi32>
    %eq3A_102 = arith.cmpi eq, %iota3A, %eq3A_101 : vector<128x1280xi32>
    %jit3A_103 = arith.constant -3.000000e+38 : f32
    %broadcast_in_dim3A_104 = vector.broadcast %jit3A_103 : f32 to vector<128x1280xf32>
    %select_n3A_105 = arith.select %eq3A_102, %broadcast_in_dim3A_104, %select_n3A_89 : vector<128x1280xi1>, vector<128x1280xf32>
    %reduce_max3A_106 = arith.constant dense<0xFF800000> : vector<128xf32>
    %reduce_max3A_107 = vector.multi_reduction <maximumf>, %select_n3A_105, %reduce_max3A_106 [1] : vector<128x1280xf32> to vector<128xf32>
    %broadcast_in_dim3A_108 = vector.shape_cast %reduce_max3A_107 : vector<128xf32> to vector<128x1xf32>
    %eq3A_109 = vector.broadcast %broadcast_in_dim3A_108 : vector<128x1xf32> to vector<128x1280xf32>
    %eq3A_110 = arith.cmpf oeq, %select_n3A_105, %eq3A_109 : vector<128x1280xf32>
    %jit3A_111 = arith.constant 1073741824 : i32
    %broadcast_in_dim3A_112 = vector.broadcast %jit3A_111 : i32 to vector<128x1280xi32>
    %select_n3A_113 = arith.select %eq3A_110, %iota3A, %broadcast_in_dim3A_112 : vector<128x1280xi1>, vector<128x1280xi32>
    %reduce_min3A_114 = arith.constant dense<2147483647> : vector<128xi32>
    %reduce_min3A_115 = vector.multi_reduction <minsi>, %select_n3A_113, %reduce_min3A_114 [1] : vector<128x1280xi32> to vector<128xi32>
    %broadcast_in_dim3A_116 = vector.shape_cast %reduce_min3A_115 : vector<128xi32> to vector<128x1xi32>
    %eq3A_117 = vector.broadcast %broadcast_in_dim3A_116 : vector<128x1xi32> to vector<128x1280xi32>
    %eq3A_118 = arith.cmpi eq, %iota3A, %eq3A_117 : vector<128x1280xi32>
    %jit3A_119 = arith.constant -3.000000e+38 : f32
    %broadcast_in_dim3A_120 = vector.broadcast %jit3A_119 : f32 to vector<128x1280xf32>
    %select_n3A_121 = arith.select %eq3A_118, %broadcast_in_dim3A_120, %select_n3A_105 : vector<128x1280xi1>, vector<128x1280xf32>
    %reduce_max3A_122 = arith.constant dense<0xFF800000> : vector<128xf32>
    %reduce_max3A_123 = vector.multi_reduction <maximumf>, %select_n3A_121, %reduce_max3A_122 [1] : vector<128x1280xf32> to vector<128xf32>
    %broadcast_in_dim3A_124 = vector.shape_cast %reduce_max3A_123 : vector<128xf32> to vector<128x1xf32>
    %eq3A_125 = vector.broadcast %broadcast_in_dim3A_124 : vector<128x1xf32> to vector<128x1280xf32>
    %eq3A_126 = arith.cmpf oeq, %select_n3A_121, %eq3A_125 : vector<128x1280xf32>
    %jit3A_127 = arith.constant 1073741824 : i32
    %broadcast_in_dim3A_128 = vector.broadcast %jit3A_127 : i32 to vector<128x1280xi32>
    %select_n3A_129 = arith.select %eq3A_126, %iota3A, %broadcast_in_dim3A_128 : vector<128x1280xi1>, vector<128x1280xi32>
    %reduce_min3A_130 = arith.constant dense<2147483647> : vector<128xi32>
    %reduce_min3A_131 = vector.multi_reduction <minsi>, %select_n3A_129, %reduce_min3A_130 [1] : vector<128x1280xi32> to vector<128xi32>
    %broadcast_in_dim3A_132 = vector.shape_cast %reduce_min3A_131 : vector<128xi32> to vector<128x1xi32>
    %eq3A_133 = vector.broadcast %broadcast_in_dim3A_132 : vector<128x1xi32> to vector<128x1280xi32>
    %eq3A_134 = arith.cmpi eq, %iota3A, %eq3A_133 : vector<128x1280xi32>
    %jit3A_135 = arith.constant -3.000000e+38 : f32
    %broadcast_in_dim3A_136 = vector.broadcast %jit3A_135 : f32 to vector<128x1280xf32>
    %select_n3A_137 = arith.select %eq3A_134, %broadcast_in_dim3A_136, %select_n3A_121 : vector<128x1280xi1>, vector<128x1280xf32>
    %reduce_max3A_138 = arith.constant dense<0xFF800000> : vector<128xf32>
    %reduce_max3A_139 = vector.multi_reduction <maximumf>, %select_n3A_137, %reduce_max3A_138 [1] : vector<128x1280xf32> to vector<128xf32>
    %broadcast_in_dim3A_140 = vector.shape_cast %reduce_max3A_139 : vector<128xf32> to vector<128x1xf32>
    %eq3A_141 = vector.broadcast %broadcast_in_dim3A_140 : vector<128x1xf32> to vector<128x1280xf32>
    %eq3A_142 = arith.cmpf oeq, %select_n3A_137, %eq3A_141 : vector<128x1280xf32>
    %jit3A_143 = arith.constant 1073741824 : i32
    %broadcast_in_dim3A_144 = vector.broadcast %jit3A_143 : i32 to vector<128x1280xi32>
    %select_n3A_145 = arith.select %eq3A_142, %iota3A, %broadcast_in_dim3A_144 : vector<128x1280xi1>, vector<128x1280xi32>
    %reduce_min3A_146 = arith.constant dense<2147483647> : vector<128xi32>
    %reduce_min3A_147 = vector.multi_reduction <minsi>, %select_n3A_145, %reduce_min3A_146 [1] : vector<128x1280xi32> to vector<128xi32>
    %broadcast_in_dim3A_148 = vector.shape_cast %reduce_min3A_147 : vector<128xi32> to vector<128x1xi32>
    %eq3A_149 = vector.broadcast %broadcast_in_dim3A_148 : vector<128x1xi32> to vector<128x1280xi32>
    %eq3A_150 = arith.cmpi eq, %iota3A, %eq3A_149 : vector<128x1280xi32>
    %jit3A_151 = arith.constant -3.000000e+38 : f32
    %broadcast_in_dim3A_152 = vector.broadcast %jit3A_151 : f32 to vector<128x1280xf32>
    %select_n3A_153 = arith.select %eq3A_150, %broadcast_in_dim3A_152, %select_n3A_137 : vector<128x1280xi1>, vector<128x1280xf32>
    %reduce_max3A_154 = arith.constant dense<0xFF800000> : vector<128xf32>
    %reduce_max3A_155 = vector.multi_reduction <maximumf>, %select_n3A_153, %reduce_max3A_154 [1] : vector<128x1280xf32> to vector<128xf32>
    %broadcast_in_dim3A_156 = vector.shape_cast %reduce_max3A_155 : vector<128xf32> to vector<128x1xf32>
    %eq3A_157 = vector.broadcast %broadcast_in_dim3A_156 : vector<128x1xf32> to vector<128x1280xf32>
    %eq3A_158 = arith.cmpf oeq, %select_n3A_153, %eq3A_157 : vector<128x1280xf32>
    %jit3A_159 = arith.constant 1073741824 : i32
    %broadcast_in_dim3A_160 = vector.broadcast %jit3A_159 : i32 to vector<128x1280xi32>
    %select_n3A_161 = arith.select %eq3A_158, %iota3A, %broadcast_in_dim3A_160 : vector<128x1280xi1>, vector<128x1280xi32>
    %reduce_min3A_162 = arith.constant dense<2147483647> : vector<128xi32>
    %reduce_min3A_163 = vector.multi_reduction <minsi>, %select_n3A_161, %reduce_min3A_162 [1] : vector<128x1280xi32> to vector<128xi32>
    %broadcast_in_dim3A_164 = vector.shape_cast %reduce_min3A_163 : vector<128xi32> to vector<128x1xi32>
    %eq3A_165 = vector.broadcast %broadcast_in_dim3A_164 : vector<128x1xi32> to vector<128x1280xi32>
    %eq3A_166 = arith.cmpi eq, %iota3A, %eq3A_165 : vector<128x1280xi32>
    %jit3A_167 = arith.constant -3.000000e+38 : f32
    %broadcast_in_dim3A_168 = vector.broadcast %jit3A_167 : f32 to vector<128x1280xf32>
    %select_n3A_169 = arith.select %eq3A_166, %broadcast_in_dim3A_168, %select_n3A_153 : vector<128x1280xi1>, vector<128x1280xf32>
    %reduce_max3A_170 = arith.constant dense<0xFF800000> : vector<128xf32>
    %reduce_max3A_171 = vector.multi_reduction <maximumf>, %select_n3A_169, %reduce_max3A_170 [1] : vector<128x1280xf32> to vector<128xf32>
    %broadcast_in_dim3A_172 = vector.shape_cast %reduce_max3A_171 : vector<128xf32> to vector<128x1xf32>
    %eq3A_173 = vector.broadcast %broadcast_in_dim3A_172 : vector<128x1xf32> to vector<128x1280xf32>
    %eq3A_174 = arith.cmpf oeq, %select_n3A_169, %eq3A_173 : vector<128x1280xf32>
    %jit3A_175 = arith.constant 1073741824 : i32
    %broadcast_in_dim3A_176 = vector.broadcast %jit3A_175 : i32 to vector<128x1280xi32>
    %select_n3A_177 = arith.select %eq3A_174, %iota3A, %broadcast_in_dim3A_176 : vector<128x1280xi1>, vector<128x1280xi32>
    %reduce_min3A_178 = arith.constant dense<2147483647> : vector<128xi32>
    %reduce_min3A_179 = vector.multi_reduction <minsi>, %select_n3A_177, %reduce_min3A_178 [1] : vector<128x1280xi32> to vector<128xi32>
    %broadcast_in_dim3A_180 = vector.shape_cast %reduce_min3A_179 : vector<128xi32> to vector<128x1xi32>
    %eq3A_181 = vector.broadcast %broadcast_in_dim3A_180 : vector<128x1xi32> to vector<128x1280xi32>
    %eq3A_182 = arith.cmpi eq, %iota3A, %eq3A_181 : vector<128x1280xi32>
    %jit3A_183 = arith.constant -3.000000e+38 : f32
    %broadcast_in_dim3A_184 = vector.broadcast %jit3A_183 : f32 to vector<128x1280xf32>
    %select_n3A_185 = arith.select %eq3A_182, %broadcast_in_dim3A_184, %select_n3A_169 : vector<128x1280xi1>, vector<128x1280xf32>
    %reduce_max3A_186 = arith.constant dense<0xFF800000> : vector<128xf32>
    %reduce_max3A_187 = vector.multi_reduction <maximumf>, %select_n3A_185, %reduce_max3A_186 [1] : vector<128x1280xf32> to vector<128xf32>
    %broadcast_in_dim3A_188 = vector.shape_cast %reduce_max3A_187 : vector<128xf32> to vector<128x1xf32>
    %eq3A_189 = vector.broadcast %broadcast_in_dim3A_188 : vector<128x1xf32> to vector<128x1280xf32>
    %eq3A_190 = arith.cmpf oeq, %select_n3A_185, %eq3A_189 : vector<128x1280xf32>
    %jit3A_191 = arith.constant 1073741824 : i32
    %broadcast_in_dim3A_192 = vector.broadcast %jit3A_191 : i32 to vector<128x1280xi32>
    %select_n3A_193 = arith.select %eq3A_190, %iota3A, %broadcast_in_dim3A_192 : vector<128x1280xi1>, vector<128x1280xi32>
    %reduce_min3A_194 = arith.constant dense<2147483647> : vector<128xi32>
    %reduce_min3A_195 = vector.multi_reduction <minsi>, %select_n3A_193, %reduce_min3A_194 [1] : vector<128x1280xi32> to vector<128xi32>
    %broadcast_in_dim3A_196 = vector.shape_cast %reduce_min3A_195 : vector<128xi32> to vector<128x1xi32>
    %eq3A_197 = vector.broadcast %broadcast_in_dim3A_196 : vector<128x1xi32> to vector<128x1280xi32>
    %eq3A_198 = arith.cmpi eq, %iota3A, %eq3A_197 : vector<128x1280xi32>
    %jit3A_199 = arith.constant -3.000000e+38 : f32
    %broadcast_in_dim3A_200 = vector.broadcast %jit3A_199 : f32 to vector<128x1280xf32>
    %select_n3A_201 = arith.select %eq3A_198, %broadcast_in_dim3A_200, %select_n3A_185 : vector<128x1280xi1>, vector<128x1280xf32>
    %reduce_max3A_202 = arith.constant dense<0xFF800000> : vector<128xf32>
    %reduce_max3A_203 = vector.multi_reduction <maximumf>, %select_n3A_201, %reduce_max3A_202 [1] : vector<128x1280xf32> to vector<128xf32>
    %broadcast_in_dim3A_204 = vector.shape_cast %reduce_max3A_203 : vector<128xf32> to vector<128x1xf32>
    %eq3A_205 = vector.broadcast %broadcast_in_dim3A_204 : vector<128x1xf32> to vector<128x1280xf32>
    %eq3A_206 = arith.cmpf oeq, %select_n3A_201, %eq3A_205 : vector<128x1280xf32>
    %jit3A_207 = arith.constant 1073741824 : i32
    %broadcast_in_dim3A_208 = vector.broadcast %jit3A_207 : i32 to vector<128x1280xi32>
    %select_n3A_209 = arith.select %eq3A_206, %iota3A, %broadcast_in_dim3A_208 : vector<128x1280xi1>, vector<128x1280xi32>
    %reduce_min3A_210 = arith.constant dense<2147483647> : vector<128xi32>
    %reduce_min3A_211 = vector.multi_reduction <minsi>, %select_n3A_209, %reduce_min3A_210 [1] : vector<128x1280xi32> to vector<128xi32>
    %broadcast_in_dim3A_212 = vector.shape_cast %reduce_min3A_211 : vector<128xi32> to vector<128x1xi32>
    %eq3A_213 = vector.broadcast %broadcast_in_dim3A_212 : vector<128x1xi32> to vector<128x1280xi32>
    %eq3A_214 = arith.cmpi eq, %iota3A, %eq3A_213 : vector<128x1280xi32>
    %jit3A_215 = arith.constant -3.000000e+38 : f32
    %broadcast_in_dim3A_216 = vector.broadcast %jit3A_215 : f32 to vector<128x1280xf32>
    %select_n3A_217 = arith.select %eq3A_214, %broadcast_in_dim3A_216, %select_n3A_201 : vector<128x1280xi1>, vector<128x1280xf32>
    %reduce_max3A_218 = arith.constant dense<0xFF800000> : vector<128xf32>
    %reduce_max3A_219 = vector.multi_reduction <maximumf>, %select_n3A_217, %reduce_max3A_218 [1] : vector<128x1280xf32> to vector<128xf32>
    %broadcast_in_dim3A_220 = vector.shape_cast %reduce_max3A_219 : vector<128xf32> to vector<128x1xf32>
    %eq3A_221 = vector.broadcast %broadcast_in_dim3A_220 : vector<128x1xf32> to vector<128x1280xf32>
    %eq3A_222 = arith.cmpf oeq, %select_n3A_217, %eq3A_221 : vector<128x1280xf32>
    %jit3A_223 = arith.constant 1073741824 : i32
    %broadcast_in_dim3A_224 = vector.broadcast %jit3A_223 : i32 to vector<128x1280xi32>
    %select_n3A_225 = arith.select %eq3A_222, %iota3A, %broadcast_in_dim3A_224 : vector<128x1280xi1>, vector<128x1280xi32>
    %reduce_min3A_226 = arith.constant dense<2147483647> : vector<128xi32>
    %reduce_min3A_227 = vector.multi_reduction <minsi>, %select_n3A_225, %reduce_min3A_226 [1] : vector<128x1280xi32> to vector<128xi32>
    %broadcast_in_dim3A_228 = vector.shape_cast %reduce_min3A_227 : vector<128xi32> to vector<128x1xi32>
    %eq3A_229 = vector.broadcast %broadcast_in_dim3A_228 : vector<128x1xi32> to vector<128x1280xi32>
    %eq3A_230 = arith.cmpi eq, %iota3A, %eq3A_229 : vector<128x1280xi32>
    %jit3A_231 = arith.constant -3.000000e+38 : f32
    %broadcast_in_dim3A_232 = vector.broadcast %jit3A_231 : f32 to vector<128x1280xf32>
    %select_n3A_233 = arith.select %eq3A_230, %broadcast_in_dim3A_232, %select_n3A_217 : vector<128x1280xi1>, vector<128x1280xf32>
    %reduce_max3A_234 = arith.constant dense<0xFF800000> : vector<128xf32>
    %reduce_max3A_235 = vector.multi_reduction <maximumf>, %select_n3A_233, %reduce_max3A_234 [1] : vector<128x1280xf32> to vector<128xf32>
    %broadcast_in_dim3A_236 = vector.shape_cast %reduce_max3A_235 : vector<128xf32> to vector<128x1xf32>
    %eq3A_237 = vector.broadcast %broadcast_in_dim3A_236 : vector<128x1xf32> to vector<128x1280xf32>
    %eq3A_238 = arith.cmpf oeq, %select_n3A_233, %eq3A_237 : vector<128x1280xf32>
    %jit3A_239 = arith.constant 1073741824 : i32
    %broadcast_in_dim3A_240 = vector.broadcast %jit3A_239 : i32 to vector<128x1280xi32>
    %select_n3A_241 = arith.select %eq3A_238, %iota3A, %broadcast_in_dim3A_240 : vector<128x1280xi1>, vector<128x1280xi32>
    %reduce_min3A_242 = arith.constant dense<2147483647> : vector<128xi32>
    %reduce_min3A_243 = vector.multi_reduction <minsi>, %select_n3A_241, %reduce_min3A_242 [1] : vector<128x1280xi32> to vector<128xi32>
    %broadcast_in_dim3A_244 = vector.shape_cast %reduce_min3A_243 : vector<128xi32> to vector<128x1xi32>
    %eq3A_245 = vector.broadcast %broadcast_in_dim3A_244 : vector<128x1xi32> to vector<128x1280xi32>
    %eq3A_246 = arith.cmpi eq, %iota3A, %eq3A_245 : vector<128x1280xi32>
    %jit3A_247 = arith.constant -3.000000e+38 : f32
    %broadcast_in_dim3A_248 = vector.broadcast %jit3A_247 : f32 to vector<128x1280xf32>
    %select_n3A_249 = arith.select %eq3A_246, %broadcast_in_dim3A_248, %select_n3A_233 : vector<128x1280xi1>, vector<128x1280xf32>
    %reduce_max3A_250 = arith.constant dense<0xFF800000> : vector<128xf32>
    %reduce_max3A_251 = vector.multi_reduction <maximumf>, %select_n3A_249, %reduce_max3A_250 [1] : vector<128x1280xf32> to vector<128xf32>
    %broadcast_in_dim3A_252 = vector.shape_cast %reduce_max3A_251 : vector<128xf32> to vector<128x1xf32>
    %eq3A_253 = vector.broadcast %broadcast_in_dim3A_252 : vector<128x1xf32> to vector<128x1280xf32>
    %eq3A_254 = arith.cmpf oeq, %select_n3A_249, %eq3A_253 : vector<128x1280xf32>
    %jit3A_255 = arith.constant 1073741824 : i32
    %broadcast_in_dim3A_256 = vector.broadcast %jit3A_255 : i32 to vector<128x1280xi32>
    %select_n3A_257 = arith.select %eq3A_254, %iota3A, %broadcast_in_dim3A_256 : vector<128x1280xi1>, vector<128x1280xi32>
    %reduce_min3A_258 = arith.constant dense<2147483647> : vector<128xi32>
    %reduce_min3A_259 = vector.multi_reduction <minsi>, %select_n3A_257, %reduce_min3A_258 [1] : vector<128x1280xi32> to vector<128xi32>
    %broadcast_in_dim3A_260 = vector.shape_cast %reduce_min3A_259 : vector<128xi32> to vector<128x1xi32>
    %eq3A_261 = vector.broadcast %broadcast_in_dim3A_260 : vector<128x1xi32> to vector<128x1280xi32>
    %eq3A_262 = arith.cmpi eq, %iota3A, %eq3A_261 : vector<128x1280xi32>
    %jit3A_263 = arith.constant -3.000000e+38 : f32
    %broadcast_in_dim3A_264 = vector.broadcast %jit3A_263 : f32 to vector<128x1280xf32>
    %select_n3A_265 = arith.select %eq3A_262, %broadcast_in_dim3A_264, %select_n3A_249 : vector<128x1280xi1>, vector<128x1280xf32>
    %reduce_max3A_266 = arith.constant dense<0xFF800000> : vector<128xf32>
    %reduce_max3A_267 = vector.multi_reduction <maximumf>, %select_n3A_265, %reduce_max3A_266 [1] : vector<128x1280xf32> to vector<128xf32>
    %broadcast_in_dim3A_268 = vector.shape_cast %reduce_max3A_267 : vector<128xf32> to vector<128x1xf32>
    %eq3A_269 = vector.broadcast %broadcast_in_dim3A_268 : vector<128x1xf32> to vector<128x1280xf32>
    %eq3A_270 = arith.cmpf oeq, %select_n3A_265, %eq3A_269 : vector<128x1280xf32>
    %jit3A_271 = arith.constant 1073741824 : i32
    %broadcast_in_dim3A_272 = vector.broadcast %jit3A_271 : i32 to vector<128x1280xi32>
    %select_n3A_273 = arith.select %eq3A_270, %iota3A, %broadcast_in_dim3A_272 : vector<128x1280xi1>, vector<128x1280xi32>
    %reduce_min3A_274 = arith.constant dense<2147483647> : vector<128xi32>
    %reduce_min3A_275 = vector.multi_reduction <minsi>, %select_n3A_273, %reduce_min3A_274 [1] : vector<128x1280xi32> to vector<128xi32>
    %broadcast_in_dim3A_276 = vector.shape_cast %reduce_min3A_275 : vector<128xi32> to vector<128x1xi32>
    %eq3A_277 = vector.broadcast %broadcast_in_dim3A_276 : vector<128x1xi32> to vector<128x1280xi32>
    %eq3A_278 = arith.cmpi eq, %iota3A, %eq3A_277 : vector<128x1280xi32>
    %jit3A_279 = arith.constant -3.000000e+38 : f32
    %broadcast_in_dim3A_280 = vector.broadcast %jit3A_279 : f32 to vector<128x1280xf32>
    %select_n3A_281 = arith.select %eq3A_278, %broadcast_in_dim3A_280, %select_n3A_265 : vector<128x1280xi1>, vector<128x1280xf32>
    %reduce_max3A_282 = arith.constant dense<0xFF800000> : vector<128xf32>
    %reduce_max3A_283 = vector.multi_reduction <maximumf>, %select_n3A_281, %reduce_max3A_282 [1] : vector<128x1280xf32> to vector<128xf32>
    %broadcast_in_dim3A_284 = vector.shape_cast %reduce_max3A_283 : vector<128xf32> to vector<128x1xf32>
    %eq3A_285 = vector.broadcast %broadcast_in_dim3A_284 : vector<128x1xf32> to vector<128x1280xf32>
    %eq3A_286 = arith.cmpf oeq, %select_n3A_281, %eq3A_285 : vector<128x1280xf32>
    %jit3A_287 = arith.constant 1073741824 : i32
    %broadcast_in_dim3A_288 = vector.broadcast %jit3A_287 : i32 to vector<128x1280xi32>
    %select_n3A_289 = arith.select %eq3A_286, %iota3A, %broadcast_in_dim3A_288 : vector<128x1280xi1>, vector<128x1280xi32>
    %reduce_min3A_290 = arith.constant dense<2147483647> : vector<128xi32>
    %reduce_min3A_291 = vector.multi_reduction <minsi>, %select_n3A_289, %reduce_min3A_290 [1] : vector<128x1280xi32> to vector<128xi32>
    %broadcast_in_dim3A_292 = vector.shape_cast %reduce_min3A_291 : vector<128xi32> to vector<128x1xi32>
    %eq3A_293 = vector.broadcast %broadcast_in_dim3A_292 : vector<128x1xi32> to vector<128x1280xi32>
    %eq3A_294 = arith.cmpi eq, %iota3A, %eq3A_293 : vector<128x1280xi32>
    %jit3A_295 = arith.constant -3.000000e+38 : f32
    %broadcast_in_dim3A_296 = vector.broadcast %jit3A_295 : f32 to vector<128x1280xf32>
    %select_n3A_297 = arith.select %eq3A_294, %broadcast_in_dim3A_296, %select_n3A_281 : vector<128x1280xi1>, vector<128x1280xf32>
    %reduce_max3A_298 = arith.constant dense<0xFF800000> : vector<128xf32>
    %reduce_max3A_299 = vector.multi_reduction <maximumf>, %select_n3A_297, %reduce_max3A_298 [1] : vector<128x1280xf32> to vector<128xf32>
    %broadcast_in_dim3A_300 = vector.shape_cast %reduce_max3A_299 : vector<128xf32> to vector<128x1xf32>
    %eq3A_301 = vector.broadcast %broadcast_in_dim3A_300 : vector<128x1xf32> to vector<128x1280xf32>
    %eq3A_302 = arith.cmpf oeq, %select_n3A_297, %eq3A_301 : vector<128x1280xf32>
    %jit3A_303 = arith.constant 1073741824 : i32
    %broadcast_in_dim3A_304 = vector.broadcast %jit3A_303 : i32 to vector<128x1280xi32>
    %select_n3A_305 = arith.select %eq3A_302, %iota3A, %broadcast_in_dim3A_304 : vector<128x1280xi1>, vector<128x1280xi32>
    %reduce_min3A_306 = arith.constant dense<2147483647> : vector<128xi32>
    %reduce_min3A_307 = vector.multi_reduction <minsi>, %select_n3A_305, %reduce_min3A_306 [1] : vector<128x1280xi32> to vector<128xi32>
    %broadcast_in_dim3A_308 = vector.shape_cast %reduce_min3A_307 : vector<128xi32> to vector<128x1xi32>
    %broadcast_in_dim3A_309 = arith.constant 0 : i32
    %broadcast_in_dim3A_310 = vector.broadcast %broadcast_in_dim3A_309 : i32 to vector<128x112xi32>
    %concatenate3A = tpu.concatenate %broadcast_in_dim3A_68, %broadcast_in_dim3A_84, %broadcast_in_dim3A_100, %broadcast_in_dim3A_116, %broadcast_in_dim3A_132, %broadcast_in_dim3A_148, %broadcast_in_dim3A_164, %broadcast_in_dim3A_180, %broadcast_in_dim3A_196, %broadcast_in_dim3A_212, %broadcast_in_dim3A_228, %broadcast_in_dim3A_244, %broadcast_in_dim3A_260, %broadcast_in_dim3A_276, %broadcast_in_dim3A_292, %broadcast_in_dim3A_308, %broadcast_in_dim3A_310 in 1 : vector<128x1xi32>, vector<128x1xi32>, vector<128x1xi32>, vector<128x1xi32>, vector<128x1xi32>, vector<128x1xi32>, vector<128x1xi32>, vector<128x1xi32>, vector<128x1xi32>, vector<128x1xi32>, vector<128x1xi32>, vector<128x1xi32>, vector<128x1xi32>, vector<128x1xi32>, vector<128x1xi32>, vector<128x1xi32>, vector<128x112xi32> -> vector<128x128xi32>
    %swap3A = arith.constant 0 : index
    %swap3A_311 = arith.constant 0 : index
    %swap3A_312 = arith.constant 0 : index
    %swap3A_313 = vector.load %arg4[%swap3A, %swap3A_311, %swap3A_312] : memref<1x128x128xi32, #tpu.memory_space<vmem>>, vector<1x128x128xi32>
    %swap3A_314 = vector.shape_cast %swap3A_313 : vector<1x128x128xi32> to vector<128x128xi32>
    %swap3A_315 = vector.shape_cast %concatenate3A : vector<128x128xi32> to vector<1x128x128xi32>
    tpu.vector_store %arg4[%swap3A, %swap3A_311, %swap3A_312], %swap3A_315 {strides = array<i32>} : memref<1x128x128xi32, #tpu.memory_space<vmem>>, vector<1x128x128xi32>,
    return
  }
  func.func @transform_0(%arg0: i32, %arg1: i32) -> (i32, i32, i32) {
    %c0_i32 = arith.constant 0 : i32
    %c0_i32_0 = arith.constant 0 : i32
    return %arg0, %arg1, %c0_i32 : i32, i32, i32
  }
  func.func @transform_1(%arg0: i32, %arg1: i32) -> (i32, i32, i32) {
    %c0_i32 = arith.constant 0 : i32
    %c0_i32_0 = arith.constant 0 : i32
    %c0_i32_1 = arith.constant 0 : i32
    return %arg0, %c0_i32, %c0_i32_0 : i32, i32, i32
  }
  func.func @transform_2(%arg0: i32, %arg1: i32) -> (i32, i32, i32) {
    %c0_i32 = arith.constant 0 : i32
    %c0_i32_0 = arith.constant 0 : i32
    return %arg0, %arg1, %c0_i32 : i32, i32, i32
  }
}

</mosaic_0001>

<sc_bundles>
// kernel: kernel.12.cloned.1.call-start
scs
__scs_entry_jumppad:
0x0: {  	(pc) =	sbr.rel $0x88, $3  }
0x1: {  	(tag) =	ssettag $0x0;
	lr =	simm.s32 $0x1  }
0x2: {  	[smem:$0x3F95] =	sst lr;
	_ =	strace $0xD0000000  }
0x3: {  	_ = 	snop  }
0x4: {  	_ = 	snop  }
0x5: {  	_ = 	snop  }
0x6: {  	_ = 	snop  }
0x7: {  	_ = 	snop  }
__scs_overlays_trampoline_lowered:
0x8: {  	[smem:$0x3FA4] =	sst s0  }
0x9: {  	[smem:$0x3FA5] =	sst s1  }
0xa: {  	[smem:$0x3FA6] =	sst s2  }
0xb: {  	[smem:$0x3FA7] =	sst s3  }
0xc: {  	[smem:$0x3FA8] =	sst s4  }
0xd: {  	[smem:$0x3FA9] =	sst s5  }
0xe: {  	[smem:$0x3FAA] =	sst s6  }
0xf: {  	[smem:$0x3FAB] =	sst s7  }
0x10: {  	[smem:$0x3FAC] =	sst s8  }
0x11: {  	[smem:$0x3FAD] =	sst s9;
	s0 =	simm.s32 @!p0 $0x0  }
0x12: {  	s1 =	sld [smem:$0x3F93];
	s0 =	simm.s32 @p0 $0x1  }
0x13: {  	[smem:$0x3FAE] =	sst s0;
	s0 =	simm.s32 @!p1 $0x0  }
0x14: {  	s2 =	sld [smem:$0x3F92];
	s0 =	simm.s32 @p1 $0x1  }
0x15: {  	[smem:$0x3FAF] =	sst s0;
	s0 =	simm.s32 @!p2 $0x0  }
0x16: {  	s3 =	sld [smem:$0x3FDB];
	s0 =	simm.s32 @p2 $0x1  }
0x17: {  	s4 =	simm.s32 $0x1BF5;
	[smem:$0x3FB1] =	sst s0  }
0x18: {  	s0 =	sld [smem:$0x3F94];
	_ =	swait.ge [sflag:s4], $0x0  }
0x19: {  	s7 =	sld [smem:$0x3F95]  }
0x1a: {  	s8 =	sadd.s32 $0xFFFFE003, lr  }
0x1b: {  	s9 =	sadd.s32 $0xFFFFFEF7, lr;
	s5 =	simm.s32 $0xFFFFFFFF;
	p2 =	slt.u32 s8, $0xFFFFF086  }
0x1c: {  	p1 =	slt.u32 s9, $0xF7A;
	s5 =	simm.s32 @!p2 $0x0  }
0x1d: {  	s5 =	simm.s32 @p1 $0x1;
	p0 =	seq.s32 s7, s2  }
0x1e: {  	s7 =	smul.u32 @!p0 $0xF7A, s2;
	p2 =	seq.s32 @!p0 s5, $0x0  }
0x1f: {  	s9 =	smul.u32 $0xF7A, s1;
	s8 =	simm.s32 @!p0 $0x1BF5;
	p2 =	por !p2, p0  }
0x20: {  	[sflag:s8] =	ssyncset.s32 @!p0 $0xFFFFF086;
	s6 =	sadd.s32 @!p0 s3, s7;
	s7 =	simm.s32 @!p0 $0x108  }
0x21: {  	s3 =	sadd.s32 s3, s9;
	s6 =	sadd.s32 @!p0 $0x88, s6;
	s7 =	simm.s32 @p2 $0x1082  }
0x22: {  	[simem:s7], [sflag:s8] =	dma.local @!p0 [hbm:s6], $0xF7A  }
0x23: {  	s9 =	sor.u32 $0xD0000000, s2;
	s6 =	simm.s32 $0x108;
	_ =	swait.ge @!p0 [sflag:s8], $0x0  }
0x24: {  	s3 =	sadd.s32 $0x88, s3;
	s6 =	simm.s32 @!p1 $0x1082;
	[sflag:s4] =	ssyncset.s32 $0xFFFFF086  }
0x25: {  	[simem:s6], [sflag:s4] =	dma.local [hbm:s3], $0xF7A  }
0x26: {  	[smem:$0x3F95] =	sst s1;
	(tag) =	ssettag s2;
	_ =	strace s9  }
0x27: {  	s1 =	sld [smem:$0x3FA5]  }
0x28: {  	s2 =	sld [smem:$0x3FA6]  }
0x29: {  	s4 =	sld [smem:$0x3FA8]  }
0x2a: {  	p0 =	seq.s32 s5, $0x0;
	s5 =	sld [smem:$0x3FA9]  }
0x2b: {  	s6 =	sld [smem:$0x3FAA]  }
0x2c: {  	s7 =	sld [smem:$0x3FAB]  }
0x2d: {  	s3 =	simm.s32 $0x108;
	s8 =	sld [smem:$0x3FAC]  }
0x2e: {  	s3 =	simm.s32 @!p0 $0x1082;
	s9 =	sld [smem:$0x3FAD]  }
0x2f: {  	lr =	sadd.s32 s0, s3;
	s0 =	sld [smem:$0x3FA4]  }
0x30: {  	s3 =	sld [smem:$0x3FA7]  }
0x31: {  	[smem:$0x3FB0] =	sst s10  }
0x32: {  	s10 =	sld [smem:$0x3FAE];
	_ =	sdelay $0x3  }
0x33: {  	p0 =	seq.s32 s10, $0x1;
	s10 =	sld [smem:$0x3FB0];
	_ =	sdelay $0x3  }
0x34: {  	[smem:$0x3FB0] =	sst s10  }
0x35: {  	s10 =	sld [smem:$0x3FAF];
	_ =	sdelay $0x3  }
0x36: {  	p1 =	seq.s32 s10, $0x1;
	s10 =	sld [smem:$0x3FB0];
	_ =	sdelay $0x3  }
0x37: {  	[smem:$0x3FB0] =	sst s10  }
0x38: {  	s10 =	sld [smem:$0x3FB1]  }
0x39: {  	_ = 	snop;
	(pc) =	sbr.ind lr, $3  }
0x3a: {  	_ = 	snop  }
0x3b: {  	_ = 	snop  }
0x3c: {  	p2 =	seq.s32 s10, $0x1;
	s10 =	sld [smem:$0x3FB0]  }
0x3d: {  	_ =	shalt  }
0x3e: {  	_ =	shalt  }
0x3f: {  	_ =	shalt  }
0x40: {  	_ =	shalt  }
0x41: {  	_ =	shalt  }
0x42: {  	_ =	shalt  }
0x43: {  	_ =	shalt  }
0x44: {  	_ =	shalt  }
0x45: {  	_ =	shalt  }
0x46: {  	_ =	shalt  }
0x47: {  	_ =	shalt  }
0x48: {  	_ =	shalt  }
0x49: {  	_ =	shalt  }
0x4a: {  	_ =	shalt  }
0x4b: {  	_ =	shalt  }
0x4c: {  	_ =	shalt  }
0x4d: {  	_ =	shalt  }
0x4e: {  	_ =	shalt  }
0x4f: {  	_ =	shalt  }
0x50: {  	_ =	shalt  }
0x51: {  	_ =	shalt  }
0x52: {  	_ =	shalt  }
0x53: {  	_ =	shalt  }
0x54: {  	_ =	shalt  }
0x55: {  	_ =	shalt  }
0x56: {  	_ =	shalt  }
0x57: {  	_ =	shalt  }
0x58: {  	_ =	shalt  }
0x59: {  	_ =	shalt  }
0x5a: {  	_ =	shalt  }
0x5b: {  	_ =	shalt  }
0x5c: {  	_ =	shalt  }
0x5d: {  	_ =	shalt  }
0x5e: {  	_ =	shalt  }
0x5f: {  	_ =	shalt  }
0x60: {  	_ =	shalt  }
0x61: {  	_ =	shalt  }
0x62: {  	_ =	shalt  }
0x63: {  	_ =	shalt  }
0x64: {  	_ =	shalt  }
0x65: {  	_ =	shalt  }
0x66: {  	_ =	shalt  }
0x67: {  	_ =	shalt  }
0x68: {  	_ =	shalt  }
0x69: {  	_ =	shalt  }
0x6a: {  	_ =	shalt  }
0x6b: {  	_ =	shalt  }
0x6c: {  	_ =	shalt  }
0x6d: {  	_ =	shalt  }
0x6e: {  	_ =	shalt  }
0x6f: {  	_ =	shalt  }
0x70: {  	_ =	shalt  }
0x71: {  	_ =	shalt  }
0x72: {  	_ =	shalt  }
0x73: {  	_ =	shalt  }
0x74: {  	_ =	shalt  }
0x75: {  	_ =	shalt  }
0x76: {  	_ =	shalt  }
0x77: {  	_ =	shalt  }
0x78: {  	_ =	shalt  }
0x79: {  	_ =	shalt  }
0x7a: {  	_ =	shalt  }
0x7b: {  	_ =	shalt  }
0x7c: {  	_ =	shalt  }
0x7d: {  	_ =	shalt  }
0x7e: {  	_ =	shalt  }
0x7f: {  	_ =	shalt  }
0x80: {  	_ =	shalt  }
0x81: {  	_ =	shalt  }
0x82: {  	_ =	shalt  }
0x83: {  	_ =	shalt  }
0x84: {  	_ =	shalt  }
0x85: {  	_ =	shalt  }
0x86: {  	_ =	shalt  }
0x87: {  	_ =	shalt  }
.Lfunc_end0:
.L_simem_size_0:
called_computation_lowered:
.L_overlay_start_0:
0x88: {  	s2 =	sld [smem:$0x3FD9]  }
0x89: {  	s3 =	sld [smem:$0x3FFE];
	_ =	sdelay $0x1  }
0x8a: {  	s1 =	srdreg.scid  }
0x8b: {  	s0 =	sand.u32 $0x1, s1  }
0x8c: {  	s17 =	sshll.u32 s0, $0xA;
	s2 =	sadd.s32 s3, s2  }
0x8d: {  	s2 =	sadd.s32 s2, s17  }
0x8e: {  	[smem:$0x3FBC] =	sst s2  }
0x8f: {  	_ = 	snop  }
0x90: {  	s2 =	sld [smem:$0x3FC7];
	(tm) =	ssettm $0x1  }
0x91: {  	s18 =	sld [smem:$0x3FFB];
	_ =	sdelay $0x3  }
0x92: {  	_ =	strace s18  }
0x93: {  	s3 =	sld [smem:$0x3FFC];
	_ =	sdelay $0x3  }
0x94: {  	_ =	strace s3  }
0x95: {  	s3 =	sld [smem:$0x3FFD];
	_ =	sdelay $0x3  }
0x96: {  	_ =	strace s3  }
0x97: {  	_ =	strace $0x8FFFFFFF  }
0x98: {  	s19 =	sld [smem:$0x3FDB];
	_ =	sdelay $0x1  }
0x99: {  	s4 =	simm.s32 $_scs_section_size  }
0x9a: {  	s5 =	simm.s32 $_size__tile_overlayer_lowered;
	s6 =	simm.s32 $_tile_overlayer_lowered  }
0x9b: {  	s22 =	simm.s32 $0x1BFF;
	s21 =	sshll.u32 s6, $0x1;
	s3 =	sadd.s32 s4, s19  }
0x9c: {  	s7 =	simm.s32 $0x0;
	s20 =	sshll.u32 s5, $0x1;
	s5 =	sadd.s32 s21, s3  }
0x9d: {  	[timem:s7], [sflag:s22] =	dma.local [hbm:s5], s20  }
0x9e: {  	_ =	swait.ge [sflag:s22], s20  }
0x9f: {  	s4 =	ssub.s32 $0x0, s20;
	[sflag:s22] =	ssyncset.done $0x0  }
0xa0: {  	[sflag:s22] =	ssyncadd.s32 s4;
	_ =	sdelay $0x1  }
0xa1: {  	s23 =	simm.s32 $0x1B8B  }
0xa2: {  	_ =	swait.ge [sflag:s23], $0x1  }
0xa3: {  	[sflag:s23] =	ssyncset.done $0x0  }
0xa4: {  	s25 =	simm.s32 $0x1B8E;
	s24 =	sld [smem:$0x3FFE];
	[sflag:s23] =	ssyncadd.s32 $0xFFFFFFFF  }
0xa5: {  	s26 =	simm.s32 $execute0_lowered;
	[smem:$0x3FD2] =	sst s25  }
0xa6: {  	s5 =	sshll.u32 s26, $0x1;
	_ =	strace $0x80000046;
	[dreg:$0x1] =	wrdreg $0xFFFFFFFF  }
0xa7: {  	s28 =	simm.s32 $_size_execute0_lowered;
	s3 =	sadd.s32 s3, s5;
	[dreg:$0x0] =	wrdreg $0x0  }
0xa8: {  	s5 =	sshll.u32 s28, $0x1;
	[dreg:$0x2] =	wrdreg s3  }
0xa9: {  	[dreg:$0x3] =	wrdreg s5  }
0xaa: {  	[dreg:$0x4] =	wrdreg $0xC0  }
0xab: {  	_ =	task [dreg:s7], $0x5FFFF  }
0xac: {  	[dreg:$0x1] =	wrdreg $0xFFFFFFFF  }
0xad: {  	[dreg:$0x0] =	wrdreg $0x60  }
0xae: {  	[dreg:$0x2] =	wrdreg s2  }
0xaf: {  	[dreg:$0x3] =	wrdreg s24  }
0xb0: {  	[dreg:$0x4] =	wrdreg $0xA  }
0xb1: {  	_ =	task.clear_ibuf [dreg:s7], $0x5FFFF;
	_ =	strace $0x90000046  }
0xb2: {  	s29 =	simm.s32 $0xA;
	_ =	strace $0x80000048  }
0xb3: {  	_ =	swait.ge [sflag:s29], $0x1  }
0xb4: {  	[sflag:s29] =	ssyncadd.s32 $0xFFFFFFFF  }
0xb5: {  	_ =	strace $0x90000048  }
0xb6: {  	_ =	sfence  }
0xb7: {  	s30 =	sld [smem:$0x0];
	_ =	sdelay $0x2  }
0xb8: {  	s31 =	sshll.u32 s1, $0xD;
	s1 =	sshrl.u32 s1, $0x2  }
0xb9: {  	s3 =	sand.u32 $0x4000, s31;
	s1 =	sadd.s32 s1, s30  }
0xba: {  	s0 =	sor.u32 s3, s0;
	s1 =	sshll.u32 s1, $0x11  }
0xbb: {  	s0 =	sor.u32 s1, s0  }
0xbc: {  	s0 =	sadd.s32 $0x8F2B, s0  }
0xbd: {  	[sflag:s0] =	ssyncadd.remote.s32 $0x1  }
0xbe: {  	_ =	sfence.sel $0xFFFF  }
0xbf: {  	[dreg:$0x0] =	wrdreg $0xFFFFFFFF;
	(pc) =	sbr.abs _section_cstart, $3  }
0xc0: {  	[dreg:$0x1] =	wrdreg $0xFFFFFFFF  }
0xc1: {  	_ =	task.clear_ibuf [dreg:s7], $0x2FFFF;
	_ =	strace $0x9FFFFFFF  }
0xc2: {  	(tm) =	ssettm $0x7FFFFFFF  }
0xc3: {  	_ =	shalt  }
tec
execute0_lowered:
.L_overlay_start_1:
0x0: {  	(tag) =	ssettag $0x1  }
0x1: {  	s1 =	srdreg.scid;
	s0 =	stileid.u32  }
0x2: {  	s16 =	sand.u32 $0x1, s1;
	s29 =	sshll.u32 s0, $0x1  }
0x3: {  	s2 =	rddreg [dreg:$0x0];
	s17 =	sor.u32 s16, s29  }
0x4: {  	s18 =	rddreg [dreg:$0x1];
	s4 =	smul.u32 $0x28, s17  }
0x5: {  	s3 =	simm.s32 $0x0;
	s1 =	rddreg [dreg:$0x2]  }
0x6: {  	[smem:$0x7FF] =	sst s3;
	s4 =	sadd.s32 s4, s18  }
0x7: {  	_ =	strace $0x80000047;
	s5 =	sadd.s32 $0x9A00, s4;
	s4 =	simm.s32 $0x2  }
0x8: {  	[tilespmem:s3], [sflag:$0x2] =	stream.linear.gather [hbm4b:s5+s3], $0x140, $0x38;
	[tilespmem:$0xA180] =	vst v63  }
0x9: {  	_ =	swait.ge [sflag:s4], $0x140  }
0xa: {  	[sflag:s4] =	ssyncset.done $0x0  }
0xb: {  	s6 =	simm.s32 $0x40;
	s7 =	simm.s32 $0x180;
	[sflag:s4] =	ssyncadd.s32 $0xFFFFFEC0  }
0xc: {  	[tilespmem:s7], [sflag:$0x1] =	stream.indirect.gather [hbm4b:s2+s6], $0x80, s3, s6, $0xb8;
	[tilespmem:$0xA180] =	vst v63  }
0xd: {  	s8 =	simm.s32 $0x2180  }
0xe: {  	[tilespmem:s8], [sflag:$0x1] =	stream.indirect.gather [hbm4b:s2+s6], $0x80, s6, s6, $0xb8;
	[tilespmem:$0xA180] =	vst v63  }
0xf: {  	s9 =	simm.s32 $0x80;
	s10 =	simm.s32 $0x4180  }
0x10: {  	[tilespmem:s10], [sflag:$0x1] =	stream.indirect.gather [hbm4b:s2+s6], $0x80, s9, s6, $0xb8;
	[tilespmem:$0xA180] =	vst v63  }
0x11: {  	s11 =	simm.s32 $0xC0;
	s12 =	simm.s32 $0x6180  }
0x12: {  	[tilespmem:s12], [sflag:$0x1] =	stream.indirect.gather [hbm4b:s2+s6], $0x80, s11, s6, $0xb8;
	[tilespmem:$0xA180] =	vst v63  }
0x13: {  	s13 =	simm.s32 $0x100;
	s14 =	simm.s32 $0x8180;
	s15 =	simm.s32 $0x1  }
0x14: {  	[tilespmem:s14], [sflag:$0x1] =	stream.indirect.gather [hbm4b:s2+s6], $0x80, s13, s6, $0xb8;
	[tilespmem:$0xA180] =	vst v63  }
0x15: {  	_ =	swait.ge [sflag:s15], $0x2000  }
0x16: {  	[sflag:s15] =	ssyncset.done $0x0  }
0x17: {  	[sflag:s15] =	ssyncadd.s32 $0xFFFFE000  }
0x18: {  	_ =	swait.ge [sflag:s15], $0x2000  }
0x19: {  	[sflag:s15] =	ssyncset.done $0x0  }
0x1a: {  	[sflag:s15] =	ssyncadd.s32 $0xFFFFE000  }
0x1b: {  	_ =	swait.ge [sflag:s15], $0x2000  }
0x1c: {  	[sflag:s15] =	ssyncset.done $0x0  }
0x1d: {  	s16 =	ssub.s32 $0x2, s16;
	[sflag:s15] =	ssyncadd.s32 $0xFFFFE000  }
0x1e: {  	s19 =	sshrl.u32 s16, $0x1;
	_ =	swait.ge [sflag:s15], $0x2000  }
0x1f: {  	s30 =	ssub.s32 s16, s19;
	[sflag:s15] =	ssyncset.done $0x0  }
0x20: {  	s17 =	smul.u32 $0x1400, s17;
	s31 =	smax.u32 s30, $0x1;
	[sflag:s15] =	ssyncadd.s32 $0xFFFFE000  }
0x21: {  	p0 =	sne.s32 s31, $0x1;
	_ =	swait.ge [sflag:s15], $0x2000  }
.Ltmp0:
0x22: {  	s17 =	sadd.s32 s17, s18;
	[sflag:s15] =	ssyncset.done $0x0;
	(pc) =	sbr.rel @!p0 .LBB2_2-.Ltmp0, $4  }
0x23: {  	s16 =	sadd.s32 $0xA000, s17;
	[sflag:s15] =	ssyncadd.s32 $0xFFFFE000  }
0x24: {  	[hbm4b:s16+s3] =	stream.linear.scatter [tilespmem:s7], [sflag:$0x2], $0xA000, $0x38;
	[tilespmem:$0xA180] =	vst v63  }
0x25: {  	_ =	swait.ge [sflag:s4], $0xA000  }
0x26: {  	s17 =	sadd.s32 $0xFFFFFFFF, s31;
	[sflag:s4] =	ssyncset.done $0x0  }
.LBB2_1:
0x27: {  	p0 =	sne.s32 s17, $0x1;
	s17 =	sadd.s32 $0xFFFFFFFF, s17;
	[sflag:s4] =	ssyncadd.s32 $0xFFFF6000  }
0x28: {  	[tilespmem:s3], [sflag:$0x2] =	stream.linear.gather [hbm4b:s5+s3], $0x140, $0x38;
	[tilespmem:$0xA180] =	vst v63  }
0x29: {  	_ =	swait.ge [sflag:s4], $0x140  }
0x2a: {  	[sflag:s4] =	ssyncset.done $0x0  }
0x2b: {  	[sflag:s4] =	ssyncadd.s32 $0xFFFFFEC0  }
0x2c: {  	[tilespmem:s7], [sflag:$0x1] =	stream.indirect.gather [hbm4b:s2+s6], $0x80, s3, s6, $0xb8;
	[tilespmem:$0xA180] =	vst v63  }
0x2d: {  	_ = 	snop  }
0x2e: {  	[tilespmem:s8], [sflag:$0x1] =	stream.indirect.gather [hbm4b:s2+s6], $0x80, s6, s6, $0xb8;
	[tilespmem:$0xA180] =	vst v63  }
0x2f: {  	_ = 	snop  }
0x30: {  	[tilespmem:s10], [sflag:$0x1] =	stream.indirect.gather [hbm4b:s2+s6], $0x80, s9, s6, $0xb8;
	[tilespmem:$0xA180] =	vst v63  }
0x31: {  	_ = 	snop  }
0x32: {  	[tilespmem:s12], [sflag:$0x1] =	stream.indirect.gather [hbm4b:s2+s6], $0x80, s11, s6, $0xb8;
	[tilespmem:$0xA180] =	vst v63  }
0x33: {  	_ = 	snop  }
0x34: {  	[tilespmem:s14], [sflag:$0x1] =	stream.indirect.gather [hbm4b:s2+s6], $0x80, s13, s6, $0xb8;
	[tilespmem:$0xA180] =	vst v63  }
0x35: {  	_ =	swait.ge [sflag:s15], $0x2000  }
0x36: {  	[sflag:s15] =	ssyncset.done $0x0  }
0x37: {  	[sflag:s15] =	ssyncadd.s32 $0xFFFFE000  }
0x38: {  	_ =	swait.ge [sflag:s15], $0x2000  }
0x39: {  	[sflag:s15] =	ssyncset.done $0x0  }
0x3a: {  	[sflag:s15] =	ssyncadd.s32 $0xFFFFE000  }
0x3b: {  	_ =	swait.ge [sflag:s15], $0x2000  }
0x3c: {  	[sflag:s15] =	ssyncset.done $0x0  }
0x3d: {  	[sflag:s15] =	ssyncadd.s32 $0xFFFFE000  }
0x3e: {  	_ =	swait.ge [sflag:s15], $0x2000  }
0x3f: {  	[sflag:s15] =	ssyncset.done $0x0  }
0x40: {  	[sflag:s15] =	ssyncadd.s32 $0xFFFFE000  }
0x41: {  	_ =	swait.ge [sflag:s15], $0x2000  }
.Ltmp1:
0x42: {  	[sflag:s15] =	ssyncset.done $0x0;
	(pc) =	sbr.rel @p0 .LBB2_1-.Ltmp1, $4  }
0x43: {  	[sflag:s15] =	ssyncadd.s32 $0xFFFFE000  }
0x44: {  	[hbm4b:s16+s3] =	stream.linear.scatter [tilespmem:s7], [sflag:$0x2], $0xA000, $0x38;
	[tilespmem:$0xA180] =	vst v63  }
0x45: {  	_ =	swait.ge [sflag:s4], $0xA000  }
0x46: {  	[sflag:s4] =	ssyncset.done $0x0  }
.LBB2_2:
0x47: {  	[sflag:s4] =	ssyncadd.s32 $0xFFFF6000  }
0x48: {  	_ =	sfence.sel $0x180000  }
0x49: {  	[bflag:$0x0] =	sbarrier.arrive $0xFFFF  }
0x4a: {  	p0 =	sne.s32 s0, $0x0;
	_ =	strace $0x90000047  }
0x4b: {  	s0 =	sadd.s32 @!p0 $0x100000, s1;
	[bflag:$0x2] =	sbarrier.arrive $0xFFFF  }
0x4c: {  	[sflag:s0] =	ssyncadd.tile.s32 @!p0 $0x1;
	_ =	shalt  }
.Lfunc_end2:
_tile_overlayer_lowered:
.L_overlay_start_2:
0x4d: {  	(tag) =	ssettag $0x2  }
0x4e: {  	s0 =	rddreg [dreg:$0x0];
	s2 =	stileid.u32  }
0x4f: {  	s1 =	rddreg [dreg:$0x1];
	p0 =	sne.s32 s2, $0x0  }
0x50: {  	s3 =	rddreg [dreg:$0x2];
	[bflag:$0x3] =	sbarrier.arrive $0xFFFF;
	s2 =	simm.s32 @!p0 $0x1C02  }
0x51: {  	[timem:s3], [sflag:s2] =	dma.local @!p0 [hbm:s0], s1  }
0x52: {  	s0 =	simm.s32 @!p0 $0x2  }
0x53: {  	_ =	swait.ge @!p0 [sflag:s0], s1  }
0x54: {  	s1 =	ssub.s32 @!p0 $0x0, s1;
	[sflag:s0] =	ssyncset.done @!p0 $0x0  }
0x55: {  	[sflag:s0] =	ssyncadd.s32 @!p0 s1  }
0x56: {  	[bflag:$0x3] =	sbarrier.arrive $0xFFFF  }
0x57: {  	_ =	shalt  }

// kernel: kernel.15.cloned.1.call-start
scs
__scs_entry_jumppad:
0x0: {  	(pc) =	sbr.rel $0x88, $3  }
0x1: {  	(tag) =	ssettag $0x0;
	lr =	simm.s32 $0x1  }
0x2: {  	[smem:$0x3F95] =	sst lr;
	_ =	strace $0xD0000000  }
0x3: {  	_ = 	snop  }
0x4: {  	_ = 	snop  }
0x5: {  	_ = 	snop  }
0x6: {  	_ = 	snop  }
0x7: {  	_ = 	snop  }
__scs_overlays_trampoline_lowered:
0x8: {  	[smem:$0x3FA4] =	sst s0  }
0x9: {  	[smem:$0x3FA5] =	sst s1  }
0xa: {  	[smem:$0x3FA6] =	sst s2  }
0xb: {  	[smem:$0x3FA7] =	sst s3  }
0xc: {  	[smem:$0x3FA8] =	sst s4  }
0xd: {  	[smem:$0x3FA9] =	sst s5  }
0xe: {  	[smem:$0x3FAA] =	sst s6  }
0xf: {  	[smem:$0x3FAB] =	sst s7  }
0x10: {  	[smem:$0x3FAC] =	sst s8  }
0x11: {  	[smem:$0x3FAD] =	sst s9;
	s0 =	simm.s32 @!p0 $0x0  }
0x12: {  	s1 =	sld [smem:$0x3F93];
	s0 =	simm.s32 @p0 $0x1  }
0x13: {  	[smem:$0x3FAE] =	sst s0;
	s0 =	simm.s32 @!p1 $0x0  }
0x14: {  	s2 =	sld [smem:$0x3F92];
	s0 =	simm.s32 @p1 $0x1  }
0x15: {  	[smem:$0x3FAF] =	sst s0;
	s0 =	simm.s32 @!p2 $0x0  }
0x16: {  	s3 =	sld [smem:$0x3FDB];
	s0 =	simm.s32 @p2 $0x1  }
0x17: {  	s4 =	simm.s32 $0x1BF5;
	[smem:$0x3FB1] =	sst s0  }
0x18: {  	s0 =	sld [smem:$0x3F94];
	_ =	swait.ge [sflag:s4], $0x0  }
0x19: {  	s7 =	sld [smem:$0x3F95]  }
0x1a: {  	s8 =	sadd.s32 $0xFFFFE003, lr  }
0x1b: {  	s9 =	sadd.s32 $0xFFFFFEF7, lr;
	s5 =	simm.s32 $0xFFFFFFFF;
	p2 =	slt.u32 s8, $0xFFFFF086  }
0x1c: {  	p1 =	slt.u32 s9, $0xF7A;
	s5 =	simm.s32 @!p2 $0x0  }
0x1d: {  	s5 =	simm.s32 @p1 $0x1;
	p0 =	seq.s32 s7, s2  }
0x1e: {  	s7 =	smul.u32 @!p0 $0xF7A, s2;
	p2 =	seq.s32 @!p0 s5, $0x0  }
0x1f: {  	s9 =	smul.u32 $0xF7A, s1;
	s8 =	simm.s32 @!p0 $0x1BF5;
	p2 =	por !p2, p0  }
0x20: {  	[sflag:s8] =	ssyncset.s32 @!p0 $0xFFFFF086;
	s6 =	sadd.s32 @!p0 s3, s7;
	s7 =	simm.s32 @!p0 $0x108  }
0x21: {  	s3 =	sadd.s32 s3, s9;
	s6 =	sadd.s32 @!p0 $0x88, s6;
	s7 =	simm.s32 @p2 $0x1082  }
0x22: {  	[simem:s7], [sflag:s8] =	dma.local @!p0 [hbm:s6], $0xF7A  }
0x23: {  	s9 =	sor.u32 $0xD0000000, s2;
	s6 =	simm.s32 $0x108;
	_ =	swait.ge @!p0 [sflag:s8], $0x0  }
0x24: {  	s3 =	sadd.s32 $0x88, s3;
	s6 =	simm.s32 @!p1 $0x1082;
	[sflag:s4] =	ssyncset.s32 $0xFFFFF086  }
0x25: {  	[simem:s6], [sflag:s4] =	dma.local [hbm:s3], $0xF7A  }
0x26: {  	[smem:$0x3F95] =	sst s1;
	(tag) =	ssettag s2;
	_ =	strace s9  }
0x27: {  	s1 =	sld [smem:$0x3FA5]  }
0x28: {  	s2 =	sld [smem:$0x3FA6]  }
0x29: {  	s4 =	sld [smem:$0x3FA8]  }
0x2a: {  	p0 =	seq.s32 s5, $0x0;
	s5 =	sld [smem:$0x3FA9]  }
0x2b: {  	s6 =	sld [smem:$0x3FAA]  }
0x2c: {  	s7 =	sld [smem:$0x3FAB]  }
0x2d: {  	s3 =	simm.s32 $0x108;
	s8 =	sld [smem:$0x3FAC]  }
0x2e: {  	s3 =	simm.s32 @!p0 $0x1082;
	s9 =	sld [smem:$0x3FAD]  }
0x2f: {  	lr =	sadd.s32 s0, s3;
	s0 =	sld [smem:$0x3FA4]  }
0x30: {  	s3 =	sld [smem:$0x3FA7]  }
0x31: {  	[smem:$0x3FB0] =	sst s10  }
0x32: {  	s10 =	sld [smem:$0x3FAE];
	_ =	sdelay $0x3  }
0x33: {  	p0 =	seq.s32 s10, $0x1;
	s10 =	sld [smem:$0x3FB0];
	_ =	sdelay $0x3  }
0x34: {  	[smem:$0x3FB0] =	sst s10  }
0x35: {  	s10 =	sld [smem:$0x3FAF];
	_ =	sdelay $0x3  }
0x36: {  	p1 =	seq.s32 s10, $0x1;
	s10 =	sld [smem:$0x3FB0];
	_ =	sdelay $0x3  }
0x37: {  	[smem:$0x3FB0] =	sst s10  }
0x38: {  	s10 =	sld [smem:$0x3FB1]  }
0x39: {  	_ = 	snop;
	(pc) =	sbr.ind lr, $3  }
0x3a: {  	_ = 	snop  }
0x3b: {  	_ = 	snop  }
0x3c: {  	p2 =	seq.s32 s10, $0x1;
	s10 =	sld [smem:$0x3FB0]  }
0x3d: {  	_ =	shalt  }
0x3e: {  	_ =	shalt  }
0x3f: {  	_ =	shalt  }
0x40: {  	_ =	shalt  }
0x41: {  	_ =	shalt  }
0x42: {  	_ =	shalt  }
0x43: {  	_ =	shalt  }
0x44: {  	_ =	shalt  }
0x45: {  	_ =	shalt  }
0x46: {  	_ =	shalt  }
0x47: {  	_ =	shalt  }
0x48: {  	_ =	shalt  }
0x49: {  	_ =	shalt  }
0x4a: {  	_ =	shalt  }
0x4b: {  	_ =	shalt  }
0x4c: {  	_ =	shalt  }
0x4d: {  	_ =	shalt  }
0x4e: {  	_ =	shalt  }
0x4f: {  	_ =	shalt  }
0x50: {  	_ =	shalt  }
0x51: {  	_ =	shalt  }
0x52: {  	_ =	shalt  }
0x53: {  	_ =	shalt  }
0x54: {  	_ =	shalt  }
0x55: {  	_ =	shalt  }
0x56: {  	_ =	shalt  }
0x57: {  	_ =	shalt  }
0x58: {  	_ =	shalt  }
0x59: {  	_ =	shalt  }
0x5a: {  	_ =	shalt  }
0x5b: {  	_ =	shalt  }
0x5c: {  	_ =	shalt  }
0x5d: {  	_ =	shalt  }
0x5e: {  	_ =	shalt  }
0x5f: {  	_ =	shalt  }
0x60: {  	_ =	shalt  }
0x61: {  	_ =	shalt  }
0x62: {  	_ =	shalt  }
0x63: {  	_ =	shalt  }
0x64: {  	_ =	shalt  }
0x65: {  	_ =	shalt  }
0x66: {  	_ =	shalt  }
0x67: {  	_ =	shalt  }
0x68: {  	_ =	shalt  }
0x69: {  	_ =	shalt  }
0x6a: {  	_ =	shalt  }
0x6b: {  	_ =	shalt  }
0x6c: {  	_ =	shalt  }
0x6d: {  	_ =	shalt  }
0x6e: {  	_ =	shalt  }
0x6f: {  	_ =	shalt  }
0x70: {  	_ =	shalt  }
0x71: {  	_ =	shalt  }
0x72: {  	_ =	shalt  }
0x73: {  	_ =	shalt  }
0x74: {  	_ =	shalt  }
0x75: {  	_ =	shalt  }
0x76: {  	_ =	shalt  }
0x77: {  	_ =	shalt  }
0x78: {  	_ =	shalt  }
0x79: {  	_ =	shalt  }
0x7a: {  	_ =	shalt  }
0x7b: {  	_ =	shalt  }
0x7c: {  	_ =	shalt  }
0x7d: {  	_ =	shalt  }
0x7e: {  	_ =	shalt  }
0x7f: {  	_ =	shalt  }
0x80: {  	_ =	shalt  }
0x81: {  	_ =	shalt  }
0x82: {  	_ =	shalt  }
0x83: {  	_ =	shalt  }
0x84: {  	_ =	shalt  }
0x85: {  	_ =	shalt  }
0x86: {  	_ =	shalt  }
0x87: {  	_ =	shalt  }
.Lfunc_end0:
.L_simem_size_0:
called_computation.1_lowered:
.L_overlay_start_0:
0x88: {  	s2 =	sld [smem:$0x3FD9]  }
0x89: {  	s3 =	sld [smem:$0x3FFE];
	_ =	sdelay $0x1  }
0x8a: {  	s1 =	srdreg.scid  }
0x8b: {  	s0 =	sand.u32 $0x1, s1  }
0x8c: {  	s17 =	sshll.u32 s0, $0xA;
	s2 =	sadd.s32 s3, s2  }
0x8d: {  	s2 =	sadd.s32 s2, s17  }
0x8e: {  	[smem:$0x3FBC] =	sst s2  }
0x8f: {  	_ = 	snop  }
0x90: {  	(tm) =	ssettm $0x1  }
0x91: {  	s18 =	sld [smem:$0x3FFB];
	_ =	sdelay $0x3  }
0x92: {  	_ =	strace s18  }
0x93: {  	s2 =	sld [smem:$0x3FFC];
	_ =	sdelay $0x3  }
0x94: {  	_ =	strace s2  }
0x95: {  	s2 =	sld [smem:$0x3FFD];
	_ =	sdelay $0x3  }
0x96: {  	_ =	strace s2  }
0x97: {  	_ =	strace $0x8FFFFFFF  }
0x98: {  	s19 =	sld [smem:$0x3FDB];
	_ =	sdelay $0x1  }
0x99: {  	s20 =	simm.s32 $_scs_section_size  }
0x9a: {  	s4 =	simm.s32 $_size__tile_overlayer_lowered;
	s5 =	simm.s32 $_tile_overlayer_lowered  }
0x9b: {  	s6 =	simm.s32 $0x1BFF;
	s21 =	sshll.u32 s5, $0x1;
	s3 =	sadd.s32 s20, s19  }
0x9c: {  	s22 =	simm.s32 $0x0;
	s4 =	sshll.u32 s4, $0x1;
	s5 =	sadd.s32 s21, s3  }
0x9d: {  	[timem:s22], [sflag:s6] =	dma.local [hbm:s5], s4  }
0x9e: {  	_ =	swait.ge [sflag:s6], s4  }
0x9f: {  	s4 =	ssub.s32 $0x0, s4;
	[sflag:s6] =	ssyncset.done $0x0  }
0xa0: {  	[sflag:s6] =	ssyncadd.s32 s4;
	_ =	sdelay $0x1  }
0xa1: {  	s23 =	simm.s32 $0x1B8B  }
0xa2: {  	_ =	swait.ge [sflag:s23], $0x1  }
0xa3: {  	[sflag:s23] =	ssyncset.done $0x0  }
0xa4: {  	[sflag:s23] =	ssyncadd.s32 $0xFFFFFFFF  }
0xa5: {  	s4 =	sld [smem:$0x0]  }
0xa6: {  	s5 =	sand.u32 $0xFFFFFFFE, s1  }
0xa7: {  	p0 =	sne.s32 s1, s5  }
0xa8: {  	s5 =	sshll.u32 @p0 s5, $0xE  }
0xa9: {  	s5 =	sadd.s32 @p0 $0x11B8D, s5;
	s6 =	sshll.u32 @p0 s4, $0x11  }
0xaa: {  	s5 =	sor.u32 @p0 s6, s5  }
0xab: {  	[sflag:s5] =	ssyncadd.remote.s32 @p0 $0x1;
	_ =	sdelay $0x1  }
0xac: {  	s5 =	simm.s32 @p0 $0x1B8D  }
0xad: {  	_ =	swait.eq @p0 [sflag:s5], $0x1  }
0xae: {  	[sflag:s5] =	ssyncadd.s32 @p0 $0xFFFFFFFF  }
0xaf: {  	s6 =	sshll.u32 @!p0 s1, $0xE  }
0xb0: {  	s6 =	sor.u32 @!p0 $0x4000, s6;
	s5 =	simm.s32 @!p0 $0x1B8D  }
0xb1: {  	s4 =	sshll.u32 @!p0 s4, $0x11;
	s6 =	sadd.s32 @!p0 $0x11B8D, s6;
	_ =	swait.eq @!p0 [sflag:s5], $0x1  }
0xb2: {  	s4 =	sor.u32 @!p0 s4, s6;
	[sflag:s5] =	ssyncadd.s32 @!p0 $0xFFFFFFFF  }
0xb3: {  	s25 =	simm.s32 $0x1B8E;
	s24 =	sld [smem:$0x3FFE];
	[sflag:s4] =	ssyncadd.remote.s32 @!p0 $0x1  }
0xb4: {  	s26 =	simm.s32 $execute0_lowered;
	[smem:$0x3FD2] =	sst s25  }
0xb5: {  	s5 =	sshll.u32 s26, $0x1;
	_ =	strace $0x8000004C;
	[dreg:$0x1] =	wrdreg $0xFFFFFFFF  }
0xb6: {  	s28 =	simm.s32 $_size_execute0_lowered;
	s3 =	sadd.s32 s3, s5;
	[dreg:$0x0] =	wrdreg $0x0  }
0xb7: {  	s5 =	sshll.u32 s28, $0x1;
	[dreg:$0x2] =	wrdreg s3  }
0xb8: {  	[dreg:$0x3] =	wrdreg s5  }
0xb9: {  	[dreg:$0x4] =	wrdreg $0xC0  }
0xba: {  	_ =	task [dreg:s22], $0x5FFFF  }
0xbb: {  	[dreg:$0x1] =	wrdreg $0xFFFFFFFF  }
0xbc: {  	[dreg:$0x0] =	wrdreg $0x60  }
0xbd: {  	[dreg:$0x2] =	wrdreg s24  }
0xbe: {  	[dreg:$0x3] =	wrdreg $0xA  }
0xbf: {  	_ =	task.clear_ibuf [dreg:s22], $0x4FFFF;
	_ =	strace $0x9000004C  }
0xc0: {  	s29 =	simm.s32 $0xA;
	_ =	strace $0x8000004E  }
0xc1: {  	_ =	swait.ge [sflag:s29], $0x1  }
0xc2: {  	[sflag:s29] =	ssyncadd.s32 $0xFFFFFFFF  }
0xc3: {  	_ =	strace $0x9000004E  }
0xc4: {  	_ =	sfence  }
0xc5: {  	s30 =	sld [smem:$0x0];
	_ =	sdelay $0x2  }
0xc6: {  	s31 =	sshll.u32 s1, $0xD;
	s1 =	sshrl.u32 s1, $0x2  }
0xc7: {  	s4 =	sand.u32 $0x4000, s31;
	s1 =	sadd.s32 s1, s30  }
0xc8: {  	s0 =	sor.u32 s4, s0;
	s1 =	sshll.u32 s1, $0x11  }
0xc9: {  	s0 =	sor.u32 s1, s0  }
0xca: {  	s0 =	sadd.s32 $0x8F2B, s0  }
0xcb: {  	[sflag:s0] =	ssyncadd.remote.s32 $0x1  }
0xcc: {  	_ =	sfence.sel $0xFFFF  }
0xcd: {  	[dreg:$0x0] =	wrdreg $0xFFFFFFFF;
	(pc) =	sbr.abs _section_cstart, $3  }
0xce: {  	[dreg:$0x1] =	wrdreg $0xFFFFFFFF  }
0xcf: {  	_ =	task.clear_ibuf [dreg:s22], $0x2FFFF;
	_ =	strace $0x9FFFFFFF  }
0xd0: {  	(tm) =	ssettm $0x7FFFFFFF  }
0xd1: {  	_ =	shalt  }
tec
execute0_lowered:
.L_overlay_start_1:
0x0: {  	(tag) =	ssettag $0x1  }
0x1: {  	s4 =	rddreg [dreg:$0x0]  }
0x2: {  	s0 =	rddreg [dreg:$0x1];
	s2 =	simm.s32 $0x0;
	s3 =	srdreg.scid  }
0x3: {  	s1 =	stileid.u32;
	s10 =	simm.s32 $0x4200;
	s11 =	simm.s32 $0x100  }
0x4: {  	s12 =	simm.s32 $0x8200;
	s13 =	simm.s32 $0x180;
	s14 =	simm.s32 $0xC200  }
0x5: {  	s15 =	simm.s32 $0x1;
	s16 =	simm.s32 $0x0;
	s6 =	smul.u32 $0x2800, s1  }
0x6: {  	[smem:$0x7FF] =	sst s2;
	s5 =	sand.u32 $0x1, s3;
	s8 =	smul.u32 $0x28000, s1  }
0x7: {  	s3 =	sadd.s32 $0x4C400, s4;
	s7 =	smul.u32 $0x1400, s5;
	s9 =	ssub.s32 $0x2, s5  }
0x8: {  	_ =	strace $0x8000004D;
	s5 =	smul.u32 $0x14000, s5;
	s31 =	sshrl.u32 s9, $0x1  }
0x9: {  	s8 =	sadd.s32 s8, s4;
	s6 =	sadd.s32 s7, s6;
	s7 =	ssub.s32 s9, s31  }
0xa: {  	s5 =	sadd.s32 s5, s8;
	s8 =	simm.s32 $0x80;
	s6 =	sshrl.u32 s6, $0x3  }
0xb: {  	s9 =	simm.s32 $0x200;
	s5 =	sadd.s32 $0x73600, s5;
	s6 =	sadd.s32 s6, s4  }
0xc: {  	s4 =	smax.u32 s7, $0x1;
	s7 =	simm.s32 $0x2;
	s6 =	sadd.s32 $0x33400, s6  }
.LBB2_1:
0xd: {  	s17 =	sadd.s32 $0x0, s6  }
0xe: {  	[tilespmem:s2], [sflag:$0x2] =	stream.linear.gather [hbm4b:s17+s2], $0x200, $0x38;
	[tilespmem:$0x10200] =	vst v63  }
0xf: {  	_ =	swait.ge [sflag:s7], $0x200  }
0x10: {  	[sflag:s7] =	ssyncset.done $0x0  }
0x11: {  	[sflag:s7] =	ssyncadd.s32 $0xFFFFFE00  }
0x12: {  	[tilespmem:s9], [sflag:$0x1] =	stream.indirect.gather [hbm4b:s3+s8], $0x80, s2, s8, $0xb8;
	[tilespmem:$0x10200] =	vst v63  }
0x13: {  	_ = 	snop  }
0x14: {  	[tilespmem:s10], [sflag:$0x1] =	stream.indirect.gather [hbm4b:s3+s8], $0x80, s8, s8, $0xb8;
	[tilespmem:$0x10200] =	vst v63  }
0x15: {  	_ = 	snop  }
0x16: {  	[tilespmem:s12], [sflag:$0x1] =	stream.indirect.gather [hbm4b:s3+s8], $0x80, s11, s8, $0xb8;
	[tilespmem:$0x10200] =	vst v63  }
0x17: {  	_ = 	snop  }
0x18: {  	[tilespmem:s14], [sflag:$0x1] =	stream.indirect.gather [hbm4b:s3+s8], $0x80, s13, s8, $0xb8;
	[tilespmem:$0x10200] =	vst v63  }
0x19: {  	_ =	swait.ge [sflag:s15], $0x4000  }
0x1a: {  	[sflag:s15] =	ssyncset.done $0x0  }
0x1b: {  	[sflag:s15] =	ssyncadd.s32 $0xFFFFC000  }
0x1c: {  	_ =	swait.ge [sflag:s15], $0x4000  }
0x1d: {  	[sflag:s15] =	ssyncset.done $0x0  }
0x1e: {  	[sflag:s15] =	ssyncadd.s32 $0xFFFFC000  }
0x1f: {  	_ =	swait.ge [sflag:s15], $0x4000  }
0x20: {  	[sflag:s15] =	ssyncset.done $0x0  }
0x21: {  	[sflag:s15] =	ssyncadd.s32 $0xFFFFC000  }
0x22: {  	_ =	swait.ge [sflag:s15], $0x4000  }
0x23: {  	[sflag:s15] =	ssyncset.done $0x0  }
0x24: {  	[sflag:s15] =	ssyncadd.s32 $0xFFFFC000  }
0x25: {  	[hbm4b:s5+s2] =	stream.linear.scatter [tilespmem:s9], [sflag:$0x2], $0x10000, $0x38;
	[tilespmem:$0x10200] =	vst v63  }
0x26: {  	s18 =	simm.s32 $0x40;
	_ =	swait.ge [sflag:s7], $0x10000  }
0x27: {  	s19 =	simm.s32 $0x80;
	s17 =	sadd.s32 $0x2000, s5;
	[sflag:s7] =	ssyncset.done $0x0  }
.LBB2_2:
0x28: {  	s20 =	sadd.s32 s18, s6  }
0x29: {  	[sflag:s7] =	ssyncadd.s32 $0xFFFF0000;
	s18 =	smov.u32 s19;
	s21 =	sadd.s32 $0x40, s19  }
0x2a: {  	[tilespmem:s2], [sflag:$0x2] =	stream.linear.gather [hbm4b:s20+s2], $0x200, $0x38;
	[tilespmem:$0x10200] =	vst v63  }
0x2b: {  	p0 =	sne.s32 s19, $0x240;
	_ =	swait.ge [sflag:s7], $0x200  }
0x2c: {  	[sflag:s7] =	ssyncset.done $0x0  }
0x2d: {  	[sflag:s7] =	ssyncadd.s32 $0xFFFFFE00  }
0x2e: {  	[tilespmem:s9], [sflag:$0x1] =	stream.indirect.gather [hbm4b:s3+s8], $0x80, s2, s8, $0xb8;
	[tilespmem:$0x10200] =	vst v63  }
0x2f: {  	_ = 	snop  }
0x30: {  	[tilespmem:s10], [sflag:$0x1] =	stream.indirect.gather [hbm4b:s3+s8], $0x80, s8, s8, $0xb8;
	[tilespmem:$0x10200] =	vst v63  }
0x31: {  	_ = 	snop  }
0x32: {  	[tilespmem:s12], [sflag:$0x1] =	stream.indirect.gather [hbm4b:s3+s8], $0x80, s11, s8, $0xb8;
	[tilespmem:$0x10200] =	vst v63  }
0x33: {  	_ = 	snop  }
0x34: {  	[tilespmem:s14], [sflag:$0x1] =	stream.indirect.gather [hbm4b:s3+s8], $0x80, s13, s8, $0xb8;
	[tilespmem:$0x10200] =	vst v63  }
0x35: {  	_ =	swait.ge [sflag:s15], $0x4000  }
0x36: {  	[sflag:s15] =	ssyncset.done $0x0  }
0x37: {  	[sflag:s15] =	ssyncadd.s32 $0xFFFFC000  }
0x38: {  	_ =	swait.ge [sflag:s15], $0x4000  }
0x39: {  	[sflag:s15] =	ssyncset.done $0x0  }
0x3a: {  	[sflag:s15] =	ssyncadd.s32 $0xFFFFC000  }
0x3b: {  	_ =	swait.ge [sflag:s15], $0x4000  }
0x3c: {  	[sflag:s15] =	ssyncset.done $0x0  }
0x3d: {  	[sflag:s15] =	ssyncadd.s32 $0xFFFFC000  }
0x3e: {  	_ =	swait.ge [sflag:s15], $0x4000  }
.Ltmp0:
0x3f: {  	[sflag:s15] =	ssyncset.done $0x0;
	(pc) =	sbr.rel @p0 .LBB2_2-.Ltmp0, $4  }
0x40: {  	[sflag:s15] =	ssyncadd.s32 $0xFFFFC000  }
0x41: {  	[hbm4b:s17+s2] =	stream.linear.scatter [tilespmem:s9], [sflag:$0x2], $0x10000, $0x38;
	[tilespmem:$0x10200] =	vst v63  }
0x42: {  	_ =	swait.ge [sflag:s7], $0x10000  }
0x43: {  	s19 =	smov.u32 s21;
	s17 =	sadd.s32 $0x2000, s17;
	[sflag:s7] =	ssyncset.done $0x0  }
0x44: {  	s18 =	sadd.s32 s18, s6;
	[sflag:s7] =	ssyncadd.s32 $0xFFFF0000  }
0x45: {  	[tilespmem:s2], [sflag:$0x2] =	stream.linear.gather [hbm4b:s18+s2], $0x200, $0x38;
	[tilespmem:$0x10200] =	vst v63  }
0x46: {  	_ =	swait.ge [sflag:s7], $0x200  }
0x47: {  	[sflag:s7] =	ssyncset.done $0x0  }
0x48: {  	[sflag:s7] =	ssyncadd.s32 $0xFFFFFE00  }
0x49: {  	[tilespmem:s9], [sflag:$0x1] =	stream.indirect.gather [hbm4b:s3+s8], $0x80, s2, s8, $0xb8;
	[tilespmem:$0x10200] =	vst v63  }
0x4a: {  	_ = 	snop  }
0x4b: {  	[tilespmem:s10], [sflag:$0x1] =	stream.indirect.gather [hbm4b:s3+s8], $0x80, s8, s8, $0xb8;
	[tilespmem:$0x10200] =	vst v63  }
0x4c: {  	_ = 	snop  }
0x4d: {  	[tilespmem:s12], [sflag:$0x1] =	stream.indirect.gather [hbm4b:s3+s8], $0x80, s11, s8, $0xb8;
	[tilespmem:$0x10200] =	vst v63  }
0x4e: {  	_ = 	snop  }
0x4f: {  	[tilespmem:s14], [sflag:$0x1] =	stream.indirect.gather [hbm4b:s3+s8], $0x80, s13, s8, $0xb8;
	[tilespmem:$0x10200] =	vst v63  }
0x50: {  	_ =	swait.ge [sflag:s15], $0x4000  }
0x51: {  	[sflag:s15] =	ssyncset.done $0x0  }
0x52: {  	[sflag:s15] =	ssyncadd.s32 $0xFFFFC000  }
0x53: {  	_ =	swait.ge [sflag:s15], $0x4000  }
0x54: {  	[sflag:s15] =	ssyncset.done $0x0  }
0x55: {  	[sflag:s15] =	ssyncadd.s32 $0xFFFFC000  }
0x56: {  	_ =	swait.ge [sflag:s15], $0x4000  }
0x57: {  	[sflag:s15] =	ssyncset.done $0x0  }
0x58: {  	[sflag:s15] =	ssyncadd.s32 $0xFFFFC000  }
0x59: {  	s16 =	sadd.s32 $0x1, s16;
	_ =	swait.ge [sflag:s15], $0x4000  }
0x5a: {  	p0 =	sne.s32 s16, s4;
	[sflag:s15] =	ssyncset.done $0x0  }
.Ltmp1:
0x5b: {  	[sflag:s15] =	ssyncadd.s32 $0xFFFFC000;
	(pc) =	sbr.rel @p0 .LBB2_1-.Ltmp1, $4  }
0x5c: {  	[hbm4b:s17+s2] =	stream.linear.scatter [tilespmem:s9], [sflag:$0x2], $0x10000, $0x38;
	[tilespmem:$0x10200] =	vst v63  }
0x5d: {  	_ =	swait.ge [sflag:s7], $0x10000  }
0x5e: {  	[sflag:s7] =	ssyncset.done $0x0  }
0x5f: {  	[sflag:s7] =	ssyncadd.s32 $0xFFFF0000  }
0x60: {  	_ =	sfence.sel $0x180000  }
0x61: {  	[bflag:$0x0] =	sbarrier.arrive $0xFFFF  }
0x62: {  	p0 =	sne.s32 s1, $0x0;
	_ =	strace $0x9000004D  }
0x63: {  	s0 =	sadd.s32 @!p0 $0x100000, s0;
	[bflag:$0x2] =	sbarrier.arrive $0xFFFF  }
0x64: {  	[sflag:s0] =	ssyncadd.tile.s32 @!p0 $0x1;
	_ =	shalt  }
.Lfunc_end2:
_tile_overlayer_lowered:
.L_overlay_start_2:
0x65: {  	(tag) =	ssettag $0x2  }
0x66: {  	s0 =	rddreg [dreg:$0x0];
	s2 =	stileid.u32  }
0x67: {  	s1 =	rddreg [dreg:$0x1];
	p0 =	sne.s32 s2, $0x0  }
0x68: {  	s3 =	rddreg [dreg:$0x2];
	[bflag:$0x3] =	sbarrier.arrive $0xFFFF;
	s2 =	simm.s32 @!p0 $0x1C02  }
0x69: {  	[timem:s3], [sflag:s2] =	dma.local @!p0 [hbm:s0], s1  }
0x6a: {  	s0 =	simm.s32 @!p0 $0x2  }
0x6b: {  	_ =	swait.ge @!p0 [sflag:s0], s1  }
0x6c: {  	s1 =	ssub.s32 @!p0 $0x0, s1;
	[sflag:s0] =	ssyncset.done @!p0 $0x0  }
0x6d: {  	[sflag:s0] =	ssyncadd.s32 @!p0 s1  }
0x6e: {  	[bflag:$0x3] =	sbarrier.arrive $0xFFFF  }
0x6f: {  	_ =	shalt  }

// kernel: kernel.18.cloned.1.call-start
scs
__scs_entry_jumppad:
0x0: {  	(pc) =	sbr.rel $0x88, $3  }
0x1: {  	(tag) =	ssettag $0x0;
	lr =	simm.s32 $0x1  }
0x2: {  	[smem:$0x3F95] =	sst lr;
	_ =	strace $0xD0000000  }
0x3: {  	_ = 	snop  }
0x4: {  	_ = 	snop  }
0x5: {  	_ = 	snop  }
0x6: {  	_ = 	snop  }
0x7: {  	_ = 	snop  }
__scs_overlays_trampoline_lowered:
0x8: {  	[smem:$0x3FA4] =	sst s0  }
0x9: {  	[smem:$0x3FA5] =	sst s1  }
0xa: {  	[smem:$0x3FA6] =	sst s2  }
0xb: {  	[smem:$0x3FA7] =	sst s3  }
0xc: {  	[smem:$0x3FA8] =	sst s4  }
0xd: {  	[smem:$0x3FA9] =	sst s5  }
0xe: {  	[smem:$0x3FAA] =	sst s6  }
0xf: {  	[smem:$0x3FAB] =	sst s7  }
0x10: {  	[smem:$0x3FAC] =	sst s8  }
0x11: {  	[smem:$0x3FAD] =	sst s9;
	s0 =	simm.s32 @!p0 $0x0  }
0x12: {  	s1 =	sld [smem:$0x3F93];
	s0 =	simm.s32 @p0 $0x1  }
0x13: {  	[smem:$0x3FAE] =	sst s0;
	s0 =	simm.s32 @!p1 $0x0  }
0x14: {  	s2 =	sld [smem:$0x3F92];
	s0 =	simm.s32 @p1 $0x1  }
0x15: {  	[smem:$0x3FAF] =	sst s0;
	s0 =	simm.s32 @!p2 $0x0  }
0x16: {  	s3 =	sld [smem:$0x3FDB];
	s0 =	simm.s32 @p2 $0x1  }
0x17: {  	s4 =	simm.s32 $0x1BF5;
	[smem:$0x3FB1] =	sst s0  }
0x18: {  	s0 =	sld [smem:$0x3F94];
	_ =	swait.ge [sflag:s4], $0x0  }
0x19: {  	s7 =	sld [smem:$0x3F95]  }
0x1a: {  	s8 =	sadd.s32 $0xFFFFE003, lr  }
0x1b: {  	s9 =	sadd.s32 $0xFFFFFEF7, lr;
	s5 =	simm.s32 $0xFFFFFFFF;
	p2 =	slt.u32 s8, $0xFFFFF086  }
0x1c: {  	p1 =	slt.u32 s9, $0xF7A;
	s5 =	simm.s32 @!p2 $0x0  }
0x1d: {  	s5 =	simm.s32 @p1 $0x1;
	p0 =	seq.s32 s7, s2  }
0x1e: {  	s7 =	smul.u32 @!p0 $0xF7A, s2;
	p2 =	seq.s32 @!p0 s5, $0x0  }
0x1f: {  	s9 =	smul.u32 $0xF7A, s1;
	s8 =	simm.s32 @!p0 $0x1BF5;
	p2 =	por !p2, p0  }
0x20: {  	[sflag:s8] =	ssyncset.s32 @!p0 $0xFFFFF086;
	s6 =	sadd.s32 @!p0 s3, s7;
	s7 =	simm.s32 @!p0 $0x108  }
0x21: {  	s3 =	sadd.s32 s3, s9;
	s6 =	sadd.s32 @!p0 $0x88, s6;
	s7 =	simm.s32 @p2 $0x1082  }
0x22: {  	[simem:s7], [sflag:s8] =	dma.local @!p0 [hbm:s6], $0xF7A  }
0x23: {  	s9 =	sor.u32 $0xD0000000, s2;
	s6 =	simm.s32 $0x108;
	_ =	swait.ge @!p0 [sflag:s8], $0x0  }
0x24: {  	s3 =	sadd.s32 $0x88, s3;
	s6 =	simm.s32 @!p1 $0x1082;
	[sflag:s4] =	ssyncset.s32 $0xFFFFF086  }
0x25: {  	[simem:s6], [sflag:s4] =	dma.local [hbm:s3], $0xF7A  }
0x26: {  	[smem:$0x3F95] =	sst s1;
	(tag) =	ssettag s2;
	_ =	strace s9  }
0x27: {  	s1 =	sld [smem:$0x3FA5]  }
0x28: {  	s2 =	sld [smem:$0x3FA6]  }
0x29: {  	s4 =	sld [smem:$0x3FA8]  }
0x2a: {  	p0 =	seq.s32 s5, $0x0;
	s5 =	sld [smem:$0x3FA9]  }
0x2b: {  	s6 =	sld [smem:$0x3FAA]  }
0x2c: {  	s7 =	sld [smem:$0x3FAB]  }
0x2d: {  	s3 =	simm.s32 $0x108;
	s8 =	sld [smem:$0x3FAC]  }
0x2e: {  	s3 =	simm.s32 @!p0 $0x1082;
	s9 =	sld [smem:$0x3FAD]  }
0x2f: {  	lr =	sadd.s32 s0, s3;
	s0 =	sld [smem:$0x3FA4]  }
0x30: {  	s3 =	sld [smem:$0x3FA7]  }
0x31: {  	[smem:$0x3FB0] =	sst s10  }
0x32: {  	s10 =	sld [smem:$0x3FAE];
	_ =	sdelay $0x3  }
0x33: {  	p0 =	seq.s32 s10, $0x1;
	s10 =	sld [smem:$0x3FB0];
	_ =	sdelay $0x3  }
0x34: {  	[smem:$0x3FB0] =	sst s10  }
0x35: {  	s10 =	sld [smem:$0x3FAF];
	_ =	sdelay $0x3  }
0x36: {  	p1 =	seq.s32 s10, $0x1;
	s10 =	sld [smem:$0x3FB0];
	_ =	sdelay $0x3  }
0x37: {  	[smem:$0x3FB0] =	sst s10  }
0x38: {  	s10 =	sld [smem:$0x3FB1]  }
0x39: {  	_ = 	snop;
	(pc) =	sbr.ind lr, $3  }
0x3a: {  	_ = 	snop  }
0x3b: {  	_ = 	snop  }
0x3c: {  	p2 =	seq.s32 s10, $0x1;
	s10 =	sld [smem:$0x3FB0]  }
0x3d: {  	_ =	shalt  }
0x3e: {  	_ =	shalt  }
0x3f: {  	_ =	shalt  }
0x40: {  	_ =	shalt  }
0x41: {  	_ =	shalt  }
0x42: {  	_ =	shalt  }
0x43: {  	_ =	shalt  }
0x44: {  	_ =	shalt  }
0x45: {  	_ =	shalt  }
0x46: {  	_ =	shalt  }
0x47: {  	_ =	shalt  }
0x48: {  	_ =	shalt  }
0x49: {  	_ =	shalt  }
0x4a: {  	_ =	shalt  }
0x4b: {  	_ =	shalt  }
0x4c: {  	_ =	shalt  }
0x4d: {  	_ =	shalt  }
0x4e: {  	_ =	shalt  }
0x4f: {  	_ =	shalt  }
0x50: {  	_ =	shalt  }
0x51: {  	_ =	shalt  }
0x52: {  	_ =	shalt  }
0x53: {  	_ =	shalt  }
0x54: {  	_ =	shalt  }
0x55: {  	_ =	shalt  }
0x56: {  	_ =	shalt  }
0x57: {  	_ =	shalt  }
0x58: {  	_ =	shalt  }
0x59: {  	_ =	shalt  }
0x5a: {  	_ =	shalt  }
0x5b: {  	_ =	shalt  }
0x5c: {  	_ =	shalt  }
0x5d: {  	_ =	shalt  }
0x5e: {  	_ =	shalt  }
0x5f: {  	_ =	shalt  }
0x60: {  	_ =	shalt  }
0x61: {  	_ =	shalt  }
0x62: {  	_ =	shalt  }
0x63: {  	_ =	shalt  }
0x64: {  	_ =	shalt  }
0x65: {  	_ =	shalt  }
0x66: {  	_ =	shalt  }
0x67: {  	_ =	shalt  }
0x68: {  	_ =	shalt  }
0x69: {  	_ =	shalt  }
0x6a: {  	_ =	shalt  }
0x6b: {  	_ =	shalt  }
0x6c: {  	_ =	shalt  }
0x6d: {  	_ =	shalt  }
0x6e: {  	_ =	shalt  }
0x6f: {  	_ =	shalt  }
0x70: {  	_ =	shalt  }
0x71: {  	_ =	shalt  }
0x72: {  	_ =	shalt  }
0x73: {  	_ =	shalt  }
0x74: {  	_ =	shalt  }
0x75: {  	_ =	shalt  }
0x76: {  	_ =	shalt  }
0x77: {  	_ =	shalt  }
0x78: {  	_ =	shalt  }
0x79: {  	_ =	shalt  }
0x7a: {  	_ =	shalt  }
0x7b: {  	_ =	shalt  }
0x7c: {  	_ =	shalt  }
0x7d: {  	_ =	shalt  }
0x7e: {  	_ =	shalt  }
0x7f: {  	_ =	shalt  }
0x80: {  	_ =	shalt  }
0x81: {  	_ =	shalt  }
0x82: {  	_ =	shalt  }
0x83: {  	_ =	shalt  }
0x84: {  	_ =	shalt  }
0x85: {  	_ =	shalt  }
0x86: {  	_ =	shalt  }
0x87: {  	_ =	shalt  }
.Lfunc_end0:
.L_simem_size_0:
called_computation.2_lowered:
.L_overlay_start_0:
0x88: {  	s2 =	sld [smem:$0x3FD9]  }
0x89: {  	s3 =	sld [smem:$0x3FFE];
	_ =	sdelay $0x1  }
0x8a: {  	s1 =	srdreg.scid  }
0x8b: {  	s0 =	sand.u32 $0x1, s1  }
0x8c: {  	s15 =	sshll.u32 s0, $0xA;
	s2 =	sadd.s32 s3, s2  }
0x8d: {  	s2 =	sadd.s32 s2, s15  }
0x8e: {  	[smem:$0x3FBC] =	sst s2  }
0x8f: {  	_ = 	snop  }
0x90: {  	s2 =	sld [smem:$0x3FD0];
	_ =	sdelay $0x2  }
0x91: {  	s16 =	simm.s32 $0xB;
	s4 =	simm.s32 $0x10  }
0x92: {  	[smem:s4], [sflag:s16] =	dma.local [hbm:s2], $0x1  }
0x93: {  	_ =	swait.eq [sflag:s16], $0x1  }
0x94: {  	[sflag:s16] =	ssyncset.done $0x0  }
0x95: {  	[sflag:s16] =	ssyncadd.s32 $0xFFFFFFFF  }
0x96: {  	s17 =	sld [smem:$0x10];
	(tm) =	ssettm $0x1  }
0x97: {  	s18 =	sld [smem:$0x3FFB];
	_ =	sdelay $0x3  }
0x98: {  	_ =	strace s18  }
0x99: {  	s2 =	sld [smem:$0x3FFC];
	_ =	sdelay $0x3  }
0x9a: {  	_ =	strace s2  }
0x9b: {  	s2 =	sld [smem:$0x3FFD];
	_ =	sdelay $0x3  }
0x9c: {  	_ =	strace s2  }
0x9d: {  	_ =	strace $0x8FFFFFFF  }
0x9e: {  	s19 =	sld [smem:$0x3FDB];
	_ =	sdelay $0x1  }
0x9f: {  	s20 =	simm.s32 $_scs_section_size  }
0xa0: {  	s5 =	simm.s32 $_size__tile_overlayer_lowered;
	s6 =	simm.s32 $_tile_overlayer_lowered  }
0xa1: {  	s7 =	simm.s32 $0x1BFF;
	s21 =	sshll.u32 s6, $0x1;
	s4 =	sadd.s32 s20, s19  }
0xa2: {  	s22 =	simm.s32 $0x0;
	s5 =	sshll.u32 s5, $0x1;
	s6 =	sadd.s32 s21, s4  }
0xa3: {  	[timem:s22], [sflag:s7] =	dma.local [hbm:s6], s5  }
0xa4: {  	_ =	swait.ge [sflag:s7], s5  }
0xa5: {  	s5 =	ssub.s32 $0x0, s5;
	[sflag:s7] =	ssyncset.done $0x0  }
0xa6: {  	[sflag:s7] =	ssyncadd.s32 s5;
	_ =	sdelay $0x1  }
0xa7: {  	s23 =	simm.s32 $0x1B8B  }
0xa8: {  	_ =	swait.ge [sflag:s23], $0x1  }
0xa9: {  	[sflag:s23] =	ssyncset.done $0x0  }
0xaa: {  	[sflag:s23] =	ssyncadd.s32 $0xFFFFFFFF  }
0xab: {  	s5 =	sld [smem:$0x0]  }
0xac: {  	s6 =	sand.u32 $0xFFFFFFFE, s1  }
0xad: {  	p0 =	sne.s32 s1, s6  }
0xae: {  	s6 =	sshll.u32 @p0 s6, $0xE  }
0xaf: {  	s6 =	sadd.s32 @p0 $0x11B8D, s6;
	s7 =	sshll.u32 @p0 s5, $0x11  }
0xb0: {  	s6 =	sor.u32 @p0 s7, s6  }
0xb1: {  	[sflag:s6] =	ssyncadd.remote.s32 @p0 $0x1;
	_ =	sdelay $0x1  }
0xb2: {  	s6 =	simm.s32 @p0 $0x1B8D  }
0xb3: {  	_ =	swait.eq @p0 [sflag:s6], $0x1  }
0xb4: {  	[sflag:s6] =	ssyncadd.s32 @p0 $0xFFFFFFFF  }
0xb5: {  	s7 =	sshll.u32 @!p0 s1, $0xE  }
0xb6: {  	s7 =	sor.u32 @!p0 $0x4000, s7;
	s6 =	simm.s32 @!p0 $0x1B8D  }
0xb7: {  	s5 =	sshll.u32 @!p0 s5, $0x11;
	s7 =	sadd.s32 @!p0 $0x11B8D, s7;
	_ =	swait.eq @!p0 [sflag:s6], $0x1  }
0xb8: {  	s5 =	sor.u32 @!p0 s5, s7;
	[sflag:s6] =	ssyncadd.s32 @!p0 $0xFFFFFFFF  }
0xb9: {  	s25 =	simm.s32 $0x1B8E;
	s24 =	sld [smem:$0x3FFE];
	[sflag:s5] =	ssyncadd.remote.s32 @!p0 $0x1  }
0xba: {  	s26 =	simm.s32 $execute0_lowered;
	[smem:$0x3FD2] =	sst s25  }
0xbb: {  	s6 =	sshll.u32 s26, $0x1;
	_ =	strace $0x80000049;
	[dreg:$0x1] =	wrdreg $0xFFFFFFFF  }
0xbc: {  	s28 =	simm.s32 $_size_execute0_lowered;
	s4 =	sadd.s32 s4, s6;
	[dreg:$0x0] =	wrdreg $0x0  }
0xbd: {  	s6 =	sshll.u32 s28, $0x1;
	[dreg:$0x2] =	wrdreg s4  }
0xbe: {  	[dreg:$0x3] =	wrdreg s6  }
0xbf: {  	[dreg:$0x4] =	wrdreg $0xC0  }
0xc0: {  	_ =	task [dreg:s22], $0x5FFFF  }
0xc1: {  	[dreg:$0x1] =	wrdreg $0xFFFFFFFF  }
0xc2: {  	[dreg:$0x0] =	wrdreg $0x60  }
0xc3: {  	[dreg:$0x2] =	wrdreg s17  }
0xc4: {  	[dreg:$0x3] =	wrdreg s24  }
0xc5: {  	[dreg:$0x4] =	wrdreg $0x9  }
0xc6: {  	_ =	task.clear_ibuf [dreg:s22], $0x5FFFF;
	_ =	strace $0x90000049  }
0xc7: {  	s29 =	simm.s32 $0x9;
	_ =	strace $0x8000004B  }
0xc8: {  	_ =	swait.ge [sflag:s29], $0x1  }
0xc9: {  	[sflag:s29] =	ssyncadd.s32 $0xFFFFFFFF  }
0xca: {  	_ =	strace $0x9000004B  }
0xcb: {  	_ =	sfence  }
0xcc: {  	s30 =	sld [smem:$0x0];
	_ =	sdelay $0x2  }
0xcd: {  	s31 =	sshll.u32 s1, $0xD;
	s1 =	sshrl.u32 s1, $0x2  }
0xce: {  	s4 =	sand.u32 $0x4000, s31;
	s1 =	sadd.s32 s1, s30  }
0xcf: {  	s0 =	sor.u32 s4, s0;
	s1 =	sshll.u32 s1, $0x11  }
0xd0: {  	s0 =	sor.u32 s1, s0  }
0xd1: {  	s0 =	sadd.s32 $0x8F2B, s0  }
0xd2: {  	[sflag:s0] =	ssyncadd.remote.s32 $0x1  }
0xd3: {  	_ =	sfence.sel $0xFFFF  }
0xd4: {  	[dreg:$0x0] =	wrdreg $0xFFFFFFFF;
	(pc) =	sbr.abs _section_cstart, $3  }
0xd5: {  	[dreg:$0x1] =	wrdreg $0xFFFFFFFF  }
0xd6: {  	_ =	task.clear_ibuf [dreg:s22], $0x2FFFF;
	_ =	strace $0x9FFFFFFF  }
0xd7: {  	(tm) =	ssettm $0x7FFFFFFF  }
tec
execute0_lowered:
.L_overlay_start_1:
0x0: {  	(tag) =	ssettag $0x1  }
0x1: {  	s1 =	srdreg.scid;
	s2 =	rddreg [dreg:$0x0]  }
0x2: {  	s0 =	stileid.u32;
	s5 =	rddreg [dreg:$0x1];
	s3 =	simm.s32 $0x0  }
0x3: {  	s11 =	simm.s32 $0x1;
	s12 =	simm.s32 $0x80;
	s13 =	simm.s32 $0x200  }
0x4: {  	s14 =	simm.s32 $0x1400;
	s15 =	simm.s32 $0x3B80;
	s16 =	simm.s32 $0x6300  }
0x5: {  	s17 =	simm.s32 $0x8A80;
	s4 =	sand.u32 $0x1, s1;
	s30 =	sshll.u32 s0, $0x1  }
0x6: {  	s18 =	simm.s32 $0x9E80;
	s19 =	simm.s32 $0xB280;
	s6 =	sor.u32 s4, s30  }
0x7: {  	s20 =	simm.s32 $0x0;
	s4 =	ssub.s32 $0x2, s4;
	s7 =	smul.u32 $0x280, s6  }
0x8: {  	[smem:$0x7FF] =	sst s3;
	s6 =	smul.u32 $0xA00, s6;
	s31 =	sshrl.u32 s4, $0x1  }
0x9: {  	s1 =	rddreg [dreg:$0x2];
	_ =	strace $0x8000004A;
	s10 =	ssub.s32 s4, s31  }
0xa: {  	s7 =	sadd.s32 s7, s5;
	s9 =	sadd.s32 s6, s5;
	s5 =	sadd.s32 $0x10, s2  }
0xb: {  	s6 =	sadd.s32 $0x20, s2;
	s10 =	smax.u32 s10, $0x1;
	s4 =	sadd.s32 $0x33400, s7  }
0xc: {  	s7 =	sadd.s32 $0x38400, s9;
	s8 =	sadd.s32 $0x38410, s9;
	s9 =	sadd.s32 $0x38420, s9  }
.LBB2_1:
0xd: {  	[tilespmem:s3], [sflag:$0x1] =	stream.linear.gather [hbm4b:s4+s3], $0x1400, $0x38;
	[tilespmem:$0xC680] =	vst v63  }
0xe: {  	_ =	swait.ge [sflag:s11], $0x1400  }
0xf: {  	[sflag:s11] =	ssyncset.done $0x0  }
0x10: {  	[sflag:s11] =	ssyncadd.s32 $0xFFFFEC00  }
0x11: {  	[tilespmem:s14], [sflag:$0x1] =	stream.strided.gather [hbm4b:s2+s12], $0x2780, s13, s12, $0x38;
	[tilespmem:$0xC680] =	vst v63  }
0x12: {  	_ =	swait.ge [sflag:s11], $0x2780  }
0x13: {  	[sflag:s11] =	ssyncset.done $0x0  }
0x14: {  	[sflag:s11] =	ssyncadd.s32 $0xFFFFD880  }
0x15: {  	[tilespmem:s15], [sflag:$0x1] =	stream.strided.gather [hbm4b:s5+s12], $0x2780, s13, s12, $0x38;
	[tilespmem:$0xC680] =	vst v63  }
0x16: {  	_ =	swait.ge [sflag:s11], $0x2780  }
0x17: {  	[sflag:s11] =	ssyncset.done $0x0  }
0x18: {  	[sflag:s11] =	ssyncadd.s32 $0xFFFFD880  }
0x19: {  	[tilespmem:s16], [sflag:$0x1] =	stream.strided.gather [hbm4b:s6+s12], $0x2780, s13, s12, $0x38;
	[tilespmem:$0xC680] =	vst v63  }
0x1a: {  	_ =	swait.ge [sflag:s11], $0x2780  }
0x1b: {  	[sflag:s11] =	ssyncset.done $0x0  }
0x1c: {  	s21 =	simm.s32 $0x0;
	[sflag:s11] =	ssyncadd.s32 $0xFFFFD880  }
0x1d: {  	v0 =	vld [tilespmem:s21+$0x0];
	_ =	sdelay $0x7  }
0x1e: {  	v1 =	vld.idx.msk [tilespmem:v0+s14+$0x0], $0xffff;
	_ =	sdelay $0x4  }
0x1f: {  	[tilespmem:s21+$0x8A80] =	vst v1  }
0x20: {  	v1 =	vld.idx.msk [tilespmem:v0+s15+$0x0], $0xffff;
	_ =	sdelay $0x3  }
0x21: {  	s23 =	simm.s32 $0x10;
	s22 =	simm.s32 $0x80  }
.LBB2_2:
0x22: {  	p0 =	sne.s32 s22, $0x4FC0;
	v2 =	vld [tilespmem:s23+$0x0];
	[tilespmem:s21+$0x9E80] =	vst v1  }
0x23: {  	v1 =	vld.idx.msk [tilespmem:v0+s16+$0x0], $0xffff;
	_ =	sdelay $0x3  }
0x24: {  	v0 =	vmov v2;
	_ =	sdelay $0x1  }
0x25: {  	[tilespmem:s21+$0xB280] =	vst v1;
	s21 =	smov.u32 s23  }
0x26: {  	v1 =	vld.idx.msk [tilespmem:v2+s14+$0x0], $0xffff;
	_ =	sdelay $0x5  }
0x27: {  	[tilespmem:s21+$0x8A80] =	vst v1  }
0x28: {  	v1 =	vld.idx.msk [tilespmem:v2+s15+$0x0], $0xffff  }
.Ltmp0:
0x29: {  	(pc) =	sbr.rel @p0 .LBB2_2-.Ltmp0, $2  }
0x2a: {  	_ =	sdelay $0x2  }
0x2b: {  	s23 =	sshra.s32 s22, $0x2;
	s22 =	sadd.s32 $0x40, s22  }
0x2c: {  	_ =	sdelay $0x1  }
0x2d: {  	v2 =	vld [tilespmem:s23+$0x0]  }
0x2e: {  	[tilespmem:s21+$0x9E80] =	vst v1  }
0x2f: {  	v0 =	vld.idx.msk [tilespmem:v0+s16+$0x0], $0xffff;
	_ =	sdelay $0x4  }
0x30: {  	[tilespmem:s21+$0xB280] =	vst v0  }
0x31: {  	v0 =	vld.idx.msk [tilespmem:v2+s14+$0x0], $0xffff;
	_ =	sdelay $0x4  }
0x32: {  	[tilespmem:s23+$0x8A80] =	vst v0  }
0x33: {  	v0 =	vld.idx.msk [tilespmem:v2+s15+$0x0], $0xffff;
	_ =	sdelay $0x4  }
0x34: {  	[tilespmem:s23+$0x9E80] =	vst v0  }
0x35: {  	v0 =	vld.idx.msk [tilespmem:v2+s16+$0x0], $0xffff;
	_ =	sdelay $0x4  }
0x36: {  	[tilespmem:s23+$0xB280] =	vst v0  }
0x37: {  	[hbm4b:s7+s12] =	stream.strided.scatter [tilespmem:s17], [sflag:$0x1], $0x1400, s13, s12, $0x38;
	[tilespmem:$0xC680] =	vst v63  }
0x38: {  	_ =	swait.ge [sflag:s11], $0x1400  }
0x39: {  	[sflag:s11] =	ssyncset.done $0x0  }
0x3a: {  	[sflag:s11] =	ssyncadd.s32 $0xFFFFEC00  }
0x3b: {  	[hbm4b:s8+s12] =	stream.strided.scatter [tilespmem:s18], [sflag:$0x1], $0x1400, s13, s12, $0x38;
	[tilespmem:$0xC680] =	vst v63  }
0x3c: {  	s20 =	sadd.s32 $0x1, s20;
	_ =	swait.ge [sflag:s11], $0x1400  }
0x3d: {  	p0 =	sne.s32 s20, s10;
	[sflag:s11] =	ssyncset.done $0x0  }
.Ltmp1:
0x3e: {  	[sflag:s11] =	ssyncadd.s32 $0xFFFFEC00;
	(pc) =	sbr.rel @p0 .LBB2_1-.Ltmp1, $4  }
0x3f: {  	[hbm4b:s9+s12] =	stream.strided.scatter [tilespmem:s19], [sflag:$0x1], $0x1400, s13, s12, $0x38;
	[tilespmem:$0xC680] =	vst v63  }
0x40: {  	_ =	swait.ge [sflag:s11], $0x1400  }
0x41: {  	[sflag:s11] =	ssyncset.done $0x0  }
0x42: {  	[sflag:s11] =	ssyncadd.s32 $0xFFFFEC00  }
0x43: {  	_ =	sfence.sel $0x180000  }
0x44: {  	[bflag:$0x0] =	sbarrier.arrive $0xFFFF  }
0x45: {  	p0 =	sne.s32 s0, $0x0;
	_ =	strace $0x9000004A  }
0x46: {  	s0 =	sadd.s32 @!p0 $0x100000, s1;
	[bflag:$0x2] =	sbarrier.arrive $0xFFFF  }
0x47: {  	[sflag:s0] =	ssyncadd.tile.s32 @!p0 $0x1;
	_ =	shalt  }
.Lfunc_end2:
_tile_overlayer_lowered:
.L_overlay_start_2:
0x48: {  	(tag) =	ssettag $0x2  }
0x49: {  	s0 =	rddreg [dreg:$0x0];
	s2 =	stileid.u32  }
0x4a: {  	s1 =	rddreg [dreg:$0x1];
	p0 =	sne.s32 s2, $0x0  }
0x4b: {  	s3 =	rddreg [dreg:$0x2];
	[bflag:$0x3] =	sbarrier.arrive $0xFFFF;
	s2 =	simm.s32 @!p0 $0x1C01  }
0x4c: {  	[timem:s3], [sflag:s2] =	dma.local @!p0 [hbm:s0], s1  }
0x4d: {  	s0 =	simm.s32 @!p0 $0x1  }
0x4e: {  	_ =	swait.ge @!p0 [sflag:s0], s1  }
0x4f: {  	s1 =	ssub.s32 @!p0 $0x0, s1;
	[sflag:s0] =	ssyncset.done @!p0 $0x0  }
0x50: {  	[sflag:s0] =	ssyncadd.s32 @!p0 s1  }
0x51: {  	[bflag:$0x3] =	sbarrier.arrive $0xFFFF  }
0x52: {  	_ =	shalt  }

// kernel: kernel.21.cloned.1.call-start
scs
__scs_entry_jumppad:
0x0: {  	(pc) =	sbr.rel $0x88, $3  }
0x1: {  	(tag) =	ssettag $0x0;
	lr =	simm.s32 $0x1  }
0x2: {  	[smem:$0x3F95] =	sst lr;
	_ =	strace $0xD0000000  }
0x3: {  	_ = 	snop  }
0x4: {  	_ = 	snop  }
0x5: {  	_ = 	snop  }
0x6: {  	_ = 	snop  }
0x7: {  	_ = 	snop  }
__scs_overlays_trampoline_lowered:
0x8: {  	[smem:$0x3FA4] =	sst s0  }
0x9: {  	[smem:$0x3FA5] =	sst s1  }
0xa: {  	[smem:$0x3FA6] =	sst s2  }
0xb: {  	[smem:$0x3FA7] =	sst s3  }
0xc: {  	[smem:$0x3FA8] =	sst s4  }
0xd: {  	[smem:$0x3FA9] =	sst s5  }
0xe: {  	[smem:$0x3FAA] =	sst s6  }
0xf: {  	[smem:$0x3FAB] =	sst s7  }
0x10: {  	[smem:$0x3FAC] =	sst s8  }
0x11: {  	[smem:$0x3FAD] =	sst s9;
	s0 =	simm.s32 @!p0 $0x0  }
0x12: {  	s1 =	sld [smem:$0x3F93];
	s0 =	simm.s32 @p0 $0x1  }
0x13: {  	[smem:$0x3FAE] =	sst s0;
	s0 =	simm.s32 @!p1 $0x0  }
0x14: {  	s2 =	sld [smem:$0x3F92];
	s0 =	simm.s32 @p1 $0x1  }
0x15: {  	[smem:$0x3FAF] =	sst s0;
	s0 =	simm.s32 @!p2 $0x0  }
0x16: {  	s3 =	sld [smem:$0x3FDB];
	s0 =	simm.s32 @p2 $0x1  }
0x17: {  	s4 =	simm.s32 $0x1BF5;
	[smem:$0x3FB1] =	sst s0  }
0x18: {  	s0 =	sld [smem:$0x3F94];
	_ =	swait.ge [sflag:s4], $0x0  }
0x19: {  	s7 =	sld [smem:$0x3F95]  }
0x1a: {  	s8 =	sadd.s32 $0xFFFFE003, lr  }
0x1b: {  	s9 =	sadd.s32 $0xFFFFFEF7, lr;
	s5 =	simm.s32 $0xFFFFFFFF;
	p2 =	slt.u32 s8, $0xFFFFF086  }
0x1c: {  	p1 =	slt.u32 s9, $0xF7A;
	s5 =	simm.s32 @!p2 $0x0  }
0x1d: {  	s5 =	simm.s32 @p1 $0x1;
	p0 =	seq.s32 s7, s2  }
0x1e: {  	s7 =	smul.u32 @!p0 $0xF7A, s2;
	p2 =	seq.s32 @!p0 s5, $0x0  }
0x1f: {  	s9 =	smul.u32 $0xF7A, s1;
	s8 =	simm.s32 @!p0 $0x1BF5;
	p2 =	por !p2, p0  }
0x20: {  	[sflag:s8] =	ssyncset.s32 @!p0 $0xFFFFF086;
	s6 =	sadd.s32 @!p0 s3, s7;
	s7 =	simm.s32 @!p0 $0x108  }
0x21: {  	s3 =	sadd.s32 s3, s9;
	s6 =	sadd.s32 @!p0 $0x88, s6;
	s7 =	simm.s32 @p2 $0x1082  }
0x22: {  	[simem:s7], [sflag:s8] =	dma.local @!p0 [hbm:s6], $0xF7A  }
0x23: {  	s9 =	sor.u32 $0xD0000000, s2;
	s6 =	simm.s32 $0x108;
	_ =	swait.ge @!p0 [sflag:s8], $0x0  }
0x24: {  	s3 =	sadd.s32 $0x88, s3;
	s6 =	simm.s32 @!p1 $0x1082;
	[sflag:s4] =	ssyncset.s32 $0xFFFFF086  }
0x25: {  	[simem:s6], [sflag:s4] =	dma.local [hbm:s3], $0xF7A  }
0x26: {  	[smem:$0x3F95] =	sst s1;
	(tag) =	ssettag s2;
	_ =	strace s9  }
0x27: {  	s1 =	sld [smem:$0x3FA5]  }
0x28: {  	s2 =	sld [smem:$0x3FA6]  }
0x29: {  	s4 =	sld [smem:$0x3FA8]  }
0x2a: {  	p0 =	seq.s32 s5, $0x0;
	s5 =	sld [smem:$0x3FA9]  }
0x2b: {  	s6 =	sld [smem:$0x3FAA]  }
0x2c: {  	s7 =	sld [smem:$0x3FAB]  }
0x2d: {  	s3 =	simm.s32 $0x108;
	s8 =	sld [smem:$0x3FAC]  }
0x2e: {  	s3 =	simm.s32 @!p0 $0x1082;
	s9 =	sld [smem:$0x3FAD]  }
0x2f: {  	lr =	sadd.s32 s0, s3;
	s0 =	sld [smem:$0x3FA4]  }
0x30: {  	s3 =	sld [smem:$0x3FA7]  }
0x31: {  	[smem:$0x3FB0] =	sst s10  }
0x32: {  	s10 =	sld [smem:$0x3FAE];
	_ =	sdelay $0x3  }
0x33: {  	p0 =	seq.s32 s10, $0x1;
	s10 =	sld [smem:$0x3FB0];
	_ =	sdelay $0x3  }
0x34: {  	[smem:$0x3FB0] =	sst s10  }
0x35: {  	s10 =	sld [smem:$0x3FAF];
	_ =	sdelay $0x3  }
0x36: {  	p1 =	seq.s32 s10, $0x1;
	s10 =	sld [smem:$0x3FB0];
	_ =	sdelay $0x3  }
0x37: {  	[smem:$0x3FB0] =	sst s10  }
0x38: {  	s10 =	sld [smem:$0x3FB1]  }
0x39: {  	_ = 	snop;
	(pc) =	sbr.ind lr, $3  }
0x3a: {  	_ = 	snop  }
0x3b: {  	_ = 	snop  }
0x3c: {  	p2 =	seq.s32 s10, $0x1;
	s10 =	sld [smem:$0x3FB0]  }
0x3d: {  	_ =	shalt  }
0x3e: {  	_ =	shalt  }
0x3f: {  	_ =	shalt  }
0x40: {  	_ =	shalt  }
0x41: {  	_ =	shalt  }
0x42: {  	_ =	shalt  }
0x43: {  	_ =	shalt  }
0x44: {  	_ =	shalt  }
0x45: {  	_ =	shalt  }
0x46: {  	_ =	shalt  }
0x47: {  	_ =	shalt  }
0x48: {  	_ =	shalt  }
0x49: {  	_ =	shalt  }
0x4a: {  	_ =	shalt  }
0x4b: {  	_ =	shalt  }
0x4c: {  	_ =	shalt  }
0x4d: {  	_ =	shalt  }
0x4e: {  	_ =	shalt  }
0x4f: {  	_ =	shalt  }
0x50: {  	_ =	shalt  }
0x51: {  	_ =	shalt  }
0x52: {  	_ =	shalt  }
0x53: {  	_ =	shalt  }
0x54: {  	_ =	shalt  }
0x55: {  	_ =	shalt  }
0x56: {  	_ =	shalt  }
0x57: {  	_ =	shalt  }
0x58: {  	_ =	shalt  }
0x59: {  	_ =	shalt  }
0x5a: {  	_ =	shalt  }
0x5b: {  	_ =	shalt  }
0x5c: {  	_ =	shalt  }
0x5d: {  	_ =	shalt  }
0x5e: {  	_ =	shalt  }
0x5f: {  	_ =	shalt  }
0x60: {  	_ =	shalt  }
0x61: {  	_ =	shalt  }
0x62: {  	_ =	shalt  }
0x63: {  	_ =	shalt  }
0x64: {  	_ =	shalt  }
0x65: {  	_ =	shalt  }
0x66: {  	_ =	shalt  }
0x67: {  	_ =	shalt  }
0x68: {  	_ =	shalt  }
0x69: {  	_ =	shalt  }
0x6a: {  	_ =	shalt  }
0x6b: {  	_ =	shalt  }
0x6c: {  	_ =	shalt  }
0x6d: {  	_ =	shalt  }
0x6e: {  	_ =	shalt  }
0x6f: {  	_ =	shalt  }
0x70: {  	_ =	shalt  }
0x71: {  	_ =	shalt  }
0x72: {  	_ =	shalt  }
0x73: {  	_ =	shalt  }
0x74: {  	_ =	shalt  }
0x75: {  	_ =	shalt  }
0x76: {  	_ =	shalt  }
0x77: {  	_ =	shalt  }
0x78: {  	_ =	shalt  }
0x79: {  	_ =	shalt  }
0x7a: {  	_ =	shalt  }
0x7b: {  	_ =	shalt  }
0x7c: {  	_ =	shalt  }
0x7d: {  	_ =	shalt  }
0x7e: {  	_ =	shalt  }
0x7f: {  	_ =	shalt  }
0x80: {  	_ =	shalt  }
0x81: {  	_ =	shalt  }
0x82: {  	_ =	shalt  }
0x83: {  	_ =	shalt  }
0x84: {  	_ =	shalt  }
0x85: {  	_ =	shalt  }
0x86: {  	_ =	shalt  }
0x87: {  	_ =	shalt  }
.Lfunc_end0:
.L_simem_size_0:
called_computation.3_lowered:
.L_overlay_start_0:
0x88: {  	s2 =	sld [smem:$0x3FD9]  }
0x89: {  	s3 =	sld [smem:$0x3FFE];
	_ =	sdelay $0x1  }
0x8a: {  	s1 =	srdreg.scid  }
0x8b: {  	s0 =	sand.u32 $0x1, s1  }
0x8c: {  	s16 =	sshll.u32 s0, $0xA;
	s2 =	sadd.s32 s3, s2  }
0x8d: {  	s2 =	sadd.s32 s2, s16  }
0x8e: {  	[smem:$0x3FBC] =	sst s2  }
0x8f: {  	_ = 	snop  }
0x90: {  	(tm) =	ssettm $0x1  }
0x91: {  	s17 =	sld [smem:$0x3FFB];
	_ =	sdelay $0x3  }
0x92: {  	_ =	strace s17  }
0x93: {  	s2 =	sld [smem:$0x3FFC];
	_ =	sdelay $0x3  }
0x94: {  	_ =	strace s2  }
0x95: {  	s2 =	sld [smem:$0x3FFD];
	_ =	sdelay $0x3  }
0x96: {  	_ =	strace s2  }
0x97: {  	_ =	strace $0x8FFFFFFF  }
0x98: {  	s18 =	sld [smem:$0x3FDB];
	_ =	sdelay $0x1  }
0x99: {  	s19 =	simm.s32 $_scs_section_size  }
0x9a: {  	s4 =	simm.s32 $_size__tile_overlayer_lowered;
	s5 =	simm.s32 $_tile_overlayer_lowered  }
0x9b: {  	s22 =	simm.s32 $0x1BFF;
	s21 =	sshll.u32 s5, $0x1;
	s2 =	sadd.s32 s19, s18  }
0x9c: {  	s6 =	simm.s32 $0x0;
	s20 =	sshll.u32 s4, $0x1;
	s4 =	sadd.s32 s21, s2  }
0x9d: {  	[timem:s6], [sflag:s22] =	dma.local [hbm:s4], s20  }
0x9e: {  	_ =	swait.ge [sflag:s22], s20  }
0x9f: {  	s3 =	ssub.s32 $0x0, s20;
	[sflag:s22] =	ssyncset.done $0x0  }
0xa0: {  	[sflag:s22] =	ssyncadd.s32 s3;
	_ =	sdelay $0x1  }
0xa1: {  	s23 =	simm.s32 $0x1B8B  }
0xa2: {  	_ =	swait.ge [sflag:s23], $0x1  }
0xa3: {  	[sflag:s23] =	ssyncset.done $0x0  }
0xa4: {  	s25 =	simm.s32 $0x1B8E;
	s24 =	sld [smem:$0x3FFE];
	[sflag:s23] =	ssyncadd.s32 $0xFFFFFFFF  }
0xa5: {  	s26 =	simm.s32 $execute0_lowered;
	[smem:$0x3FD2] =	sst s25  }
0xa6: {  	s4 =	sshll.u32 s26, $0x1;
	_ =	strace $0x8000004F;
	[dreg:$0x1] =	wrdreg $0xFFFFFFFF  }
0xa7: {  	s28 =	simm.s32 $_size_execute0_lowered;
	s2 =	sadd.s32 s2, s4;
	[dreg:$0x0] =	wrdreg $0x0  }
0xa8: {  	s4 =	sshll.u32 s28, $0x1;
	[dreg:$0x2] =	wrdreg s2  }
0xa9: {  	[dreg:$0x3] =	wrdreg s4  }
0xaa: {  	[dreg:$0x4] =	wrdreg $0xC0  }
0xab: {  	_ =	task [dreg:s6], $0x5FFFF  }
0xac: {  	[dreg:$0x1] =	wrdreg $0xFFFFFFFF  }
0xad: {  	[dreg:$0x0] =	wrdreg $0x60  }
0xae: {  	[dreg:$0x2] =	wrdreg s24  }
0xaf: {  	[dreg:$0x3] =	wrdreg $0x9  }
0xb0: {  	_ =	task.clear_ibuf [dreg:s6], $0x4FFFF;
	_ =	strace $0x9000004F  }
0xb1: {  	s29 =	simm.s32 $0x9;
	_ =	strace $0x80000051  }
0xb2: {  	_ =	swait.ge [sflag:s29], $0x1  }
0xb3: {  	[sflag:s29] =	ssyncadd.s32 $0xFFFFFFFF  }
0xb4: {  	_ =	strace $0x90000051  }
0xb5: {  	_ =	sfence  }
0xb6: {  	s30 =	sld [smem:$0x0];
	_ =	sdelay $0x2  }
0xb7: {  	s31 =	sshll.u32 s1, $0xD;
	s1 =	sshrl.u32 s1, $0x2  }
0xb8: {  	s3 =	sand.u32 $0x4000, s31;
	s1 =	sadd.s32 s1, s30  }
0xb9: {  	s0 =	sor.u32 s3, s0;
	s1 =	sshll.u32 s1, $0x11  }
0xba: {  	s0 =	sor.u32 s1, s0  }
0xbb: {  	s0 =	sadd.s32 $0x8F2B, s0  }
0xbc: {  	[sflag:s0] =	ssyncadd.remote.s32 $0x1  }
0xbd: {  	_ =	sfence.sel $0xFFFF  }
0xbe: {  	[dreg:$0x0] =	wrdreg $0xFFFFFFFF;
	(pc) =	sbr.abs _section_cstart, $3  }
0xbf: {  	[dreg:$0x1] =	wrdreg $0xFFFFFFFF  }
0xc0: {  	_ =	task.clear_ibuf [dreg:s6], $0x2FFFF;
	_ =	strace $0x9FFFFFFF  }
0xc1: {  	(tm) =	ssettm $0x7FFFFFFF  }
tec
execute0_lowered:
.L_overlay_start_1:
0x0: {  	(tag) =	ssettag $0x1  }
0x1: {  	s4 =	rddreg [dreg:$0x0]  }
0x2: {  	s0 =	rddreg [dreg:$0x1];
	s2 =	simm.s32 $0x0;
	s3 =	srdreg.scid  }
0x3: {  	s1 =	stileid.u32;
	s10 =	simm.s32 $0x4200;
	s11 =	simm.s32 $0x100  }
0x4: {  	s12 =	simm.s32 $0x8200;
	s13 =	simm.s32 $0x180;
	s14 =	simm.s32 $0xC200  }
0x5: {  	s15 =	simm.s32 $0x1;
	s16 =	simm.s32 $0x0;
	s6 =	smul.u32 $0x2800, s1  }
0x6: {  	[smem:$0x7FF] =	sst s2;
	s5 =	sand.u32 $0x1, s3;
	s8 =	smul.u32 $0x28000, s1  }
0x7: {  	s3 =	sadd.s32 $0x9A00, s4;
	s7 =	smul.u32 $0x1400, s5;
	s9 =	ssub.s32 $0x2, s5  }
0x8: {  	_ =	strace $0x80000050;
	s5 =	smul.u32 $0x14000, s5;
	s31 =	sshrl.u32 s9, $0x1  }
0x9: {  	s8 =	sadd.s32 s8, s4;
	s6 =	sadd.s32 s7, s6;
	s7 =	ssub.s32 s9, s31  }
0xa: {  	s5 =	sadd.s32 s5, s8;
	s8 =	simm.s32 $0x80;
	s6 =	sshrl.u32 s6, $0x3  }
0xb: {  	s9 =	simm.s32 $0x200;
	s5 =	sadd.s32 $0x4C400, s5;
	s6 =	sadd.s32 s6, s4  }
0xc: {  	s4 =	smax.u32 s7, $0x1;
	s7 =	simm.s32 $0x2;
	s6 =	sadd.s32 $0x33400, s6  }
.LBB2_1:
0xd: {  	s17 =	sadd.s32 $0x0, s6  }
0xe: {  	[tilespmem:s2], [sflag:$0x2] =	stream.linear.gather [hbm4b:s17+s2], $0x200, $0x38;
	[tilespmem:$0x10200] =	vst v63  }
0xf: {  	_ =	swait.ge [sflag:s7], $0x200  }
0x10: {  	[sflag:s7] =	ssyncset.done $0x0  }
0x11: {  	[sflag:s7] =	ssyncadd.s32 $0xFFFFFE00  }
0x12: {  	[tilespmem:s9], [sflag:$0x1] =	stream.indirect.gather [hbm4b:s3+s8], $0x80, s2, s8, $0xb8;
	[tilespmem:$0x10200] =	vst v63  }
0x13: {  	_ = 	snop  }
0x14: {  	[tilespmem:s10], [sflag:$0x1] =	stream.indirect.gather [hbm4b:s3+s8], $0x80, s8, s8, $0xb8;
	[tilespmem:$0x10200] =	vst v63  }
0x15: {  	_ = 	snop  }
0x16: {  	[tilespmem:s12], [sflag:$0x1] =	stream.indirect.gather [hbm4b:s3+s8], $0x80, s11, s8, $0xb8;
	[tilespmem:$0x10200] =	vst v63  }
0x17: {  	_ = 	snop  }
0x18: {  	[tilespmem:s14], [sflag:$0x1] =	stream.indirect.gather [hbm4b:s3+s8], $0x80, s13, s8, $0xb8;
	[tilespmem:$0x10200] =	vst v63  }
0x19: {  	_ =	swait.ge [sflag:s15], $0x4000  }
0x1a: {  	[sflag:s15] =	ssyncset.done $0x0  }
0x1b: {  	[sflag:s15] =	ssyncadd.s32 $0xFFFFC000  }
0x1c: {  	_ =	swait.ge [sflag:s15], $0x4000  }
0x1d: {  	[sflag:s15] =	ssyncset.done $0x0  }
0x1e: {  	[sflag:s15] =	ssyncadd.s32 $0xFFFFC000  }
0x1f: {  	_ =	swait.ge [sflag:s15], $0x4000  }
0x20: {  	[sflag:s15] =	ssyncset.done $0x0  }
0x21: {  	[sflag:s15] =	ssyncadd.s32 $0xFFFFC000  }
0x22: {  	_ =	swait.ge [sflag:s15], $0x4000  }
0x23: {  	[sflag:s15] =	ssyncset.done $0x0  }
0x24: {  	[sflag:s15] =	ssyncadd.s32 $0xFFFFC000  }
0x25: {  	[hbm4b:s5+s2] =	stream.linear.scatter [tilespmem:s9], [sflag:$0x2], $0x10000, $0x38;
	[tilespmem:$0x10200] =	vst v63  }
0x26: {  	s18 =	simm.s32 $0x40;
	_ =	swait.ge [sflag:s7], $0x10000  }
0x27: {  	s19 =	simm.s32 $0x80;
	s17 =	sadd.s32 $0x2000, s5;
	[sflag:s7] =	ssyncset.done $0x0  }
.LBB2_2:
0x28: {  	s20 =	sadd.s32 s18, s6  }
0x29: {  	[sflag:s7] =	ssyncadd.s32 $0xFFFF0000;
	s18 =	smov.u32 s19;
	s21 =	sadd.s32 $0x40, s19  }
0x2a: {  	[tilespmem:s2], [sflag:$0x2] =	stream.linear.gather [hbm4b:s20+s2], $0x200, $0x38;
	[tilespmem:$0x10200] =	vst v63  }
0x2b: {  	p0 =	sne.s32 s19, $0x240;
	_ =	swait.ge [sflag:s7], $0x200  }
0x2c: {  	[sflag:s7] =	ssyncset.done $0x0  }
0x2d: {  	[sflag:s7] =	ssyncadd.s32 $0xFFFFFE00  }
0x2e: {  	[tilespmem:s9], [sflag:$0x1] =	stream.indirect.gather [hbm4b:s3+s8], $0x80, s2, s8, $0xb8;
	[tilespmem:$0x10200] =	vst v63  }
0x2f: {  	_ = 	snop  }
0x30: {  	[tilespmem:s10], [sflag:$0x1] =	stream.indirect.gather [hbm4b:s3+s8], $0x80, s8, s8, $0xb8;
	[tilespmem:$0x10200] =	vst v63  }
0x31: {  	_ = 	snop  }
0x32: {  	[tilespmem:s12], [sflag:$0x1] =	stream.indirect.gather [hbm4b:s3+s8], $0x80, s11, s8, $0xb8;
	[tilespmem:$0x10200] =	vst v63  }
0x33: {  	_ = 	snop  }
0x34: {  	[tilespmem:s14], [sflag:$0x1] =	stream.indirect.gather [hbm4b:s3+s8], $0x80, s13, s8, $0xb8;
	[tilespmem:$0x10200] =	vst v63  }
0x35: {  	_ =	swait.ge [sflag:s15], $0x4000  }
0x36: {  	[sflag:s15] =	ssyncset.done $0x0  }
0x37: {  	[sflag:s15] =	ssyncadd.s32 $0xFFFFC000  }
0x38: {  	_ =	swait.ge [sflag:s15], $0x4000  }
0x39: {  	[sflag:s15] =	ssyncset.done $0x0  }
0x3a: {  	[sflag:s15] =	ssyncadd.s32 $0xFFFFC000  }
0x3b: {  	_ =	swait.ge [sflag:s15], $0x4000  }
0x3c: {  	[sflag:s15] =	ssyncset.done $0x0  }
0x3d: {  	[sflag:s15] =	ssyncadd.s32 $0xFFFFC000  }
0x3e: {  	_ =	swait.ge [sflag:s15], $0x4000  }
.Ltmp0:
0x3f: {  	[sflag:s15] =	ssyncset.done $0x0;
	(pc) =	sbr.rel @p0 .LBB2_2-.Ltmp0, $4  }
0x40: {  	[sflag:s15] =	ssyncadd.s32 $0xFFFFC000  }
0x41: {  	[hbm4b:s17+s2] =	stream.linear.scatter [tilespmem:s9], [sflag:$0x2], $0x10000, $0x38;
	[tilespmem:$0x10200] =	vst v63  }
0x42: {  	_ =	swait.ge [sflag:s7], $0x10000  }
0x43: {  	s19 =	smov.u32 s21;
	s17 =	sadd.s32 $0x2000, s17;
	[sflag:s7] =	ssyncset.done $0x0  }
0x44: {  	s18 =	sadd.s32 s18, s6;
	[sflag:s7] =	ssyncadd.s32 $0xFFFF0000  }
0x45: {  	[tilespmem:s2], [sflag:$0x2] =	stream.linear.gather [hbm4b:s18+s2], $0x200, $0x38;
	[tilespmem:$0x10200] =	vst v63  }
0x46: {  	_ =	swait.ge [sflag:s7], $0x200  }
0x47: {  	[sflag:s7] =	ssyncset.done $0x0  }
0x48: {  	[sflag:s7] =	ssyncadd.s32 $0xFFFFFE00  }
0x49: {  	[tilespmem:s9], [sflag:$0x1] =	stream.indirect.gather [hbm4b:s3+s8], $0x80, s2, s8, $0xb8;
	[tilespmem:$0x10200] =	vst v63  }
0x4a: {  	_ = 	snop  }
0x4b: {  	[tilespmem:s10], [sflag:$0x1] =	stream.indirect.gather [hbm4b:s3+s8], $0x80, s8, s8, $0xb8;
	[tilespmem:$0x10200] =	vst v63  }
0x4c: {  	_ = 	snop  }
0x4d: {  	[tilespmem:s12], [sflag:$0x1] =	stream.indirect.gather [hbm4b:s3+s8], $0x80, s11, s8, $0xb8;
	[tilespmem:$0x10200] =	vst v63  }
0x4e: {  	_ = 	snop  }
0x4f: {  	[tilespmem:s14], [sflag:$0x1] =	stream.indirect.gather [hbm4b:s3+s8], $0x80, s13, s8, $0xb8;
	[tilespmem:$0x10200] =	vst v63  }
0x50: {  	_ =	swait.ge [sflag:s15], $0x4000  }
0x51: {  	[sflag:s15] =	ssyncset.done $0x0  }
0x52: {  	[sflag:s15] =	ssyncadd.s32 $0xFFFFC000  }
0x53: {  	_ =	swait.ge [sflag:s15], $0x4000  }
0x54: {  	[sflag:s15] =	ssyncset.done $0x0  }
0x55: {  	[sflag:s15] =	ssyncadd.s32 $0xFFFFC000  }
0x56: {  	_ =	swait.ge [sflag:s15], $0x4000  }
0x57: {  	[sflag:s15] =	ssyncset.done $0x0  }
0x58: {  	[sflag:s15] =	ssyncadd.s32 $0xFFFFC000  }
0x59: {  	s16 =	sadd.s32 $0x1, s16;
	_ =	swait.ge [sflag:s15], $0x4000  }
0x5a: {  	p0 =	sne.s32 s16, s4;
	[sflag:s15] =	ssyncset.done $0x0  }
.Ltmp1:
0x5b: {  	[sflag:s15] =	ssyncadd.s32 $0xFFFFC000;
	(pc) =	sbr.rel @p0 .LBB2_1-.Ltmp1, $4  }
0x5c: {  	[hbm4b:s17+s2] =	stream.linear.scatter [tilespmem:s9], [sflag:$0x2], $0x10000, $0x38;
	[tilespmem:$0x10200] =	vst v63  }
0x5d: {  	_ =	swait.ge [sflag:s7], $0x10000  }
0x5e: {  	[sflag:s7] =	ssyncset.done $0x0  }
0x5f: {  	[sflag:s7] =	ssyncadd.s32 $0xFFFF0000  }
0x60: {  	_ =	sfence.sel $0x180000  }
0x61: {  	[bflag:$0x0] =	sbarrier.arrive $0xFFFF  }
0x62: {  	p0 =	sne.s32 s1, $0x0;
	_ =	strace $0x90000050  }
0x63: {  	s0 =	sadd.s32 @!p0 $0x100000, s0;
	[bflag:$0x2] =	sbarrier.arrive $0xFFFF  }
0x64: {  	[sflag:s0] =	ssyncadd.tile.s32 @!p0 $0x1;
	_ =	shalt  }
.Lfunc_end2:
_tile_overlayer_lowered:
.L_overlay_start_2:
0x65: {  	(tag) =	ssettag $0x2  }
0x66: {  	s0 =	rddreg [dreg:$0x0];
	s2 =	stileid.u32  }
0x67: {  	s1 =	rddreg [dreg:$0x1];
	p0 =	sne.s32 s2, $0x0  }
0x68: {  	s3 =	rddreg [dreg:$0x2];
	[bflag:$0x3] =	sbarrier.arrive $0xFFFF;
	s2 =	simm.s32 @!p0 $0x1C02  }
0x69: {  	[timem:s3], [sflag:s2] =	dma.local @!p0 [hbm:s0], s1  }
0x6a: {  	s0 =	simm.s32 @!p0 $0x2  }
0x6b: {  	_ =	swait.ge @!p0 [sflag:s0], s1  }
0x6c: {  	s1 =	ssub.s32 @!p0 $0x0, s1;
	[sflag:s0] =	ssyncset.done @!p0 $0x0  }
0x6d: {  	[sflag:s0] =	ssyncadd.s32 @!p0 s1  }
0x6e: {  	[bflag:$0x3] =	sbarrier.arrive $0xFFFF  }
0x6f: {  	_ =	shalt  }

// kernel: kernel.24.cloned.1.call-start
scs
__scs_entry_jumppad:
0x0: {  	(pc) =	sbr.rel $0x88, $3  }
0x1: {  	(tag) =	ssettag $0x0;
	lr =	simm.s32 $0x1  }
0x2: {  	[smem:$0x3F95] =	sst lr;
	_ =	strace $0xD0000000  }
0x3: {  	_ = 	snop  }
0x4: {  	_ = 	snop  }
0x5: {  	_ = 	snop  }
0x6: {  	_ = 	snop  }
0x7: {  	_ = 	snop  }
__scs_overlays_trampoline_lowered:
0x8: {  	[smem:$0x3FA4] =	sst s0  }
0x9: {  	[smem:$0x3FA5] =	sst s1  }
0xa: {  	[smem:$0x3FA6] =	sst s2  }
0xb: {  	[smem:$0x3FA7] =	sst s3  }
0xc: {  	[smem:$0x3FA8] =	sst s4  }
0xd: {  	[smem:$0x3FA9] =	sst s5  }
0xe: {  	[smem:$0x3FAA] =	sst s6  }
0xf: {  	[smem:$0x3FAB] =	sst s7  }
0x10: {  	[smem:$0x3FAC] =	sst s8  }
0x11: {  	[smem:$0x3FAD] =	sst s9;
	s0 =	simm.s32 @!p0 $0x0  }
0x12: {  	s1 =	sld [smem:$0x3F93];
	s0 =	simm.s32 @p0 $0x1  }
0x13: {  	[smem:$0x3FAE] =	sst s0;
	s0 =	simm.s32 @!p1 $0x0  }
0x14: {  	s2 =	sld [smem:$0x3F92];
	s0 =	simm.s32 @p1 $0x1  }
0x15: {  	[smem:$0x3FAF] =	sst s0;
	s0 =	simm.s32 @!p2 $0x0  }
0x16: {  	s3 =	sld [smem:$0x3FDB];
	s0 =	simm.s32 @p2 $0x1  }
0x17: {  	s4 =	simm.s32 $0x1BF5;
	[smem:$0x3FB1] =	sst s0  }
0x18: {  	s0 =	sld [smem:$0x3F94];
	_ =	swait.ge [sflag:s4], $0x0  }
0x19: {  	s7 =	sld [smem:$0x3F95]  }
0x1a: {  	s8 =	sadd.s32 $0xFFFFE003, lr  }
0x1b: {  	s9 =	sadd.s32 $0xFFFFFEF7, lr;
	s5 =	simm.s32 $0xFFFFFFFF;
	p2 =	slt.u32 s8, $0xFFFFF086  }
0x1c: {  	p1 =	slt.u32 s9, $0xF7A;
	s5 =	simm.s32 @!p2 $0x0  }
0x1d: {  	s5 =	simm.s32 @p1 $0x1;
	p0 =	seq.s32 s7, s2  }
0x1e: {  	s7 =	smul.u32 @!p0 $0xF7A, s2;
	p2 =	seq.s32 @!p0 s5, $0x0  }
0x1f: {  	s9 =	smul.u32 $0xF7A, s1;
	s8 =	simm.s32 @!p0 $0x1BF5;
	p2 =	por !p2, p0  }
0x20: {  	[sflag:s8] =	ssyncset.s32 @!p0 $0xFFFFF086;
	s6 =	sadd.s32 @!p0 s3, s7;
	s7 =	simm.s32 @!p0 $0x108  }
0x21: {  	s3 =	sadd.s32 s3, s9;
	s6 =	sadd.s32 @!p0 $0x88, s6;
	s7 =	simm.s32 @p2 $0x1082  }
0x22: {  	[simem:s7], [sflag:s8] =	dma.local @!p0 [hbm:s6], $0xF7A  }
0x23: {  	s9 =	sor.u32 $0xD0000000, s2;
	s6 =	simm.s32 $0x108;
	_ =	swait.ge @!p0 [sflag:s8], $0x0  }
0x24: {  	s3 =	sadd.s32 $0x88, s3;
	s6 =	simm.s32 @!p1 $0x1082;
	[sflag:s4] =	ssyncset.s32 $0xFFFFF086  }
0x25: {  	[simem:s6], [sflag:s4] =	dma.local [hbm:s3], $0xF7A  }
0x26: {  	[smem:$0x3F95] =	sst s1;
	(tag) =	ssettag s2;
	_ =	strace s9  }
0x27: {  	s1 =	sld [smem:$0x3FA5]  }
0x28: {  	s2 =	sld [smem:$0x3FA6]  }
0x29: {  	s4 =	sld [smem:$0x3FA8]  }
0x2a: {  	p0 =	seq.s32 s5, $0x0;
	s5 =	sld [smem:$0x3FA9]  }
0x2b: {  	s6 =	sld [smem:$0x3FAA]  }
0x2c: {  	s7 =	sld [smem:$0x3FAB]  }
0x2d: {  	s3 =	simm.s32 $0x108;
	s8 =	sld [smem:$0x3FAC]  }
0x2e: {  	s3 =	simm.s32 @!p0 $0x1082;
	s9 =	sld [smem:$0x3FAD]  }
0x2f: {  	lr =	sadd.s32 s0, s3;
	s0 =	sld [smem:$0x3FA4]  }
0x30: {  	s3 =	sld [smem:$0x3FA7]  }
0x31: {  	[smem:$0x3FB0] =	sst s10  }
0x32: {  	s10 =	sld [smem:$0x3FAE];
	_ =	sdelay $0x3  }
0x33: {  	p0 =	seq.s32 s10, $0x1;
	s10 =	sld [smem:$0x3FB0];
	_ =	sdelay $0x3  }
0x34: {  	[smem:$0x3FB0] =	sst s10  }
0x35: {  	s10 =	sld [smem:$0x3FAF];
	_ =	sdelay $0x3  }
0x36: {  	p1 =	seq.s32 s10, $0x1;
	s10 =	sld [smem:$0x3FB0];
	_ =	sdelay $0x3  }
0x37: {  	[smem:$0x3FB0] =	sst s10  }
0x38: {  	s10 =	sld [smem:$0x3FB1]  }
0x39: {  	_ = 	snop;
	(pc) =	sbr.ind lr, $3  }
0x3a: {  	_ = 	snop  }
0x3b: {  	_ = 	snop  }
0x3c: {  	p2 =	seq.s32 s10, $0x1;
	s10 =	sld [smem:$0x3FB0]  }
0x3d: {  	_ =	shalt  }
0x3e: {  	_ =	shalt  }
0x3f: {  	_ =	shalt  }
0x40: {  	_ =	shalt  }
0x41: {  	_ =	shalt  }
0x42: {  	_ =	shalt  }
0x43: {  	_ =	shalt  }
0x44: {  	_ =	shalt  }
0x45: {  	_ =	shalt  }
0x46: {  	_ =	shalt  }
0x47: {  	_ =	shalt  }
0x48: {  	_ =	shalt  }
0x49: {  	_ =	shalt  }
0x4a: {  	_ =	shalt  }
0x4b: {  	_ =	shalt  }
0x4c: {  	_ =	shalt  }
0x4d: {  	_ =	shalt  }
0x4e: {  	_ =	shalt  }
0x4f: {  	_ =	shalt  }
0x50: {  	_ =	shalt  }
0x51: {  	_ =	shalt  }
0x52: {  	_ =	shalt  }
0x53: {  	_ =	shalt  }
0x54: {  	_ =	shalt  }
0x55: {  	_ =	shalt  }
0x56: {  	_ =	shalt  }
0x57: {  	_ =	shalt  }
0x58: {  	_ =	shalt  }
0x59: {  	_ =	shalt  }
0x5a: {  	_ =	shalt  }
0x5b: {  	_ =	shalt  }
0x5c: {  	_ =	shalt  }
0x5d: {  	_ =	shalt  }
0x5e: {  	_ =	shalt  }
0x5f: {  	_ =	shalt  }
0x60: {  	_ =	shalt  }
0x61: {  	_ =	shalt  }
0x62: {  	_ =	shalt  }
0x63: {  	_ =	shalt  }
0x64: {  	_ =	shalt  }
0x65: {  	_ =	shalt  }
0x66: {  	_ =	shalt  }
0x67: {  	_ =	shalt  }
0x68: {  	_ =	shalt  }
0x69: {  	_ =	shalt  }
0x6a: {  	_ =	shalt  }
0x6b: {  	_ =	shalt  }
0x6c: {  	_ =	shalt  }
0x6d: {  	_ =	shalt  }
0x6e: {  	_ =	shalt  }
0x6f: {  	_ =	shalt  }
0x70: {  	_ =	shalt  }
0x71: {  	_ =	shalt  }
0x72: {  	_ =	shalt  }
0x73: {  	_ =	shalt  }
0x74: {  	_ =	shalt  }
0x75: {  	_ =	shalt  }
0x76: {  	_ =	shalt  }
0x77: {  	_ =	shalt  }
0x78: {  	_ =	shalt  }
0x79: {  	_ =	shalt  }
0x7a: {  	_ =	shalt  }
0x7b: {  	_ =	shalt  }
0x7c: {  	_ =	shalt  }
0x7d: {  	_ =	shalt  }
0x7e: {  	_ =	shalt  }
0x7f: {  	_ =	shalt  }
0x80: {  	_ =	shalt  }
0x81: {  	_ =	shalt  }
0x82: {  	_ =	shalt  }
0x83: {  	_ =	shalt  }
0x84: {  	_ =	shalt  }
0x85: {  	_ =	shalt  }
0x86: {  	_ =	shalt  }
0x87: {  	_ =	shalt  }
.Lfunc_end0:
.L_simem_size_0:
called_computation.4_lowered:
.L_overlay_start_0:
0x88: {  	s2 =	sld [smem:$0x3FD9]  }
0x89: {  	s3 =	sld [smem:$0x3FFE];
	_ =	sdelay $0x1  }
0x8a: {  	s1 =	srdreg.scid  }
0x8b: {  	s0 =	sand.u32 $0x1, s1  }
0x8c: {  	s16 =	sshll.u32 s0, $0xA;
	s2 =	sadd.s32 s3, s2  }
0x8d: {  	s2 =	sadd.s32 s2, s16  }
0x8e: {  	[smem:$0x3FBC] =	sst s2  }
0x8f: {  	_ = 	snop  }
0x90: {  	(tm) =	ssettm $0x1  }
0x91: {  	s17 =	sld [smem:$0x3FFB];
	_ =	sdelay $0x3  }
0x92: {  	_ =	strace s17  }
0x93: {  	s2 =	sld [smem:$0x3FFC];
	_ =	sdelay $0x3  }
0x94: {  	_ =	strace s2  }
0x95: {  	s2 =	sld [smem:$0x3FFD];
	_ =	sdelay $0x3  }
0x96: {  	_ =	strace s2  }
0x97: {  	_ =	strace $0x8FFFFFFF  }
0x98: {  	s18 =	sld [smem:$0x3FDB];
	_ =	sdelay $0x1  }
0x99: {  	s19 =	simm.s32 $_scs_section_size  }
0x9a: {  	s4 =	simm.s32 $_size__tile_overlayer_lowered;
	s5 =	simm.s32 $_tile_overlayer_lowered  }
0x9b: {  	s22 =	simm.s32 $0x1BFF;
	s21 =	sshll.u32 s5, $0x1;
	s2 =	sadd.s32 s19, s18  }
0x9c: {  	s6 =	simm.s32 $0x0;
	s20 =	sshll.u32 s4, $0x1;
	s4 =	sadd.s32 s21, s2  }
0x9d: {  	[timem:s6], [sflag:s22] =	dma.local [hbm:s4], s20  }
0x9e: {  	_ =	swait.ge [sflag:s22], s20  }
0x9f: {  	s3 =	ssub.s32 $0x0, s20;
	[sflag:s22] =	ssyncset.done $0x0  }
0xa0: {  	[sflag:s22] =	ssyncadd.s32 s3;
	_ =	sdelay $0x1  }
0xa1: {  	s23 =	simm.s32 $0x1B8B  }
0xa2: {  	_ =	swait.ge [sflag:s23], $0x1  }
0xa3: {  	[sflag:s23] =	ssyncset.done $0x0  }
0xa4: {  	s25 =	simm.s32 $0x1B8E;
	s24 =	sld [smem:$0x3FFE];
	[sflag:s23] =	ssyncadd.s32 $0xFFFFFFFF  }
0xa5: {  	s26 =	simm.s32 $execute0_lowered;
	[smem:$0x3FD2] =	sst s25  }
0xa6: {  	s4 =	sshll.u32 s26, $0x1;
	_ =	strace $0x80000052;
	[dreg:$0x1] =	wrdreg $0xFFFFFFFF  }
0xa7: {  	s28 =	simm.s32 $_size_execute0_lowered;
	s2 =	sadd.s32 s2, s4;
	[dreg:$0x0] =	wrdreg $0x0  }
0xa8: {  	s4 =	sshll.u32 s28, $0x1;
	[dreg:$0x2] =	wrdreg s2  }
0xa9: {  	[dreg:$0x3] =	wrdreg s4  }
0xaa: {  	[dreg:$0x4] =	wrdreg $0xC0  }
0xab: {  	_ =	task [dreg:s6], $0x5FFFF  }
0xac: {  	[dreg:$0x1] =	wrdreg $0xFFFFFFFF  }
0xad: {  	[dreg:$0x0] =	wrdreg $0x60  }
0xae: {  	[dreg:$0x2] =	wrdreg s24  }
0xaf: {  	[dreg:$0x3] =	wrdreg $0x9  }
0xb0: {  	_ =	task.clear_ibuf [dreg:s6], $0x4FFFF;
	_ =	strace $0x90000052  }
0xb1: {  	s29 =	simm.s32 $0x9;
	_ =	strace $0x80000054  }
0xb2: {  	_ =	swait.ge [sflag:s29], $0x1  }
0xb3: {  	[sflag:s29] =	ssyncadd.s32 $0xFFFFFFFF  }
0xb4: {  	_ =	strace $0x90000054  }
0xb5: {  	_ =	sfence  }
0xb6: {  	s30 =	sld [smem:$0x0];
	_ =	sdelay $0x2  }
0xb7: {  	s31 =	sshll.u32 s1, $0xD;
	s1 =	sshrl.u32 s1, $0x2  }
0xb8: {  	s3 =	sand.u32 $0x4000, s31;
	s1 =	sadd.s32 s1, s30  }
0xb9: {  	s0 =	sor.u32 s3, s0;
	s1 =	sshll.u32 s1, $0x11  }
0xba: {  	s0 =	sor.u32 s1, s0  }
0xbb: {  	s0 =	sadd.s32 $0x8F2B, s0  }
0xbc: {  	[sflag:s0] =	ssyncadd.remote.s32 $0x1  }
0xbd: {  	_ =	sfence.sel $0xFFFF  }
0xbe: {  	[dreg:$0x0] =	wrdreg $0xFFFFFFFF;
	(pc) =	sbr.abs _section_cstart, $3  }
0xbf: {  	[dreg:$0x1] =	wrdreg $0xFFFFFFFF  }
0xc0: {  	_ =	task.clear_ibuf [dreg:s6], $0x2FFFF;
	_ =	strace $0x9FFFFFFF  }
0xc1: {  	(tm) =	ssettm $0x7FFFFFFF  }
tec
execute0_lowered:
.L_overlay_start_1:
0x0: {  	(tag) =	ssettag $0x1  }
0x1: {  	s4 =	rddreg [dreg:$0x0]  }
0x2: {  	s0 =	rddreg [dreg:$0x1];
	s2 =	simm.s32 $0x0;
	s3 =	srdreg.scid  }
0x3: {  	s1 =	stileid.u32;
	s10 =	simm.s32 $0x4200;
	s11 =	simm.s32 $0x100  }
0x4: {  	s12 =	simm.s32 $0x8200;
	s13 =	simm.s32 $0x180;
	s14 =	simm.s32 $0xC200  }
0x5: {  	s15 =	simm.s32 $0x1;
	s16 =	simm.s32 $0x0;
	s6 =	smul.u32 $0x2800, s1  }
0x6: {  	[smem:$0x7FF] =	sst s2;
	s5 =	sand.u32 $0x1, s3;
	s8 =	smul.u32 $0x28000, s1  }
0x7: {  	s3 =	sadd.s32 $0x9A00, s4;
	s7 =	smul.u32 $0x1400, s5;
	s9 =	ssub.s32 $0x2, s5  }
0x8: {  	_ =	strace $0x80000053;
	s5 =	smul.u32 $0x14000, s5;
	s31 =	sshrl.u32 s9, $0x1  }
0x9: {  	s8 =	sadd.s32 s8, s4;
	s6 =	sadd.s32 s7, s6;
	s7 =	ssub.s32 s9, s31  }
0xa: {  	s5 =	sadd.s32 s5, s8;
	s8 =	simm.s32 $0x80;
	s6 =	sshrl.u32 s6, $0x3  }
0xb: {  	s9 =	simm.s32 $0x200;
	s5 =	sadd.s32 $0x4C400, s5;
	s6 =	sadd.s32 s6, s4  }
0xc: {  	s4 =	smax.u32 s7, $0x1;
	s7 =	simm.s32 $0x2;
	s6 =	sadd.s32 $0x33400, s6  }
.LBB2_1:
0xd: {  	s17 =	sadd.s32 $0x0, s6  }
0xe: {  	[tilespmem:s2], [sflag:$0x2] =	stream.linear.gather [hbm4b:s17+s2], $0x200, $0x38;
	[tilespmem:$0x10200] =	vst v63  }
0xf: {  	_ =	swait.ge [sflag:s7], $0x200  }
0x10: {  	[sflag:s7] =	ssyncset.done $0x0  }
0x11: {  	[sflag:s7] =	ssyncadd.s32 $0xFFFFFE00  }
0x12: {  	[tilespmem:s9], [sflag:$0x1] =	stream.indirect.gather [hbm4b:s3+s8], $0x80, s2, s8, $0xb8;
	[tilespmem:$0x10200] =	vst v63  }
0x13: {  	_ = 	snop  }
0x14: {  	[tilespmem:s10], [sflag:$0x1] =	stream.indirect.gather [hbm4b:s3+s8], $0x80, s8, s8, $0xb8;
	[tilespmem:$0x10200] =	vst v63  }
0x15: {  	_ = 	snop  }
0x16: {  	[tilespmem:s12], [sflag:$0x1] =	stream.indirect.gather [hbm4b:s3+s8], $0x80, s11, s8, $0xb8;
	[tilespmem:$0x10200] =	vst v63  }
0x17: {  	_ = 	snop  }
0x18: {  	[tilespmem:s14], [sflag:$0x1] =	stream.indirect.gather [hbm4b:s3+s8], $0x80, s13, s8, $0xb8;
	[tilespmem:$0x10200] =	vst v63  }
0x19: {  	_ =	swait.ge [sflag:s15], $0x4000  }
0x1a: {  	[sflag:s15] =	ssyncset.done $0x0  }
0x1b: {  	[sflag:s15] =	ssyncadd.s32 $0xFFFFC000  }
0x1c: {  	_ =	swait.ge [sflag:s15], $0x4000  }
0x1d: {  	[sflag:s15] =	ssyncset.done $0x0  }
0x1e: {  	[sflag:s15] =	ssyncadd.s32 $0xFFFFC000  }
0x1f: {  	_ =	swait.ge [sflag:s15], $0x4000  }
0x20: {  	[sflag:s15] =	ssyncset.done $0x0  }
0x21: {  	[sflag:s15] =	ssyncadd.s32 $0xFFFFC000  }
0x22: {  	_ =	swait.ge [sflag:s15], $0x4000  }
0x23: {  	[sflag:s15] =	ssyncset.done $0x0  }
0x24: {  	[sflag:s15] =	ssyncadd.s32 $0xFFFFC000  }
0x25: {  	[hbm4b:s5+s2] =	stream.linear.scatter [tilespmem:s9], [sflag:$0x2], $0x10000, $0x38;
	[tilespmem:$0x10200] =	vst v63  }
0x26: {  	s18 =	simm.s32 $0x40;
	_ =	swait.ge [sflag:s7], $0x10000  }
0x27: {  	s19 =	simm.s32 $0x80;
	s17 =	sadd.s32 $0x2000, s5;
	[sflag:s7] =	ssyncset.done $0x0  }
.LBB2_2:
0x28: {  	s20 =	sadd.s32 s18, s6  }
0x29: {  	[sflag:s7] =	ssyncadd.s32 $0xFFFF0000;
	s18 =	smov.u32 s19;
	s21 =	sadd.s32 $0x40, s19  }
0x2a: {  	[tilespmem:s2], [sflag:$0x2] =	stream.linear.gather [hbm4b:s20+s2], $0x200, $0x38;
	[tilespmem:$0x10200] =	vst v63  }
0x2b: {  	p0 =	sne.s32 s19, $0x240;
	_ =	swait.ge [sflag:s7], $0x200  }
0x2c: {  	[sflag:s7] =	ssyncset.done $0x0  }
0x2d: {  	[sflag:s7] =	ssyncadd.s32 $0xFFFFFE00  }
0x2e: {  	[tilespmem:s9], [sflag:$0x1] =	stream.indirect.gather [hbm4b:s3+s8], $0x80, s2, s8, $0xb8;
	[tilespmem:$0x10200] =	vst v63  }
0x2f: {  	_ = 	snop  }
0x30: {  	[tilespmem:s10], [sflag:$0x1] =	stream.indirect.gather [hbm4b:s3+s8], $0x80, s8, s8, $0xb8;
	[tilespmem:$0x10200] =	vst v63  }
0x31: {  	_ = 	snop  }
0x32: {  	[tilespmem:s12], [sflag:$0x1] =	stream.indirect.gather [hbm4b:s3+s8], $0x80, s11, s8, $0xb8;
	[tilespmem:$0x10200] =	vst v63  }
0x33: {  	_ = 	snop  }
0x34: {  	[tilespmem:s14], [sflag:$0x1] =	stream.indirect.gather [hbm4b:s3+s8], $0x80, s13, s8, $0xb8;
	[tilespmem:$0x10200] =	vst v63  }
0x35: {  	_ =	swait.ge [sflag:s15], $0x4000  }
0x36: {  	[sflag:s15] =	ssyncset.done $0x0  }
0x37: {  	[sflag:s15] =	ssyncadd.s32 $0xFFFFC000  }
0x38: {  	_ =	swait.ge [sflag:s15], $0x4000  }
0x39: {  	[sflag:s15] =	ssyncset.done $0x0  }
0x3a: {  	[sflag:s15] =	ssyncadd.s32 $0xFFFFC000  }
0x3b: {  	_ =	swait.ge [sflag:s15], $0x4000  }
0x3c: {  	[sflag:s15] =	ssyncset.done $0x0  }
0x3d: {  	[sflag:s15] =	ssyncadd.s32 $0xFFFFC000  }
0x3e: {  	_ =	swait.ge [sflag:s15], $0x4000  }
.Ltmp0:
0x3f: {  	[sflag:s15] =	ssyncset.done $0x0;
	(pc) =	sbr.rel @p0 .LBB2_2-.Ltmp0, $4  }
0x40: {  	[sflag:s15] =	ssyncadd.s32 $0xFFFFC000  }
0x41: {  	[hbm4b:s17+s2] =	stream.linear.scatter [tilespmem:s9], [sflag:$0x2], $0x10000, $0x38;
	[tilespmem:$0x10200] =	vst v63  }
0x42: {  	_ =	swait.ge [sflag:s7], $0x10000  }
0x43: {  	s19 =	smov.u32 s21;
	s17 =	sadd.s32 $0x2000, s17;
	[sflag:s7] =	ssyncset.done $0x0  }
0x44: {  	s18 =	sadd.s32 s18, s6;
	[sflag:s7] =	ssyncadd.s32 $0xFFFF0000  }
0x45: {  	[tilespmem:s2], [sflag:$0x2] =	stream.linear.gather [hbm4b:s18+s2], $0x200, $0x38;
	[tilespmem:$0x10200] =	vst v63  }
0x46: {  	_ =	swait.ge [sflag:s7], $0x200  }
0x47: {  	[sflag:s7] =	ssyncset.done $0x0  }
0x48: {  	[sflag:s7] =	ssyncadd.s32 $0xFFFFFE00  }
0x49: {  	[tilespmem:s9], [sflag:$0x1] =	stream.indirect.gather [hbm4b:s3+s8], $0x80, s2, s8, $0xb8;
	[tilespmem:$0x10200] =	vst v63  }
0x4a: {  	_ = 	snop  }
0x4b: {  	[tilespmem:s10], [sflag:$0x1] =	stream.indirect.gather [hbm4b:s3+s8], $0x80, s8, s8, $0xb8;
	[tilespmem:$0x10200] =	vst v63  }
0x4c: {  	_ = 	snop  }
0x4d: {  	[tilespmem:s12], [sflag:$0x1] =	stream.indirect.gather [hbm4b:s3+s8], $0x80, s11, s8, $0xb8;
	[tilespmem:$0x10200] =	vst v63  }
0x4e: {  	_ = 	snop  }
0x4f: {  	[tilespmem:s14], [sflag:$0x1] =	stream.indirect.gather [hbm4b:s3+s8], $0x80, s13, s8, $0xb8;
	[tilespmem:$0x10200] =	vst v63  }
0x50: {  	_ =	swait.ge [sflag:s15], $0x4000  }
0x51: {  	[sflag:s15] =	ssyncset.done $0x0  }
0x52: {  	[sflag:s15] =	ssyncadd.s32 $0xFFFFC000  }
0x53: {  	_ =	swait.ge [sflag:s15], $0x4000  }
0x54: {  	[sflag:s15] =	ssyncset.done $0x0  }
0x55: {  	[sflag:s15] =	ssyncadd.s32 $0xFFFFC000  }
0x56: {  	_ =	swait.ge [sflag:s15], $0x4000  }
0x57: {  	[sflag:s15] =	ssyncset.done $0x0  }
0x58: {  	[sflag:s15] =	ssyncadd.s32 $0xFFFFC000  }
0x59: {  	s16 =	sadd.s32 $0x1, s16;
	_ =	swait.ge [sflag:s15], $0x4000  }
0x5a: {  	p0 =	sne.s32 s16, s4;
	[sflag:s15] =	ssyncset.done $0x0  }
.Ltmp1:
0x5b: {  	[sflag:s15] =	ssyncadd.s32 $0xFFFFC000;
	(pc) =	sbr.rel @p0 .LBB2_1-.Ltmp1, $4  }
0x5c: {  	[hbm4b:s17+s2] =	stream.linear.scatter [tilespmem:s9], [sflag:$0x2], $0x10000, $0x38;
	[tilespmem:$0x10200] =	vst v63  }
0x5d: {  	_ =	swait.ge [sflag:s7], $0x10000  }
0x5e: {  	[sflag:s7] =	ssyncset.done $0x0  }
0x5f: {  	[sflag:s7] =	ssyncadd.s32 $0xFFFF0000  }
0x60: {  	_ =	sfence.sel $0x180000  }
0x61: {  	[bflag:$0x0] =	sbarrier.arrive $0xFFFF  }
0x62: {  	p0 =	sne.s32 s1, $0x0;
	_ =	strace $0x90000053  }
0x63: {  	s0 =	sadd.s32 @!p0 $0x100000, s0;
	[bflag:$0x2] =	sbarrier.arrive $0xFFFF  }
0x64: {  	[sflag:s0] =	ssyncadd.tile.s32 @!p0 $0x1;
	_ =	shalt  }
.Lfunc_end2:
_tile_overlayer_lowered:
.L_overlay_start_2:
0x65: {  	(tag) =	ssettag $0x2  }
0x66: {  	s0 =	rddreg [dreg:$0x0];
	s2 =	stileid.u32  }
0x67: {  	s1 =	rddreg [dreg:$0x1];
	p0 =	sne.s32 s2, $0x0  }
0x68: {  	s3 =	rddreg [dreg:$0x2];
	[bflag:$0x3] =	sbarrier.arrive $0xFFFF;
	s2 =	simm.s32 @!p0 $0x1C02  }
0x69: {  	[timem:s3], [sflag:s2] =	dma.local @!p0 [hbm:s0], s1  }
0x6a: {  	s0 =	simm.s32 @!p0 $0x2  }
0x6b: {  	_ =	swait.ge @!p0 [sflag:s0], s1  }
0x6c: {  	s1 =	ssub.s32 @!p0 $0x0, s1;
	[sflag:s0] =	ssyncset.done @!p0 $0x0  }
0x6d: {  	[sflag:s0] =	ssyncadd.s32 @!p0 s1  }
0x6e: {  	[bflag:$0x3] =	sbarrier.arrive $0xFFFF  }
0x6f: {  	_ =	shalt  }

// kernel: kernel.27.cloned.1.call-start
scs
__scs_entry_jumppad:
0x0: {  	(pc) =	sbr.rel $0x88, $3  }
0x1: {  	(tag) =	ssettag $0x0;
	lr =	simm.s32 $0x1  }
0x2: {  	[smem:$0x3F95] =	sst lr;
	_ =	strace $0xD0000000  }
0x3: {  	_ = 	snop  }
0x4: {  	_ = 	snop  }
0x5: {  	_ = 	snop  }
0x6: {  	_ = 	snop  }
0x7: {  	_ = 	snop  }
__scs_overlays_trampoline_lowered:
0x8: {  	[smem:$0x3FA4] =	sst s0  }
0x9: {  	[smem:$0x3FA5] =	sst s1  }
0xa: {  	[smem:$0x3FA6] =	sst s2  }
0xb: {  	[smem:$0x3FA7] =	sst s3  }
0xc: {  	[smem:$0x3FA8] =	sst s4  }
0xd: {  	[smem:$0x3FA9] =	sst s5  }
0xe: {  	[smem:$0x3FAA] =	sst s6  }
0xf: {  	[smem:$0x3FAB] =	sst s7  }
0x10: {  	[smem:$0x3FAC] =	sst s8  }
0x11: {  	[smem:$0x3FAD] =	sst s9;
	s0 =	simm.s32 @!p0 $0x0  }
0x12: {  	s1 =	sld [smem:$0x3F93];
	s0 =	simm.s32 @p0 $0x1  }
0x13: {  	[smem:$0x3FAE] =	sst s0;
	s0 =	simm.s32 @!p1 $0x0  }
0x14: {  	s2 =	sld [smem:$0x3F92];
	s0 =	simm.s32 @p1 $0x1  }
0x15: {  	[smem:$0x3FAF] =	sst s0;
	s0 =	simm.s32 @!p2 $0x0  }
0x16: {  	s3 =	sld [smem:$0x3FDB];
	s0 =	simm.s32 @p2 $0x1  }
0x17: {  	s4 =	simm.s32 $0x1BF5;
	[smem:$0x3FB1] =	sst s0  }
0x18: {  	s0 =	sld [smem:$0x3F94];
	_ =	swait.ge [sflag:s4], $0x0  }
0x19: {  	s7 =	sld [smem:$0x3F95]  }
0x1a: {  	s8 =	sadd.s32 $0xFFFFE003, lr  }
0x1b: {  	s9 =	sadd.s32 $0xFFFFFEF7, lr;
	s5 =	simm.s32 $0xFFFFFFFF;
	p2 =	slt.u32 s8, $0xFFFFF086  }
0x1c: {  	p1 =	slt.u32 s9, $0xF7A;
	s5 =	simm.s32 @!p2 $0x0  }
0x1d: {  	s5 =	simm.s32 @p1 $0x1;
	p0 =	seq.s32 s7, s2  }
0x1e: {  	s7 =	smul.u32 @!p0 $0xF7A, s2;
	p2 =	seq.s32 @!p0 s5, $0x0  }
0x1f: {  	s9 =	smul.u32 $0xF7A, s1;
	s8 =	simm.s32 @!p0 $0x1BF5;
	p2 =	por !p2, p0  }
0x20: {  	[sflag:s8] =	ssyncset.s32 @!p0 $0xFFFFF086;
	s6 =	sadd.s32 @!p0 s3, s7;
	s7 =	simm.s32 @!p0 $0x108  }
0x21: {  	s3 =	sadd.s32 s3, s9;
	s6 =	sadd.s32 @!p0 $0x88, s6;
	s7 =	simm.s32 @p2 $0x1082  }
0x22: {  	[simem:s7], [sflag:s8] =	dma.local @!p0 [hbm:s6], $0xF7A  }
0x23: {  	s9 =	sor.u32 $0xD0000000, s2;
	s6 =	simm.s32 $0x108;
	_ =	swait.ge @!p0 [sflag:s8], $0x0  }
0x24: {  	s3 =	sadd.s32 $0x88, s3;
	s6 =	simm.s32 @!p1 $0x1082;
	[sflag:s4] =	ssyncset.s32 $0xFFFFF086  }
0x25: {  	[simem:s6], [sflag:s4] =	dma.local [hbm:s3], $0xF7A  }
0x26: {  	[smem:$0x3F95] =	sst s1;
	(tag) =	ssettag s2;
	_ =	strace s9  }
0x27: {  	s1 =	sld [smem:$0x3FA5]  }
0x28: {  	s2 =	sld [smem:$0x3FA6]  }
0x29: {  	s4 =	sld [smem:$0x3FA8]  }
0x2a: {  	p0 =	seq.s32 s5, $0x0;
	s5 =	sld [smem:$0x3FA9]  }
0x2b: {  	s6 =	sld [smem:$0x3FAA]  }
0x2c: {  	s7 =	sld [smem:$0x3FAB]  }
0x2d: {  	s3 =	simm.s32 $0x108;
	s8 =	sld [smem:$0x3FAC]  }
0x2e: {  	s3 =	simm.s32 @!p0 $0x1082;
	s9 =	sld [smem:$0x3FAD]  }
0x2f: {  	lr =	sadd.s32 s0, s3;
	s0 =	sld [smem:$0x3FA4]  }
0x30: {  	s3 =	sld [smem:$0x3FA7]  }
0x31: {  	[smem:$0x3FB0] =	sst s10  }
0x32: {  	s10 =	sld [smem:$0x3FAE];
	_ =	sdelay $0x3  }
0x33: {  	p0 =	seq.s32 s10, $0x1;
	s10 =	sld [smem:$0x3FB0];
	_ =	sdelay $0x3  }
0x34: {  	[smem:$0x3FB0] =	sst s10  }
0x35: {  	s10 =	sld [smem:$0x3FAF];
	_ =	sdelay $0x3  }
0x36: {  	p1 =	seq.s32 s10, $0x1;
	s10 =	sld [smem:$0x3FB0];
	_ =	sdelay $0x3  }
0x37: {  	[smem:$0x3FB0] =	sst s10  }
0x38: {  	s10 =	sld [smem:$0x3FB1]  }
0x39: {  	_ = 	snop;
	(pc) =	sbr.ind lr, $3  }
0x3a: {  	_ = 	snop  }
0x3b: {  	_ = 	snop  }
0x3c: {  	p2 =	seq.s32 s10, $0x1;
	s10 =	sld [smem:$0x3FB0]  }
0x3d: {  	_ =	shalt  }
0x3e: {  	_ =	shalt  }
0x3f: {  	_ =	shalt  }
0x40: {  	_ =	shalt  }
0x41: {  	_ =	shalt  }
0x42: {  	_ =	shalt  }
0x43: {  	_ =	shalt  }
0x44: {  	_ =	shalt  }
0x45: {  	_ =	shalt  }
0x46: {  	_ =	shalt  }
0x47: {  	_ =	shalt  }
0x48: {  	_ =	shalt  }
0x49: {  	_ =	shalt  }
0x4a: {  	_ =	shalt  }
0x4b: {  	_ =	shalt  }
0x4c: {  	_ =	shalt  }
0x4d: {  	_ =	shalt  }
0x4e: {  	_ =	shalt  }
0x4f: {  	_ =	shalt  }
0x50: {  	_ =	shalt  }
0x51: {  	_ =	shalt  }
0x52: {  	_ =	shalt  }
0x53: {  	_ =	shalt  }
0x54: {  	_ =	shalt  }
0x55: {  	_ =	shalt  }
0x56: {  	_ =	shalt  }
0x57: {  	_ =	shalt  }
0x58: {  	_ =	shalt  }
0x59: {  	_ =	shalt  }
0x5a: {  	_ =	shalt  }
0x5b: {  	_ =	shalt  }
0x5c: {  	_ =	shalt  }
0x5d: {  	_ =	shalt  }
0x5e: {  	_ =	shalt  }
0x5f: {  	_ =	shalt  }
0x60: {  	_ =	shalt  }
0x61: {  	_ =	shalt  }
0x62: {  	_ =	shalt  }
0x63: {  	_ =	shalt  }
0x64: {  	_ =	shalt  }
0x65: {  	_ =	shalt  }
0x66: {  	_ =	shalt  }
0x67: {  	_ =	shalt  }
0x68: {  	_ =	shalt  }
0x69: {  	_ =	shalt  }
0x6a: {  	_ =	shalt  }
0x6b: {  	_ =	shalt  }
0x6c: {  	_ =	shalt  }
0x6d: {  	_ =	shalt  }
0x6e: {  	_ =	shalt  }
0x6f: {  	_ =	shalt  }
0x70: {  	_ =	shalt  }
0x71: {  	_ =	shalt  }
0x72: {  	_ =	shalt  }
0x73: {  	_ =	shalt  }
0x74: {  	_ =	shalt  }
0x75: {  	_ =	shalt  }
0x76: {  	_ =	shalt  }
0x77: {  	_ =	shalt  }
0x78: {  	_ =	shalt  }
0x79: {  	_ =	shalt  }
0x7a: {  	_ =	shalt  }
0x7b: {  	_ =	shalt  }
0x7c: {  	_ =	shalt  }
0x7d: {  	_ =	shalt  }
0x7e: {  	_ =	shalt  }
0x7f: {  	_ =	shalt  }
0x80: {  	_ =	shalt  }
0x81: {  	_ =	shalt  }
0x82: {  	_ =	shalt  }
0x83: {  	_ =	shalt  }
0x84: {  	_ =	shalt  }
0x85: {  	_ =	shalt  }
0x86: {  	_ =	shalt  }
0x87: {  	_ =	shalt  }
.Lfunc_end0:
.L_simem_size_0:
called_computation.5_lowered:
.L_overlay_start_0:
0x88: {  	s2 =	sld [smem:$0x3FD9]  }
0x89: {  	s3 =	sld [smem:$0x3FFE];
	_ =	sdelay $0x1  }
0x8a: {  	s1 =	srdreg.scid  }
0x8b: {  	s0 =	sand.u32 $0x1, s1  }
0x8c: {  	s16 =	sshll.u32 s0, $0xA;
	s2 =	sadd.s32 s3, s2  }
0x8d: {  	s2 =	sadd.s32 s2, s16  }
0x8e: {  	[smem:$0x3FBC] =	sst s2  }
0x8f: {  	_ = 	snop  }
0x90: {  	(tm) =	ssettm $0x1  }
0x91: {  	s17 =	sld [smem:$0x3FFB];
	_ =	sdelay $0x3  }
0x92: {  	_ =	strace s17  }
0x93: {  	s2 =	sld [smem:$0x3FFC];
	_ =	sdelay $0x3  }
0x94: {  	_ =	strace s2  }
0x95: {  	s2 =	sld [smem:$0x3FFD];
	_ =	sdelay $0x3  }
0x96: {  	_ =	strace s2  }
0x97: {  	_ =	strace $0x8FFFFFFF  }
0x98: {  	s18 =	sld [smem:$0x3FDB];
	_ =	sdelay $0x1  }
0x99: {  	s19 =	simm.s32 $_scs_section_size  }
0x9a: {  	s4 =	simm.s32 $_size__tile_overlayer_lowered;
	s5 =	simm.s32 $_tile_overlayer_lowered  }
0x9b: {  	s22 =	simm.s32 $0x1BFF;
	s21 =	sshll.u32 s5, $0x1;
	s2 =	sadd.s32 s19, s18  }
0x9c: {  	s6 =	simm.s32 $0x0;
	s20 =	sshll.u32 s4, $0x1;
	s4 =	sadd.s32 s21, s2  }
0x9d: {  	[timem:s6], [sflag:s22] =	dma.local [hbm:s4], s20  }
0x9e: {  	_ =	swait.ge [sflag:s22], s20  }
0x9f: {  	s3 =	ssub.s32 $0x0, s20;
	[sflag:s22] =	ssyncset.done $0x0  }
0xa0: {  	[sflag:s22] =	ssyncadd.s32 s3;
	_ =	sdelay $0x1  }
0xa1: {  	s23 =	simm.s32 $0x1B8B  }
0xa2: {  	_ =	swait.ge [sflag:s23], $0x1  }
0xa3: {  	[sflag:s23] =	ssyncset.done $0x0  }
0xa4: {  	s25 =	simm.s32 $0x1B8E;
	s24 =	sld [smem:$0x3FFE];
	[sflag:s23] =	ssyncadd.s32 $0xFFFFFFFF  }
0xa5: {  	s26 =	simm.s32 $execute0_lowered;
	[smem:$0x3FD2] =	sst s25  }
0xa6: {  	s4 =	sshll.u32 s26, $0x1;
	_ =	strace $0x80000055;
	[dreg:$0x1] =	wrdreg $0xFFFFFFFF  }
0xa7: {  	s28 =	simm.s32 $_size_execute0_lowered;
	s2 =	sadd.s32 s2, s4;
	[dreg:$0x0] =	wrdreg $0x0  }
0xa8: {  	s4 =	sshll.u32 s28, $0x1;
	[dreg:$0x2] =	wrdreg s2  }
0xa9: {  	[dreg:$0x3] =	wrdreg s4  }
0xaa: {  	[dreg:$0x4] =	wrdreg $0xC0  }
0xab: {  	_ =	task [dreg:s6], $0x5FFFF  }
0xac: {  	[dreg:$0x1] =	wrdreg $0xFFFFFFFF  }
0xad: {  	[dreg:$0x0] =	wrdreg $0x60  }
0xae: {  	[dreg:$0x2] =	wrdreg s24  }
0xaf: {  	[dreg:$0x3] =	wrdreg $0xA  }
0xb0: {  	_ =	task.clear_ibuf [dreg:s6], $0x4FFFF;
	_ =	strace $0x90000055  }
0xb1: {  	s29 =	simm.s32 $0xA;
	_ =	strace $0x80000057  }
0xb2: {  	_ =	swait.ge [sflag:s29], $0x1  }
0xb3: {  	[sflag:s29] =	ssyncadd.s32 $0xFFFFFFFF  }
0xb4: {  	_ =	strace $0x90000057  }
0xb5: {  	_ =	sfence  }
0xb6: {  	s30 =	sld [smem:$0x0];
	_ =	sdelay $0x2  }
0xb7: {  	s31 =	sshll.u32 s1, $0xD;
	s1 =	sshrl.u32 s1, $0x2  }
0xb8: {  	s3 =	sand.u32 $0x4000, s31;
	s1 =	sadd.s32 s1, s30  }
0xb9: {  	s0 =	sor.u32 s3, s0;
	s1 =	sshll.u32 s1, $0x11  }
0xba: {  	s0 =	sor.u32 s1, s0  }
0xbb: {  	s0 =	sadd.s32 $0x8F2B, s0  }
0xbc: {  	[sflag:s0] =	ssyncadd.remote.s32 $0x1  }
0xbd: {  	_ =	sfence.sel $0xFFFF  }
0xbe: {  	[dreg:$0x0] =	wrdreg $0xFFFFFFFF;
	(pc) =	sbr.abs _section_cstart, $3  }
0xbf: {  	[dreg:$0x1] =	wrdreg $0xFFFFFFFF  }
0xc0: {  	_ =	task.clear_ibuf [dreg:s6], $0x2FFFF;
	_ =	strace $0x9FFFFFFF  }
0xc1: {  	(tm) =	ssettm $0x7FFFFFFF  }
tec
execute0_lowered:
.L_overlay_start_1:
0x0: {  	(tag) =	ssettag $0x1  }
0x1: {  	s4 =	rddreg [dreg:$0x0]  }
0x2: {  	s0 =	rddreg [dreg:$0x1];
	s2 =	simm.s32 $0x0;
	s3 =	srdreg.scid  }
0x3: {  	s1 =	stileid.u32;
	s10 =	simm.s32 $0x4200;
	s11 =	simm.s32 $0x100  }
0x4: {  	s12 =	simm.s32 $0x8200;
	s13 =	simm.s32 $0x180;
	s14 =	simm.s32 $0xC200  }
0x5: {  	s15 =	simm.s32 $0x1;
	s16 =	simm.s32 $0x0;
	s6 =	smul.u32 $0x2800, s1  }
0x6: {  	[smem:$0x7FF] =	sst s2;
	s5 =	sand.u32 $0x1, s3;
	s8 =	smul.u32 $0x28000, s1  }
0x7: {  	s3 =	sadd.s32 $0x4C400, s4;
	s7 =	smul.u32 $0x1400, s5;
	s9 =	ssub.s32 $0x2, s5  }
0x8: {  	_ =	strace $0x80000056;
	s5 =	smul.u32 $0x14000, s5;
	s31 =	sshrl.u32 s9, $0x1  }
0x9: {  	s8 =	sadd.s32 s8, s4;
	s6 =	sadd.s32 s7, s6;
	s7 =	ssub.s32 s9, s31  }
0xa: {  	s5 =	sadd.s32 s5, s8;
	s8 =	simm.s32 $0x80;
	s6 =	sshrl.u32 s6, $0x3  }
0xb: {  	s9 =	simm.s32 $0x200;
	s5 =	sadd.s32 $0x73600, s5;
	s6 =	sadd.s32 s6, s4  }
0xc: {  	s4 =	smax.u32 s7, $0x1;
	s7 =	simm.s32 $0x2;
	s6 =	sadd.s32 $0x33400, s6  }
.LBB2_1:
0xd: {  	s17 =	sadd.s32 $0x0, s6  }
0xe: {  	[tilespmem:s2], [sflag:$0x2] =	stream.linear.gather [hbm4b:s17+s2], $0x200, $0x38;
	[tilespmem:$0x10200] =	vst v63  }
0xf: {  	_ =	swait.ge [sflag:s7], $0x200  }
0x10: {  	[sflag:s7] =	ssyncset.done $0x0  }
0x11: {  	[sflag:s7] =	ssyncadd.s32 $0xFFFFFE00  }
0x12: {  	[tilespmem:s9], [sflag:$0x1] =	stream.indirect.gather [hbm4b:s3+s8], $0x80, s2, s8, $0xb8;
	[tilespmem:$0x10200] =	vst v63  }
0x13: {  	_ = 	snop  }
0x14: {  	[tilespmem:s10], [sflag:$0x1] =	stream.indirect.gather [hbm4b:s3+s8], $0x80, s8, s8, $0xb8;
	[tilespmem:$0x10200] =	vst v63  }
0x15: {  	_ = 	snop  }
0x16: {  	[tilespmem:s12], [sflag:$0x1] =	stream.indirect.gather [hbm4b:s3+s8], $0x80, s11, s8, $0xb8;
	[tilespmem:$0x10200] =	vst v63  }
0x17: {  	_ = 	snop  }
0x18: {  	[tilespmem:s14], [sflag:$0x1] =	stream.indirect.gather [hbm4b:s3+s8], $0x80, s13, s8, $0xb8;
	[tilespmem:$0x10200] =	vst v63  }
0x19: {  	_ =	swait.ge [sflag:s15], $0x4000  }
0x1a: {  	[sflag:s15] =	ssyncset.done $0x0  }
0x1b: {  	[sflag:s15] =	ssyncadd.s32 $0xFFFFC000  }
0x1c: {  	_ =	swait.ge [sflag:s15], $0x4000  }
0x1d: {  	[sflag:s15] =	ssyncset.done $0x0  }
0x1e: {  	[sflag:s15] =	ssyncadd.s32 $0xFFFFC000  }
0x1f: {  	_ =	swait.ge [sflag:s15], $0x4000  }
0x20: {  	[sflag:s15] =	ssyncset.done $0x0  }
0x21: {  	[sflag:s15] =	ssyncadd.s32 $0xFFFFC000  }
0x22: {  	_ =	swait.ge [sflag:s15], $0x4000  }
0x23: {  	[sflag:s15] =	ssyncset.done $0x0  }
0x24: {  	[sflag:s15] =	ssyncadd.s32 $0xFFFFC000  }
0x25: {  	[hbm4b:s5+s2] =	stream.linear.scatter [tilespmem:s9], [sflag:$0x2], $0x10000, $0x38;
	[tilespmem:$0x10200] =	vst v63  }
0x26: {  	s18 =	simm.s32 $0x40;
	_ =	swait.ge [sflag:s7], $0x10000  }
0x27: {  	s19 =	simm.s32 $0x80;
	s17 =	sadd.s32 $0x2000, s5;
	[sflag:s7] =	ssyncset.done $0x0  }
.LBB2_2:
0x28: {  	s20 =	sadd.s32 s18, s6  }
0x29: {  	[sflag:s7] =	ssyncadd.s32 $0xFFFF0000;
	s18 =	smov.u32 s19;
	s21 =	sadd.s32 $0x40, s19  }
0x2a: {  	[tilespmem:s2], [sflag:$0x2] =	stream.linear.gather [hbm4b:s20+s2], $0x200, $0x38;
	[tilespmem:$0x10200] =	vst v63  }
0x2b: {  	p0 =	sne.s32 s19, $0x240;
	_ =	swait.ge [sflag:s7], $0x200  }
0x2c: {  	[sflag:s7] =	ssyncset.done $0x0  }
0x2d: {  	[sflag:s7] =	ssyncadd.s32 $0xFFFFFE00  }
0x2e: {  	[tilespmem:s9], [sflag:$0x1] =	stream.indirect.gather [hbm4b:s3+s8], $0x80, s2, s8, $0xb8;
	[tilespmem:$0x10200] =	vst v63  }
0x2f: {  	_ = 	snop  }
0x30: {  	[tilespmem:s10], [sflag:$0x1] =	stream.indirect.gather [hbm4b:s3+s8], $0x80, s8, s8, $0xb8;
	[tilespmem:$0x10200] =	vst v63  }
0x31: {  	_ = 	snop  }
0x32: {  	[tilespmem:s12], [sflag:$0x1] =	stream.indirect.gather [hbm4b:s3+s8], $0x80, s11, s8, $0xb8;
	[tilespmem:$0x10200] =	vst v63  }
0x33: {  	_ = 	snop  }
0x34: {  	[tilespmem:s14], [sflag:$0x1] =	stream.indirect.gather [hbm4b:s3+s8], $0x80, s13, s8, $0xb8;
	[tilespmem:$0x10200] =	vst v63  }
0x35: {  	_ =	swait.ge [sflag:s15], $0x4000  }
0x36: {  	[sflag:s15] =	ssyncset.done $0x0  }
0x37: {  	[sflag:s15] =	ssyncadd.s32 $0xFFFFC000  }
0x38: {  	_ =	swait.ge [sflag:s15], $0x4000  }
0x39: {  	[sflag:s15] =	ssyncset.done $0x0  }
0x3a: {  	[sflag:s15] =	ssyncadd.s32 $0xFFFFC000  }
0x3b: {  	_ =	swait.ge [sflag:s15], $0x4000  }
0x3c: {  	[sflag:s15] =	ssyncset.done $0x0  }
0x3d: {  	[sflag:s15] =	ssyncadd.s32 $0xFFFFC000  }
0x3e: {  	_ =	swait.ge [sflag:s15], $0x4000  }
.Ltmp0:
0x3f: {  	[sflag:s15] =	ssyncset.done $0x0;
	(pc) =	sbr.rel @p0 .LBB2_2-.Ltmp0, $4  }
0x40: {  	[sflag:s15] =	ssyncadd.s32 $0xFFFFC000  }
0x41: {  	[hbm4b:s17+s2] =	stream.linear.scatter [tilespmem:s9], [sflag:$0x2], $0x10000, $0x38;
	[tilespmem:$0x10200] =	vst v63  }
0x42: {  	_ =	swait.ge [sflag:s7], $0x10000  }
0x43: {  	s19 =	smov.u32 s21;
	s17 =	sadd.s32 $0x2000, s17;
	[sflag:s7] =	ssyncset.done $0x0  }
0x44: {  	s18 =	sadd.s32 s18, s6;
	[sflag:s7] =	ssyncadd.s32 $0xFFFF0000  }
0x45: {  	[tilespmem:s2], [sflag:$0x2] =	stream.linear.gather [hbm4b:s18+s2], $0x200, $0x38;
	[tilespmem:$0x10200] =	vst v63  }
0x46: {  	_ =	swait.ge [sflag:s7], $0x200  }
0x47: {  	[sflag:s7] =	ssyncset.done $0x0  }
0x48: {  	[sflag:s7] =	ssyncadd.s32 $0xFFFFFE00  }
0x49: {  	[tilespmem:s9], [sflag:$0x1] =	stream.indirect.gather [hbm4b:s3+s8], $0x80, s2, s8, $0xb8;
	[tilespmem:$0x10200] =	vst v63  }
0x4a: {  	_ = 	snop  }
0x4b: {  	[tilespmem:s10], [sflag:$0x1] =	stream.indirect.gather [hbm4b:s3+s8], $0x80, s8, s8, $0xb8;
	[tilespmem:$0x10200] =	vst v63  }
0x4c: {  	_ = 	snop  }
0x4d: {  	[tilespmem:s12], [sflag:$0x1] =	stream.indirect.gather [hbm4b:s3+s8], $0x80, s11, s8, $0xb8;
	[tilespmem:$0x10200] =	vst v63  }
0x4e: {  	_ = 	snop  }
0x4f: {  	[tilespmem:s14], [sflag:$0x1] =	stream.indirect.gather [hbm4b:s3+s8], $0x80, s13, s8, $0xb8;
	[tilespmem:$0x10200] =	vst v63  }
0x50: {  	_ =	swait.ge [sflag:s15], $0x4000  }
0x51: {  	[sflag:s15] =	ssyncset.done $0x0  }
0x52: {  	[sflag:s15] =	ssyncadd.s32 $0xFFFFC000  }
0x53: {  	_ =	swait.ge [sflag:s15], $0x4000  }
0x54: {  	[sflag:s15] =	ssyncset.done $0x0  }
0x55: {  	[sflag:s15] =	ssyncadd.s32 $0xFFFFC000  }
0x56: {  	_ =	swait.ge [sflag:s15], $0x4000  }
0x57: {  	[sflag:s15] =	ssyncset.done $0x0  }
0x58: {  	[sflag:s15] =	ssyncadd.s32 $0xFFFFC000  }
0x59: {  	s16 =	sadd.s32 $0x1, s16;
	_ =	swait.ge [sflag:s15], $0x4000  }
0x5a: {  	p0 =	sne.s32 s16, s4;
	[sflag:s15] =	ssyncset.done $0x0  }
.Ltmp1:
0x5b: {  	[sflag:s15] =	ssyncadd.s32 $0xFFFFC000;
	(pc) =	sbr.rel @p0 .LBB2_1-.Ltmp1, $4  }
0x5c: {  	[hbm4b:s17+s2] =	stream.linear.scatter [tilespmem:s9], [sflag:$0x2], $0x10000, $0x38;
	[tilespmem:$0x10200] =	vst v63  }
0x5d: {  	_ =	swait.ge [sflag:s7], $0x10000  }
0x5e: {  	[sflag:s7] =	ssyncset.done $0x0  }
0x5f: {  	[sflag:s7] =	ssyncadd.s32 $0xFFFF0000  }
0x60: {  	_ =	sfence.sel $0x180000  }
0x61: {  	[bflag:$0x0] =	sbarrier.arrive $0xFFFF  }
0x62: {  	p0 =	sne.s32 s1, $0x0;
	_ =	strace $0x90000056  }
0x63: {  	s0 =	sadd.s32 @!p0 $0x100000, s0;
	[bflag:$0x2] =	sbarrier.arrive $0xFFFF  }
0x64: {  	[sflag:s0] =	ssyncadd.tile.s32 @!p0 $0x1;
	_ =	shalt  }
.Lfunc_end2:
_tile_overlayer_lowered:
.L_overlay_start_2:
0x65: {  	(tag) =	ssettag $0x2  }
0x66: {  	s0 =	rddreg [dreg:$0x0];
	s2 =	stileid.u32  }
0x67: {  	s1 =	rddreg [dreg:$0x1];
	p0 =	sne.s32 s2, $0x0  }
0x68: {  	s3 =	rddreg [dreg:$0x2];
	[bflag:$0x3] =	sbarrier.arrive $0xFFFF;
	s2 =	simm.s32 @!p0 $0x1C02  }
0x69: {  	[timem:s3], [sflag:s2] =	dma.local @!p0 [hbm:s0], s1  }
0x6a: {  	s0 =	simm.s32 @!p0 $0x2  }
0x6b: {  	_ =	swait.ge @!p0 [sflag:s0], s1  }
0x6c: {  	s1 =	ssub.s32 @!p0 $0x0, s1;
	[sflag:s0] =	ssyncset.done @!p0 $0x0  }
0x6d: {  	[sflag:s0] =	ssyncadd.s32 @!p0 s1  }
0x6e: {  	[bflag:$0x3] =	sbarrier.arrive $0xFFFF  }
0x6f: {  	_ =	shalt  }

// kernel: kernel.30.cloned.1.call-start
scs
__scs_entry_jumppad:
0x0: {  	(pc) =	sbr.rel $0x88, $3  }
0x1: {  	(tag) =	ssettag $0x0;
	lr =	simm.s32 $0x1  }
0x2: {  	[smem:$0x3F95] =	sst lr;
	_ =	strace $0xD0000000  }
0x3: {  	_ = 	snop  }
0x4: {  	_ = 	snop  }
0x5: {  	_ = 	snop  }
0x6: {  	_ = 	snop  }
0x7: {  	_ = 	snop  }
__scs_overlays_trampoline_lowered:
0x8: {  	[smem:$0x3FA4] =	sst s0  }
0x9: {  	[smem:$0x3FA5] =	sst s1  }
0xa: {  	[smem:$0x3FA6] =	sst s2  }
0xb: {  	[smem:$0x3FA7] =	sst s3  }
0xc: {  	[smem:$0x3FA8] =	sst s4  }
0xd: {  	[smem:$0x3FA9] =	sst s5  }
0xe: {  	[smem:$0x3FAA] =	sst s6  }
0xf: {  	[smem:$0x3FAB] =	sst s7  }
0x10: {  	[smem:$0x3FAC] =	sst s8  }
0x11: {  	[smem:$0x3FAD] =	sst s9;
	s0 =	simm.s32 @!p0 $0x0  }
0x12: {  	s1 =	sld [smem:$0x3F93];
	s0 =	simm.s32 @p0 $0x1  }
0x13: {  	[smem:$0x3FAE] =	sst s0;
	s0 =	simm.s32 @!p1 $0x0  }
0x14: {  	s2 =	sld [smem:$0x3F92];
	s0 =	simm.s32 @p1 $0x1  }
0x15: {  	[smem:$0x3FAF] =	sst s0;
	s0 =	simm.s32 @!p2 $0x0  }
0x16: {  	s3 =	sld [smem:$0x3FDB];
	s0 =	simm.s32 @p2 $0x1  }
0x17: {  	s4 =	simm.s32 $0x1BF5;
	[smem:$0x3FB1] =	sst s0  }
0x18: {  	s0 =	sld [smem:$0x3F94];
	_ =	swait.ge [sflag:s4], $0x0  }
0x19: {  	s7 =	sld [smem:$0x3F95]  }
0x1a: {  	s8 =	sadd.s32 $0xFFFFE003, lr  }
0x1b: {  	s9 =	sadd.s32 $0xFFFFFEF7, lr;
	s5 =	simm.s32 $0xFFFFFFFF;
	p2 =	slt.u32 s8, $0xFFFFF086  }
0x1c: {  	p1 =	slt.u32 s9, $0xF7A;
	s5 =	simm.s32 @!p2 $0x0  }
0x1d: {  	s5 =	simm.s32 @p1 $0x1;
	p0 =	seq.s32 s7, s2  }
0x1e: {  	s7 =	smul.u32 @!p0 $0xF7A, s2;
	p2 =	seq.s32 @!p0 s5, $0x0  }
0x1f: {  	s9 =	smul.u32 $0xF7A, s1;
	s8 =	simm.s32 @!p0 $0x1BF5;
	p2 =	por !p2, p0  }
0x20: {  	[sflag:s8] =	ssyncset.s32 @!p0 $0xFFFFF086;
	s6 =	sadd.s32 @!p0 s3, s7;
	s7 =	simm.s32 @!p0 $0x108  }
0x21: {  	s3 =	sadd.s32 s3, s9;
	s6 =	sadd.s32 @!p0 $0x88, s6;
	s7 =	simm.s32 @p2 $0x1082  }
0x22: {  	[simem:s7], [sflag:s8] =	dma.local @!p0 [hbm:s6], $0xF7A  }
0x23: {  	s9 =	sor.u32 $0xD0000000, s2;
	s6 =	simm.s32 $0x108;
	_ =	swait.ge @!p0 [sflag:s8], $0x0  }
0x24: {  	s3 =	sadd.s32 $0x88, s3;
	s6 =	simm.s32 @!p1 $0x1082;
	[sflag:s4] =	ssyncset.s32 $0xFFFFF086  }
0x25: {  	[simem:s6], [sflag:s4] =	dma.local [hbm:s3], $0xF7A  }
0x26: {  	[smem:$0x3F95] =	sst s1;
	(tag) =	ssettag s2;
	_ =	strace s9  }
0x27: {  	s1 =	sld [smem:$0x3FA5]  }
0x28: {  	s2 =	sld [smem:$0x3FA6]  }
0x29: {  	s4 =	sld [smem:$0x3FA8]  }
0x2a: {  	p0 =	seq.s32 s5, $0x0;
	s5 =	sld [smem:$0x3FA9]  }
0x2b: {  	s6 =	sld [smem:$0x3FAA]  }
0x2c: {  	s7 =	sld [smem:$0x3FAB]  }
0x2d: {  	s3 =	simm.s32 $0x108;
	s8 =	sld [smem:$0x3FAC]  }
0x2e: {  	s3 =	simm.s32 @!p0 $0x1082;
	s9 =	sld [smem:$0x3FAD]  }
0x2f: {  	lr =	sadd.s32 s0, s3;
	s0 =	sld [smem:$0x3FA4]  }
0x30: {  	s3 =	sld [smem:$0x3FA7]  }
0x31: {  	[smem:$0x3FB0] =	sst s10  }
0x32: {  	s10 =	sld [smem:$0x3FAE];
	_ =	sdelay $0x3  }
0x33: {  	p0 =	seq.s32 s10, $0x1;
	s10 =	sld [smem:$0x3FB0];
	_ =	sdelay $0x3  }
0x34: {  	[smem:$0x3FB0] =	sst s10  }
0x35: {  	s10 =	sld [smem:$0x3FAF];
	_ =	sdelay $0x3  }
0x36: {  	p1 =	seq.s32 s10, $0x1;
	s10 =	sld [smem:$0x3FB0];
	_ =	sdelay $0x3  }
0x37: {  	[smem:$0x3FB0] =	sst s10  }
0x38: {  	s10 =	sld [smem:$0x3FB1]  }
0x39: {  	_ = 	snop;
	(pc) =	sbr.ind lr, $3  }
0x3a: {  	_ = 	snop  }
0x3b: {  	_ = 	snop  }
0x3c: {  	p2 =	seq.s32 s10, $0x1;
	s10 =	sld [smem:$0x3FB0]  }
0x3d: {  	_ =	shalt  }
0x3e: {  	_ =	shalt  }
0x3f: {  	_ =	shalt  }
0x40: {  	_ =	shalt  }
0x41: {  	_ =	shalt  }
0x42: {  	_ =	shalt  }
0x43: {  	_ =	shalt  }
0x44: {  	_ =	shalt  }
0x45: {  	_ =	shalt  }
0x46: {  	_ =	shalt  }
0x47: {  	_ =	shalt  }
0x48: {  	_ =	shalt  }
0x49: {  	_ =	shalt  }
0x4a: {  	_ =	shalt  }
0x4b: {  	_ =	shalt  }
0x4c: {  	_ =	shalt  }
0x4d: {  	_ =	shalt  }
0x4e: {  	_ =	shalt  }
0x4f: {  	_ =	shalt  }
0x50: {  	_ =	shalt  }
0x51: {  	_ =	shalt  }
0x52: {  	_ =	shalt  }
0x53: {  	_ =	shalt  }
0x54: {  	_ =	shalt  }
0x55: {  	_ =	shalt  }
0x56: {  	_ =	shalt  }
0x57: {  	_ =	shalt  }
0x58: {  	_ =	shalt  }
0x59: {  	_ =	shalt  }
0x5a: {  	_ =	shalt  }
0x5b: {  	_ =	shalt  }
0x5c: {  	_ =	shalt  }
0x5d: {  	_ =	shalt  }
0x5e: {  	_ =	shalt  }
0x5f: {  	_ =	shalt  }
0x60: {  	_ =	shalt  }
0x61: {  	_ =	shalt  }
0x62: {  	_ =	shalt  }
0x63: {  	_ =	shalt  }
0x64: {  	_ =	shalt  }
0x65: {  	_ =	shalt  }
0x66: {  	_ =	shalt  }
0x67: {  	_ =	shalt  }
0x68: {  	_ =	shalt  }
0x69: {  	_ =	shalt  }
0x6a: {  	_ =	shalt  }
0x6b: {  	_ =	shalt  }
0x6c: {  	_ =	shalt  }
0x6d: {  	_ =	shalt  }
0x6e: {  	_ =	shalt  }
0x6f: {  	_ =	shalt  }
0x70: {  	_ =	shalt  }
0x71: {  	_ =	shalt  }
0x72: {  	_ =	shalt  }
0x73: {  	_ =	shalt  }
0x74: {  	_ =	shalt  }
0x75: {  	_ =	shalt  }
0x76: {  	_ =	shalt  }
0x77: {  	_ =	shalt  }
0x78: {  	_ =	shalt  }
0x79: {  	_ =	shalt  }
0x7a: {  	_ =	shalt  }
0x7b: {  	_ =	shalt  }
0x7c: {  	_ =	shalt  }
0x7d: {  	_ =	shalt  }
0x7e: {  	_ =	shalt  }
0x7f: {  	_ =	shalt  }
0x80: {  	_ =	shalt  }
0x81: {  	_ =	shalt  }
0x82: {  	_ =	shalt  }
0x83: {  	_ =	shalt  }
0x84: {  	_ =	shalt  }
0x85: {  	_ =	shalt  }
0x86: {  	_ =	shalt  }
0x87: {  	_ =	shalt  }
.Lfunc_end0:
.L_simem_size_0:
called_computation.6_lowered:
.L_overlay_start_0:
0x88: {  	s2 =	sld [smem:$0x3FD9]  }
0x89: {  	s3 =	sld [smem:$0x3FFE];
	_ =	sdelay $0x1  }
0x8a: {  	s1 =	srdreg.scid  }
0x8b: {  	s0 =	sand.u32 $0x1, s1  }
0x8c: {  	s17 =	sshll.u32 s0, $0xA;
	s2 =	sadd.s32 s3, s2  }
0x8d: {  	s2 =	sadd.s32 s2, s17  }
0x8e: {  	[smem:$0x3FBC] =	sst s2  }
0x8f: {  	_ = 	snop  }
0x90: {  	(tm) =	ssettm $0x1  }
0x91: {  	s18 =	sld [smem:$0x3FFB];
	_ =	sdelay $0x3  }
0x92: {  	_ =	strace s18  }
0x93: {  	s2 =	sld [smem:$0x3FFC];
	_ =	sdelay $0x3  }
0x94: {  	_ =	strace s2  }
0x95: {  	s2 =	sld [smem:$0x3FFD];
	_ =	sdelay $0x3  }
0x96: {  	_ =	strace s2  }
0x97: {  	_ =	strace $0x8FFFFFFF  }
0x98: {  	s19 =	sld [smem:$0x3FDB];
	_ =	sdelay $0x1  }
0x99: {  	s20 =	simm.s32 $_scs_section_size  }
0x9a: {  	s4 =	simm.s32 $_size__tile_overlayer_lowered;
	s5 =	simm.s32 $_tile_overlayer_lowered  }
0x9b: {  	s6 =	simm.s32 $0x1BFF;
	s21 =	sshll.u32 s5, $0x1;
	s3 =	sadd.s32 s20, s19  }
0x9c: {  	s22 =	simm.s32 $0x0;
	s4 =	sshll.u32 s4, $0x1;
	s5 =	sadd.s32 s21, s3  }
0x9d: {  	[timem:s22], [sflag:s6] =	dma.local [hbm:s5], s4  }
0x9e: {  	_ =	swait.ge [sflag:s6], s4  }
0x9f: {  	s4 =	ssub.s32 $0x0, s4;
	[sflag:s6] =	ssyncset.done $0x0  }
0xa0: {  	[sflag:s6] =	ssyncadd.s32 s4;
	_ =	sdelay $0x1  }
0xa1: {  	s23 =	simm.s32 $0x1B8B  }
0xa2: {  	_ =	swait.ge [sflag:s23], $0x1  }
0xa3: {  	[sflag:s23] =	ssyncset.done $0x0  }
0xa4: {  	[sflag:s23] =	ssyncadd.s32 $0xFFFFFFFF  }
0xa5: {  	s4 =	sld [smem:$0x0]  }
0xa6: {  	s5 =	sand.u32 $0xFFFFFFFE, s1  }
0xa7: {  	p0 =	sne.s32 s1, s5  }
0xa8: {  	s5 =	sshll.u32 @p0 s5, $0xE  }
0xa9: {  	s5 =	sadd.s32 @p0 $0x11B8D, s5;
	s6 =	sshll.u32 @p0 s4, $0x11  }
0xaa: {  	s5 =	sor.u32 @p0 s6, s5  }
0xab: {  	[sflag:s5] =	ssyncadd.remote.s32 @p0 $0x1;
	_ =	sdelay $0x1  }
0xac: {  	s5 =	simm.s32 @p0 $0x1B8D  }
0xad: {  	_ =	swait.eq @p0 [sflag:s5], $0x1  }
0xae: {  	[sflag:s5] =	ssyncadd.s32 @p0 $0xFFFFFFFF  }
0xaf: {  	s6 =	sshll.u32 @!p0 s1, $0xE  }
0xb0: {  	s6 =	sor.u32 @!p0 $0x4000, s6;
	s5 =	simm.s32 @!p0 $0x1B8D  }
0xb1: {  	s4 =	sshll.u32 @!p0 s4, $0x11;
	s6 =	sadd.s32 @!p0 $0x11B8D, s6;
	_ =	swait.eq @!p0 [sflag:s5], $0x1  }
0xb2: {  	s4 =	sor.u32 @!p0 s4, s6;
	[sflag:s5] =	ssyncadd.s32 @!p0 $0xFFFFFFFF  }
0xb3: {  	s25 =	simm.s32 $0x1B8E;
	s24 =	sld [smem:$0x3FFE];
	[sflag:s4] =	ssyncadd.remote.s32 @!p0 $0x1  }
0xb4: {  	s26 =	simm.s32 $execute0_lowered;
	[smem:$0x3FD2] =	sst s25  }
0xb5: {  	s5 =	sshll.u32 s26, $0x1;
	_ =	strace $0x80000058;
	[dreg:$0x1] =	wrdreg $0xFFFFFFFF  }
0xb6: {  	s28 =	simm.s32 $_size_execute0_lowered;
	s3 =	sadd.s32 s3, s5;
	[dreg:$0x0] =	wrdreg $0x0  }
0xb7: {  	s5 =	sshll.u32 s28, $0x1;
	[dreg:$0x2] =	wrdreg s3  }
0xb8: {  	[dreg:$0x3] =	wrdreg s5  }
0xb9: {  	[dreg:$0x4] =	wrdreg $0xC0  }
0xba: {  	_ =	task [dreg:s22], $0x5FFFF  }
0xbb: {  	[dreg:$0x1] =	wrdreg $0xFFFFFFFF  }
0xbc: {  	[dreg:$0x0] =	wrdreg $0x60  }
0xbd: {  	[dreg:$0x2] =	wrdreg s24  }
0xbe: {  	[dreg:$0x3] =	wrdreg $0x9  }
0xbf: {  	_ =	task.clear_ibuf [dreg:s22], $0x4FFFF;
	_ =	strace $0x90000058  }
0xc0: {  	s29 =	simm.s32 $0x9;
	_ =	strace $0x8000005A  }
0xc1: {  	_ =	swait.ge [sflag:s29], $0x1  }
0xc2: {  	[sflag:s29] =	ssyncadd.s32 $0xFFFFFFFF  }
0xc3: {  	_ =	strace $0x9000005A  }
0xc4: {  	_ =	sfence  }
0xc5: {  	s30 =	sld [smem:$0x0];
	_ =	sdelay $0x2  }
0xc6: {  	s31 =	sshll.u32 s1, $0xD;
	s1 =	sshrl.u32 s1, $0x2  }
0xc7: {  	s4 =	sand.u32 $0x4000, s31;
	s1 =	sadd.s32 s1, s30  }
0xc8: {  	s0 =	sor.u32 s4, s0;
	s1 =	sshll.u32 s1, $0x11  }
0xc9: {  	s0 =	sor.u32 s1, s0  }
0xca: {  	s0 =	sadd.s32 $0x8F2B, s0  }
0xcb: {  	[sflag:s0] =	ssyncadd.remote.s32 $0x1  }
0xcc: {  	_ =	sfence.sel $0xFFFF  }
0xcd: {  	[dreg:$0x0] =	wrdreg $0xFFFFFFFF;
	(pc) =	sbr.abs _section_cstart, $3  }
0xce: {  	[dreg:$0x1] =	wrdreg $0xFFFFFFFF  }
0xcf: {  	_ =	task.clear_ibuf [dreg:s22], $0x2FFFF;
	_ =	strace $0x9FFFFFFF  }
0xd0: {  	(tm) =	ssettm $0x7FFFFFFF  }
0xd1: {  	_ =	shalt  }
tec
execute0_lowered:
.L_overlay_start_1:
0x0: {  	(tag) =	ssettag $0x1  }
0x1: {  	s4 =	rddreg [dreg:$0x0]  }
0x2: {  	s0 =	rddreg [dreg:$0x1];
	s2 =	simm.s32 $0x0;
	s3 =	srdreg.scid  }
0x3: {  	s1 =	stileid.u32;
	s10 =	simm.s32 $0x4200;
	s11 =	simm.s32 $0x100  }
0x4: {  	s12 =	simm.s32 $0x8200;
	s13 =	simm.s32 $0x180;
	s14 =	simm.s32 $0xC200  }
0x5: {  	s15 =	simm.s32 $0x1;
	s16 =	simm.s32 $0x0;
	s6 =	smul.u32 $0x2800, s1  }
0x6: {  	[smem:$0x7FF] =	sst s2;
	s5 =	sand.u32 $0x1, s3;
	s8 =	smul.u32 $0x28000, s1  }
0x7: {  	s3 =	sadd.s32 $0x394C00, s4;
	s7 =	smul.u32 $0x1400, s5;
	s9 =	ssub.s32 $0x2, s5  }
0x8: {  	_ =	strace $0x80000059;
	s5 =	smul.u32 $0x14000, s5;
	s31 =	sshrl.u32 s9, $0x1  }
0x9: {  	s8 =	sadd.s32 s8, s4;
	s6 =	sadd.s32 s7, s6;
	s7 =	ssub.s32 s9, s31  }
0xa: {  	s5 =	sadd.s32 s5, s8;
	s8 =	simm.s32 $0x80;
	s6 =	sshrl.u32 s6, $0x3  }
0xb: {  	s9 =	simm.s32 $0x200;
	s5 =	sadd.s32 $0x3BBE00, s5;
	s6 =	sadd.s32 s6, s4  }
0xc: {  	s4 =	smax.u32 s7, $0x1;
	s7 =	simm.s32 $0x2;
	s6 =	sadd.s32 $0x33400, s6  }
.LBB2_1:
0xd: {  	s17 =	sadd.s32 $0x0, s6  }
0xe: {  	[tilespmem:s2], [sflag:$0x2] =	stream.linear.gather [hbm4b:s17+s2], $0x200, $0x38;
	[tilespmem:$0x10200] =	vst v63  }
0xf: {  	_ =	swait.ge [sflag:s7], $0x200  }
0x10: {  	[sflag:s7] =	ssyncset.done $0x0  }
0x11: {  	[sflag:s7] =	ssyncadd.s32 $0xFFFFFE00  }
0x12: {  	[tilespmem:s9], [sflag:$0x1] =	stream.indirect.gather [hbm4b:s3+s8], $0x80, s2, s8, $0xb8;
	[tilespmem:$0x10200] =	vst v63  }
0x13: {  	_ = 	snop  }
0x14: {  	[tilespmem:s10], [sflag:$0x1] =	stream.indirect.gather [hbm4b:s3+s8], $0x80, s8, s8, $0xb8;
	[tilespmem:$0x10200] =	vst v63  }
0x15: {  	_ = 	snop  }
0x16: {  	[tilespmem:s12], [sflag:$0x1] =	stream.indirect.gather [hbm4b:s3+s8], $0x80, s11, s8, $0xb8;
	[tilespmem:$0x10200] =	vst v63  }
0x17: {  	_ = 	snop  }
0x18: {  	[tilespmem:s14], [sflag:$0x1] =	stream.indirect.gather [hbm4b:s3+s8], $0x80, s13, s8, $0xb8;
	[tilespmem:$0x10200] =	vst v63  }
0x19: {  	_ =	swait.ge [sflag:s15], $0x4000  }
0x1a: {  	[sflag:s15] =	ssyncset.done $0x0  }
0x1b: {  	[sflag:s15] =	ssyncadd.s32 $0xFFFFC000  }
0x1c: {  	_ =	swait.ge [sflag:s15], $0x4000  }
0x1d: {  	[sflag:s15] =	ssyncset.done $0x0  }
0x1e: {  	[sflag:s15] =	ssyncadd.s32 $0xFFFFC000  }
0x1f: {  	_ =	swait.ge [sflag:s15], $0x4000  }
0x20: {  	[sflag:s15] =	ssyncset.done $0x0  }
0x21: {  	[sflag:s15] =	ssyncadd.s32 $0xFFFFC000  }
0x22: {  	_ =	swait.ge [sflag:s15], $0x4000  }
0x23: {  	[sflag:s15] =	ssyncset.done $0x0  }
0x24: {  	[sflag:s15] =	ssyncadd.s32 $0xFFFFC000  }
0x25: {  	[hbm4b:s5+s2] =	stream.linear.scatter [tilespmem:s9], [sflag:$0x2], $0x10000, $0x38;
	[tilespmem:$0x10200] =	vst v63  }
0x26: {  	s18 =	simm.s32 $0x40;
	_ =	swait.ge [sflag:s7], $0x10000  }
0x27: {  	s19 =	simm.s32 $0x80;
	s17 =	sadd.s32 $0x2000, s5;
	[sflag:s7] =	ssyncset.done $0x0  }
.LBB2_2:
0x28: {  	s20 =	sadd.s32 s18, s6  }
0x29: {  	[sflag:s7] =	ssyncadd.s32 $0xFFFF0000;
	s18 =	smov.u32 s19;
	s21 =	sadd.s32 $0x40, s19  }
0x2a: {  	[tilespmem:s2], [sflag:$0x2] =	stream.linear.gather [hbm4b:s20+s2], $0x200, $0x38;
	[tilespmem:$0x10200] =	vst v63  }
0x2b: {  	p0 =	sne.s32 s19, $0x240;
	_ =	swait.ge [sflag:s7], $0x200  }
0x2c: {  	[sflag:s7] =	ssyncset.done $0x0  }
0x2d: {  	[sflag:s7] =	ssyncadd.s32 $0xFFFFFE00  }
0x2e: {  	[tilespmem:s9], [sflag:$0x1] =	stream.indirect.gather [hbm4b:s3+s8], $0x80, s2, s8, $0xb8;
	[tilespmem:$0x10200] =	vst v63  }
0x2f: {  	_ = 	snop  }
0x30: {  	[tilespmem:s10], [sflag:$0x1] =	stream.indirect.gather [hbm4b:s3+s8], $0x80, s8, s8, $0xb8;
	[tilespmem:$0x10200] =	vst v63  }
0x31: {  	_ = 	snop  }
0x32: {  	[tilespmem:s12], [sflag:$0x1] =	stream.indirect.gather [hbm4b:s3+s8], $0x80, s11, s8, $0xb8;
	[tilespmem:$0x10200] =	vst v63  }
0x33: {  	_ = 	snop  }
0x34: {  	[tilespmem:s14], [sflag:$0x1] =	stream.indirect.gather [hbm4b:s3+s8], $0x80, s13, s8, $0xb8;
	[tilespmem:$0x10200] =	vst v63  }
0x35: {  	_ =	swait.ge [sflag:s15], $0x4000  }
0x36: {  	[sflag:s15] =	ssyncset.done $0x0  }
0x37: {  	[sflag:s15] =	ssyncadd.s32 $0xFFFFC000  }
0x38: {  	_ =	swait.ge [sflag:s15], $0x4000  }
0x39: {  	[sflag:s15] =	ssyncset.done $0x0  }
0x3a: {  	[sflag:s15] =	ssyncadd.s32 $0xFFFFC000  }
0x3b: {  	_ =	swait.ge [sflag:s15], $0x4000  }
0x3c: {  	[sflag:s15] =	ssyncset.done $0x0  }
0x3d: {  	[sflag:s15] =	ssyncadd.s32 $0xFFFFC000  }
0x3e: {  	_ =	swait.ge [sflag:s15], $0x4000  }
.Ltmp0:
0x3f: {  	[sflag:s15] =	ssyncset.done $0x0;
	(pc) =	sbr.rel @p0 .LBB2_2-.Ltmp0, $4  }
0x40: {  	[sflag:s15] =	ssyncadd.s32 $0xFFFFC000  }
0x41: {  	[hbm4b:s17+s2] =	stream.linear.scatter [tilespmem:s9], [sflag:$0x2], $0x10000, $0x38;
	[tilespmem:$0x10200] =	vst v63  }
0x42: {  	_ =	swait.ge [sflag:s7], $0x10000  }
0x43: {  	s19 =	smov.u32 s21;
	s17 =	sadd.s32 $0x2000, s17;
	[sflag:s7] =	ssyncset.done $0x0  }
0x44: {  	s18 =	sadd.s32 s18, s6;
	[sflag:s7] =	ssyncadd.s32 $0xFFFF0000  }
0x45: {  	[tilespmem:s2], [sflag:$0x2] =	stream.linear.gather [hbm4b:s18+s2], $0x200, $0x38;
	[tilespmem:$0x10200] =	vst v63  }
0x46: {  	_ =	swait.ge [sflag:s7], $0x200  }
0x47: {  	[sflag:s7] =	ssyncset.done $0x0  }
0x48: {  	[sflag:s7] =	ssyncadd.s32 $0xFFFFFE00  }
0x49: {  	[tilespmem:s9], [sflag:$0x1] =	stream.indirect.gather [hbm4b:s3+s8], $0x80, s2, s8, $0xb8;
	[tilespmem:$0x10200] =	vst v63  }
0x4a: {  	_ = 	snop  }
0x4b: {  	[tilespmem:s10], [sflag:$0x1] =	stream.indirect.gather [hbm4b:s3+s8], $0x80, s8, s8, $0xb8;
	[tilespmem:$0x10200] =	vst v63  }
0x4c: {  	_ = 	snop  }
0x4d: {  	[tilespmem:s12], [sflag:$0x1] =	stream.indirect.gather [hbm4b:s3+s8], $0x80, s11, s8, $0xb8;
	[tilespmem:$0x10200] =	vst v63  }
0x4e: {  	_ = 	snop  }
0x4f: {  	[tilespmem:s14], [sflag:$0x1] =	stream.indirect.gather [hbm4b:s3+s8], $0x80, s13, s8, $0xb8;
	[tilespmem:$0x10200] =	vst v63  }
0x50: {  	_ =	swait.ge [sflag:s15], $0x4000  }
0x51: {  	[sflag:s15] =	ssyncset.done $0x0  }
0x52: {  	[sflag:s15] =	ssyncadd.s32 $0xFFFFC000  }
0x53: {  	_ =	swait.ge [sflag:s15], $0x4000  }
0x54: {  	[sflag:s15] =	ssyncset.done $0x0  }
0x55: {  	[sflag:s15] =	ssyncadd.s32 $0xFFFFC000  }
0x56: {  	_ =	swait.ge [sflag:s15], $0x4000  }
0x57: {  	[sflag:s15] =	ssyncset.done $0x0  }
0x58: {  	[sflag:s15] =	ssyncadd.s32 $0xFFFFC000  }
0x59: {  	s16 =	sadd.s32 $0x1, s16;
	_ =	swait.ge [sflag:s15], $0x4000  }
0x5a: {  	p0 =	sne.s32 s16, s4;
	[sflag:s15] =	ssyncset.done $0x0  }
.Ltmp1:
0x5b: {  	[sflag:s15] =	ssyncadd.s32 $0xFFFFC000;
	(pc) =	sbr.rel @p0 .LBB2_1-.Ltmp1, $4  }
0x5c: {  	[hbm4b:s17+s2] =	stream.linear.scatter [tilespmem:s9], [sflag:$0x2], $0x10000, $0x38;
	[tilespmem:$0x10200] =	vst v63  }
0x5d: {  	_ =	swait.ge [sflag:s7], $0x10000  }
0x5e: {  	[sflag:s7] =	ssyncset.done $0x0  }
0x5f: {  	[sflag:s7] =	ssyncadd.s32 $0xFFFF0000  }
0x60: {  	_ =	sfence.sel $0x180000  }
0x61: {  	[bflag:$0x0] =	sbarrier.arrive $0xFFFF  }
0x62: {  	p0 =	sne.s32 s1, $0x0;
	_ =	strace $0x90000059  }
0x63: {  	s0 =	sadd.s32 @!p0 $0x100000, s0;
	[bflag:$0x2] =	sbarrier.arrive $0xFFFF  }
0x64: {  	[sflag:s0] =	ssyncadd.tile.s32 @!p0 $0x1;
	_ =	shalt  }
.Lfunc_end2:
_tile_overlayer_lowered:
.L_overlay_start_2:
0x65: {  	(tag) =	ssettag $0x2  }
0x66: {  	s0 =	rddreg [dreg:$0x0];
	s2 =	stileid.u32  }
0x67: {  	s1 =	rddreg [dreg:$0x1];
	p0 =	sne.s32 s2, $0x0  }
0x68: {  	s3 =	rddreg [dreg:$0x2];
	[bflag:$0x3] =	sbarrier.arrive $0xFFFF;
	s2 =	simm.s32 @!p0 $0x1C02  }
0x69: {  	[timem:s3], [sflag:s2] =	dma.local @!p0 [hbm:s0], s1  }
0x6a: {  	s0 =	simm.s32 @!p0 $0x2  }
0x6b: {  	_ =	swait.ge @!p0 [sflag:s0], s1  }
0x6c: {  	s1 =	ssub.s32 @!p0 $0x0, s1;
	[sflag:s0] =	ssyncset.done @!p0 $0x0  }
0x6d: {  	[sflag:s0] =	ssyncadd.s32 @!p0 s1  }
0x6e: {  	[bflag:$0x3] =	sbarrier.arrive $0xFFFF  }
0x6f: {  	_ =	shalt  }

// kernel: kernel.33.cloned.1.call-start
scs
__scs_entry_jumppad:
0x0: {  	(pc) =	sbr.rel $0x88, $3  }
0x1: {  	(tag) =	ssettag $0x0;
	lr =	simm.s32 $0x1  }
0x2: {  	[smem:$0x3F95] =	sst lr;
	_ =	strace $0xD0000000  }
0x3: {  	_ = 	snop  }
0x4: {  	_ = 	snop  }
0x5: {  	_ = 	snop  }
0x6: {  	_ = 	snop  }
0x7: {  	_ = 	snop  }
__scs_overlays_trampoline_lowered:
0x8: {  	[smem:$0x3FA4] =	sst s0  }
0x9: {  	[smem:$0x3FA5] =	sst s1  }
0xa: {  	[smem:$0x3FA6] =	sst s2  }
0xb: {  	[smem:$0x3FA7] =	sst s3  }
0xc: {  	[smem:$0x3FA8] =	sst s4  }
0xd: {  	[smem:$0x3FA9] =	sst s5  }
0xe: {  	[smem:$0x3FAA] =	sst s6  }
0xf: {  	[smem:$0x3FAB] =	sst s7  }
0x10: {  	[smem:$0x3FAC] =	sst s8  }
0x11: {  	[smem:$0x3FAD] =	sst s9;
	s0 =	simm.s32 @!p0 $0x0  }
0x12: {  	s1 =	sld [smem:$0x3F93];
	s0 =	simm.s32 @p0 $0x1  }
0x13: {  	[smem:$0x3FAE] =	sst s0;
	s0 =	simm.s32 @!p1 $0x0  }
0x14: {  	s2 =	sld [smem:$0x3F92];
	s0 =	simm.s32 @p1 $0x1  }
0x15: {  	[smem:$0x3FAF] =	sst s0;
	s0 =	simm.s32 @!p2 $0x0  }
0x16: {  	s3 =	sld [smem:$0x3FDB];
	s0 =	simm.s32 @p2 $0x1  }
0x17: {  	s4 =	simm.s32 $0x1BF5;
	[smem:$0x3FB1] =	sst s0  }
0x18: {  	s0 =	sld [smem:$0x3F94];
	_ =	swait.ge [sflag:s4], $0x0  }
0x19: {  	s7 =	sld [smem:$0x3F95]  }
0x1a: {  	s8 =	sadd.s32 $0xFFFFE003, lr  }
0x1b: {  	s9 =	sadd.s32 $0xFFFFFEF7, lr;
	s5 =	simm.s32 $0xFFFFFFFF;
	p2 =	slt.u32 s8, $0xFFFFF086  }
0x1c: {  	p1 =	slt.u32 s9, $0xF7A;
	s5 =	simm.s32 @!p2 $0x0  }
0x1d: {  	s5 =	simm.s32 @p1 $0x1;
	p0 =	seq.s32 s7, s2  }
0x1e: {  	s7 =	smul.u32 @!p0 $0xF7A, s2;
	p2 =	seq.s32 @!p0 s5, $0x0  }
0x1f: {  	s9 =	smul.u32 $0xF7A, s1;
	s8 =	simm.s32 @!p0 $0x1BF5;
	p2 =	por !p2, p0  }
0x20: {  	[sflag:s8] =	ssyncset.s32 @!p0 $0xFFFFF086;
	s6 =	sadd.s32 @!p0 s3, s7;
	s7 =	simm.s32 @!p0 $0x108  }
0x21: {  	s3 =	sadd.s32 s3, s9;
	s6 =	sadd.s32 @!p0 $0x88, s6;
	s7 =	simm.s32 @p2 $0x1082  }
0x22: {  	[simem:s7], [sflag:s8] =	dma.local @!p0 [hbm:s6], $0xF7A  }
0x23: {  	s9 =	sor.u32 $0xD0000000, s2;
	s6 =	simm.s32 $0x108;
	_ =	swait.ge @!p0 [sflag:s8], $0x0  }
0x24: {  	s3 =	sadd.s32 $0x88, s3;
	s6 =	simm.s32 @!p1 $0x1082;
	[sflag:s4] =	ssyncset.s32 $0xFFFFF086  }
0x25: {  	[simem:s6], [sflag:s4] =	dma.local [hbm:s3], $0xF7A  }
0x26: {  	[smem:$0x3F95] =	sst s1;
	(tag) =	ssettag s2;
	_ =	strace s9  }
0x27: {  	s1 =	sld [smem:$0x3FA5]  }
0x28: {  	s2 =	sld [smem:$0x3FA6]  }
0x29: {  	s4 =	sld [smem:$0x3FA8]  }
0x2a: {  	p0 =	seq.s32 s5, $0x0;
	s5 =	sld [smem:$0x3FA9]  }
0x2b: {  	s6 =	sld [smem:$0x3FAA]  }
0x2c: {  	s7 =	sld [smem:$0x3FAB]  }
0x2d: {  	s3 =	simm.s32 $0x108;
	s8 =	sld [smem:$0x3FAC]  }
0x2e: {  	s3 =	simm.s32 @!p0 $0x1082;
	s9 =	sld [smem:$0x3FAD]  }
0x2f: {  	lr =	sadd.s32 s0, s3;
	s0 =	sld [smem:$0x3FA4]  }
0x30: {  	s3 =	sld [smem:$0x3FA7]  }
0x31: {  	[smem:$0x3FB0] =	sst s10  }
0x32: {  	s10 =	sld [smem:$0x3FAE];
	_ =	sdelay $0x3  }
0x33: {  	p0 =	seq.s32 s10, $0x1;
	s10 =	sld [smem:$0x3FB0];
	_ =	sdelay $0x3  }
0x34: {  	[smem:$0x3FB0] =	sst s10  }
0x35: {  	s10 =	sld [smem:$0x3FAF];
	_ =	sdelay $0x3  }
0x36: {  	p1 =	seq.s32 s10, $0x1;
	s10 =	sld [smem:$0x3FB0];
	_ =	sdelay $0x3  }
0x37: {  	[smem:$0x3FB0] =	sst s10  }
0x38: {  	s10 =	sld [smem:$0x3FB1]  }
0x39: {  	_ = 	snop;
	(pc) =	sbr.ind lr, $3  }
0x3a: {  	_ = 	snop  }
0x3b: {  	_ = 	snop  }
0x3c: {  	p2 =	seq.s32 s10, $0x1;
	s10 =	sld [smem:$0x3FB0]  }
0x3d: {  	_ =	shalt  }
0x3e: {  	_ =	shalt  }
0x3f: {  	_ =	shalt  }
0x40: {  	_ =	shalt  }
0x41: {  	_ =	shalt  }
0x42: {  	_ =	shalt  }
0x43: {  	_ =	shalt  }
0x44: {  	_ =	shalt  }
0x45: {  	_ =	shalt  }
0x46: {  	_ =	shalt  }
0x47: {  	_ =	shalt  }
0x48: {  	_ =	shalt  }
0x49: {  	_ =	shalt  }
0x4a: {  	_ =	shalt  }
0x4b: {  	_ =	shalt  }
0x4c: {  	_ =	shalt  }
0x4d: {  	_ =	shalt  }
0x4e: {  	_ =	shalt  }
0x4f: {  	_ =	shalt  }
0x50: {  	_ =	shalt  }
0x51: {  	_ =	shalt  }
0x52: {  	_ =	shalt  }
0x53: {  	_ =	shalt  }
0x54: {  	_ =	shalt  }
0x55: {  	_ =	shalt  }
0x56: {  	_ =	shalt  }
0x57: {  	_ =	shalt  }
0x58: {  	_ =	shalt  }
0x59: {  	_ =	shalt  }
0x5a: {  	_ =	shalt  }
0x5b: {  	_ =	shalt  }
0x5c: {  	_ =	shalt  }
0x5d: {  	_ =	shalt  }
0x5e: {  	_ =	shalt  }
0x5f: {  	_ =	shalt  }
0x60: {  	_ =	shalt  }
0x61: {  	_ =	shalt  }
0x62: {  	_ =	shalt  }
0x63: {  	_ =	shalt  }
0x64: {  	_ =	shalt  }
0x65: {  	_ =	shalt  }
0x66: {  	_ =	shalt  }
0x67: {  	_ =	shalt  }
0x68: {  	_ =	shalt  }
0x69: {  	_ =	shalt  }
0x6a: {  	_ =	shalt  }
0x6b: {  	_ =	shalt  }
0x6c: {  	_ =	shalt  }
0x6d: {  	_ =	shalt  }
0x6e: {  	_ =	shalt  }
0x6f: {  	_ =	shalt  }
0x70: {  	_ =	shalt  }
0x71: {  	_ =	shalt  }
0x72: {  	_ =	shalt  }
0x73: {  	_ =	shalt  }
0x74: {  	_ =	shalt  }
0x75: {  	_ =	shalt  }
0x76: {  	_ =	shalt  }
0x77: {  	_ =	shalt  }
0x78: {  	_ =	shalt  }
0x79: {  	_ =	shalt  }
0x7a: {  	_ =	shalt  }
0x7b: {  	_ =	shalt  }
0x7c: {  	_ =	shalt  }
0x7d: {  	_ =	shalt  }
0x7e: {  	_ =	shalt  }
0x7f: {  	_ =	shalt  }
0x80: {  	_ =	shalt  }
0x81: {  	_ =	shalt  }
0x82: {  	_ =	shalt  }
0x83: {  	_ =	shalt  }
0x84: {  	_ =	shalt  }
0x85: {  	_ =	shalt  }
0x86: {  	_ =	shalt  }
0x87: {  	_ =	shalt  }
.Lfunc_end0:
.L_simem_size_0:
called_computation.7_lowered:
.L_overlay_start_0:
0x88: {  	s2 =	sld [smem:$0x3FD9]  }
0x89: {  	s3 =	sld [smem:$0x3FFE];
	_ =	sdelay $0x1  }
0x8a: {  	s1 =	srdreg.scid  }
0x8b: {  	s0 =	sand.u32 $0x1, s1  }
0x8c: {  	s15 =	sshll.u32 s0, $0xA;
	s2 =	sadd.s32 s3, s2  }
0x8d: {  	s2 =	sadd.s32 s2, s15  }
0x8e: {  	[smem:$0x3FBC] =	sst s2  }
0x8f: {  	_ = 	snop  }
0x90: {  	s2 =	sld [smem:$0x3FD0];
	_ =	sdelay $0x2  }
0x91: {  	s16 =	simm.s32 $0xB;
	s4 =	simm.s32 $0x10  }
0x92: {  	[smem:s4], [sflag:s16] =	dma.local [hbm:s2], $0x1  }
0x93: {  	_ =	swait.eq [sflag:s16], $0x1  }
0x94: {  	[sflag:s16] =	ssyncset.done $0x0  }
0x95: {  	[sflag:s16] =	ssyncadd.s32 $0xFFFFFFFF  }
0x96: {  	s17 =	sld [smem:$0x10];
	(tm) =	ssettm $0x1  }
0x97: {  	s18 =	sld [smem:$0x3FFB];
	_ =	sdelay $0x3  }
0x98: {  	_ =	strace s18  }
0x99: {  	s2 =	sld [smem:$0x3FFC];
	_ =	sdelay $0x3  }
0x9a: {  	_ =	strace s2  }
0x9b: {  	s2 =	sld [smem:$0x3FFD];
	_ =	sdelay $0x3  }
0x9c: {  	_ =	strace s2  }
0x9d: {  	_ =	strace $0x8FFFFFFF  }
0x9e: {  	s19 =	sld [smem:$0x3FDB];
	_ =	sdelay $0x1  }
0x9f: {  	s20 =	simm.s32 $_scs_section_size  }
0xa0: {  	s5 =	simm.s32 $_size__tile_overlayer_lowered;
	s6 =	simm.s32 $_tile_overlayer_lowered  }
0xa1: {  	s7 =	simm.s32 $0x1BFF;
	s21 =	sshll.u32 s6, $0x1;
	s4 =	sadd.s32 s20, s19  }
0xa2: {  	s22 =	simm.s32 $0x0;
	s5 =	sshll.u32 s5, $0x1;
	s6 =	sadd.s32 s21, s4  }
0xa3: {  	[timem:s22], [sflag:s7] =	dma.local [hbm:s6], s5  }
0xa4: {  	_ =	swait.ge [sflag:s7], s5  }
0xa5: {  	s5 =	ssub.s32 $0x0, s5;
	[sflag:s7] =	ssyncset.done $0x0  }
0xa6: {  	[sflag:s7] =	ssyncadd.s32 s5;
	_ =	sdelay $0x1  }
0xa7: {  	s23 =	simm.s32 $0x1B8B  }
0xa8: {  	_ =	swait.ge [sflag:s23], $0x1  }
0xa9: {  	[sflag:s23] =	ssyncset.done $0x0  }
0xaa: {  	[sflag:s23] =	ssyncadd.s32 $0xFFFFFFFF  }
0xab: {  	s5 =	sld [smem:$0x0]  }
0xac: {  	s6 =	sand.u32 $0xFFFFFFFE, s1  }
0xad: {  	p0 =	sne.s32 s1, s6  }
0xae: {  	s6 =	sshll.u32 @p0 s6, $0xE  }
0xaf: {  	s6 =	sadd.s32 @p0 $0x11B8D, s6;
	s7 =	sshll.u32 @p0 s5, $0x11  }
0xb0: {  	s6 =	sor.u32 @p0 s7, s6  }
0xb1: {  	[sflag:s6] =	ssyncadd.remote.s32 @p0 $0x1;
	_ =	sdelay $0x1  }
0xb2: {  	s6 =	simm.s32 @p0 $0x1B8D  }
0xb3: {  	_ =	swait.eq @p0 [sflag:s6], $0x1  }
0xb4: {  	[sflag:s6] =	ssyncadd.s32 @p0 $0xFFFFFFFF  }
0xb5: {  	s7 =	sshll.u32 @!p0 s1, $0xE  }
0xb6: {  	s7 =	sor.u32 @!p0 $0x4000, s7;
	s6 =	simm.s32 @!p0 $0x1B8D  }
0xb7: {  	s5 =	sshll.u32 @!p0 s5, $0x11;
	s7 =	sadd.s32 @!p0 $0x11B8D, s7;
	_ =	swait.eq @!p0 [sflag:s6], $0x1  }
0xb8: {  	s5 =	sor.u32 @!p0 s5, s7;
	[sflag:s6] =	ssyncadd.s32 @!p0 $0xFFFFFFFF  }
0xb9: {  	s25 =	simm.s32 $0x1B8E;
	s24 =	sld [smem:$0x3FFE];
	[sflag:s5] =	ssyncadd.remote.s32 @!p0 $0x1  }
0xba: {  	s26 =	simm.s32 $execute0_lowered;
	[smem:$0x3FD2] =	sst s25  }
0xbb: {  	s6 =	sshll.u32 s26, $0x1;
	_ =	strace $0x8000005B;
	[dreg:$0x1] =	wrdreg $0xFFFFFFFF  }
0xbc: {  	s28 =	simm.s32 $_size_execute0_lowered;
	s4 =	sadd.s32 s4, s6;
	[dreg:$0x0] =	wrdreg $0x0  }
0xbd: {  	s6 =	sshll.u32 s28, $0x1;
	[dreg:$0x2] =	wrdreg s4  }
0xbe: {  	[dreg:$0x3] =	wrdreg s6  }
0xbf: {  	[dreg:$0x4] =	wrdreg $0xC0  }
0xc0: {  	_ =	task [dreg:s22], $0x5FFFF  }
0xc1: {  	[dreg:$0x1] =	wrdreg $0xFFFFFFFF  }
0xc2: {  	[dreg:$0x0] =	wrdreg $0x60  }
0xc3: {  	[dreg:$0x2] =	wrdreg s17  }
0xc4: {  	[dreg:$0x3] =	wrdreg s24  }
0xc5: {  	[dreg:$0x4] =	wrdreg $0xA  }
0xc6: {  	_ =	task.clear_ibuf [dreg:s22], $0x5FFFF;
	_ =	strace $0x9000005B  }
0xc7: {  	s29 =	simm.s32 $0xA;
	_ =	strace $0x8000005D  }
0xc8: {  	_ =	swait.ge [sflag:s29], $0x1  }
0xc9: {  	[sflag:s29] =	ssyncadd.s32 $0xFFFFFFFF  }
0xca: {  	_ =	strace $0x9000005D  }
0xcb: {  	_ =	sfence  }
0xcc: {  	s30 =	sld [smem:$0x0];
	_ =	sdelay $0x2  }
0xcd: {  	s31 =	sshll.u32 s1, $0xD;
	s1 =	sshrl.u32 s1, $0x2  }
0xce: {  	s4 =	sand.u32 $0x4000, s31;
	s1 =	sadd.s32 s1, s30  }
0xcf: {  	s0 =	sor.u32 s4, s0;
	s1 =	sshll.u32 s1, $0x11  }
0xd0: {  	s0 =	sor.u32 s1, s0  }
0xd1: {  	s0 =	sadd.s32 $0x8F2B, s0  }
0xd2: {  	[sflag:s0] =	ssyncadd.remote.s32 $0x1  }
0xd3: {  	_ =	sfence.sel $0xFFFF  }
0xd4: {  	[dreg:$0x0] =	wrdreg $0xFFFFFFFF;
	(pc) =	sbr.abs _section_cstart, $3  }
0xd5: {  	[dreg:$0x1] =	wrdreg $0xFFFFFFFF  }
0xd6: {  	_ =	task.clear_ibuf [dreg:s22], $0x2FFFF;
	_ =	strace $0x9FFFFFFF  }
0xd7: {  	(tm) =	ssettm $0x7FFFFFFF  }
tec
execute0_lowered:
.L_overlay_start_1:
0x0: {  	(tag) =	ssettag $0x1  }
0x1: {  	s1 =	srdreg.scid;
	s2 =	rddreg [dreg:$0x0]  }
0x2: {  	s0 =	stileid.u32;
	s5 =	rddreg [dreg:$0x1];
	s3 =	simm.s32 $0x0  }
0x3: {  	s11 =	simm.s32 $0x1;
	s12 =	simm.s32 $0x80;
	s13 =	simm.s32 $0x200  }
0x4: {  	s14 =	simm.s32 $0x1400;
	s15 =	simm.s32 $0x3B80;
	s16 =	simm.s32 $0x6300  }
0x5: {  	s17 =	simm.s32 $0x8A80;
	s4 =	sand.u32 $0x1, s1;
	s30 =	sshll.u32 s0, $0x1  }
0x6: {  	s18 =	simm.s32 $0x9E80;
	s19 =	simm.s32 $0xB280;
	s6 =	sor.u32 s4, s30  }
0x7: {  	s20 =	simm.s32 $0x0;
	s4 =	ssub.s32 $0x2, s4;
	s7 =	smul.u32 $0x280, s6  }
0x8: {  	[smem:$0x7FF] =	sst s3;
	s6 =	smul.u32 $0xA00, s6;
	s31 =	sshrl.u32 s4, $0x1  }
0x9: {  	s1 =	rddreg [dreg:$0x2];
	_ =	strace $0x8000005C;
	s10 =	ssub.s32 s4, s31  }
0xa: {  	s7 =	sadd.s32 s7, s5;
	s9 =	sadd.s32 s6, s5;
	s5 =	sadd.s32 $0x10, s2  }
0xb: {  	s6 =	sadd.s32 $0x20, s2;
	s10 =	smax.u32 s10, $0x1;
	s4 =	sadd.s32 $0x33400, s7  }
0xc: {  	s7 =	sadd.s32 $0x38400, s9;
	s8 =	sadd.s32 $0x38410, s9;
	s9 =	sadd.s32 $0x38420, s9  }
.LBB2_1:
0xd: {  	[tilespmem:s3], [sflag:$0x1] =	stream.linear.gather [hbm4b:s4+s3], $0x1400, $0x38;
	[tilespmem:$0xC680] =	vst v63  }
0xe: {  	_ =	swait.ge [sflag:s11], $0x1400  }
0xf: {  	[sflag:s11] =	ssyncset.done $0x0  }
0x10: {  	[sflag:s11] =	ssyncadd.s32 $0xFFFFEC00  }
0x11: {  	[tilespmem:s14], [sflag:$0x1] =	stream.strided.gather [hbm4b:s2+s12], $0x2780, s13, s12, $0x38;
	[tilespmem:$0xC680] =	vst v63  }
0x12: {  	_ =	swait.ge [sflag:s11], $0x2780  }
0x13: {  	[sflag:s11] =	ssyncset.done $0x0  }
0x14: {  	[sflag:s11] =	ssyncadd.s32 $0xFFFFD880  }
0x15: {  	[tilespmem:s15], [sflag:$0x1] =	stream.strided.gather [hbm4b:s5+s12], $0x2780, s13, s12, $0x38;
	[tilespmem:$0xC680] =	vst v63  }
0x16: {  	_ =	swait.ge [sflag:s11], $0x2780  }
0x17: {  	[sflag:s11] =	ssyncset.done $0x0  }
0x18: {  	[sflag:s11] =	ssyncadd.s32 $0xFFFFD880  }
0x19: {  	[tilespmem:s16], [sflag:$0x1] =	stream.strided.gather [hbm4b:s6+s12], $0x2780, s13, s12, $0x38;
	[tilespmem:$0xC680] =	vst v63  }
0x1a: {  	_ =	swait.ge [sflag:s11], $0x2780  }
0x1b: {  	[sflag:s11] =	ssyncset.done $0x0  }
0x1c: {  	s21 =	simm.s32 $0x0;
	[sflag:s11] =	ssyncadd.s32 $0xFFFFD880  }
0x1d: {  	v0 =	vld [tilespmem:s21+$0x0];
	_ =	sdelay $0x7  }
0x1e: {  	v1 =	vld.idx.msk [tilespmem:v0+s14+$0x0], $0xffff;
	_ =	sdelay $0x4  }
0x1f: {  	[tilespmem:s21+$0x8A80] =	vst v1  }
0x20: {  	v1 =	vld.idx.msk [tilespmem:v0+s15+$0x0], $0xffff;
	_ =	sdelay $0x3  }
0x21: {  	s23 =	simm.s32 $0x10;
	s22 =	simm.s32 $0x80  }
.LBB2_2:
0x22: {  	p0 =	sne.s32 s22, $0x4FC0;
	v2 =	vld [tilespmem:s23+$0x0];
	[tilespmem:s21+$0x9E80] =	vst v1  }
0x23: {  	v1 =	vld.idx.msk [tilespmem:v0+s16+$0x0], $0xffff;
	_ =	sdelay $0x3  }
0x24: {  	v0 =	vmov v2;
	_ =	sdelay $0x1  }
0x25: {  	[tilespmem:s21+$0xB280] =	vst v1;
	s21 =	smov.u32 s23  }
0x26: {  	v1 =	vld.idx.msk [tilespmem:v2+s14+$0x0], $0xffff;
	_ =	sdelay $0x5  }
0x27: {  	[tilespmem:s21+$0x8A80] =	vst v1  }
0x28: {  	v1 =	vld.idx.msk [tilespmem:v2+s15+$0x0], $0xffff  }
.Ltmp0:
0x29: {  	(pc) =	sbr.rel @p0 .LBB2_2-.Ltmp0, $2  }
0x2a: {  	_ =	sdelay $0x2  }
0x2b: {  	s23 =	sshra.s32 s22, $0x2;
	s22 =	sadd.s32 $0x40, s22  }
0x2c: {  	_ =	sdelay $0x1  }
0x2d: {  	v2 =	vld [tilespmem:s23+$0x0]  }
0x2e: {  	[tilespmem:s21+$0x9E80] =	vst v1  }
0x2f: {  	v0 =	vld.idx.msk [tilespmem:v0+s16+$0x0], $0xffff;
	_ =	sdelay $0x4  }
0x30: {  	[tilespmem:s21+$0xB280] =	vst v0  }
0x31: {  	v0 =	vld.idx.msk [tilespmem:v2+s14+$0x0], $0xffff;
	_ =	sdelay $0x4  }
0x32: {  	[tilespmem:s23+$0x8A80] =	vst v0  }
0x33: {  	v0 =	vld.idx.msk [tilespmem:v2+s15+$0x0], $0xffff;
	_ =	sdelay $0x4  }
0x34: {  	[tilespmem:s23+$0x9E80] =	vst v0  }
0x35: {  	v0 =	vld.idx.msk [tilespmem:v2+s16+$0x0], $0xffff;
	_ =	sdelay $0x4  }
0x36: {  	[tilespmem:s23+$0xB280] =	vst v0  }
0x37: {  	[hbm4b:s7+s12] =	stream.strided.scatter [tilespmem:s17], [sflag:$0x1], $0x1400, s13, s12, $0x38;
	[tilespmem:$0xC680] =	vst v63  }
0x38: {  	_ =	swait.ge [sflag:s11], $0x1400  }
0x39: {  	[sflag:s11] =	ssyncset.done $0x0  }
0x3a: {  	[sflag:s11] =	ssyncadd.s32 $0xFFFFEC00  }
0x3b: {  	[hbm4b:s8+s12] =	stream.strided.scatter [tilespmem:s18], [sflag:$0x1], $0x1400, s13, s12, $0x38;
	[tilespmem:$0xC680] =	vst v63  }
0x3c: {  	s20 =	sadd.s32 $0x1, s20;
	_ =	swait.ge [sflag:s11], $0x1400  }
0x3d: {  	p0 =	sne.s32 s20, s10;
	[sflag:s11] =	ssyncset.done $0x0  }
.Ltmp1:
0x3e: {  	[sflag:s11] =	ssyncadd.s32 $0xFFFFEC00;
	(pc) =	sbr.rel @p0 .LBB2_1-.Ltmp1, $4  }
0x3f: {  	[hbm4b:s9+s12] =	stream.strided.scatter [tilespmem:s19], [sflag:$0x1], $0x1400, s13, s12, $0x38;
	[tilespmem:$0xC680] =	vst v63  }
0x40: {  	_ =	swait.ge [sflag:s11], $0x1400  }
0x41: {  	[sflag:s11] =	ssyncset.done $0x0  }
0x42: {  	[sflag:s11] =	ssyncadd.s32 $0xFFFFEC00  }
0x43: {  	_ =	sfence.sel $0x180000  }
0x44: {  	[bflag:$0x0] =	sbarrier.arrive $0xFFFF  }
0x45: {  	p0 =	sne.s32 s0, $0x0;
	_ =	strace $0x9000005C  }
0x46: {  	s0 =	sadd.s32 @!p0 $0x100000, s1;
	[bflag:$0x2] =	sbarrier.arrive $0xFFFF  }
0x47: {  	[sflag:s0] =	ssyncadd.tile.s32 @!p0 $0x1;
	_ =	shalt  }
.Lfunc_end2:
_tile_overlayer_lowered:
.L_overlay_start_2:
0x48: {  	(tag) =	ssettag $0x2  }
0x49: {  	s0 =	rddreg [dreg:$0x0];
	s2 =	stileid.u32  }
0x4a: {  	s1 =	rddreg [dreg:$0x1];
	p0 =	sne.s32 s2, $0x0  }
0x4b: {  	s3 =	rddreg [dreg:$0x2];
	[bflag:$0x3] =	sbarrier.arrive $0xFFFF;
	s2 =	simm.s32 @!p0 $0x1C01  }
0x4c: {  	[timem:s3], [sflag:s2] =	dma.local @!p0 [hbm:s0], s1  }
0x4d: {  	s0 =	simm.s32 @!p0 $0x1  }
0x4e: {  	_ =	swait.ge @!p0 [sflag:s0], s1  }
0x4f: {  	s1 =	ssub.s32 @!p0 $0x0, s1;
	[sflag:s0] =	ssyncset.done @!p0 $0x0  }
0x50: {  	[sflag:s0] =	ssyncadd.s32 @!p0 s1  }
0x51: {  	[bflag:$0x3] =	sbarrier.arrive $0xFFFF  }
0x52: {  	_ =	shalt  }

// kernel: kernel.36.cloned.1.call-start
scs
__scs_entry_jumppad:
0x0: {  	(pc) =	sbr.rel $0x88, $3  }
0x1: {  	(tag) =	ssettag $0x0;
	lr =	simm.s32 $0x1  }
0x2: {  	[smem:$0x3F95] =	sst lr;
	_ =	strace $0xD0000000  }
0x3: {  	_ = 	snop  }
0x4: {  	_ = 	snop  }
0x5: {  	_ = 	snop  }
0x6: {  	_ = 	snop  }
0x7: {  	_ = 	snop  }
__scs_overlays_trampoline_lowered:
0x8: {  	[smem:$0x3FA4] =	sst s0  }
0x9: {  	[smem:$0x3FA5] =	sst s1  }
0xa: {  	[smem:$0x3FA6] =	sst s2  }
0xb: {  	[smem:$0x3FA7] =	sst s3  }
0xc: {  	[smem:$0x3FA8] =	sst s4  }
0xd: {  	[smem:$0x3FA9] =	sst s5  }
0xe: {  	[smem:$0x3FAA] =	sst s6  }
0xf: {  	[smem:$0x3FAB] =	sst s7  }
0x10: {  	[smem:$0x3FAC] =	sst s8  }
0x11: {  	[smem:$0x3FAD] =	sst s9;
	s0 =	simm.s32 @!p0 $0x0  }
0x12: {  	s1 =	sld [smem:$0x3F93];
	s0 =	simm.s32 @p0 $0x1  }
0x13: {  	[smem:$0x3FAE] =	sst s0;
	s0 =	simm.s32 @!p1 $0x0  }
0x14: {  	s2 =	sld [smem:$0x3F92];
	s0 =	simm.s32 @p1 $0x1  }
0x15: {  	[smem:$0x3FAF] =	sst s0;
	s0 =	simm.s32 @!p2 $0x0  }
0x16: {  	s3 =	sld [smem:$0x3FDB];
	s0 =	simm.s32 @p2 $0x1  }
0x17: {  	s4 =	simm.s32 $0x1BF5;
	[smem:$0x3FB1] =	sst s0  }
0x18: {  	s0 =	sld [smem:$0x3F94];
	_ =	swait.ge [sflag:s4], $0x0  }
0x19: {  	s7 =	sld [smem:$0x3F95]  }
0x1a: {  	s8 =	sadd.s32 $0xFFFFE003, lr  }
0x1b: {  	s9 =	sadd.s32 $0xFFFFFEF7, lr;
	s5 =	simm.s32 $0xFFFFFFFF;
	p2 =	slt.u32 s8, $0xFFFFF086  }
0x1c: {  	p1 =	slt.u32 s9, $0xF7A;
	s5 =	simm.s32 @!p2 $0x0  }
0x1d: {  	s5 =	simm.s32 @p1 $0x1;
	p0 =	seq.s32 s7, s2  }
0x1e: {  	s7 =	smul.u32 @!p0 $0xF7A, s2;
	p2 =	seq.s32 @!p0 s5, $0x0  }
0x1f: {  	s9 =	smul.u32 $0xF7A, s1;
	s8 =	simm.s32 @!p0 $0x1BF5;
	p2 =	por !p2, p0  }
0x20: {  	[sflag:s8] =	ssyncset.s32 @!p0 $0xFFFFF086;
	s6 =	sadd.s32 @!p0 s3, s7;
	s7 =	simm.s32 @!p0 $0x108  }
0x21: {  	s3 =	sadd.s32 s3, s9;
	s6 =	sadd.s32 @!p0 $0x88, s6;
	s7 =	simm.s32 @p2 $0x1082  }
0x22: {  	[simem:s7], [sflag:s8] =	dma.local @!p0 [hbm:s6], $0xF7A  }
0x23: {  	s9 =	sor.u32 $0xD0000000, s2;
	s6 =	simm.s32 $0x108;
	_ =	swait.ge @!p0 [sflag:s8], $0x0  }
0x24: {  	s3 =	sadd.s32 $0x88, s3;
	s6 =	simm.s32 @!p1 $0x1082;
	[sflag:s4] =	ssyncset.s32 $0xFFFFF086  }
0x25: {  	[simem:s6], [sflag:s4] =	dma.local [hbm:s3], $0xF7A  }
0x26: {  	[smem:$0x3F95] =	sst s1;
	(tag) =	ssettag s2;
	_ =	strace s9  }
0x27: {  	s1 =	sld [smem:$0x3FA5]  }
0x28: {  	s2 =	sld [smem:$0x3FA6]  }
0x29: {  	s4 =	sld [smem:$0x3FA8]  }
0x2a: {  	p0 =	seq.s32 s5, $0x0;
	s5 =	sld [smem:$0x3FA9]  }
0x2b: {  	s6 =	sld [smem:$0x3FAA]  }
0x2c: {  	s7 =	sld [smem:$0x3FAB]  }
0x2d: {  	s3 =	simm.s32 $0x108;
	s8 =	sld [smem:$0x3FAC]  }
0x2e: {  	s3 =	simm.s32 @!p0 $0x1082;
	s9 =	sld [smem:$0x3FAD]  }
0x2f: {  	lr =	sadd.s32 s0, s3;
	s0 =	sld [smem:$0x3FA4]  }
0x30: {  	s3 =	sld [smem:$0x3FA7]  }
0x31: {  	[smem:$0x3FB0] =	sst s10  }
0x32: {  	s10 =	sld [smem:$0x3FAE];
	_ =	sdelay $0x3  }
0x33: {  	p0 =	seq.s32 s10, $0x1;
	s10 =	sld [smem:$0x3FB0];
	_ =	sdelay $0x3  }
0x34: {  	[smem:$0x3FB0] =	sst s10  }
0x35: {  	s10 =	sld [smem:$0x3FAF];
	_ =	sdelay $0x3  }
0x36: {  	p1 =	seq.s32 s10, $0x1;
	s10 =	sld [smem:$0x3FB0];
	_ =	sdelay $0x3  }
0x37: {  	[smem:$0x3FB0] =	sst s10  }
0x38: {  	s10 =	sld [smem:$0x3FB1]  }
0x39: {  	_ = 	snop;
	(pc) =	sbr.ind lr, $3  }
0x3a: {  	_ = 	snop  }
0x3b: {  	_ = 	snop  }
0x3c: {  	p2 =	seq.s32 s10, $0x1;
	s10 =	sld [smem:$0x3FB0]  }
0x3d: {  	_ =	shalt  }
0x3e: {  	_ =	shalt  }
0x3f: {  	_ =	shalt  }
0x40: {  	_ =	shalt  }
0x41: {  	_ =	shalt  }
0x42: {  	_ =	shalt  }
0x43: {  	_ =	shalt  }
0x44: {  	_ =	shalt  }
0x45: {  	_ =	shalt  }
0x46: {  	_ =	shalt  }
0x47: {  	_ =	shalt  }
0x48: {  	_ =	shalt  }
0x49: {  	_ =	shalt  }
0x4a: {  	_ =	shalt  }
0x4b: {  	_ =	shalt  }
0x4c: {  	_ =	shalt  }
0x4d: {  	_ =	shalt  }
0x4e: {  	_ =	shalt  }
0x4f: {  	_ =	shalt  }
0x50: {  	_ =	shalt  }
0x51: {  	_ =	shalt  }
0x52: {  	_ =	shalt  }
0x53: {  	_ =	shalt  }
0x54: {  	_ =	shalt  }
0x55: {  	_ =	shalt  }
0x56: {  	_ =	shalt  }
0x57: {  	_ =	shalt  }
0x58: {  	_ =	shalt  }
0x59: {  	_ =	shalt  }
0x5a: {  	_ =	shalt  }
0x5b: {  	_ =	shalt  }
0x5c: {  	_ =	shalt  }
0x5d: {  	_ =	shalt  }
0x5e: {  	_ =	shalt  }
0x5f: {  	_ =	shalt  }
0x60: {  	_ =	shalt  }
0x61: {  	_ =	shalt  }
0x62: {  	_ =	shalt  }
0x63: {  	_ =	shalt  }
0x64: {  	_ =	shalt  }
0x65: {  	_ =	shalt  }
0x66: {  	_ =	shalt  }
0x67: {  	_ =	shalt  }
0x68: {  	_ =	shalt  }
0x69: {  	_ =	shalt  }
0x6a: {  	_ =	shalt  }
0x6b: {  	_ =	shalt  }
0x6c: {  	_ =	shalt  }
0x6d: {  	_ =	shalt  }
0x6e: {  	_ =	shalt  }
0x6f: {  	_ =	shalt  }
0x70: {  	_ =	shalt  }
0x71: {  	_ =	shalt  }
0x72: {  	_ =	shalt  }
0x73: {  	_ =	shalt  }
0x74: {  	_ =	shalt  }
0x75: {  	_ =	shalt  }
0x76: {  	_ =	shalt  }
0x77: {  	_ =	shalt  }
0x78: {  	_ =	shalt  }
0x79: {  	_ =	shalt  }
0x7a: {  	_ =	shalt  }
0x7b: {  	_ =	shalt  }
0x7c: {  	_ =	shalt  }
0x7d: {  	_ =	shalt  }
0x7e: {  	_ =	shalt  }
0x7f: {  	_ =	shalt  }
0x80: {  	_ =	shalt  }
0x81: {  	_ =	shalt  }
0x82: {  	_ =	shalt  }
0x83: {  	_ =	shalt  }
0x84: {  	_ =	shalt  }
0x85: {  	_ =	shalt  }
0x86: {  	_ =	shalt  }
0x87: {  	_ =	shalt  }
.Lfunc_end0:
.L_simem_size_0:
called_computation.8_lowered:
.L_overlay_start_0:
0x88: {  	s2 =	sld [smem:$0x3FD9]  }
0x89: {  	s3 =	sld [smem:$0x3FFE];
	_ =	sdelay $0x1  }
0x8a: {  	s1 =	srdreg.scid  }
0x8b: {  	s0 =	sand.u32 $0x1, s1  }
0x8c: {  	s16 =	sshll.u32 s0, $0xA;
	s2 =	sadd.s32 s3, s2  }
0x8d: {  	s2 =	sadd.s32 s2, s16  }
0x8e: {  	[smem:$0x3FBC] =	sst s2  }
0x8f: {  	_ = 	snop  }
0x90: {  	(tm) =	ssettm $0x1  }
0x91: {  	s17 =	sld [smem:$0x3FFB];
	_ =	sdelay $0x3  }
0x92: {  	_ =	strace s17  }
0x93: {  	s2 =	sld [smem:$0x3FFC];
	_ =	sdelay $0x3  }
0x94: {  	_ =	strace s2  }
0x95: {  	s2 =	sld [smem:$0x3FFD];
	_ =	sdelay $0x3  }
0x96: {  	_ =	strace s2  }
0x97: {  	_ =	strace $0x8FFFFFFF  }
0x98: {  	s18 =	sld [smem:$0x3FDB];
	_ =	sdelay $0x1  }
0x99: {  	s19 =	simm.s32 $_scs_section_size  }
0x9a: {  	s4 =	simm.s32 $_size__tile_overlayer_lowered;
	s5 =	simm.s32 $_tile_overlayer_lowered  }
0x9b: {  	s22 =	simm.s32 $0x1BFF;
	s21 =	sshll.u32 s5, $0x1;
	s2 =	sadd.s32 s19, s18  }
0x9c: {  	s6 =	simm.s32 $0x0;
	s20 =	sshll.u32 s4, $0x1;
	s4 =	sadd.s32 s21, s2  }
0x9d: {  	[timem:s6], [sflag:s22] =	dma.local [hbm:s4], s20  }
0x9e: {  	_ =	swait.ge [sflag:s22], s20  }
0x9f: {  	s3 =	ssub.s32 $0x0, s20;
	[sflag:s22] =	ssyncset.done $0x0  }
0xa0: {  	[sflag:s22] =	ssyncadd.s32 s3;
	_ =	sdelay $0x1  }
0xa1: {  	s23 =	simm.s32 $0x1B8B  }
0xa2: {  	_ =	swait.ge [sflag:s23], $0x1  }
0xa3: {  	[sflag:s23] =	ssyncset.done $0x0  }
0xa4: {  	s25 =	simm.s32 $0x1B8E;
	s24 =	sld [smem:$0x3FFE];
	[sflag:s23] =	ssyncadd.s32 $0xFFFFFFFF  }
0xa5: {  	s26 =	simm.s32 $execute0_lowered;
	[smem:$0x3FD2] =	sst s25  }
0xa6: {  	s4 =	sshll.u32 s26, $0x1;
	_ =	strace $0x8000005E;
	[dreg:$0x1] =	wrdreg $0xFFFFFFFF  }
0xa7: {  	s28 =	simm.s32 $_size_execute0_lowered;
	s2 =	sadd.s32 s2, s4;
	[dreg:$0x0] =	wrdreg $0x0  }
0xa8: {  	s4 =	sshll.u32 s28, $0x1;
	[dreg:$0x2] =	wrdreg s2  }
0xa9: {  	[dreg:$0x3] =	wrdreg s4  }
0xaa: {  	[dreg:$0x4] =	wrdreg $0xC0  }
0xab: {  	_ =	task [dreg:s6], $0x5FFFF  }
0xac: {  	[dreg:$0x1] =	wrdreg $0xFFFFFFFF  }
0xad: {  	[dreg:$0x0] =	wrdreg $0x60  }
0xae: {  	[dreg:$0x2] =	wrdreg s24  }
0xaf: {  	[dreg:$0x3] =	wrdreg $0x9  }
0xb0: {  	_ =	task.clear_ibuf [dreg:s6], $0x4FFFF;
	_ =	strace $0x9000005E  }
0xb1: {  	s29 =	simm.s32 $0x9;
	_ =	strace $0x80000060  }
0xb2: {  	_ =	swait.ge [sflag:s29], $0x1  }
0xb3: {  	[sflag:s29] =	ssyncadd.s32 $0xFFFFFFFF  }
0xb4: {  	_ =	strace $0x90000060  }
0xb5: {  	_ =	sfence  }
0xb6: {  	s30 =	sld [smem:$0x0];
	_ =	sdelay $0x2  }
0xb7: {  	s31 =	sshll.u32 s1, $0xD;
	s1 =	sshrl.u32 s1, $0x2  }
0xb8: {  	s3 =	sand.u32 $0x4000, s31;
	s1 =	sadd.s32 s1, s30  }
0xb9: {  	s0 =	sor.u32 s3, s0;
	s1 =	sshll.u32 s1, $0x11  }
0xba: {  	s0 =	sor.u32 s1, s0  }
0xbb: {  	s0 =	sadd.s32 $0x8F2B, s0  }
0xbc: {  	[sflag:s0] =	ssyncadd.remote.s32 $0x1  }
0xbd: {  	_ =	sfence.sel $0xFFFF  }
0xbe: {  	[dreg:$0x0] =	wrdreg $0xFFFFFFFF;
	(pc) =	sbr.abs _section_cstart, $3  }
0xbf: {  	[dreg:$0x1] =	wrdreg $0xFFFFFFFF  }
0xc0: {  	_ =	task.clear_ibuf [dreg:s6], $0x2FFFF;
	_ =	strace $0x9FFFFFFF  }
0xc1: {  	(tm) =	ssettm $0x7FFFFFFF  }
tec
execute0_lowered:
.L_overlay_start_1:
0x0: {  	(tag) =	ssettag $0x1  }
0x1: {  	s4 =	rddreg [dreg:$0x0]  }
0x2: {  	s0 =	rddreg [dreg:$0x1];
	s2 =	simm.s32 $0x0;
	s3 =	srdreg.scid  }
0x3: {  	s1 =	stileid.u32;
	s10 =	simm.s32 $0x4200;
	s11 =	simm.s32 $0x100  }
0x4: {  	s12 =	simm.s32 $0x8200;
	s13 =	simm.s32 $0x180;
	s14 =	simm.s32 $0xC200  }
0x5: {  	s15 =	simm.s32 $0x1;
	s16 =	simm.s32 $0x0;
	s6 =	smul.u32 $0x2800, s1  }
0x6: {  	[smem:$0x7FF] =	sst s2;
	s5 =	sand.u32 $0x1, s3;
	s8 =	smul.u32 $0x28000, s1  }
0x7: {  	s3 =	sadd.s32 $0x9A00, s4;
	s7 =	smul.u32 $0x1400, s5;
	s9 =	ssub.s32 $0x2, s5  }
0x8: {  	_ =	strace $0x8000005F;
	s5 =	smul.u32 $0x14000, s5;
	s31 =	sshrl.u32 s9, $0x1  }
0x9: {  	s8 =	sadd.s32 s8, s4;
	s6 =	sadd.s32 s7, s6;
	s7 =	ssub.s32 s9, s31  }
0xa: {  	s5 =	sadd.s32 s5, s8;
	s8 =	simm.s32 $0x80;
	s6 =	sshrl.u32 s6, $0x3  }
0xb: {  	s9 =	simm.s32 $0x200;
	s5 =	sadd.s32 $0x1A8600, s5;
	s6 =	sadd.s32 s6, s4  }
0xc: {  	s4 =	smax.u32 s7, $0x1;
	s7 =	simm.s32 $0x2;
	s6 =	sadd.s32 $0x33400, s6  }
.LBB2_1:
0xd: {  	s17 =	sadd.s32 $0x0, s6  }
0xe: {  	[tilespmem:s2], [sflag:$0x2] =	stream.linear.gather [hbm4b:s17+s2], $0x200, $0x38;
	[tilespmem:$0x10200] =	vst v63  }
0xf: {  	_ =	swait.ge [sflag:s7], $0x200  }
0x10: {  	[sflag:s7] =	ssyncset.done $0x0  }
0x11: {  	[sflag:s7] =	ssyncadd.s32 $0xFFFFFE00  }
0x12: {  	[tilespmem:s9], [sflag:$0x1] =	stream.indirect.gather [hbm4b:s3+s8], $0x80, s2, s8, $0xb8;
	[tilespmem:$0x10200] =	vst v63  }
0x13: {  	_ = 	snop  }
0x14: {  	[tilespmem:s10], [sflag:$0x1] =	stream.indirect.gather [hbm4b:s3+s8], $0x80, s8, s8, $0xb8;
	[tilespmem:$0x10200] =	vst v63  }
0x15: {  	_ = 	snop  }
0x16: {  	[tilespmem:s12], [sflag:$0x1] =	stream.indirect.gather [hbm4b:s3+s8], $0x80, s11, s8, $0xb8;
	[tilespmem:$0x10200] =	vst v63  }
0x17: {  	_ = 	snop  }
0x18: {  	[tilespmem:s14], [sflag:$0x1] =	stream.indirect.gather [hbm4b:s3+s8], $0x80, s13, s8, $0xb8;
	[tilespmem:$0x10200] =	vst v63  }
0x19: {  	_ =	swait.ge [sflag:s15], $0x4000  }
0x1a: {  	[sflag:s15] =	ssyncset.done $0x0  }
0x1b: {  	[sflag:s15] =	ssyncadd.s32 $0xFFFFC000  }
0x1c: {  	_ =	swait.ge [sflag:s15], $0x4000  }
0x1d: {  	[sflag:s15] =	ssyncset.done $0x0  }
0x1e: {  	[sflag:s15] =	ssyncadd.s32 $0xFFFFC000  }
0x1f: {  	_ =	swait.ge [sflag:s15], $0x4000  }
0x20: {  	[sflag:s15] =	ssyncset.done $0x0  }
0x21: {  	[sflag:s15] =	ssyncadd.s32 $0xFFFFC000  }
0x22: {  	_ =	swait.ge [sflag:s15], $0x4000  }
0x23: {  	[sflag:s15] =	ssyncset.done $0x0  }
0x24: {  	[sflag:s15] =	ssyncadd.s32 $0xFFFFC000  }
0x25: {  	[hbm4b:s5+s2] =	stream.linear.scatter [tilespmem:s9], [sflag:$0x2], $0x10000, $0x38;
	[tilespmem:$0x10200] =	vst v63  }
0x26: {  	s18 =	simm.s32 $0x40;
	_ =	swait.ge [sflag:s7], $0x10000  }
0x27: {  	s19 =	simm.s32 $0x80;
	s17 =	sadd.s32 $0x2000, s5;
	[sflag:s7] =	ssyncset.done $0x0  }
.LBB2_2:
0x28: {  	s20 =	sadd.s32 s18, s6  }
0x29: {  	[sflag:s7] =	ssyncadd.s32 $0xFFFF0000;
	s18 =	smov.u32 s19;
	s21 =	sadd.s32 $0x40, s19  }
0x2a: {  	[tilespmem:s2], [sflag:$0x2] =	stream.linear.gather [hbm4b:s20+s2], $0x200, $0x38;
	[tilespmem:$0x10200] =	vst v63  }
0x2b: {  	p0 =	sne.s32 s19, $0x240;
	_ =	swait.ge [sflag:s7], $0x200  }
0x2c: {  	[sflag:s7] =	ssyncset.done $0x0  }
0x2d: {  	[sflag:s7] =	ssyncadd.s32 $0xFFFFFE00  }
0x2e: {  	[tilespmem:s9], [sflag:$0x1] =	stream.indirect.gather [hbm4b:s3+s8], $0x80, s2, s8, $0xb8;
	[tilespmem:$0x10200] =	vst v63  }
0x2f: {  	_ = 	snop  }
0x30: {  	[tilespmem:s10], [sflag:$0x1] =	stream.indirect.gather [hbm4b:s3+s8], $0x80, s8, s8, $0xb8;
	[tilespmem:$0x10200] =	vst v63  }
0x31: {  	_ = 	snop  }
0x32: {  	[tilespmem:s12], [sflag:$0x1] =	stream.indirect.gather [hbm4b:s3+s8], $0x80, s11, s8, $0xb8;
	[tilespmem:$0x10200] =	vst v63  }
0x33: {  	_ = 	snop  }
0x34: {  	[tilespmem:s14], [sflag:$0x1] =	stream.indirect.gather [hbm4b:s3+s8], $0x80, s13, s8, $0xb8;
	[tilespmem:$0x10200] =	vst v63  }
0x35: {  	_ =	swait.ge [sflag:s15], $0x4000  }
0x36: {  	[sflag:s15] =	ssyncset.done $0x0  }
0x37: {  	[sflag:s15] =	ssyncadd.s32 $0xFFFFC000  }
0x38: {  	_ =	swait.ge [sflag:s15], $0x4000  }
0x39: {  	[sflag:s15] =	ssyncset.done $0x0  }
0x3a: {  	[sflag:s15] =	ssyncadd.s32 $0xFFFFC000  }
0x3b: {  	_ =	swait.ge [sflag:s15], $0x4000  }
0x3c: {  	[sflag:s15] =	ssyncset.done $0x0  }
0x3d: {  	[sflag:s15] =	ssyncadd.s32 $0xFFFFC000  }
0x3e: {  	_ =	swait.ge [sflag:s15], $0x4000  }
.Ltmp0:
0x3f: {  	[sflag:s15] =	ssyncset.done $0x0;
	(pc) =	sbr.rel @p0 .LBB2_2-.Ltmp0, $4  }
0x40: {  	[sflag:s15] =	ssyncadd.s32 $0xFFFFC000  }
0x41: {  	[hbm4b:s17+s2] =	stream.linear.scatter [tilespmem:s9], [sflag:$0x2], $0x10000, $0x38;
	[tilespmem:$0x10200] =	vst v63  }
0x42: {  	_ =	swait.ge [sflag:s7], $0x10000  }
0x43: {  	s19 =	smov.u32 s21;
	s17 =	sadd.s32 $0x2000, s17;
	[sflag:s7] =	ssyncset.done $0x0  }
0x44: {  	s18 =	sadd.s32 s18, s6;
	[sflag:s7] =	ssyncadd.s32 $0xFFFF0000  }
0x45: {  	[tilespmem:s2], [sflag:$0x2] =	stream.linear.gather [hbm4b:s18+s2], $0x200, $0x38;
	[tilespmem:$0x10200] =	vst v63  }
0x46: {  	_ =	swait.ge [sflag:s7], $0x200  }
0x47: {  	[sflag:s7] =	ssyncset.done $0x0  }
0x48: {  	[sflag:s7] =	ssyncadd.s32 $0xFFFFFE00  }
0x49: {  	[tilespmem:s9], [sflag:$0x1] =	stream.indirect.gather [hbm4b:s3+s8], $0x80, s2, s8, $0xb8;
	[tilespmem:$0x10200] =	vst v63  }
0x4a: {  	_ = 	snop  }
0x4b: {  	[tilespmem:s10], [sflag:$0x1] =	stream.indirect.gather [hbm4b:s3+s8], $0x80, s8, s8, $0xb8;
	[tilespmem:$0x10200] =	vst v63  }
0x4c: {  	_ = 	snop  }
0x4d: {  	[tilespmem:s12], [sflag:$0x1] =	stream.indirect.gather [hbm4b:s3+s8], $0x80, s11, s8, $0xb8;
	[tilespmem:$0x10200] =	vst v63  }
0x4e: {  	_ = 	snop  }
0x4f: {  	[tilespmem:s14], [sflag:$0x1] =	stream.indirect.gather [hbm4b:s3+s8], $0x80, s13, s8, $0xb8;
	[tilespmem:$0x10200] =	vst v63  }
0x50: {  	_ =	swait.ge [sflag:s15], $0x4000  }
0x51: {  	[sflag:s15] =	ssyncset.done $0x0  }
0x52: {  	[sflag:s15] =	ssyncadd.s32 $0xFFFFC000  }
0x53: {  	_ =	swait.ge [sflag:s15], $0x4000  }
0x54: {  	[sflag:s15] =	ssyncset.done $0x0  }
0x55: {  	[sflag:s15] =	ssyncadd.s32 $0xFFFFC000  }
0x56: {  	_ =	swait.ge [sflag:s15], $0x4000  }
0x57: {  	[sflag:s15] =	ssyncset.done $0x0  }
0x58: {  	[sflag:s15] =	ssyncadd.s32 $0xFFFFC000  }
0x59: {  	s16 =	sadd.s32 $0x1, s16;
	_ =	swait.ge [sflag:s15], $0x4000  }
0x5a: {  	p0 =	sne.s32 s16, s4;
	[sflag:s15] =	ssyncset.done $0x0  }
.Ltmp1:
0x5b: {  	[sflag:s15] =	ssyncadd.s32 $0xFFFFC000;
	(pc) =	sbr.rel @p0 .LBB2_1-.Ltmp1, $4  }
0x5c: {  	[hbm4b:s17+s2] =	stream.linear.scatter [tilespmem:s9], [sflag:$0x2], $0x10000, $0x38;
	[tilespmem:$0x10200] =	vst v63  }
0x5d: {  	_ =	swait.ge [sflag:s7], $0x10000  }
0x5e: {  	[sflag:s7] =	ssyncset.done $0x0  }
0x5f: {  	[sflag:s7] =	ssyncadd.s32 $0xFFFF0000  }
0x60: {  	_ =	sfence.sel $0x180000  }
0x61: {  	[bflag:$0x0] =	sbarrier.arrive $0xFFFF  }
0x62: {  	p0 =	sne.s32 s1, $0x0;
	_ =	strace $0x9000005F  }
0x63: {  	s0 =	sadd.s32 @!p0 $0x100000, s0;
	[bflag:$0x2] =	sbarrier.arrive $0xFFFF  }
0x64: {  	[sflag:s0] =	ssyncadd.tile.s32 @!p0 $0x1;
	_ =	shalt  }
.Lfunc_end2:
_tile_overlayer_lowered:
.L_overlay_start_2:
0x65: {  	(tag) =	ssettag $0x2  }
0x66: {  	s0 =	rddreg [dreg:$0x0];
	s2 =	stileid.u32  }
0x67: {  	s1 =	rddreg [dreg:$0x1];
	p0 =	sne.s32 s2, $0x0  }
0x68: {  	s3 =	rddreg [dreg:$0x2];
	[bflag:$0x3] =	sbarrier.arrive $0xFFFF;
	s2 =	simm.s32 @!p0 $0x1C02  }
0x69: {  	[timem:s3], [sflag:s2] =	dma.local @!p0 [hbm:s0], s1  }
0x6a: {  	s0 =	simm.s32 @!p0 $0x2  }
0x6b: {  	_ =	swait.ge @!p0 [sflag:s0], s1  }
0x6c: {  	s1 =	ssub.s32 @!p0 $0x0, s1;
	[sflag:s0] =	ssyncset.done @!p0 $0x0  }
0x6d: {  	[sflag:s0] =	ssyncadd.s32 @!p0 s1  }
0x6e: {  	[bflag:$0x3] =	sbarrier.arrive $0xFFFF  }
0x6f: {  	_ =	shalt  }

</sc_bundles>
